<compile_context>
chip_gen: v7x
topology: tpu7x:2x2x1
jax: 0.10.2.dev20260603
libtpu: 0.0.44.dev20260713+nightly
codegen_flags: <defaults>
</compile_context>

<pallas_src>
import functools

import jax
import jax.numpy as jnp
from jax import lax
from jax.experimental import pallas as pl
from jax.experimental.pallas import tpu as pltpu
from jax.experimental.pallas import tpu_sc as plsc

N = 10000
E = 320000
FIN = 128
HID = 128
CLS = 64

NC = 2
NS = 16
NW = NC * NS
CH = 128
ROWS = E // CH
NP = 10240
NACC = 10112
ZR = NP // NS
ZRA = NACC // NS

BR = 2048
GRID = NP // BR

_mesh = plsc.VectorSubcoreMesh(
    core_axis_name="c", subcore_axis_name="s", num_cores=NC, num_subcores=NS
)


NCH = 80
LASTW = NW - 1
NCHL = ROWS - NCH * LASTW
NBUF = 5


def _worker_ids():
    c = lax.axis_index("c")
    s = lax.axis_index("s")
    return c, s, c * NS + s


def _num_chunks(w):
    return jnp.where(w == LASTW, NCHL, NCH)


def _load_idx(src2, dst2, srcall, dstall, w):
    base = pl.multiple_of(w * NCH, 8)

    @pl.when(w < LASTW)
    def _():
        pltpu.sync_copy(src2.at[pl.ds(base, NCH)], srcall)
        pltpu.sync_copy(dst2.at[pl.ds(base, NCH)], dstall)

    @pl.when(w == LASTW)
    def _():
        pltpu.sync_copy(
            src2.at[pl.ds(NCH * LASTW, NCHL)], srcall.at[pl.ds(0, NCHL)]
        )
        pltpu.sync_copy(
            dst2.at[pl.ds(NCH * LASTW, NCHL)], dstall.at[pl.ds(0, NCHL)]
        )


def _fill_zeros_2d(ref, nrows, ncols):
    z = jnp.zeros((16,), jnp.float32)

    def body(i, carry):
        r = i // (ncols // 16)
        col = (i % (ncols // 16)) * 16
        ref[r, pl.ds(col, 16)] = z
        return carry

    lax.fori_loop(0, nrows * ncols // 16, body, 0)


def _fill_1d(ref, n, value):
    v = jnp.full((16,), value, jnp.float32)

    def body(i, carry):
        ref[pl.ds(i * 16, 16)] = v
        return carry

    lax.fori_loop(0, n // 16, body, 0)


@functools.partial(
    pl.kernel,
    out_type=jax.ShapeDtypeStruct((NC, 2, NP), jnp.float32),
    mesh=_mesh,
    compiler_params=pltpu.CompilerParams(skip_device_barrier=True),
    scratch_types=[
        pltpu.VMEM((CH,), jnp.float32),
        pltpu.VMEM((ZR,), jnp.float32),
        pltpu.VMEM_SHARED((NP,), jnp.float32),
        pltpu.VMEM_SHARED((NP,), jnp.float32),
    ]
    + [pltpu.VMEM((NCH * CH,), jnp.int32)] * 2
    + [pltpu.SemaphoreType.DMA] * (2 * NBUF),
)
def _deg_kernel(edges, out, onesv, zbuf, acc_out, acc_in, *ring):
    srcall, dstall = ring[0], ring[1]
    sa, sb = ring[2:2 + NBUF], ring[2 + NBUF:]
    c, s, w = _worker_ids()
    base = pl.multiple_of(w * NCH * CH, 8)

    @pl.when(w < LASTW)
    def _():
        pltpu.sync_copy(edges.at[0, pl.ds(base, NCH * CH)], srcall)
        pltpu.sync_copy(edges.at[1, pl.ds(base, NCH * CH)], dstall)

    @pl.when(w == LASTW)
    def _():
        pltpu.sync_copy(
            edges.at[0, pl.ds(NCH * LASTW * CH, NCHL * CH)],
            srcall.at[pl.ds(0, NCHL * CH)],
        )
        pltpu.sync_copy(
            edges.at[1, pl.ds(NCH * LASTW * CH, NCHL * CH)],
            dstall.at[pl.ds(0, NCHL * CH)],
        )

    _fill_1d(zbuf, ZR, 0.0)
    _fill_1d(onesv, CH, 1.0)
    zb = s * ZR
    pltpu.sync_copy(zbuf, acc_out.at[pl.ds(zb, ZR)])
    pltpu.sync_copy(zbuf, acc_in.at[pl.ds(zb, ZR)])
    plsc.subcore_barrier()

    def step(t, carry):
        for j in range(NBUF):
            k = t * NBUF + j
            pltpu.async_copy(
                onesv, acc_out.at[srcall.at[pl.ds(k * CH, CH)]], sa[j],
                add=True,
            )
            pltpu.async_copy(
                onesv, acc_in.at[dstall.at[pl.ds(k * CH, CH)]], sb[j],
                add=True,
            )

            @pl.when(t > 0)
            def _():
                pltpu.make_async_copy(
                    onesv, acc_out.at[srcall.at[pl.ds(0, CH)]], sa[j]
                ).wait()
                pltpu.make_async_copy(
                    onesv, acc_in.at[dstall.at[pl.ds(0, CH)]], sb[j]
                ).wait()

        return carry

    lax.fori_loop(0, _num_chunks(w) // NBUF, step, 0)
    for j in range(NBUF):
        pltpu.make_async_copy(
            onesv, acc_out.at[srcall.at[pl.ds(0, CH)]], sa[j]
        ).wait()
        pltpu.make_async_copy(
            onesv, acc_in.at[dstall.at[pl.ds(0, CH)]], sb[j]
        ).wait()

    plsc.subcore_barrier()
    pltpu.sync_copy(acc_out.at[pl.ds(zb, ZR)], out.at[c, 0, pl.ds(zb, ZR)])
    pltpu.sync_copy(acc_in.at[pl.ds(zb, ZR)], out.at[c, 1, pl.ds(zb, ZR)])


def _zero_acc(acc, zrows, s, nr):
    done = 0
    while done < nr:
        n = min(CH, nr - done)
        pltpu.sync_copy(
            zrows.at[pl.ds(0, n), :], acc.at[pl.ds(s * nr + done, n), :]
        )
        done += n


def _make_agg_kernel_slim(F):
    @functools.partial(
        pl.kernel,
        out_type=jax.ShapeDtypeStruct((NC, NACC, F), jnp.float32),
        mesh=_mesh,
        compiler_params=pltpu.CompilerParams(
            use_tc_tiling_on_sc=True, skip_device_barrier=True
        ),
        scratch_types=[pltpu.VMEM_SHARED((NACC, F), jnp.float32)]
        + [pltpu.VMEM((CH,), jnp.int32)] * 6
        + [pltpu.VMEM((CH, F), jnp.float32)] * 3
        + [pltpu.SemaphoreType.DMA] * 12,
    )
    def _agg_kernel(table, edges, out, acc, *ring):
        srcv, dstv = ring[0:3], ring[3:6]
        rows = ring[6:9]
        gs, ss = ring[9:12], ring[12:15]
        is_, id_ = ring[15:18], ring[18:21]
        c, s, w = _worker_ids()
        _fill_zeros_2d(rows[0], CH, F)
        _zero_acc(acc, rows[0], s, ZRA)
        plsc.subcore_barrier()

        def is_issue(k, b):
            e = (w * NCH + k) * CH
            pltpu.async_copy(edges.at[0, pl.ds(e, CH)], srcv[b], is_[b])

        def is_wait(b):
            pltpu.make_async_copy(
                edges.at[0, pl.ds(0, CH)], srcv[b], is_[b]
            ).wait()

        def id_issue(k, b):
            e = (w * NCH + k) * CH
            pltpu.async_copy(edges.at[1, pl.ds(e, CH)], dstv[b], id_[b])

        def id_wait(b):
            pltpu.make_async_copy(
                edges.at[1, pl.ds(0, CH)], dstv[b], id_[b]
            ).wait()

        def g_issue(b):
            pltpu.async_copy(table.at[srcv[b]], rows[b], gs[b])

        def g_wait(b):
            pltpu.make_async_copy(table.at[srcv[b]], rows[b], gs[b]).wait()

        def s_issue(b):
            pltpu.async_copy(rows[b], acc.at[dstv[b]], ss[b], add=True)

        def s_wait(b):
            pltpu.make_async_copy(rows[b], acc.at[dstv[b]], ss[b]).wait()

        def it(k, b, first=False, n2=True, n3=True):
            b2 = (b + 2) % 3
            id_wait(b)
            g_wait(b)
            s_issue(b)
            if not first:
                s_wait(b2)
            if n2:
                id_issue(k + 2, b2)
                is_wait(b2)
                g_issue(b2)
            if n3:
                is_issue(k + 3, b)

        is_issue(0, 0)
        id_issue(0, 0)
        is_issue(1, 1)
        id_issue(1, 1)
        is_issue(2, 2)
        is_wait(0)
        g_issue(0)
        is_wait(1)
        g_issue(1)
        it(0, 0, first=True)
        it(1, 1)

        def step(t, carry):
            for j in range(3):
                it(2 + 3 * t + j, (2 + j) % 3)
            return carry

        nchw = _num_chunks(w)
        lax.fori_loop(0, (nchw - 5) // 3, step, 0)
        it(nchw - 3, (NCH - 3) % 3, n3=False)
        it(nchw - 2, (NCH - 2) % 3, n2=False, n3=False)
        it(nchw - 1, (NCH - 1) % 3, n2=False, n3=False)
        s_wait((NCH - 1) % 3)
        plsc.subcore_barrier()
        pltpu.sync_copy(
            acc.at[pl.ds(s * ZRA, ZRA), :], out.at[c, pl.ds(s * ZRA, ZRA), :]
        )

    return _agg_kernel


def _make_agg_kernel(F):
    if F == FIN:
        return _make_agg_kernel_slim(F)

    @functools.partial(
        pl.kernel,
        out_type=jax.ShapeDtypeStruct((NC, NACC, F), jnp.float32),
        mesh=_mesh,
        compiler_params=pltpu.CompilerParams(
            use_tc_tiling_on_sc=(F % 128 == 0), skip_device_barrier=True
        ),
        scratch_types=[
            pltpu.VMEM((NCH, CH), jnp.int32),
            pltpu.VMEM((NCH, CH), jnp.int32),
            pltpu.VMEM_SHARED((NACC, F), jnp.float32),
        ]
        + [pltpu.VMEM((CH, F), jnp.float32)] * NBUF
        + [pltpu.SemaphoreType.DMA] * (2 * NBUF),
    )
    def _agg_kernel(table, src2, dst2, out, srcall, dstall, acc, *ring):
        rows = ring[:NBUF]
        gs = ring[NBUF:2 * NBUF]
        ss = ring[2 * NBUF:]
        c, s, w = _worker_ids()
        _load_idx(src2, dst2, srcall, dstall, w)
        _fill_zeros_2d(rows[0], CH, F)
        _zero_acc(acc, rows[0], s, ZRA)
        plsc.subcore_barrier()

        def g_issue(k, b):
            pltpu.async_copy(table.at[srcall.at[k]], rows[b], gs[b])

        def g_wait(b):
            pltpu.make_async_copy(table.at[srcall.at[0]], rows[b], gs[b]).wait()

        def s_issue(k, b):
            pltpu.async_copy(rows[b], acc.at[dstall.at[k]], ss[b], add=True)

        def s_wait(b):
            pltpu.make_async_copy(rows[b], acc.at[dstall.at[0]], ss[b]).wait()

        def iter_chunk(k, j, ss_wait, g_next):
            g_wait(j)
            s_issue(k, j)
            bn = (j + 3) % NBUF
            if ss_wait:
                s_wait(bn)
            if g_next:
                g_issue(k + 3, bn)

        for b in range(3):
            g_issue(b, b)
        for j in range(NBUF):
            iter_chunk(j, j, ss_wait=(j >= NBUF - 3), g_next=True)

        def step(t, carry):
            for j in range(NBUF):
                iter_chunk(t * NBUF + j, j, ss_wait=True, g_next=True)
            return carry

        nstepw = _num_chunks(w) // NBUF
        lax.fori_loop(1, nstepw - 1, step, 0)
        for j in range(NBUF):
            iter_chunk((nstepw - 1) * NBUF + j, j, ss_wait=(j < NBUF - 3),
                       g_next=(j < NBUF - 3))
        for b in range(NBUF):
            s_wait(b)

        plsc.subcore_barrier()
        pltpu.sync_copy(
            acc.at[pl.ds(s * ZRA, ZRA), :], out.at[c, pl.ds(s * ZRA, ZRA), :]
        )

    return _agg_kernel


_agg128 = _make_agg_kernel(FIN)
_agg64 = _make_agg_kernel(CLS)


def _prep_body(f_ref, dp_ref, x1_ref, ns_ref, nd_ref):
    dout = dp_ref[0, 0] + dp_ref[1, 0]
    din = dp_ref[0, 1] + dp_ref[1, 1]
    ns = lax.rsqrt(jnp.maximum(dout, 1.0)).reshape(BR, 1)
    nd = lax.rsqrt(jnp.maximum(din, 1.0)).reshape(BR, 1)
    x1_ref[...] = f_ref[...] * ns
    ns_ref[...] = ns
    nd_ref[...] = nd


def _mid_body(p_ref, nd_ref, ns_ref, w1_ref, b1_ref, w2_ref, t2_ref):
    agg = (p_ref[0] + p_ref[1]) * nd_ref[...]
    h = jnp.dot(agg, w1_ref[...], preferred_element_type=jnp.float32)
    h = jnp.maximum(h + b1_ref[...], 0.0)
    t2_ref[...] = jnp.dot(
        h * ns_ref[...], w2_ref[...], preferred_element_type=jnp.float32
    )


def _fin_body(p_ref, nd_ref, b2_ref, out_ref):
    sc = (p_ref[0] + p_ref[1]) * nd_ref[...] + b2_ref[...]
    m = jnp.max(sc, axis=1, keepdims=True)
    lse = jnp.log(jnp.sum(jnp.exp(sc - m), axis=1, keepdims=True)) + m
    out_ref[...] = sc - lse


def _row_block(shape_minor):
    return pl.BlockSpec((BR,) + shape_minor, lambda i: (i,) + (0,) * len(shape_minor))


def kernel(features, edge_index, W1, b1, W2, b2):
    src2 = edge_index[0].reshape(ROWS, CH)
    dst2 = edge_index[1].reshape(ROWS, CH)

    deg = _deg_kernel(edge_index)

    x1, ns, nd = pl.pallas_call(
        _prep_body,
        grid=(GRID,),
        in_specs=[
            _row_block((FIN,)),
            pl.BlockSpec((NC, 2, BR), lambda i: (0, 0, i)),
        ],
        out_specs=[_row_block((FIN,)), _row_block((1,)), _row_block((1,))],
        out_shape=[
            jax.ShapeDtypeStruct((NP, FIN), jnp.float32),
            jax.ShapeDtypeStruct((NP, 1), jnp.float32),
            jax.ShapeDtypeStruct((NP, 1), jnp.float32),
        ],
    )(features, deg)

    p1 = _agg128(x1, edge_index)

    t2 = pl.pallas_call(
        _mid_body,
        grid=(GRID,),
        in_specs=[
            pl.BlockSpec((NC, BR, FIN), lambda i: (0, i, 0)),
            _row_block((1,)),
            _row_block((1,)),
            pl.BlockSpec((FIN, HID), lambda i: (0, 0)),
            pl.BlockSpec((1, HID), lambda i: (0, 0)),
            pl.BlockSpec((HID, CLS), lambda i: (0, 0)),
        ],
        out_specs=_row_block((CLS,)),
        out_shape=jax.ShapeDtypeStruct((NP, CLS), jnp.float32),
    )(p1, nd, ns, W1, b1.reshape(1, HID), W2)

    p2 = _agg64(t2, src2, dst2)

    out = pl.pallas_call(
        _fin_body,
        grid=(GRID,),
        in_specs=[
            pl.BlockSpec((NC, BR, CLS), lambda i: (0, i, 0)),
            _row_block((1,)),
            pl.BlockSpec((1, CLS), lambda i: (0, 0)),
        ],
        out_specs=_row_block((CLS,)),
        out_shape=jax.ShapeDtypeStruct((N, CLS), jnp.float32),
    )(p2, nd, b2.reshape(1, CLS))

    return out

# --- scband reference (transcript-rebuilt; emitter-appended) ---
"""Pipeline reference for scband-gcn-dgl-58110907515587 (READ-ONLY COPY).

The authoritative reference and input builder live on the scoring server;
editing this copy changes nothing except your own understanding.
"""

import jax, jax.numpy as jnp
import numpy as np

N_NODES = 10000
N_EDGES = 320000
IN_FEATS = 128
N_HIDDEN = 128
N_CLASSES = 64


def setup_inputs(seed: int = 0) -> dict:
    key = jax.random.key(seed)
    k1, k2, k3, k4, k5, k6 = jax.random.split(key, 6)
    features = jax.random.normal(k1, (N_NODES, IN_FEATS), dtype=jnp.float32)
    # int32 used for portability under default jax config (spec dtype int64)
    edge_index = jax.random.randint(k2, (2, N_EDGES), 0, N_NODES, dtype=jnp.int32)
    # GraphConv layer 1 params (glorot-style init)
    W1 = jax.random.normal(k3, (IN_FEATS, N_HIDDEN), dtype=jnp.float32) * np.sqrt(2.0 / (IN_FEATS + N_HIDDEN))
    b1 = jnp.zeros((N_HIDDEN,), dtype=jnp.float32)
    # GraphConv layer 2 params
    W2 = jax.random.normal(k4, (N_HIDDEN, N_CLASSES), dtype=jnp.float32) * np.sqrt(2.0 / (N_HIDDEN + N_CLASSES))
    b2 = jnp.zeros((N_CLASSES,), dtype=jnp.float32)
    return {"features": features, "edge_index": edge_index, "W1": W1, "b1": b1, "W2": W2, "b2": b2}


def reference(features, edge_index, W1, b1, W2, b2):
    src = edge_index[0]
    dst = edge_index[1]
    ones = jnp.ones((src.shape[0],), dtype=features.dtype)
    # DGL GraphConv norm='both': D_out^{-1/2} on src side, D_in^{-1/2} on dst side
    deg_out = jax.ops.segment_sum(ones, src, num_segments=N_NODES)
    deg_in = jax.ops.segment_sum(ones, dst, num_segments=N_NODES)
    norm_src = jnp.power(jnp.maximum(deg_out, 1.0), -0.5)
    norm_dst = jnp.power(jnp.maximum(deg_in, 1.0), -0.5)

    def gconv(h, W, b):
        h = h * norm_src[:, None]
        m = jnp.take(h, src, axis=0)                       # gather per-edge messages
        agg = jax.ops.segment_sum(m, dst, num_segments=N_NODES)  # scatter-add to dst
        agg = agg * norm_dst[:, None]
        return agg @ W + b

    h = jax.nn.relu(gconv(features, W1, b1))
    # dropout(p=0.5) is identity in eval mode
    h = gconv(h, W2, b2)
    return jax.nn.log_softmax(h, axis=1)

if __name__ == "__main__":
    import jax
    _d = setup_inputs()
    print(jax.jit(kernel)(*tuple(_d.values())))

</pallas_src>

<mosaic_0001>
#map = affine_map<(d0, d1) -> (0, 0)>
#map1 = affine_map<(d0, d1) -> (0, 0, 0)>
module attributes {stable_mosaic.version = 14 : i64} {
  func.func @_agg_kernel(%arg0: i32, %arg1: i32, %arg2: memref<10240x128xf32, #tpu.memory_space<hbm>>, %arg3: memref<2x320000xi32, #tpu.memory_space<hbm>>, %arg4: memref<2x10112x128xf32, #tpu.memory_space<hbm>>, %arg5: memref<10112x128xf32, #tpu.memory_space<vmem_shared>>, %arg6: memref<128xi32, #tpu.memory_space<vmem>>, %arg7: memref<128xi32, #tpu.memory_space<vmem>>, %arg8: memref<128xi32, #tpu.memory_space<vmem>>, %arg9: memref<128xi32, #tpu.memory_space<vmem>>, %arg10: memref<128xi32, #tpu.memory_space<vmem>>, %arg11: memref<128xi32, #tpu.memory_space<vmem>>, %arg12: memref<128x128xf32, #tpu.memory_space<vmem>>, %arg13: memref<128x128xf32, #tpu.memory_space<vmem>>, %arg14: memref<128x128xf32, #tpu.memory_space<vmem>>, %arg15: memref<!tpu.dma_semaphore, #tpu.memory_space<semaphore_mem>>, %arg16: memref<!tpu.dma_semaphore, #tpu.memory_space<semaphore_mem>>, %arg17: memref<!tpu.dma_semaphore, #tpu.memory_space<semaphore_mem>>, %arg18: memref<!tpu.dma_semaphore, #tpu.memory_space<semaphore_mem>>, %arg19: memref<!tpu.dma_semaphore, #tpu.memory_space<semaphore_mem>>, %arg20: memref<!tpu.dma_semaphore, #tpu.memory_space<semaphore_mem>>, %arg21: memref<!tpu.dma_semaphore, #tpu.memory_space<semaphore_mem>>, %arg22: memref<!tpu.dma_semaphore, #tpu.memory_space<semaphore_mem>>, %arg23: memref<!tpu.dma_semaphore, #tpu.memory_space<semaphore_mem>>, %arg24: memref<!tpu.dma_semaphore, #tpu.memory_space<semaphore_mem>>, %arg25: memref<!tpu.dma_semaphore, #tpu.memory_space<semaphore_mem>>, %arg26: memref<!tpu.dma_semaphore, #tpu.memory_space<semaphore_mem>>) attributes {dimension_semantics = [#tpu.dimension_semantics<core_parallel>, #tpu.dimension_semantics<subcore_parallel>], iteration_bounds = array<i64: 2, 16>, scalar_prefetch = 0 : i64, scratch_operands = 22 : i64, tpu.core_type = #tpu.core_type<sc_vector_subcore>, window_params = [{transform_indices = #map}, {transform_indices = #map}, {transform_indices = #map1}]} {
    %mul3A = arith.constant 16 : i32
    %mul3A_0 = arith.muli %arg0, %mul3A : i32
    %add3A = arith.addi %mul3A_0, %arg1 : i32
    %broadcast_in_dim3A = arith.constant 0.000000e+00 : f32
    %broadcast_in_dim3A_1 = vector.broadcast %broadcast_in_dim3A : f32 to vector<16xf32>
    %scan3A = arith.constant 0 : i32
    %scan3A_2 = arith.constant 0 : i32
    %scan3A_3 = arith.constant 1024 : i32
    %scan3A_4 = arith.addi %scan3A_2, %scan3A_3 : i32
    %scan3A_5 = arith.constant 1 : i32
    scf.for %scan3A_308 = %scan3A_2 to %scan3A_4 step %scan3A_5  : i32 {
      %jit3A_309 = arith.constant 8 : i32
      %div3A_310 = arith.divsi %scan3A_308, %jit3A_309 : i32
      %sign3A_311 = arith.constant 0 : i32
      %sign3A_312 = arith.cmpi sgt, %scan3A_308, %sign3A_311 : i32
      %sign3A_313 = arith.extui %sign3A_312 : i1 to i32
      %sign3A_314 = arith.constant 0 : i32
      %sign3A_315 = arith.cmpi slt, %scan3A_308, %sign3A_314 : i32
      %sign3A_316 = arith.extui %sign3A_315 : i1 to i32
      %sign3A_317 = arith.subi %sign3A_313, %sign3A_316 : i32
      %sign3A_318 = arith.constant 0 : i32
      %sign3A_319 = arith.cmpi sgt, %jit3A_309, %sign3A_318 : i32
      %sign3A_320 = arith.extui %sign3A_319 : i1 to i32
      %sign3A_321 = arith.constant 0 : i32
      %sign3A_322 = arith.cmpi slt, %jit3A_309, %sign3A_321 : i32
      %sign3A_323 = arith.extui %sign3A_322 : i1 to i32
      %sign3A_324 = arith.subi %sign3A_320, %sign3A_323 : i32
      %ne3A_325 = arith.cmpi ne, %sign3A_317, %sign3A_324 : i32
      %rem3A_326 = arith.remsi %scan3A_308, %jit3A_309 : i32
      %ne3A_327 = arith.constant 0 : i32
      %ne3A_328 = arith.cmpi ne, %rem3A_326, %ne3A_327 : i32
      %and3A_329 = arith.andi %ne3A_325, %ne3A_328 : i1
      %sub3A_330 = arith.constant 1 : i32
      %sub3A_331 = arith.subi %div3A_310, %sub3A_330 : i32
      %select_n3A_332 = arith.select %and3A_329, %sub3A_331, %div3A_310 : i32
      %jit3A_333 = arith.constant 8 : i32
      %eq3A_334 = arith.constant 0 : i32
      %eq3A_335 = arith.cmpi eq, %jit3A_333, %eq3A_334 : i32
      %jit3A_336 = arith.constant 1 : i32
      %select_n3A_337 = arith.select %eq3A_335, %jit3A_336, %jit3A_333 : i32
      %rem3A_338 = arith.remsi %scan3A_308, %select_n3A_337 : i32
      %ne3A_339 = arith.constant 0 : i32
      %ne3A_340 = arith.cmpi ne, %rem3A_338, %ne3A_339 : i32
      %lt3A = arith.constant 0 : i32
      %lt3A_341 = arith.cmpi slt, %rem3A_338, %lt3A : i32
      %lt3A_342 = arith.constant 0 : i32
      %lt3A_343 = arith.cmpi slt, %select_n3A_337, %lt3A_342 : i32
      %ne3A_344 = arith.xori %lt3A_341, %lt3A_343 : i1
      %and3A_345 = arith.andi %ne3A_344, %ne3A_340 : i1
      %add3A_346 = arith.addi %rem3A_338, %select_n3A_337 : i32
      %select_n3A_347 = arith.select %and3A_345, %add3A_346, %rem3A_338 : i32
      %mul3A_348 = arith.constant 16 : i32
      %mul3A_349 = arith.muli %select_n3A_347, %mul3A_348 : i32
      %swap3A = arith.index_cast %select_n3A_332 : i32 to index
      %swap3A_350 = arith.index_cast %mul3A_349 : i32 to index
      %swap3A_351 = tpu.vector_load %arg12[%swap3A, %swap3A_350] {strides = array<i32>} : memref<128x128xf32, #tpu.memory_space<vmem>>, vector<1x16xf32>,
      %swap3A_352 = vector.shape_cast %swap3A_351 : vector<1x16xf32> to vector<16xf32>
      %swap3A_353 = vector.shape_cast %broadcast_in_dim3A_1 : vector<16xf32> to vector<1x16xf32>
      tpu.vector_store %arg12[%swap3A, %swap3A_350], %swap3A_353 {strides = array<i32>} : memref<128x128xf32, #tpu.memory_space<vmem>>, vector<1x16xf32>,
    }
    %scan3A_6 = arith.constant 1024 : i32
    %mul3A_7 = arith.constant 632 : i32
    %mul3A_8 = arith.muli %arg1, %mul3A_7 : i32
    %add3A_9 = arith.constant 0 : i32
    %add3A_10 = arith.addi %mul3A_8, %add3A_9 : i32
    "tpu.region"() ({
      %run_scoped3A = tpu.sem_alloc : memref<!tpu.dma_semaphore, #tpu.memory_space<semaphore_mem>>
      %dma_start3A_308 = arith.constant 0 : i32
      %dma_start3A_309 = arith.constant 0 : i32
      %dma_start3A_310 = tpu.memref_slice %arg12[%dma_start3A_308, %dma_start3A_309] : memref<128x128xf32, #tpu.memory_space<vmem>> -> memref<128x128xf32, #tpu.memory_space<vmem>>
      %dma_start3A_311 = arith.constant 0 : i32
      %dma_start3A_312 = tpu.memref_slice %arg5[%add3A_10, %dma_start3A_311] : memref<10112x128xf32, #tpu.memory_space<vmem_shared>> -> memref<128x128xf32, #tpu.memory_space<vmem_shared>>
      %dma_start3A_313 = arith.constant 0 : i32
      %dma_start3A_314 = tpu.memref_slice %arg5[%add3A_10, %dma_start3A_313] : memref<10112x128xf32, #tpu.memory_space<vmem_shared>> -> memref<128x128xf32, #tpu.memory_space<vmem_shared>>
      %dma_start3A_315 = arith.constant 0 : i32
      %dma_start3A_316 = arith.constant 0 : i32
      %dma_start3A_317 = tpu.memref_slice %arg12[%dma_start3A_315, %dma_start3A_316] : memref<128x128xf32, #tpu.memory_space<vmem>> -> memref<128x128xf32, #tpu.memory_space<vmem>>
      tpu.enqueue_dma source(%dma_start3A_317 : memref<128x128xf32, #tpu.memory_space<vmem>>) target(%dma_start3A_314 : memref<128x128xf32, #tpu.memory_space<vmem_shared>>) target_semaphore(%run_scoped3A : memref<!tpu.dma_semaphore, #tpu.memory_space<semaphore_mem>>)
      %dma_wait3A_318 = arith.constant 0 : i32
      %dma_wait3A_319 = arith.constant 0 : i32
      %dma_wait3A_320 = tpu.memref_slice %arg12[%dma_wait3A_318, %dma_wait3A_319] : memref<128x128xf32, #tpu.memory_space<vmem>> -> memref<128x128xf32, #tpu.memory_space<vmem>>
      %dma_wait3A_321 = arith.constant 0 : i32
      %dma_wait3A_322 = tpu.memref_slice %arg5[%add3A_10, %dma_wait3A_321] : memref<10112x128xf32, #tpu.memory_space<vmem_shared>> -> memref<128x128xf32, #tpu.memory_space<vmem_shared>>
      %dma_wait3A_323 = arith.constant 0 : i32
      %dma_wait3A_324 = tpu.memref_slice %arg5[%add3A_10, %dma_wait3A_323] : memref<10112x128xf32, #tpu.memory_space<vmem_shared>> -> memref<128x128xf32, #tpu.memory_space<vmem_shared>>
      %dma_wait3A_325 = arith.constant 0 : i32
      %dma_wait3A_326 = arith.constant 0 : i32
      %dma_wait3A_327 = tpu.memref_slice %arg12[%dma_wait3A_325, %dma_wait3A_326] : memref<128x128xf32, #tpu.memory_space<vmem>> -> memref<128x128xf32, #tpu.memory_space<vmem>>
      tpu.wait_dma2 semaphore(%run_scoped3A : memref<!tpu.dma_semaphore, #tpu.memory_space<semaphore_mem>>) src(%dma_wait3A_327 : memref<128x128xf32, #tpu.memory_space<vmem>>) dst(%dma_wait3A_324 : memref<128x128xf32, #tpu.memory_space<vmem_shared>>)
      tpu.yield
    }) : () -> ()
    %mul3A_11 = arith.constant 632 : i32
    %mul3A_12 = arith.muli %arg1, %mul3A_11 : i32
    %add3A_13 = arith.constant 128 : i32
    %add3A_14 = arith.addi %mul3A_12, %add3A_13 : i32
    "tpu.region"() ({
      %run_scoped3A = tpu.sem_alloc : memref<!tpu.dma_semaphore, #tpu.memory_space<semaphore_mem>>
      %dma_start3A_308 = arith.constant 0 : i32
      %dma_start3A_309 = arith.constant 0 : i32
      %dma_start3A_310 = tpu.memref_slice %arg12[%dma_start3A_308, %dma_start3A_309] : memref<128x128xf32, #tpu.memory_space<vmem>> -> memref<128x128xf32, #tpu.memory_space<vmem>>
      %dma_start3A_311 = arith.constant 0 : i32
      %dma_start3A_312 = tpu.memref_slice %arg5[%add3A_14, %dma_start3A_311] : memref<10112x128xf32, #tpu.memory_space<vmem_shared>> -> memref<128x128xf32, #tpu.memory_space<vmem_shared>>
      %dma_start3A_313 = arith.constant 0 : i32
      %dma_start3A_314 = tpu.memref_slice %arg5[%add3A_14, %dma_start3A_313] : memref<10112x128xf32, #tpu.memory_space<vmem_shared>> -> memref<128x128xf32, #tpu.memory_space<vmem_shared>>
      %dma_start3A_315 = arith.constant 0 : i32
      %dma_start3A_316 = arith.constant 0 : i32
      %dma_start3A_317 = tpu.memref_slice %arg12[%dma_start3A_315, %dma_start3A_316] : memref<128x128xf32, #tpu.memory_space<vmem>> -> memref<128x128xf32, #tpu.memory_space<vmem>>
      tpu.enqueue_dma source(%dma_start3A_317 : memref<128x128xf32, #tpu.memory_space<vmem>>) target(%dma_start3A_314 : memref<128x128xf32, #tpu.memory_space<vmem_shared>>) target_semaphore(%run_scoped3A : memref<!tpu.dma_semaphore, #tpu.memory_space<semaphore_mem>>)
      %dma_wait3A_318 = arith.constant 0 : i32
      %dma_wait3A_319 = arith.constant 0 : i32
      %dma_wait3A_320 = tpu.memref_slice %arg12[%dma_wait3A_318, %dma_wait3A_319] : memref<128x128xf32, #tpu.memory_space<vmem>> -> memref<128x128xf32, #tpu.memory_space<vmem>>
      %dma_wait3A_321 = arith.constant 0 : i32
      %dma_wait3A_322 = tpu.memref_slice %arg5[%add3A_14, %dma_wait3A_321] : memref<10112x128xf32, #tpu.memory_space<vmem_shared>> -> memref<128x128xf32, #tpu.memory_space<vmem_shared>>
      %dma_wait3A_323 = arith.constant 0 : i32
      %dma_wait3A_324 = tpu.memref_slice %arg5[%add3A_14, %dma_wait3A_323] : memref<10112x128xf32, #tpu.memory_space<vmem_shared>> -> memref<128x128xf32, #tpu.memory_space<vmem_shared>>
      %dma_wait3A_325 = arith.constant 0 : i32
      %dma_wait3A_326 = arith.constant 0 : i32
      %dma_wait3A_327 = tpu.memref_slice %arg12[%dma_wait3A_325, %dma_wait3A_326] : memref<128x128xf32, #tpu.memory_space<vmem>> -> memref<128x128xf32, #tpu.memory_space<vmem>>
      tpu.wait_dma2 semaphore(%run_scoped3A : memref<!tpu.dma_semaphore, #tpu.memory_space<semaphore_mem>>) src(%dma_wait3A_327 : memref<128x128xf32, #tpu.memory_space<vmem>>) dst(%dma_wait3A_324 : memref<128x128xf32, #tpu.memory_space<vmem_shared>>)
      tpu.yield
    }) : () -> ()
    %mul3A_15 = arith.constant 632 : i32
    %mul3A_16 = arith.muli %arg1, %mul3A_15 : i32
    %add3A_17 = arith.constant 256 : i32
    %add3A_18 = arith.addi %mul3A_16, %add3A_17 : i32
    "tpu.region"() ({
      %run_scoped3A = tpu.sem_alloc : memref<!tpu.dma_semaphore, #tpu.memory_space<semaphore_mem>>
      %dma_start3A_308 = arith.constant 0 : i32
      %dma_start3A_309 = arith.constant 0 : i32
      %dma_start3A_310 = tpu.memref_slice %arg12[%dma_start3A_308, %dma_start3A_309] : memref<128x128xf32, #tpu.memory_space<vmem>> -> memref<128x128xf32, #tpu.memory_space<vmem>>
      %dma_start3A_311 = arith.constant 0 : i32
      %dma_start3A_312 = tpu.memref_slice %arg5[%add3A_18, %dma_start3A_311] : memref<10112x128xf32, #tpu.memory_space<vmem_shared>> -> memref<128x128xf32, #tpu.memory_space<vmem_shared>>
      %dma_start3A_313 = arith.constant 0 : i32
      %dma_start3A_314 = tpu.memref_slice %arg5[%add3A_18, %dma_start3A_313] : memref<10112x128xf32, #tpu.memory_space<vmem_shared>> -> memref<128x128xf32, #tpu.memory_space<vmem_shared>>
      %dma_start3A_315 = arith.constant 0 : i32
      %dma_start3A_316 = arith.constant 0 : i32
      %dma_start3A_317 = tpu.memref_slice %arg12[%dma_start3A_315, %dma_start3A_316] : memref<128x128xf32, #tpu.memory_space<vmem>> -> memref<128x128xf32, #tpu.memory_space<vmem>>
      tpu.enqueue_dma source(%dma_start3A_317 : memref<128x128xf32, #tpu.memory_space<vmem>>) target(%dma_start3A_314 : memref<128x128xf32, #tpu.memory_space<vmem_shared>>) target_semaphore(%run_scoped3A : memref<!tpu.dma_semaphore, #tpu.memory_space<semaphore_mem>>)
      %dma_wait3A_318 = arith.constant 0 : i32
      %dma_wait3A_319 = arith.constant 0 : i32
      %dma_wait3A_320 = tpu.memref_slice %arg12[%dma_wait3A_318, %dma_wait3A_319] : memref<128x128xf32, #tpu.memory_space<vmem>> -> memref<128x128xf32, #tpu.memory_space<vmem>>
      %dma_wait3A_321 = arith.constant 0 : i32
      %dma_wait3A_322 = tpu.memref_slice %arg5[%add3A_18, %dma_wait3A_321] : memref<10112x128xf32, #tpu.memory_space<vmem_shared>> -> memref<128x128xf32, #tpu.memory_space<vmem_shared>>
      %dma_wait3A_323 = arith.constant 0 : i32
      %dma_wait3A_324 = tpu.memref_slice %arg5[%add3A_18, %dma_wait3A_323] : memref<10112x128xf32, #tpu.memory_space<vmem_shared>> -> memref<128x128xf32, #tpu.memory_space<vmem_shared>>
      %dma_wait3A_325 = arith.constant 0 : i32
      %dma_wait3A_326 = arith.constant 0 : i32
      %dma_wait3A_327 = tpu.memref_slice %arg12[%dma_wait3A_325, %dma_wait3A_326] : memref<128x128xf32, #tpu.memory_space<vmem>> -> memref<128x128xf32, #tpu.memory_space<vmem>>
      tpu.wait_dma2 semaphore(%run_scoped3A : memref<!tpu.dma_semaphore, #tpu.memory_space<semaphore_mem>>) src(%dma_wait3A_327 : memref<128x128xf32, #tpu.memory_space<vmem>>) dst(%dma_wait3A_324 : memref<128x128xf32, #tpu.memory_space<vmem_shared>>)
      tpu.yield
    }) : () -> ()
    %mul3A_19 = arith.constant 632 : i32
    %mul3A_20 = arith.muli %arg1, %mul3A_19 : i32
    %add3A_21 = arith.constant 384 : i32
    %add3A_22 = arith.addi %mul3A_20, %add3A_21 : i32
    "tpu.region"() ({
      %run_scoped3A = tpu.sem_alloc : memref<!tpu.dma_semaphore, #tpu.memory_space<semaphore_mem>>
      %dma_start3A_308 = arith.constant 0 : i32
      %dma_start3A_309 = arith.constant 0 : i32
      %dma_start3A_310 = tpu.memref_slice %arg12[%dma_start3A_308, %dma_start3A_309] : memref<128x128xf32, #tpu.memory_space<vmem>> -> memref<128x128xf32, #tpu.memory_space<vmem>>
      %dma_start3A_311 = arith.constant 0 : i32
      %dma_start3A_312 = tpu.memref_slice %arg5[%add3A_22, %dma_start3A_311] : memref<10112x128xf32, #tpu.memory_space<vmem_shared>> -> memref<128x128xf32, #tpu.memory_space<vmem_shared>>
      %dma_start3A_313 = arith.constant 0 : i32
      %dma_start3A_314 = tpu.memref_slice %arg5[%add3A_22, %dma_start3A_313] : memref<10112x128xf32, #tpu.memory_space<vmem_shared>> -> memref<128x128xf32, #tpu.memory_space<vmem_shared>>
      %dma_start3A_315 = arith.constant 0 : i32
      %dma_start3A_316 = arith.constant 0 : i32
      %dma_start3A_317 = tpu.memref_slice %arg12[%dma_start3A_315, %dma_start3A_316] : memref<128x128xf32, #tpu.memory_space<vmem>> -> memref<128x128xf32, #tpu.memory_space<vmem>>
      tpu.enqueue_dma source(%dma_start3A_317 : memref<128x128xf32, #tpu.memory_space<vmem>>) target(%dma_start3A_314 : memref<128x128xf32, #tpu.memory_space<vmem_shared>>) target_semaphore(%run_scoped3A : memref<!tpu.dma_semaphore, #tpu.memory_space<semaphore_mem>>)
      %dma_wait3A_318 = arith.constant 0 : i32
      %dma_wait3A_319 = arith.constant 0 : i32
      %dma_wait3A_320 = tpu.memref_slice %arg12[%dma_wait3A_318, %dma_wait3A_319] : memref<128x128xf32, #tpu.memory_space<vmem>> -> memref<128x128xf32, #tpu.memory_space<vmem>>
      %dma_wait3A_321 = arith.constant 0 : i32
      %dma_wait3A_322 = tpu.memref_slice %arg5[%add3A_22, %dma_wait3A_321] : memref<10112x128xf32, #tpu.memory_space<vmem_shared>> -> memref<128x128xf32, #tpu.memory_space<vmem_shared>>
      %dma_wait3A_323 = arith.constant 0 : i32
      %dma_wait3A_324 = tpu.memref_slice %arg5[%add3A_22, %dma_wait3A_323] : memref<10112x128xf32, #tpu.memory_space<vmem_shared>> -> memref<128x128xf32, #tpu.memory_space<vmem_shared>>
      %dma_wait3A_325 = arith.constant 0 : i32
      %dma_wait3A_326 = arith.constant 0 : i32
      %dma_wait3A_327 = tpu.memref_slice %arg12[%dma_wait3A_325, %dma_wait3A_326] : memref<128x128xf32, #tpu.memory_space<vmem>> -> memref<128x128xf32, #tpu.memory_space<vmem>>
      tpu.wait_dma2 semaphore(%run_scoped3A : memref<!tpu.dma_semaphore, #tpu.memory_space<semaphore_mem>>) src(%dma_wait3A_327 : memref<128x128xf32, #tpu.memory_space<vmem>>) dst(%dma_wait3A_324 : memref<128x128xf32, #tpu.memory_space<vmem_shared>>)
      tpu.yield
    }) : () -> ()
    %mul3A_23 = arith.constant 632 : i32
    %mul3A_24 = arith.muli %arg1, %mul3A_23 : i32
    %add3A_25 = arith.constant 512 : i32
    %add3A_26 = arith.addi %mul3A_24, %add3A_25 : i32
    "tpu.region"() ({
      %run_scoped3A = tpu.sem_alloc : memref<!tpu.dma_semaphore, #tpu.memory_space<semaphore_mem>>
      %dma_start3A_308 = arith.constant 0 : i32
      %dma_start3A_309 = arith.constant 0 : i32
      %dma_start3A_310 = tpu.memref_slice %arg12[%dma_start3A_308, %dma_start3A_309] : memref<128x128xf32, #tpu.memory_space<vmem>> -> memref<120x128xf32, #tpu.memory_space<vmem>>
      %dma_start3A_311 = arith.constant 0 : i32
      %dma_start3A_312 = tpu.memref_slice %arg5[%add3A_26, %dma_start3A_311] : memref<10112x128xf32, #tpu.memory_space<vmem_shared>> -> memref<120x128xf32, #tpu.memory_space<vmem_shared>>
      %dma_start3A_313 = arith.constant 0 : i32
      %dma_start3A_314 = tpu.memref_slice %arg5[%add3A_26, %dma_start3A_313] : memref<10112x128xf32, #tpu.memory_space<vmem_shared>> -> memref<120x128xf32, #tpu.memory_space<vmem_shared>>
      %dma_start3A_315 = arith.constant 0 : i32
      %dma_start3A_316 = arith.constant 0 : i32
      %dma_start3A_317 = tpu.memref_slice %arg12[%dma_start3A_315, %dma_start3A_316] : memref<128x128xf32, #tpu.memory_space<vmem>> -> memref<120x128xf32, #tpu.memory_space<vmem>>
      tpu.enqueue_dma source(%dma_start3A_317 : memref<120x128xf32, #tpu.memory_space<vmem>>) target(%dma_start3A_314 : memref<120x128xf32, #tpu.memory_space<vmem_shared>>) target_semaphore(%run_scoped3A : memref<!tpu.dma_semaphore, #tpu.memory_space<semaphore_mem>>)
      %dma_wait3A_318 = arith.constant 0 : i32
      %dma_wait3A_319 = arith.constant 0 : i32
      %dma_wait3A_320 = tpu.memref_slice %arg12[%dma_wait3A_318, %dma_wait3A_319] : memref<128x128xf32, #tpu.memory_space<vmem>> -> memref<120x128xf32, #tpu.memory_space<vmem>>
      %dma_wait3A_321 = arith.constant 0 : i32
      %dma_wait3A_322 = tpu.memref_slice %arg5[%add3A_26, %dma_wait3A_321] : memref<10112x128xf32, #tpu.memory_space<vmem_shared>> -> memref<120x128xf32, #tpu.memory_space<vmem_shared>>
      %dma_wait3A_323 = arith.constant 0 : i32
      %dma_wait3A_324 = tpu.memref_slice %arg5[%add3A_26, %dma_wait3A_323] : memref<10112x128xf32, #tpu.memory_space<vmem_shared>> -> memref<120x128xf32, #tpu.memory_space<vmem_shared>>
      %dma_wait3A_325 = arith.constant 0 : i32
      %dma_wait3A_326 = arith.constant 0 : i32
      %dma_wait3A_327 = tpu.memref_slice %arg12[%dma_wait3A_325, %dma_wait3A_326] : memref<128x128xf32, #tpu.memory_space<vmem>> -> memref<120x128xf32, #tpu.memory_space<vmem>>
      tpu.wait_dma2 semaphore(%run_scoped3A : memref<!tpu.dma_semaphore, #tpu.memory_space<semaphore_mem>>) src(%dma_wait3A_327 : memref<120x128xf32, #tpu.memory_space<vmem>>) dst(%dma_wait3A_324 : memref<120x128xf32, #tpu.memory_space<vmem_shared>>)
      tpu.yield
    }) : () -> ()
    %barrier3A = arith.constant 0 : index
    tpu.barrier barrier_id(%barrier3A)
    %mul3A_27 = arith.constant 80 : i32
    %mul3A_28 = arith.muli %add3A, %mul3A_27 : i32
    %add3A_29 = arith.constant 0 : i32
    %add3A_30 = arith.addi %mul3A_28, %add3A_29 : i32
    %mul3A_31 = arith.constant 128 : i32
    %mul3A_32 = arith.muli %add3A_30, %mul3A_31 : i32
    %dma_start3A = arith.constant 0 : i32
    %dma_start3A_33 = tpu.memref_slice %arg3[%dma_start3A, %mul3A_32] : memref<2x320000xi32, #tpu.memory_space<hbm>> -> memref<1x128xi32, #tpu.memory_space<hbm>>
    %dma_start3A_34 = tpu.memref_squeeze %dma_start3A_33 : memref<1x128xi32, #tpu.memory_space<hbm>> -> memref<128xi32, #tpu.memory_space<hbm>>
    %dma_start3A_35 = tpu.memref_slice %arg3[%dma_start3A, %mul3A_32] : memref<2x320000xi32, #tpu.memory_space<hbm>> -> memref<1x128xi32, #tpu.memory_space<hbm>>
    %dma_start3A_36 = tpu.memref_squeeze %dma_start3A_35 : memref<1x128xi32, #tpu.memory_space<hbm>> -> memref<128xi32, #tpu.memory_space<hbm>>
    tpu.enqueue_dma source(%dma_start3A_36 : memref<128xi32, #tpu.memory_space<hbm>>) target(%arg6 : memref<128xi32, #tpu.memory_space<vmem>>) target_semaphore(%arg21 : memref<!tpu.dma_semaphore, #tpu.memory_space<semaphore_mem>>)
    %mul3A_37 = arith.constant 80 : i32
    %mul3A_38 = arith.muli %add3A, %mul3A_37 : i32
    %add3A_39 = arith.constant 0 : i32
    %add3A_40 = arith.addi %mul3A_38, %add3A_39 : i32
    %mul3A_41 = arith.constant 128 : i32
    %mul3A_42 = arith.muli %add3A_40, %mul3A_41 : i32
    %dma_start3A_43 = arith.constant 1 : i32
    %dma_start3A_44 = tpu.memref_slice %arg3[%dma_start3A_43, %mul3A_42] : memref<2x320000xi32, #tpu.memory_space<hbm>> -> memref<1x128xi32, #tpu.memory_space<hbm>>
    %dma_start3A_45 = tpu.memref_squeeze %dma_start3A_44 : memref<1x128xi32, #tpu.memory_space<hbm>> -> memref<128xi32, #tpu.memory_space<hbm>>
    %dma_start3A_46 = tpu.memref_slice %arg3[%dma_start3A_43, %mul3A_42] : memref<2x320000xi32, #tpu.memory_space<hbm>> -> memref<1x128xi32, #tpu.memory_space<hbm>>
    %dma_start3A_47 = tpu.memref_squeeze %dma_start3A_46 : memref<1x128xi32, #tpu.memory_space<hbm>> -> memref<128xi32, #tpu.memory_space<hbm>>
    tpu.enqueue_dma source(%dma_start3A_47 : memref<128xi32, #tpu.memory_space<hbm>>) target(%arg9 : memref<128xi32, #tpu.memory_space<vmem>>) target_semaphore(%arg24 : memref<!tpu.dma_semaphore, #tpu.memory_space<semaphore_mem>>)
    %mul3A_48 = arith.constant 80 : i32
    %mul3A_49 = arith.muli %add3A, %mul3A_48 : i32
    %add3A_50 = arith.constant 1 : i32
    %add3A_51 = arith.addi %mul3A_49, %add3A_50 : i32
    %mul3A_52 = arith.constant 128 : i32
    %mul3A_53 = arith.muli %add3A_51, %mul3A_52 : i32
    %dma_start3A_54 = arith.constant 0 : i32
    %dma_start3A_55 = tpu.memref_slice %arg3[%dma_start3A_54, %mul3A_53] : memref<2x320000xi32, #tpu.memory_space<hbm>> -> memref<1x128xi32, #tpu.memory_space<hbm>>
    %dma_start3A_56 = tpu.memref_squeeze %dma_start3A_55 : memref<1x128xi32, #tpu.memory_space<hbm>> -> memref<128xi32, #tpu.memory_space<hbm>>
    %dma_start3A_57 = tpu.memref_slice %arg3[%dma_start3A_54, %mul3A_53] : memref<2x320000xi32, #tpu.memory_space<hbm>> -> memref<1x128xi32, #tpu.memory_space<hbm>>
    %dma_start3A_58 = tpu.memref_squeeze %dma_start3A_57 : memref<1x128xi32, #tpu.memory_space<hbm>> -> memref<128xi32, #tpu.memory_space<hbm>>
    tpu.enqueue_dma source(%dma_start3A_58 : memref<128xi32, #tpu.memory_space<hbm>>) target(%arg7 : memref<128xi32, #tpu.memory_space<vmem>>) target_semaphore(%arg22 : memref<!tpu.dma_semaphore, #tpu.memory_space<semaphore_mem>>)
    %mul3A_59 = arith.constant 80 : i32
    %mul3A_60 = arith.muli %add3A, %mul3A_59 : i32
    %add3A_61 = arith.constant 1 : i32
    %add3A_62 = arith.addi %mul3A_60, %add3A_61 : i32
    %mul3A_63 = arith.constant 128 : i32
    %mul3A_64 = arith.muli %add3A_62, %mul3A_63 : i32
    %dma_start3A_65 = arith.constant 1 : i32
    %dma_start3A_66 = tpu.memref_slice %arg3[%dma_start3A_65, %mul3A_64] : memref<2x320000xi32, #tpu.memory_space<hbm>> -> memref<1x128xi32, #tpu.memory_space<hbm>>
    %dma_start3A_67 = tpu.memref_squeeze %dma_start3A_66 : memref<1x128xi32, #tpu.memory_space<hbm>> -> memref<128xi32, #tpu.memory_space<hbm>>
    %dma_start3A_68 = tpu.memref_slice %arg3[%dma_start3A_65, %mul3A_64] : memref<2x320000xi32, #tpu.memory_space<hbm>> -> memref<1x128xi32, #tpu.memory_space<hbm>>
    %dma_start3A_69 = tpu.memref_squeeze %dma_start3A_68 : memref<1x128xi32, #tpu.memory_space<hbm>> -> memref<128xi32, #tpu.memory_space<hbm>>
    tpu.enqueue_dma source(%dma_start3A_69 : memref<128xi32, #tpu.memory_space<hbm>>) target(%arg10 : memref<128xi32, #tpu.memory_space<vmem>>) target_semaphore(%arg25 : memref<!tpu.dma_semaphore, #tpu.memory_space<semaphore_mem>>)
    %mul3A_70 = arith.constant 80 : i32
    %mul3A_71 = arith.muli %add3A, %mul3A_70 : i32
    %add3A_72 = arith.constant 2 : i32
    %add3A_73 = arith.addi %mul3A_71, %add3A_72 : i32
    %mul3A_74 = arith.constant 128 : i32
    %mul3A_75 = arith.muli %add3A_73, %mul3A_74 : i32
    %dma_start3A_76 = arith.constant 0 : i32
    %dma_start3A_77 = tpu.memref_slice %arg3[%dma_start3A_76, %mul3A_75] : memref<2x320000xi32, #tpu.memory_space<hbm>> -> memref<1x128xi32, #tpu.memory_space<hbm>>
    %dma_start3A_78 = tpu.memref_squeeze %dma_start3A_77 : memref<1x128xi32, #tpu.memory_space<hbm>> -> memref<128xi32, #tpu.memory_space<hbm>>
    %dma_start3A_79 = tpu.memref_slice %arg3[%dma_start3A_76, %mul3A_75] : memref<2x320000xi32, #tpu.memory_space<hbm>> -> memref<1x128xi32, #tpu.memory_space<hbm>>
    %dma_start3A_80 = tpu.memref_squeeze %dma_start3A_79 : memref<1x128xi32, #tpu.memory_space<hbm>> -> memref<128xi32, #tpu.memory_space<hbm>>
    tpu.enqueue_dma source(%dma_start3A_80 : memref<128xi32, #tpu.memory_space<hbm>>) target(%arg8 : memref<128xi32, #tpu.memory_space<vmem>>) target_semaphore(%arg23 : memref<!tpu.dma_semaphore, #tpu.memory_space<semaphore_mem>>)
    %dma_wait3A = arith.constant 0 : i32
    %dma_wait3A_81 = arith.constant 0 : i32
    %dma_wait3A_82 = tpu.memref_slice %arg3[%dma_wait3A, %dma_wait3A_81] : memref<2x320000xi32, #tpu.memory_space<hbm>> -> memref<1x128xi32, #tpu.memory_space<hbm>>
    %dma_wait3A_83 = tpu.memref_squeeze %dma_wait3A_82 : memref<1x128xi32, #tpu.memory_space<hbm>> -> memref<128xi32, #tpu.memory_space<hbm>>
    %dma_wait3A_84 = arith.constant 0 : i32
    %dma_wait3A_85 = tpu.memref_slice %arg3[%dma_wait3A, %dma_wait3A_84] : memref<2x320000xi32, #tpu.memory_space<hbm>> -> memref<1x128xi32, #tpu.memory_space<hbm>>
    %dma_wait3A_86 = tpu.memref_squeeze %dma_wait3A_85 : memref<1x128xi32, #tpu.memory_space<hbm>> -> memref<128xi32, #tpu.memory_space<hbm>>
    tpu.wait_dma2 semaphore(%arg21 : memref<!tpu.dma_semaphore, #tpu.memory_space<semaphore_mem>>) src(%dma_wait3A_86 : memref<128xi32, #tpu.memory_space<hbm>>) dst(%arg6 : memref<128xi32, #tpu.memory_space<vmem>>)
    %dma_start3A_87 = arith.constant 0 : i32
    %dma_start3A_88 = arith.constant 0 : i32
    %dma_start3A_89 = tpu.memref_slice %arg2[%dma_start3A_87, %dma_start3A_88] : memref<10240x128xf32, #tpu.memory_space<hbm>> -> memref<10240x128xf32, #tpu.memory_space<hbm>>
    tpu.enqueue_indirect_dma source(%dma_start3A_89 : memref<10240x128xf32, #tpu.memory_space<hbm>>) target(%arg12 : memref<128x128xf32, #tpu.memory_space<vmem>>) offsets(%arg6 : memref<128xi32, #tpu.memory_space<vmem>>) semaphore(%arg15 : memref<!tpu.dma_semaphore, #tpu.memory_space<semaphore_mem>>)
    %dma_wait3A_90 = arith.constant 0 : i32
    %dma_wait3A_91 = arith.constant 0 : i32
    %dma_wait3A_92 = tpu.memref_slice %arg3[%dma_wait3A_90, %dma_wait3A_91] : memref<2x320000xi32, #tpu.memory_space<hbm>> -> memref<1x128xi32, #tpu.memory_space<hbm>>
    %dma_wait3A_93 = tpu.memref_squeeze %dma_wait3A_92 : memref<1x128xi32, #tpu.memory_space<hbm>> -> memref<128xi32, #tpu.memory_space<hbm>>
    %dma_wait3A_94 = arith.constant 0 : i32
    %dma_wait3A_95 = tpu.memref_slice %arg3[%dma_wait3A_90, %dma_wait3A_94] : memref<2x320000xi32, #tpu.memory_space<hbm>> -> memref<1x128xi32, #tpu.memory_space<hbm>>
    %dma_wait3A_96 = tpu.memref_squeeze %dma_wait3A_95 : memref<1x128xi32, #tpu.memory_space<hbm>> -> memref<128xi32, #tpu.memory_space<hbm>>
    tpu.wait_dma2 semaphore(%arg22 : memref<!tpu.dma_semaphore, #tpu.memory_space<semaphore_mem>>) src(%dma_wait3A_96 : memref<128xi32, #tpu.memory_space<hbm>>) dst(%arg7 : memref<128xi32, #tpu.memory_space<vmem>>)
    %dma_start3A_97 = arith.constant 0 : i32
    %dma_start3A_98 = arith.constant 0 : i32
    %dma_start3A_99 = tpu.memref_slice %arg2[%dma_start3A_97, %dma_start3A_98] : memref<10240x128xf32, #tpu.memory_space<hbm>> -> memref<10240x128xf32, #tpu.memory_space<hbm>>
    tpu.enqueue_indirect_dma source(%dma_start3A_99 : memref<10240x128xf32, #tpu.memory_space<hbm>>) target(%arg13 : memref<128x128xf32, #tpu.memory_space<vmem>>) offsets(%arg7 : memref<128xi32, #tpu.memory_space<vmem>>) semaphore(%arg16 : memref<!tpu.dma_semaphore, #tpu.memory_space<semaphore_mem>>)
    %dma_wait3A_100 = arith.constant 1 : i32
    %dma_wait3A_101 = arith.constant 0 : i32
    %dma_wait3A_102 = tpu.memref_slice %arg3[%dma_wait3A_100, %dma_wait3A_101] : memref<2x320000xi32, #tpu.memory_space<hbm>> -> memref<1x128xi32, #tpu.memory_space<hbm>>
    %dma_wait3A_103 = tpu.memref_squeeze %dma_wait3A_102 : memref<1x128xi32, #tpu.memory_space<hbm>> -> memref<128xi32, #tpu.memory_space<hbm>>
    %dma_wait3A_104 = arith.constant 0 : i32
    %dma_wait3A_105 = tpu.memref_slice %arg3[%dma_wait3A_100, %dma_wait3A_104] : memref<2x320000xi32, #tpu.memory_space<hbm>> -> memref<1x128xi32, #tpu.memory_space<hbm>>
    %dma_wait3A_106 = tpu.memref_squeeze %dma_wait3A_105 : memref<1x128xi32, #tpu.memory_space<hbm>> -> memref<128xi32, #tpu.memory_space<hbm>>
    tpu.wait_dma2 semaphore(%arg24 : memref<!tpu.dma_semaphore, #tpu.memory_space<semaphore_mem>>) src(%dma_wait3A_106 : memref<128xi32, #tpu.memory_space<hbm>>) dst(%arg9 : memref<128xi32, #tpu.memory_space<vmem>>)
    %dma_wait3A_107 = arith.constant 0 : i32
    %dma_wait3A_108 = arith.constant 0 : i32
    %dma_wait3A_109 = tpu.memref_slice %arg2[%dma_wait3A_107, %dma_wait3A_108] : memref<10240x128xf32, #tpu.memory_space<hbm>> -> memref<10240x128xf32, #tpu.memory_space<hbm>>
    tpu.wait_indirect_dma semaphore(%arg15 : memref<!tpu.dma_semaphore, #tpu.memory_space<semaphore_mem>>) src(%dma_wait3A_109 : memref<10240x128xf32, #tpu.memory_space<hbm>>) dst(%arg12 : memref<128x128xf32, #tpu.memory_space<vmem>>)
    %dma_start3A_110 = arith.constant 0 : i32
    %dma_start3A_111 = arith.constant 0 : i32
    %dma_start3A_112 = tpu.memref_slice %arg5[%dma_start3A_110, %dma_start3A_111] : memref<10112x128xf32, #tpu.memory_space<vmem_shared>> -> memref<10112x128xf32, #tpu.memory_space<vmem_shared>>
    tpu.enqueue_indirect_dma source(%arg12 : memref<128x128xf32, #tpu.memory_space<vmem>>) target(%dma_start3A_112 : memref<10112x128xf32, #tpu.memory_space<vmem_shared>>) offsets(%arg9 : memref<128xi32, #tpu.memory_space<vmem>>) semaphore(%arg18 : memref<!tpu.dma_semaphore, #tpu.memory_space<semaphore_mem>>) {add = true}
    %mul3A_113 = arith.constant 80 : i32
    %mul3A_114 = arith.muli %add3A, %mul3A_113 : i32
    %add3A_115 = arith.constant 2 : i32
    %add3A_116 = arith.addi %mul3A_114, %add3A_115 : i32
    %mul3A_117 = arith.constant 128 : i32
    %mul3A_118 = arith.muli %add3A_116, %mul3A_117 : i32
    %dma_start3A_119 = arith.constant 1 : i32
    %dma_start3A_120 = tpu.memref_slice %arg3[%dma_start3A_119, %mul3A_118] : memref<2x320000xi32, #tpu.memory_space<hbm>> -> memref<1x128xi32, #tpu.memory_space<hbm>>
    %dma_start3A_121 = tpu.memref_squeeze %dma_start3A_120 : memref<1x128xi32, #tpu.memory_space<hbm>> -> memref<128xi32, #tpu.memory_space<hbm>>
    %dma_start3A_122 = tpu.memref_slice %arg3[%dma_start3A_119, %mul3A_118] : memref<2x320000xi32, #tpu.memory_space<hbm>> -> memref<1x128xi32, #tpu.memory_space<hbm>>
    %dma_start3A_123 = tpu.memref_squeeze %dma_start3A_122 : memref<1x128xi32, #tpu.memory_space<hbm>> -> memref<128xi32, #tpu.memory_space<hbm>>
    tpu.enqueue_dma source(%dma_start3A_123 : memref<128xi32, #tpu.memory_space<hbm>>) target(%arg11 : memref<128xi32, #tpu.memory_space<vmem>>) target_semaphore(%arg26 : memref<!tpu.dma_semaphore, #tpu.memory_space<semaphore_mem>>)
    %dma_wait3A_124 = arith.constant 0 : i32
    %dma_wait3A_125 = arith.constant 0 : i32
    %dma_wait3A_126 = tpu.memref_slice %arg3[%dma_wait3A_124, %dma_wait3A_125] : memref<2x320000xi32, #tpu.memory_space<hbm>> -> memref<1x128xi32, #tpu.memory_space<hbm>>
    %dma_wait3A_127 = tpu.memref_squeeze %dma_wait3A_126 : memref<1x128xi32, #tpu.memory_space<hbm>> -> memref<128xi32, #tpu.memory_space<hbm>>
    %dma_wait3A_128 = arith.constant 0 : i32
    %dma_wait3A_129 = tpu.memref_slice %arg3[%dma_wait3A_124, %dma_wait3A_128] : memref<2x320000xi32, #tpu.memory_space<hbm>> -> memref<1x128xi32, #tpu.memory_space<hbm>>
    %dma_wait3A_130 = tpu.memref_squeeze %dma_wait3A_129 : memref<1x128xi32, #tpu.memory_space<hbm>> -> memref<128xi32, #tpu.memory_space<hbm>>
    tpu.wait_dma2 semaphore(%arg23 : memref<!tpu.dma_semaphore, #tpu.memory_space<semaphore_mem>>) src(%dma_wait3A_130 : memref<128xi32, #tpu.memory_space<hbm>>) dst(%arg8 : memref<128xi32, #tpu.memory_space<vmem>>)
    %dma_start3A_131 = arith.constant 0 : i32
    %dma_start3A_132 = arith.constant 0 : i32
    %dma_start3A_133 = tpu.memref_slice %arg2[%dma_start3A_131, %dma_start3A_132] : memref<10240x128xf32, #tpu.memory_space<hbm>> -> memref<10240x128xf32, #tpu.memory_space<hbm>>
    tpu.enqueue_indirect_dma source(%dma_start3A_133 : memref<10240x128xf32, #tpu.memory_space<hbm>>) target(%arg14 : memref<128x128xf32, #tpu.memory_space<vmem>>) offsets(%arg8 : memref<128xi32, #tpu.memory_space<vmem>>) semaphore(%arg17 : memref<!tpu.dma_semaphore, #tpu.memory_space<semaphore_mem>>)
    %mul3A_134 = arith.constant 80 : i32
    %mul3A_135 = arith.muli %add3A, %mul3A_134 : i32
    %add3A_136 = arith.constant 3 : i32
    %add3A_137 = arith.addi %mul3A_135, %add3A_136 : i32
    %mul3A_138 = arith.constant 128 : i32
    %mul3A_139 = arith.muli %add3A_137, %mul3A_138 : i32
    %dma_start3A_140 = arith.constant 0 : i32
    %dma_start3A_141 = tpu.memref_slice %arg3[%dma_start3A_140, %mul3A_139] : memref<2x320000xi32, #tpu.memory_space<hbm>> -> memref<1x128xi32, #tpu.memory_space<hbm>>
    %dma_start3A_142 = tpu.memref_squeeze %dma_start3A_141 : memref<1x128xi32, #tpu.memory_space<hbm>> -> memref<128xi32, #tpu.memory_space<hbm>>
    %dma_start3A_143 = tpu.memref_slice %arg3[%dma_start3A_140, %mul3A_139] : memref<2x320000xi32, #tpu.memory_space<hbm>> -> memref<1x128xi32, #tpu.memory_space<hbm>>
    %dma_start3A_144 = tpu.memref_squeeze %dma_start3A_143 : memref<1x128xi32, #tpu.memory_space<hbm>> -> memref<128xi32, #tpu.memory_space<hbm>>
    tpu.enqueue_dma source(%dma_start3A_144 : memref<128xi32, #tpu.memory_space<hbm>>) target(%arg6 : memref<128xi32, #tpu.memory_space<vmem>>) target_semaphore(%arg21 : memref<!tpu.dma_semaphore, #tpu.memory_space<semaphore_mem>>)
    %dma_wait3A_145 = arith.constant 1 : i32
    %dma_wait3A_146 = arith.constant 0 : i32
    %dma_wait3A_147 = tpu.memref_slice %arg3[%dma_wait3A_145, %dma_wait3A_146] : memref<2x320000xi32, #tpu.memory_space<hbm>> -> memref<1x128xi32, #tpu.memory_space<hbm>>
    %dma_wait3A_148 = tpu.memref_squeeze %dma_wait3A_147 : memref<1x128xi32, #tpu.memory_space<hbm>> -> memref<128xi32, #tpu.memory_space<hbm>>
    %dma_wait3A_149 = arith.constant 0 : i32
    %dma_wait3A_150 = tpu.memref_slice %arg3[%dma_wait3A_145, %dma_wait3A_149] : memref<2x320000xi32, #tpu.memory_space<hbm>> -> memref<1x128xi32, #tpu.memory_space<hbm>>
    %dma_wait3A_151 = tpu.memref_squeeze %dma_wait3A_150 : memref<1x128xi32, #tpu.memory_space<hbm>> -> memref<128xi32, #tpu.memory_space<hbm>>
    tpu.wait_dma2 semaphore(%arg25 : memref<!tpu.dma_semaphore, #tpu.memory_space<semaphore_mem>>) src(%dma_wait3A_151 : memref<128xi32, #tpu.memory_space<hbm>>) dst(%arg10 : memref<128xi32, #tpu.memory_space<vmem>>)
    %dma_wait3A_152 = arith.constant 0 : i32
    %dma_wait3A_153 = arith.constant 0 : i32
    %dma_wait3A_154 = tpu.memref_slice %arg2[%dma_wait3A_152, %dma_wait3A_153] : memref<10240x128xf32, #tpu.memory_space<hbm>> -> memref<10240x128xf32, #tpu.memory_space<hbm>>
    tpu.wait_indirect_dma semaphore(%arg16 : memref<!tpu.dma_semaphore, #tpu.memory_space<semaphore_mem>>) src(%dma_wait3A_154 : memref<10240x128xf32, #tpu.memory_space<hbm>>) dst(%arg13 : memref<128x128xf32, #tpu.memory_space<vmem>>)
    %dma_start3A_155 = arith.constant 0 : i32
    %dma_start3A_156 = arith.constant 0 : i32
    %dma_start3A_157 = tpu.memref_slice %arg5[%dma_start3A_155, %dma_start3A_156] : memref<10112x128xf32, #tpu.memory_space<vmem_shared>> -> memref<10112x128xf32, #tpu.memory_space<vmem_shared>>
    tpu.enqueue_indirect_dma source(%arg13 : memref<128x128xf32, #tpu.memory_space<vmem>>) target(%dma_start3A_157 : memref<10112x128xf32, #tpu.memory_space<vmem_shared>>) offsets(%arg10 : memref<128xi32, #tpu.memory_space<vmem>>) semaphore(%arg19 : memref<!tpu.dma_semaphore, #tpu.memory_space<semaphore_mem>>) {add = true}
    %dma_wait3A_158 = arith.constant 0 : i32
    %dma_wait3A_159 = arith.constant 0 : i32
    %dma_wait3A_160 = tpu.memref_slice %arg5[%dma_wait3A_158, %dma_wait3A_159] : memref<10112x128xf32, #tpu.memory_space<vmem_shared>> -> memref<10112x128xf32, #tpu.memory_space<vmem_shared>>
    tpu.wait_indirect_dma semaphore(%arg18 : memref<!tpu.dma_semaphore, #tpu.memory_space<semaphore_mem>>) src(%arg12 : memref<128x128xf32, #tpu.memory_space<vmem>>) dst(%dma_wait3A_160 : memref<10112x128xf32, #tpu.memory_space<vmem_shared>>)
    %mul3A_161 = arith.constant 80 : i32
    %mul3A_162 = arith.muli %add3A, %mul3A_161 : i32
    %add3A_163 = arith.constant 3 : i32
    %add3A_164 = arith.addi %mul3A_162, %add3A_163 : i32
    %mul3A_165 = arith.constant 128 : i32
    %mul3A_166 = arith.muli %add3A_164, %mul3A_165 : i32
    %dma_start3A_167 = arith.constant 1 : i32
    %dma_start3A_168 = tpu.memref_slice %arg3[%dma_start3A_167, %mul3A_166] : memref<2x320000xi32, #tpu.memory_space<hbm>> -> memref<1x128xi32, #tpu.memory_space<hbm>>
    %dma_start3A_169 = tpu.memref_squeeze %dma_start3A_168 : memref<1x128xi32, #tpu.memory_space<hbm>> -> memref<128xi32, #tpu.memory_space<hbm>>
    %dma_start3A_170 = tpu.memref_slice %arg3[%dma_start3A_167, %mul3A_166] : memref<2x320000xi32, #tpu.memory_space<hbm>> -> memref<1x128xi32, #tpu.memory_space<hbm>>
    %dma_start3A_171 = tpu.memref_squeeze %dma_start3A_170 : memref<1x128xi32, #tpu.memory_space<hbm>> -> memref<128xi32, #tpu.memory_space<hbm>>
    tpu.enqueue_dma source(%dma_start3A_171 : memref<128xi32, #tpu.memory_space<hbm>>) target(%arg9 : memref<128xi32, #tpu.memory_space<vmem>>) target_semaphore(%arg24 : memref<!tpu.dma_semaphore, #tpu.memory_space<semaphore_mem>>)
    %dma_wait3A_172 = arith.constant 0 : i32
    %dma_wait3A_173 = arith.constant 0 : i32
    %dma_wait3A_174 = tpu.memref_slice %arg3[%dma_wait3A_172, %dma_wait3A_173] : memref<2x320000xi32, #tpu.memory_space<hbm>> -> memref<1x128xi32, #tpu.memory_space<hbm>>
    %dma_wait3A_175 = tpu.memref_squeeze %dma_wait3A_174 : memref<1x128xi32, #tpu.memory_space<hbm>> -> memref<128xi32, #tpu.memory_space<hbm>>
    %dma_wait3A_176 = arith.constant 0 : i32
    %dma_wait3A_177 = tpu.memref_slice %arg3[%dma_wait3A_172, %dma_wait3A_176] : memref<2x320000xi32, #tpu.memory_space<hbm>> -> memref<1x128xi32, #tpu.memory_space<hbm>>
    %dma_wait3A_178 = tpu.memref_squeeze %dma_wait3A_177 : memref<1x128xi32, #tpu.memory_space<hbm>> -> memref<128xi32, #tpu.memory_space<hbm>>
    tpu.wait_dma2 semaphore(%arg21 : memref<!tpu.dma_semaphore, #tpu.memory_space<semaphore_mem>>) src(%dma_wait3A_178 : memref<128xi32, #tpu.memory_space<hbm>>) dst(%arg6 : memref<128xi32, #tpu.memory_space<vmem>>)
    %dma_start3A_179 = arith.constant 0 : i32
    %dma_start3A_180 = arith.constant 0 : i32
    %dma_start3A_181 = tpu.memref_slice %arg2[%dma_start3A_179, %dma_start3A_180] : memref<10240x128xf32, #tpu.memory_space<hbm>> -> memref<10240x128xf32, #tpu.memory_space<hbm>>
    tpu.enqueue_indirect_dma source(%dma_start3A_181 : memref<10240x128xf32, #tpu.memory_space<hbm>>) target(%arg12 : memref<128x128xf32, #tpu.memory_space<vmem>>) offsets(%arg6 : memref<128xi32, #tpu.memory_space<vmem>>) semaphore(%arg15 : memref<!tpu.dma_semaphore, #tpu.memory_space<semaphore_mem>>)
    %mul3A_182 = arith.constant 80 : i32
    %mul3A_183 = arith.muli %add3A, %mul3A_182 : i32
    %add3A_184 = arith.constant 4 : i32
    %add3A_185 = arith.addi %mul3A_183, %add3A_184 : i32
    %mul3A_186 = arith.constant 128 : i32
    %mul3A_187 = arith.muli %add3A_185, %mul3A_186 : i32
    %dma_start3A_188 = arith.constant 0 : i32
    %dma_start3A_189 = tpu.memref_slice %arg3[%dma_start3A_188, %mul3A_187] : memref<2x320000xi32, #tpu.memory_space<hbm>> -> memref<1x128xi32, #tpu.memory_space<hbm>>
    %dma_start3A_190 = tpu.memref_squeeze %dma_start3A_189 : memref<1x128xi32, #tpu.memory_space<hbm>> -> memref<128xi32, #tpu.memory_space<hbm>>
    %dma_start3A_191 = tpu.memref_slice %arg3[%dma_start3A_188, %mul3A_187] : memref<2x320000xi32, #tpu.memory_space<hbm>> -> memref<1x128xi32, #tpu.memory_space<hbm>>
    %dma_start3A_192 = tpu.memref_squeeze %dma_start3A_191 : memref<1x128xi32, #tpu.memory_space<hbm>> -> memref<128xi32, #tpu.memory_space<hbm>>
    tpu.enqueue_dma source(%dma_start3A_192 : memref<128xi32, #tpu.memory_space<hbm>>) target(%arg7 : memref<128xi32, #tpu.memory_space<vmem>>) target_semaphore(%arg22 : memref<!tpu.dma_semaphore, #tpu.memory_space<semaphore_mem>>)
    %eq3A = arith.constant 31 : i32
    %eq3A_193 = arith.cmpi eq, %add3A, %eq3A : i32
    %jit3A = arith.constant 20 : i32
    %jit3A_194 = arith.constant 80 : i32
    %select_n3A = arith.select %eq3A_193, %jit3A, %jit3A_194 : i32
    %sub3A = arith.constant 5 : i32
    %sub3A_195 = arith.subi %select_n3A, %sub3A : i32
    %jit3A_196 = arith.constant 3 : i32
    %div3A = arith.divsi %sub3A_195, %jit3A_196 : i32
    %sign3A = arith.constant 0 : i32
    %sign3A_197 = arith.cmpi sgt, %sub3A_195, %sign3A : i32
    %sign3A_198 = arith.extui %sign3A_197 : i1 to i32
    %sign3A_199 = arith.constant 0 : i32
    %sign3A_200 = arith.cmpi slt, %sub3A_195, %sign3A_199 : i32
    %sign3A_201 = arith.extui %sign3A_200 : i1 to i32
    %sign3A_202 = arith.subi %sign3A_198, %sign3A_201 : i32
    %sign3A_203 = arith.constant 0 : i32
    %sign3A_204 = arith.cmpi sgt, %jit3A_196, %sign3A_203 : i32
    %sign3A_205 = arith.extui %sign3A_204 : i1 to i32
    %sign3A_206 = arith.constant 0 : i32
    %sign3A_207 = arith.cmpi slt, %jit3A_196, %sign3A_206 : i32
    %sign3A_208 = arith.extui %sign3A_207 : i1 to i32
    %sign3A_209 = arith.subi %sign3A_205, %sign3A_208 : i32
    %ne3A = arith.cmpi ne, %sign3A_202, %sign3A_209 : i32
    %rem3A = arith.remsi %sub3A_195, %jit3A_196 : i32
    %ne3A_210 = arith.constant 0 : i32
    %ne3A_211 = arith.cmpi ne, %rem3A, %ne3A_210 : i32
    %and3A = arith.andi %ne3A, %ne3A_211 : i1
    %sub3A_212 = arith.constant 1 : i32
    %sub3A_213 = arith.subi %div3A, %sub3A_212 : i32
    %select_n3A_214 = arith.select %and3A, %sub3A_213, %div3A : i32
    %while3A = arith.constant 0 : i32
    %while3A_215 = arith.constant 0 : i32
    %while3A_216 = arith.subi %select_n3A_214, %while3A_215 : i32
    %while3A_217 = arith.addi %while3A_215, %while3A_216 : i32
    %while3A_218 = arith.constant 1 : i32
    %while3A_219 = arith.divsi %while3A_216, %while3A_218 : i32
    %while3A_220 = arith.muli %while3A_219, %while3A_218 : i32
    %while3A_221 = arith.addi %while3A_215, %while3A_220 : i32
    %while3A_222 = arith.constant 1 : i32
    scf.for %while3A_308 = %while3A_215 to %while3A_221 step %while3A_222  : i32 {
      %mul3A_309 = arith.constant 3 : i32
      %mul3A_310 = arith.muli %mul3A_309, %while3A_308 : i32
      %add3A_311 = arith.constant 2 : i32
      %add3A_312 = arith.addi %add3A_311, %mul3A_310 : i32
      %add3A_313 = arith.constant 0 : i32
      %add3A_314 = arith.addi %add3A_312, %add3A_313 : i32
      %dma_wait3A_315 = arith.constant 1 : i32
      %dma_wait3A_316 = arith.constant 0 : i32
      %dma_wait3A_317 = tpu.memref_slice %arg3[%dma_wait3A_315, %dma_wait3A_316] : memref<2x320000xi32, #tpu.memory_space<hbm>> -> memref<1x128xi32, #tpu.memory_space<hbm>>
      %dma_wait3A_318 = tpu.memref_squeeze %dma_wait3A_317 : memref<1x128xi32, #tpu.memory_space<hbm>> -> memref<128xi32, #tpu.memory_space<hbm>>
      %dma_wait3A_319 = arith.constant 0 : i32
      %dma_wait3A_320 = tpu.memref_slice %arg3[%dma_wait3A_315, %dma_wait3A_319] : memref<2x320000xi32, #tpu.memory_space<hbm>> -> memref<1x128xi32, #tpu.memory_space<hbm>>
      %dma_wait3A_321 = tpu.memref_squeeze %dma_wait3A_320 : memref<1x128xi32, #tpu.memory_space<hbm>> -> memref<128xi32, #tpu.memory_space<hbm>>
      tpu.wait_dma2 semaphore(%arg26 : memref<!tpu.dma_semaphore, #tpu.memory_space<semaphore_mem>>) src(%dma_wait3A_321 : memref<128xi32, #tpu.memory_space<hbm>>) dst(%arg11 : memref<128xi32, #tpu.memory_space<vmem>>)
      %dma_wait3A_322 = arith.constant 0 : i32
      %dma_wait3A_323 = arith.constant 0 : i32
      %dma_wait3A_324 = tpu.memref_slice %arg2[%dma_wait3A_322, %dma_wait3A_323] : memref<10240x128xf32, #tpu.memory_space<hbm>> -> memref<10240x128xf32, #tpu.memory_space<hbm>>
      tpu.wait_indirect_dma semaphore(%arg17 : memref<!tpu.dma_semaphore, #tpu.memory_space<semaphore_mem>>) src(%dma_wait3A_324 : memref<10240x128xf32, #tpu.memory_space<hbm>>) dst(%arg14 : memref<128x128xf32, #tpu.memory_space<vmem>>)
      %dma_start3A_325 = arith.constant 0 : i32
      %dma_start3A_326 = arith.constant 0 : i32
      %dma_start3A_327 = tpu.memref_slice %arg5[%dma_start3A_325, %dma_start3A_326] : memref<10112x128xf32, #tpu.memory_space<vmem_shared>> -> memref<10112x128xf32, #tpu.memory_space<vmem_shared>>
      tpu.enqueue_indirect_dma source(%arg14 : memref<128x128xf32, #tpu.memory_space<vmem>>) target(%dma_start3A_327 : memref<10112x128xf32, #tpu.memory_space<vmem_shared>>) offsets(%arg11 : memref<128xi32, #tpu.memory_space<vmem>>) semaphore(%arg20 : memref<!tpu.dma_semaphore, #tpu.memory_space<semaphore_mem>>) {add = true}
      %dma_wait3A_328 = arith.constant 0 : i32
      %dma_wait3A_329 = arith.constant 0 : i32
      %dma_wait3A_330 = tpu.memref_slice %arg5[%dma_wait3A_328, %dma_wait3A_329] : memref<10112x128xf32, #tpu.memory_space<vmem_shared>> -> memref<10112x128xf32, #tpu.memory_space<vmem_shared>>
      tpu.wait_indirect_dma semaphore(%arg19 : memref<!tpu.dma_semaphore, #tpu.memory_space<semaphore_mem>>) src(%arg13 : memref<128x128xf32, #tpu.memory_space<vmem>>) dst(%dma_wait3A_330 : memref<10112x128xf32, #tpu.memory_space<vmem_shared>>)
      %add3A_331 = arith.constant 2 : i32
      %add3A_332 = arith.addi %add3A_314, %add3A_331 : i32
      %mul3A_333 = arith.constant 80 : i32
      %mul3A_334 = arith.muli %add3A, %mul3A_333 : i32
      %add3A_335 = arith.addi %mul3A_334, %add3A_332 : i32
      %mul3A_336 = arith.constant 128 : i32
      %mul3A_337 = arith.muli %add3A_335, %mul3A_336 : i32
      %dma_start3A_338 = arith.constant 1 : i32
      %dma_start3A_339 = tpu.memref_slice %arg3[%dma_start3A_338, %mul3A_337] : memref<2x320000xi32, #tpu.memory_space<hbm>> -> memref<1x128xi32, #tpu.memory_space<hbm>>
      %dma_start3A_340 = tpu.memref_squeeze %dma_start3A_339 : memref<1x128xi32, #tpu.memory_space<hbm>> -> memref<128xi32, #tpu.memory_space<hbm>>
      %dma_start3A_341 = tpu.memref_slice %arg3[%dma_start3A_338, %mul3A_337] : memref<2x320000xi32, #tpu.memory_space<hbm>> -> memref<1x128xi32, #tpu.memory_space<hbm>>
      %dma_start3A_342 = tpu.memref_squeeze %dma_start3A_341 : memref<1x128xi32, #tpu.memory_space<hbm>> -> memref<128xi32, #tpu.memory_space<hbm>>
      tpu.enqueue_dma source(%dma_start3A_342 : memref<128xi32, #tpu.memory_space<hbm>>) target(%arg10 : memref<128xi32, #tpu.memory_space<vmem>>) target_semaphore(%arg25 : memref<!tpu.dma_semaphore, #tpu.memory_space<semaphore_mem>>)
      %dma_wait3A_343 = arith.constant 0 : i32
      %dma_wait3A_344 = arith.constant 0 : i32
      %dma_wait3A_345 = tpu.memref_slice %arg3[%dma_wait3A_343, %dma_wait3A_344] : memref<2x320000xi32, #tpu.memory_space<hbm>> -> memref<1x128xi32, #tpu.memory_space<hbm>>
      %dma_wait3A_346 = tpu.memref_squeeze %dma_wait3A_345 : memref<1x128xi32, #tpu.memory_space<hbm>> -> memref<128xi32, #tpu.memory_space<hbm>>
      %dma_wait3A_347 = arith.constant 0 : i32
      %dma_wait3A_348 = tpu.memref_slice %arg3[%dma_wait3A_343, %dma_wait3A_347] : memref<2x320000xi32, #tpu.memory_space<hbm>> -> memref<1x128xi32, #tpu.memory_space<hbm>>
      %dma_wait3A_349 = tpu.memref_squeeze %dma_wait3A_348 : memref<1x128xi32, #tpu.memory_space<hbm>> -> memref<128xi32, #tpu.memory_space<hbm>>
      tpu.wait_dma2 semaphore(%arg22 : memref<!tpu.dma_semaphore, #tpu.memory_space<semaphore_mem>>) src(%dma_wait3A_349 : memref<128xi32, #tpu.memory_space<hbm>>) dst(%arg7 : memref<128xi32, #tpu.memory_space<vmem>>)
      %dma_start3A_350 = arith.constant 0 : i32
      %dma_start3A_351 = arith.constant 0 : i32
      %dma_start3A_352 = tpu.memref_slice %arg2[%dma_start3A_350, %dma_start3A_351] : memref<10240x128xf32, #tpu.memory_space<hbm>> -> memref<10240x128xf32, #tpu.memory_space<hbm>>
      tpu.enqueue_indirect_dma source(%dma_start3A_352 : memref<10240x128xf32, #tpu.memory_space<hbm>>) target(%arg13 : memref<128x128xf32, #tpu.memory_space<vmem>>) offsets(%arg7 : memref<128xi32, #tpu.memory_space<vmem>>) semaphore(%arg16 : memref<!tpu.dma_semaphore, #tpu.memory_space<semaphore_mem>>)
      %add3A_353 = arith.constant 3 : i32
      %add3A_354 = arith.addi %add3A_314, %add3A_353 : i32
      %mul3A_355 = arith.constant 80 : i32
      %mul3A_356 = arith.muli %add3A, %mul3A_355 : i32
      %add3A_357 = arith.addi %mul3A_356, %add3A_354 : i32
      %mul3A_358 = arith.constant 128 : i32
      %mul3A_359 = arith.muli %add3A_357, %mul3A_358 : i32
      %dma_start3A_360 = arith.constant 0 : i32
      %dma_start3A_361 = tpu.memref_slice %arg3[%dma_start3A_360, %mul3A_359] : memref<2x320000xi32, #tpu.memory_space<hbm>> -> memref<1x128xi32, #tpu.memory_space<hbm>>
      %dma_start3A_362 = tpu.memref_squeeze %dma_start3A_361 : memref<1x128xi32, #tpu.memory_space<hbm>> -> memref<128xi32, #tpu.memory_space<hbm>>
      %dma_start3A_363 = tpu.memref_slice %arg3[%dma_start3A_360, %mul3A_359] : memref<2x320000xi32, #tpu.memory_space<hbm>> -> memref<1x128xi32, #tpu.memory_space<hbm>>
      %dma_start3A_364 = tpu.memref_squeeze %dma_start3A_363 : memref<1x128xi32, #tpu.memory_space<hbm>> -> memref<128xi32, #tpu.memory_space<hbm>>
      tpu.enqueue_dma source(%dma_start3A_364 : memref<128xi32, #tpu.memory_space<hbm>>) target(%arg8 : memref<128xi32, #tpu.memory_space<vmem>>) target_semaphore(%arg23 : memref<!tpu.dma_semaphore, #tpu.memory_space<semaphore_mem>>)
      %mul3A_365 = arith.constant 3 : i32
      %mul3A_366 = arith.muli %mul3A_365, %while3A_308 : i32
      %add3A_367 = arith.constant 2 : i32
      %add3A_368 = arith.addi %add3A_367, %mul3A_366 : i32
      %add3A_369 = arith.constant 1 : i32
      %add3A_370 = arith.addi %add3A_368, %add3A_369 : i32
      %dma_wait3A_371 = arith.constant 1 : i32
      %dma_wait3A_372 = arith.constant 0 : i32
      %dma_wait3A_373 = tpu.memref_slice %arg3[%dma_wait3A_371, %dma_wait3A_372] : memref<2x320000xi32, #tpu.memory_space<hbm>> -> memref<1x128xi32, #tpu.memory_space<hbm>>
      %dma_wait3A_374 = tpu.memref_squeeze %dma_wait3A_373 : memref<1x128xi32, #tpu.memory_space<hbm>> -> memref<128xi32, #tpu.memory_space<hbm>>
      %dma_wait3A_375 = arith.constant 0 : i32
      %dma_wait3A_376 = tpu.memref_slice %arg3[%dma_wait3A_371, %dma_wait3A_375] : memref<2x320000xi32, #tpu.memory_space<hbm>> -> memref<1x128xi32, #tpu.memory_space<hbm>>
      %dma_wait3A_377 = tpu.memref_squeeze %dma_wait3A_376 : memref<1x128xi32, #tpu.memory_space<hbm>> -> memref<128xi32, #tpu.memory_space<hbm>>
      tpu.wait_dma2 semaphore(%arg24 : memref<!tpu.dma_semaphore, #tpu.memory_space<semaphore_mem>>) src(%dma_wait3A_377 : memref<128xi32, #tpu.memory_space<hbm>>) dst(%arg9 : memref<128xi32, #tpu.memory_space<vmem>>)
      %dma_wait3A_378 = arith.constant 0 : i32
      %dma_wait3A_379 = arith.constant 0 : i32
      %dma_wait3A_380 = tpu.memref_slice %arg2[%dma_wait3A_378, %dma_wait3A_379] : memref<10240x128xf32, #tpu.memory_space<hbm>> -> memref<10240x128xf32, #tpu.memory_space<hbm>>
      tpu.wait_indirect_dma semaphore(%arg15 : memref<!tpu.dma_semaphore, #tpu.memory_space<semaphore_mem>>) src(%dma_wait3A_380 : memref<10240x128xf32, #tpu.memory_space<hbm>>) dst(%arg12 : memref<128x128xf32, #tpu.memory_space<vmem>>)
      %dma_start3A_381 = arith.constant 0 : i32
      %dma_start3A_382 = arith.constant 0 : i32
      %dma_start3A_383 = tpu.memref_slice %arg5[%dma_start3A_381, %dma_start3A_382] : memref<10112x128xf32, #tpu.memory_space<vmem_shared>> -> memref<10112x128xf32, #tpu.memory_space<vmem_shared>>
      tpu.enqueue_indirect_dma source(%arg12 : memref<128x128xf32, #tpu.memory_space<vmem>>) target(%dma_start3A_383 : memref<10112x128xf32, #tpu.memory_space<vmem_shared>>) offsets(%arg9 : memref<128xi32, #tpu.memory_space<vmem>>) semaphore(%arg18 : memref<!tpu.dma_semaphore, #tpu.memory_space<semaphore_mem>>) {add = true}
      %dma_wait3A_384 = arith.constant 0 : i32
      %dma_wait3A_385 = arith.constant 0 : i32
      %dma_wait3A_386 = tpu.memref_slice %arg5[%dma_wait3A_384, %dma_wait3A_385] : memref<10112x128xf32, #tpu.memory_space<vmem_shared>> -> memref<10112x128xf32, #tpu.memory_space<vmem_shared>>
      tpu.wait_indirect_dma semaphore(%arg20 : memref<!tpu.dma_semaphore, #tpu.memory_space<semaphore_mem>>) src(%arg14 : memref<128x128xf32, #tpu.memory_space<vmem>>) dst(%dma_wait3A_386 : memref<10112x128xf32, #tpu.memory_space<vmem_shared>>)
      %add3A_387 = arith.constant 2 : i32
      %add3A_388 = arith.addi %add3A_370, %add3A_387 : i32
      %mul3A_389 = arith.constant 80 : i32
      %mul3A_390 = arith.muli %add3A, %mul3A_389 : i32
      %add3A_391 = arith.addi %mul3A_390, %add3A_388 : i32
      %mul3A_392 = arith.constant 128 : i32
      %mul3A_393 = arith.muli %add3A_391, %mul3A_392 : i32
      %dma_start3A_394 = arith.constant 1 : i32
      %dma_start3A_395 = tpu.memref_slice %arg3[%dma_start3A_394, %mul3A_393] : memref<2x320000xi32, #tpu.memory_space<hbm>> -> memref<1x128xi32, #tpu.memory_space<hbm>>
      %dma_start3A_396 = tpu.memref_squeeze %dma_start3A_395 : memref<1x128xi32, #tpu.memory_space<hbm>> -> memref<128xi32, #tpu.memory_space<hbm>>
      %dma_start3A_397 = tpu.memref_slice %arg3[%dma_start3A_394, %mul3A_393] : memref<2x320000xi32, #tpu.memory_space<hbm>> -> memref<1x128xi32, #tpu.memory_space<hbm>>
      %dma_start3A_398 = tpu.memref_squeeze %dma_start3A_397 : memref<1x128xi32, #tpu.memory_space<hbm>> -> memref<128xi32, #tpu.memory_space<hbm>>
      tpu.enqueue_dma source(%dma_start3A_398 : memref<128xi32, #tpu.memory_space<hbm>>) target(%arg11 : memref<128xi32, #tpu.memory_space<vmem>>) target_semaphore(%arg26 : memref<!tpu.dma_semaphore, #tpu.memory_space<semaphore_mem>>)
      %dma_wait3A_399 = arith.constant 0 : i32
      %dma_wait3A_400 = arith.constant 0 : i32
      %dma_wait3A_401 = tpu.memref_slice %arg3[%dma_wait3A_399, %dma_wait3A_400] : memref<2x320000xi32, #tpu.memory_space<hbm>> -> memref<1x128xi32, #tpu.memory_space<hbm>>
      %dma_wait3A_402 = tpu.memref_squeeze %dma_wait3A_401 : memref<1x128xi32, #tpu.memory_space<hbm>> -> memref<128xi32, #tpu.memory_space<hbm>>
      %dma_wait3A_403 = arith.constant 0 : i32
      %dma_wait3A_404 = tpu.memref_slice %arg3[%dma_wait3A_399, %dma_wait3A_403] : memref<2x320000xi32, #tpu.memory_space<hbm>> -> memref<1x128xi32, #tpu.memory_space<hbm>>
      %dma_wait3A_405 = tpu.memref_squeeze %dma_wait3A_404 : memref<1x128xi32, #tpu.memory_space<hbm>> -> memref<128xi32, #tpu.memory_space<hbm>>
      tpu.wait_dma2 semaphore(%arg23 : memref<!tpu.dma_semaphore, #tpu.memory_space<semaphore_mem>>) src(%dma_wait3A_405 : memref<128xi32, #tpu.memory_space<hbm>>) dst(%arg8 : memref<128xi32, #tpu.memory_space<vmem>>)
      %dma_start3A_406 = arith.constant 0 : i32
      %dma_start3A_407 = arith.constant 0 : i32
      %dma_start3A_408 = tpu.memref_slice %arg2[%dma_start3A_406, %dma_start3A_407] : memref<10240x128xf32, #tpu.memory_space<hbm>> -> memref<10240x128xf32, #tpu.memory_space<hbm>>
      tpu.enqueue_indirect_dma source(%dma_start3A_408 : memref<10240x128xf32, #tpu.memory_space<hbm>>) target(%arg14 : memref<128x128xf32, #tpu.memory_space<vmem>>) offsets(%arg8 : memref<128xi32, #tpu.memory_space<vmem>>) semaphore(%arg17 : memref<!tpu.dma_semaphore, #tpu.memory_space<semaphore_mem>>)
      %add3A_409 = arith.constant 3 : i32
      %add3A_410 = arith.addi %add3A_370, %add3A_409 : i32
      %mul3A_411 = arith.constant 80 : i32
      %mul3A_412 = arith.muli %add3A, %mul3A_411 : i32
      %add3A_413 = arith.addi %mul3A_412, %add3A_410 : i32
      %mul3A_414 = arith.constant 128 : i32
      %mul3A_415 = arith.muli %add3A_413, %mul3A_414 : i32
      %dma_start3A_416 = arith.constant 0 : i32
      %dma_start3A_417 = tpu.memref_slice %arg3[%dma_start3A_416, %mul3A_415] : memref<2x320000xi32, #tpu.memory_space<hbm>> -> memref<1x128xi32, #tpu.memory_space<hbm>>
      %dma_start3A_418 = tpu.memref_squeeze %dma_start3A_417 : memref<1x128xi32, #tpu.memory_space<hbm>> -> memref<128xi32, #tpu.memory_space<hbm>>
      %dma_start3A_419 = tpu.memref_slice %arg3[%dma_start3A_416, %mul3A_415] : memref<2x320000xi32, #tpu.memory_space<hbm>> -> memref<1x128xi32, #tpu.memory_space<hbm>>
      %dma_start3A_420 = tpu.memref_squeeze %dma_start3A_419 : memref<1x128xi32, #tpu.memory_space<hbm>> -> memref<128xi32, #tpu.memory_space<hbm>>
      tpu.enqueue_dma source(%dma_start3A_420 : memref<128xi32, #tpu.memory_space<hbm>>) target(%arg6 : memref<128xi32, #tpu.memory_space<vmem>>) target_semaphore(%arg21 : memref<!tpu.dma_semaphore, #tpu.memory_space<semaphore_mem>>)
      %mul3A_421 = arith.constant 3 : i32
      %mul3A_422 = arith.muli %mul3A_421, %while3A_308 : i32
      %add3A_423 = arith.constant 2 : i32
      %add3A_424 = arith.addi %add3A_423, %mul3A_422 : i32
      %add3A_425 = arith.constant 2 : i32
      %add3A_426 = arith.addi %add3A_424, %add3A_425 : i32
      %dma_wait3A_427 = arith.constant 1 : i32
      %dma_wait3A_428 = arith.constant 0 : i32
      %dma_wait3A_429 = tpu.memref_slice %arg3[%dma_wait3A_427, %dma_wait3A_428] : memref<2x320000xi32, #tpu.memory_space<hbm>> -> memref<1x128xi32, #tpu.memory_space<hbm>>
      %dma_wait3A_430 = tpu.memref_squeeze %dma_wait3A_429 : memref<1x128xi32, #tpu.memory_space<hbm>> -> memref<128xi32, #tpu.memory_space<hbm>>
      %dma_wait3A_431 = arith.constant 0 : i32
      %dma_wait3A_432 = tpu.memref_slice %arg3[%dma_wait3A_427, %dma_wait3A_431] : memref<2x320000xi32, #tpu.memory_space<hbm>> -> memref<1x128xi32, #tpu.memory_space<hbm>>
      %dma_wait3A_433 = tpu.memref_squeeze %dma_wait3A_432 : memref<1x128xi32, #tpu.memory_space<hbm>> -> memref<128xi32, #tpu.memory_space<hbm>>
      tpu.wait_dma2 semaphore(%arg25 : memref<!tpu.dma_semaphore, #tpu.memory_space<semaphore_mem>>) src(%dma_wait3A_433 : memref<128xi32, #tpu.memory_space<hbm>>) dst(%arg10 : memref<128xi32, #tpu.memory_space<vmem>>)
      %dma_wait3A_434 = arith.constant 0 : i32
      %dma_wait3A_435 = arith.constant 0 : i32
      %dma_wait3A_436 = tpu.memref_slice %arg2[%dma_wait3A_434, %dma_wait3A_435] : memref<10240x128xf32, #tpu.memory_space<hbm>> -> memref<10240x128xf32, #tpu.memory_space<hbm>>
      tpu.wait_indirect_dma semaphore(%arg16 : memref<!tpu.dma_semaphore, #tpu.memory_space<semaphore_mem>>) src(%dma_wait3A_436 : memref<10240x128xf32, #tpu.memory_space<hbm>>) dst(%arg13 : memref<128x128xf32, #tpu.memory_space<vmem>>)
      %dma_start3A_437 = arith.constant 0 : i32
      %dma_start3A_438 = arith.constant 0 : i32
      %dma_start3A_439 = tpu.memref_slice %arg5[%dma_start3A_437, %dma_start3A_438] : memref<10112x128xf32, #tpu.memory_space<vmem_shared>> -> memref<10112x128xf32, #tpu.memory_space<vmem_shared>>
      tpu.enqueue_indirect_dma source(%arg13 : memref<128x128xf32, #tpu.memory_space<vmem>>) target(%dma_start3A_439 : memref<10112x128xf32, #tpu.memory_space<vmem_shared>>) offsets(%arg10 : memref<128xi32, #tpu.memory_space<vmem>>) semaphore(%arg19 : memref<!tpu.dma_semaphore, #tpu.memory_space<semaphore_mem>>) {add = true}
      %dma_wait3A_440 = arith.constant 0 : i32
      %dma_wait3A_441 = arith.constant 0 : i32
      %dma_wait3A_442 = tpu.memref_slice %arg5[%dma_wait3A_440, %dma_wait3A_441] : memref<10112x128xf32, #tpu.memory_space<vmem_shared>> -> memref<10112x128xf32, #tpu.memory_space<vmem_shared>>
      tpu.wait_indirect_dma semaphore(%arg18 : memref<!tpu.dma_semaphore, #tpu.memory_space<semaphore_mem>>) src(%arg12 : memref<128x128xf32, #tpu.memory_space<vmem>>) dst(%dma_wait3A_442 : memref<10112x128xf32, #tpu.memory_space<vmem_shared>>)
      %add3A_443 = arith.constant 2 : i32
      %add3A_444 = arith.addi %add3A_426, %add3A_443 : i32
      %mul3A_445 = arith.constant 80 : i32
      %mul3A_446 = arith.muli %add3A, %mul3A_445 : i32
      %add3A_447 = arith.addi %mul3A_446, %add3A_444 : i32
      %mul3A_448 = arith.constant 128 : i32
      %mul3A_449 = arith.muli %add3A_447, %mul3A_448 : i32
      %dma_start3A_450 = arith.constant 1 : i32
      %dma_start3A_451 = tpu.memref_slice %arg3[%dma_start3A_450, %mul3A_449] : memref<2x320000xi32, #tpu.memory_space<hbm>> -> memref<1x128xi32, #tpu.memory_space<hbm>>
      %dma_start3A_452 = tpu.memref_squeeze %dma_start3A_451 : memref<1x128xi32, #tpu.memory_space<hbm>> -> memref<128xi32, #tpu.memory_space<hbm>>
      %dma_start3A_453 = tpu.memref_slice %arg3[%dma_start3A_450, %mul3A_449] : memref<2x320000xi32, #tpu.memory_space<hbm>> -> memref<1x128xi32, #tpu.memory_space<hbm>>
      %dma_start3A_454 = tpu.memref_squeeze %dma_start3A_453 : memref<1x128xi32, #tpu.memory_space<hbm>> -> memref<128xi32, #tpu.memory_space<hbm>>
      tpu.enqueue_dma source(%dma_start3A_454 : memref<128xi32, #tpu.memory_space<hbm>>) target(%arg9 : memref<128xi32, #tpu.memory_space<vmem>>) target_semaphore(%arg24 : memref<!tpu.dma_semaphore, #tpu.memory_space<semaphore_mem>>)
      %dma_wait3A_455 = arith.constant 0 : i32
      %dma_wait3A_456 = arith.constant 0 : i32
      %dma_wait3A_457 = tpu.memref_slice %arg3[%dma_wait3A_455, %dma_wait3A_456] : memref<2x320000xi32, #tpu.memory_space<hbm>> -> memref<1x128xi32, #tpu.memory_space<hbm>>
      %dma_wait3A_458 = tpu.memref_squeeze %dma_wait3A_457 : memref<1x128xi32, #tpu.memory_space<hbm>> -> memref<128xi32, #tpu.memory_space<hbm>>
      %dma_wait3A_459 = arith.constant 0 : i32
      %dma_wait3A_460 = tpu.memref_slice %arg3[%dma_wait3A_455, %dma_wait3A_459] : memref<2x320000xi32, #tpu.memory_space<hbm>> -> memref<1x128xi32, #tpu.memory_space<hbm>>
      %dma_wait3A_461 = tpu.memref_squeeze %dma_wait3A_460 : memref<1x128xi32, #tpu.memory_space<hbm>> -> memref<128xi32, #tpu.memory_space<hbm>>
      tpu.wait_dma2 semaphore(%arg21 : memref<!tpu.dma_semaphore, #tpu.memory_space<semaphore_mem>>) src(%dma_wait3A_461 : memref<128xi32, #tpu.memory_space<hbm>>) dst(%arg6 : memref<128xi32, #tpu.memory_space<vmem>>)
      %dma_start3A_462 = arith.constant 0 : i32
      %dma_start3A_463 = arith.constant 0 : i32
      %dma_start3A_464 = tpu.memref_slice %arg2[%dma_start3A_462, %dma_start3A_463] : memref<10240x128xf32, #tpu.memory_space<hbm>> -> memref<10240x128xf32, #tpu.memory_space<hbm>>
      tpu.enqueue_indirect_dma source(%dma_start3A_464 : memref<10240x128xf32, #tpu.memory_space<hbm>>) target(%arg12 : memref<128x128xf32, #tpu.memory_space<vmem>>) offsets(%arg6 : memref<128xi32, #tpu.memory_space<vmem>>) semaphore(%arg15 : memref<!tpu.dma_semaphore, #tpu.memory_space<semaphore_mem>>)
      %add3A_465 = arith.constant 3 : i32
      %add3A_466 = arith.addi %add3A_426, %add3A_465 : i32
      %mul3A_467 = arith.constant 80 : i32
      %mul3A_468 = arith.muli %add3A, %mul3A_467 : i32
      %add3A_469 = arith.addi %mul3A_468, %add3A_466 : i32
      %mul3A_470 = arith.constant 128 : i32
      %mul3A_471 = arith.muli %add3A_469, %mul3A_470 : i32
      %dma_start3A_472 = arith.constant 0 : i32
      %dma_start3A_473 = tpu.memref_slice %arg3[%dma_start3A_472, %mul3A_471] : memref<2x320000xi32, #tpu.memory_space<hbm>> -> memref<1x128xi32, #tpu.memory_space<hbm>>
      %dma_start3A_474 = tpu.memref_squeeze %dma_start3A_473 : memref<1x128xi32, #tpu.memory_space<hbm>> -> memref<128xi32, #tpu.memory_space<hbm>>
      %dma_start3A_475 = tpu.memref_slice %arg3[%dma_start3A_472, %mul3A_471] : memref<2x320000xi32, #tpu.memory_space<hbm>> -> memref<1x128xi32, #tpu.memory_space<hbm>>
      %dma_start3A_476 = tpu.memref_squeeze %dma_start3A_475 : memref<1x128xi32, #tpu.memory_space<hbm>> -> memref<128xi32, #tpu.memory_space<hbm>>
      tpu.enqueue_dma source(%dma_start3A_476 : memref<128xi32, #tpu.memory_space<hbm>>) target(%arg7 : memref<128xi32, #tpu.memory_space<vmem>>) target_semaphore(%arg22 : memref<!tpu.dma_semaphore, #tpu.memory_space<semaphore_mem>>)
    }
    %while3A_223 = arith.constant 1 : i32
    scf.for %while3A_308 = %while3A_221 to %while3A_217 step %while3A_223  : i32 {
      %mul3A_309 = arith.constant 3 : i32
      %mul3A_310 = arith.muli %mul3A_309, %while3A_308 : i32
      %add3A_311 = arith.constant 2 : i32
      %add3A_312 = arith.addi %add3A_311, %mul3A_310 : i32
      %add3A_313 = arith.constant 0 : i32
      %add3A_314 = arith.addi %add3A_312, %add3A_313 : i32
      %dma_wait3A_315 = arith.constant 1 : i32
      %dma_wait3A_316 = arith.constant 0 : i32
      %dma_wait3A_317 = tpu.memref_slice %arg3[%dma_wait3A_315, %dma_wait3A_316] : memref<2x320000xi32, #tpu.memory_space<hbm>> -> memref<1x128xi32, #tpu.memory_space<hbm>>
      %dma_wait3A_318 = tpu.memref_squeeze %dma_wait3A_317 : memref<1x128xi32, #tpu.memory_space<hbm>> -> memref<128xi32, #tpu.memory_space<hbm>>
      %dma_wait3A_319 = arith.constant 0 : i32
      %dma_wait3A_320 = tpu.memref_slice %arg3[%dma_wait3A_315, %dma_wait3A_319] : memref<2x320000xi32, #tpu.memory_space<hbm>> -> memref<1x128xi32, #tpu.memory_space<hbm>>
      %dma_wait3A_321 = tpu.memref_squeeze %dma_wait3A_320 : memref<1x128xi32, #tpu.memory_space<hbm>> -> memref<128xi32, #tpu.memory_space<hbm>>
      tpu.wait_dma2 semaphore(%arg26 : memref<!tpu.dma_semaphore, #tpu.memory_space<semaphore_mem>>) src(%dma_wait3A_321 : memref<128xi32, #tpu.memory_space<hbm>>) dst(%arg11 : memref<128xi32, #tpu.memory_space<vmem>>)
      %dma_wait3A_322 = arith.constant 0 : i32
      %dma_wait3A_323 = arith.constant 0 : i32
      %dma_wait3A_324 = tpu.memref_slice %arg2[%dma_wait3A_322, %dma_wait3A_323] : memref<10240x128xf32, #tpu.memory_space<hbm>> -> memref<10240x128xf32, #tpu.memory_space<hbm>>
      tpu.wait_indirect_dma semaphore(%arg17 : memref<!tpu.dma_semaphore, #tpu.memory_space<semaphore_mem>>) src(%dma_wait3A_324 : memref<10240x128xf32, #tpu.memory_space<hbm>>) dst(%arg14 : memref<128x128xf32, #tpu.memory_space<vmem>>)
      %dma_start3A_325 = arith.constant 0 : i32
      %dma_start3A_326 = arith.constant 0 : i32
      %dma_start3A_327 = tpu.memref_slice %arg5[%dma_start3A_325, %dma_start3A_326] : memref<10112x128xf32, #tpu.memory_space<vmem_shared>> -> memref<10112x128xf32, #tpu.memory_space<vmem_shared>>
      tpu.enqueue_indirect_dma source(%arg14 : memref<128x128xf32, #tpu.memory_space<vmem>>) target(%dma_start3A_327 : memref<10112x128xf32, #tpu.memory_space<vmem_shared>>) offsets(%arg11 : memref<128xi32, #tpu.memory_space<vmem>>) semaphore(%arg20 : memref<!tpu.dma_semaphore, #tpu.memory_space<semaphore_mem>>) {add = true}
      %dma_wait3A_328 = arith.constant 0 : i32
      %dma_wait3A_329 = arith.constant 0 : i32
      %dma_wait3A_330 = tpu.memref_slice %arg5[%dma_wait3A_328, %dma_wait3A_329] : memref<10112x128xf32, #tpu.memory_space<vmem_shared>> -> memref<10112x128xf32, #tpu.memory_space<vmem_shared>>
      tpu.wait_indirect_dma semaphore(%arg19 : memref<!tpu.dma_semaphore, #tpu.memory_space<semaphore_mem>>) src(%arg13 : memref<128x128xf32, #tpu.memory_space<vmem>>) dst(%dma_wait3A_330 : memref<10112x128xf32, #tpu.memory_space<vmem_shared>>)
      %add3A_331 = arith.constant 2 : i32
      %add3A_332 = arith.addi %add3A_314, %add3A_331 : i32
      %mul3A_333 = arith.constant 80 : i32
      %mul3A_334 = arith.muli %add3A, %mul3A_333 : i32
      %add3A_335 = arith.addi %mul3A_334, %add3A_332 : i32
      %mul3A_336 = arith.constant 128 : i32
      %mul3A_337 = arith.muli %add3A_335, %mul3A_336 : i32
      %dma_start3A_338 = arith.constant 1 : i32
      %dma_start3A_339 = tpu.memref_slice %arg3[%dma_start3A_338, %mul3A_337] : memref<2x320000xi32, #tpu.memory_space<hbm>> -> memref<1x128xi32, #tpu.memory_space<hbm>>
      %dma_start3A_340 = tpu.memref_squeeze %dma_start3A_339 : memref<1x128xi32, #tpu.memory_space<hbm>> -> memref<128xi32, #tpu.memory_space<hbm>>
      %dma_start3A_341 = tpu.memref_slice %arg3[%dma_start3A_338, %mul3A_337] : memref<2x320000xi32, #tpu.memory_space<hbm>> -> memref<1x128xi32, #tpu.memory_space<hbm>>
      %dma_start3A_342 = tpu.memref_squeeze %dma_start3A_341 : memref<1x128xi32, #tpu.memory_space<hbm>> -> memref<128xi32, #tpu.memory_space<hbm>>
      tpu.enqueue_dma source(%dma_start3A_342 : memref<128xi32, #tpu.memory_space<hbm>>) target(%arg10 : memref<128xi32, #tpu.memory_space<vmem>>) target_semaphore(%arg25 : memref<!tpu.dma_semaphore, #tpu.memory_space<semaphore_mem>>)
      %dma_wait3A_343 = arith.constant 0 : i32
      %dma_wait3A_344 = arith.constant 0 : i32
      %dma_wait3A_345 = tpu.memref_slice %arg3[%dma_wait3A_343, %dma_wait3A_344] : memref<2x320000xi32, #tpu.memory_space<hbm>> -> memref<1x128xi32, #tpu.memory_space<hbm>>
      %dma_wait3A_346 = tpu.memref_squeeze %dma_wait3A_345 : memref<1x128xi32, #tpu.memory_space<hbm>> -> memref<128xi32, #tpu.memory_space<hbm>>
      %dma_wait3A_347 = arith.constant 0 : i32
      %dma_wait3A_348 = tpu.memref_slice %arg3[%dma_wait3A_343, %dma_wait3A_347] : memref<2x320000xi32, #tpu.memory_space<hbm>> -> memref<1x128xi32, #tpu.memory_space<hbm>>
      %dma_wait3A_349 = tpu.memref_squeeze %dma_wait3A_348 : memref<1x128xi32, #tpu.memory_space<hbm>> -> memref<128xi32, #tpu.memory_space<hbm>>
      tpu.wait_dma2 semaphore(%arg22 : memref<!tpu.dma_semaphore, #tpu.memory_space<semaphore_mem>>) src(%dma_wait3A_349 : memref<128xi32, #tpu.memory_space<hbm>>) dst(%arg7 : memref<128xi32, #tpu.memory_space<vmem>>)
      %dma_start3A_350 = arith.constant 0 : i32
      %dma_start3A_351 = arith.constant 0 : i32
      %dma_start3A_352 = tpu.memref_slice %arg2[%dma_start3A_350, %dma_start3A_351] : memref<10240x128xf32, #tpu.memory_space<hbm>> -> memref<10240x128xf32, #tpu.memory_space<hbm>>
      tpu.enqueue_indirect_dma source(%dma_start3A_352 : memref<10240x128xf32, #tpu.memory_space<hbm>>) target(%arg13 : memref<128x128xf32, #tpu.memory_space<vmem>>) offsets(%arg7 : memref<128xi32, #tpu.memory_space<vmem>>) semaphore(%arg16 : memref<!tpu.dma_semaphore, #tpu.memory_space<semaphore_mem>>)
      %add3A_353 = arith.constant 3 : i32
      %add3A_354 = arith.addi %add3A_314, %add3A_353 : i32
      %mul3A_355 = arith.constant 80 : i32
      %mul3A_356 = arith.muli %add3A, %mul3A_355 : i32
      %add3A_357 = arith.addi %mul3A_356, %add3A_354 : i32
      %mul3A_358 = arith.constant 128 : i32
      %mul3A_359 = arith.muli %add3A_357, %mul3A_358 : i32
      %dma_start3A_360 = arith.constant 0 : i32
      %dma_start3A_361 = tpu.memref_slice %arg3[%dma_start3A_360, %mul3A_359] : memref<2x320000xi32, #tpu.memory_space<hbm>> -> memref<1x128xi32, #tpu.memory_space<hbm>>
      %dma_start3A_362 = tpu.memref_squeeze %dma_start3A_361 : memref<1x128xi32, #tpu.memory_space<hbm>> -> memref<128xi32, #tpu.memory_space<hbm>>
      %dma_start3A_363 = tpu.memref_slice %arg3[%dma_start3A_360, %mul3A_359] : memref<2x320000xi32, #tpu.memory_space<hbm>> -> memref<1x128xi32, #tpu.memory_space<hbm>>
      %dma_start3A_364 = tpu.memref_squeeze %dma_start3A_363 : memref<1x128xi32, #tpu.memory_space<hbm>> -> memref<128xi32, #tpu.memory_space<hbm>>
      tpu.enqueue_dma source(%dma_start3A_364 : memref<128xi32, #tpu.memory_space<hbm>>) target(%arg8 : memref<128xi32, #tpu.memory_space<vmem>>) target_semaphore(%arg23 : memref<!tpu.dma_semaphore, #tpu.memory_space<semaphore_mem>>)
      %mul3A_365 = arith.constant 3 : i32
      %mul3A_366 = arith.muli %mul3A_365, %while3A_308 : i32
      %add3A_367 = arith.constant 2 : i32
      %add3A_368 = arith.addi %add3A_367, %mul3A_366 : i32
      %add3A_369 = arith.constant 1 : i32
      %add3A_370 = arith.addi %add3A_368, %add3A_369 : i32
      %dma_wait3A_371 = arith.constant 1 : i32
      %dma_wait3A_372 = arith.constant 0 : i32
      %dma_wait3A_373 = tpu.memref_slice %arg3[%dma_wait3A_371, %dma_wait3A_372] : memref<2x320000xi32, #tpu.memory_space<hbm>> -> memref<1x128xi32, #tpu.memory_space<hbm>>
      %dma_wait3A_374 = tpu.memref_squeeze %dma_wait3A_373 : memref<1x128xi32, #tpu.memory_space<hbm>> -> memref<128xi32, #tpu.memory_space<hbm>>
      %dma_wait3A_375 = arith.constant 0 : i32
      %dma_wait3A_376 = tpu.memref_slice %arg3[%dma_wait3A_371, %dma_wait3A_375] : memref<2x320000xi32, #tpu.memory_space<hbm>> -> memref<1x128xi32, #tpu.memory_space<hbm>>
      %dma_wait3A_377 = tpu.memref_squeeze %dma_wait3A_376 : memref<1x128xi32, #tpu.memory_space<hbm>> -> memref<128xi32, #tpu.memory_space<hbm>>
      tpu.wait_dma2 semaphore(%arg24 : memref<!tpu.dma_semaphore, #tpu.memory_space<semaphore_mem>>) src(%dma_wait3A_377 : memref<128xi32, #tpu.memory_space<hbm>>) dst(%arg9 : memref<128xi32, #tpu.memory_space<vmem>>)
      %dma_wait3A_378 = arith.constant 0 : i32
      %dma_wait3A_379 = arith.constant 0 : i32
      %dma_wait3A_380 = tpu.memref_slice %arg2[%dma_wait3A_378, %dma_wait3A_379] : memref<10240x128xf32, #tpu.memory_space<hbm>> -> memref<10240x128xf32, #tpu.memory_space<hbm>>
      tpu.wait_indirect_dma semaphore(%arg15 : memref<!tpu.dma_semaphore, #tpu.memory_space<semaphore_mem>>) src(%dma_wait3A_380 : memref<10240x128xf32, #tpu.memory_space<hbm>>) dst(%arg12 : memref<128x128xf32, #tpu.memory_space<vmem>>)
      %dma_start3A_381 = arith.constant 0 : i32
      %dma_start3A_382 = arith.constant 0 : i32
      %dma_start3A_383 = tpu.memref_slice %arg5[%dma_start3A_381, %dma_start3A_382] : memref<10112x128xf32, #tpu.memory_space<vmem_shared>> -> memref<10112x128xf32, #tpu.memory_space<vmem_shared>>
      tpu.enqueue_indirect_dma source(%arg12 : memref<128x128xf32, #tpu.memory_space<vmem>>) target(%dma_start3A_383 : memref<10112x128xf32, #tpu.memory_space<vmem_shared>>) offsets(%arg9 : memref<128xi32, #tpu.memory_space<vmem>>) semaphore(%arg18 : memref<!tpu.dma_semaphore, #tpu.memory_space<semaphore_mem>>) {add = true}
      %dma_wait3A_384 = arith.constant 0 : i32
      %dma_wait3A_385 = arith.constant 0 : i32
      %dma_wait3A_386 = tpu.memref_slice %arg5[%dma_wait3A_384, %dma_wait3A_385] : memref<10112x128xf32, #tpu.memory_space<vmem_shared>> -> memref<10112x128xf32, #tpu.memory_space<vmem_shared>>
      tpu.wait_indirect_dma semaphore(%arg20 : memref<!tpu.dma_semaphore, #tpu.memory_space<semaphore_mem>>) src(%arg14 : memref<128x128xf32, #tpu.memory_space<vmem>>) dst(%dma_wait3A_386 : memref<10112x128xf32, #tpu.memory_space<vmem_shared>>)
      %add3A_387 = arith.constant 2 : i32
      %add3A_388 = arith.addi %add3A_370, %add3A_387 : i32
      %mul3A_389 = arith.constant 80 : i32
      %mul3A_390 = arith.muli %add3A, %mul3A_389 : i32
      %add3A_391 = arith.addi %mul3A_390, %add3A_388 : i32
      %mul3A_392 = arith.constant 128 : i32
      %mul3A_393 = arith.muli %add3A_391, %mul3A_392 : i32
      %dma_start3A_394 = arith.constant 1 : i32
      %dma_start3A_395 = tpu.memref_slice %arg3[%dma_start3A_394, %mul3A_393] : memref<2x320000xi32, #tpu.memory_space<hbm>> -> memref<1x128xi32, #tpu.memory_space<hbm>>
      %dma_start3A_396 = tpu.memref_squeeze %dma_start3A_395 : memref<1x128xi32, #tpu.memory_space<hbm>> -> memref<128xi32, #tpu.memory_space<hbm>>
      %dma_start3A_397 = tpu.memref_slice %arg3[%dma_start3A_394, %mul3A_393] : memref<2x320000xi32, #tpu.memory_space<hbm>> -> memref<1x128xi32, #tpu.memory_space<hbm>>
      %dma_start3A_398 = tpu.memref_squeeze %dma_start3A_397 : memref<1x128xi32, #tpu.memory_space<hbm>> -> memref<128xi32, #tpu.memory_space<hbm>>
      tpu.enqueue_dma source(%dma_start3A_398 : memref<128xi32, #tpu.memory_space<hbm>>) target(%arg11 : memref<128xi32, #tpu.memory_space<vmem>>) target_semaphore(%arg26 : memref<!tpu.dma_semaphore, #tpu.memory_space<semaphore_mem>>)
      %dma_wait3A_399 = arith.constant 0 : i32
      %dma_wait3A_400 = arith.constant 0 : i32
      %dma_wait3A_401 = tpu.memref_slice %arg3[%dma_wait3A_399, %dma_wait3A_400] : memref<2x320000xi32, #tpu.memory_space<hbm>> -> memref<1x128xi32, #tpu.memory_space<hbm>>
      %dma_wait3A_402 = tpu.memref_squeeze %dma_wait3A_401 : memref<1x128xi32, #tpu.memory_space<hbm>> -> memref<128xi32, #tpu.memory_space<hbm>>
      %dma_wait3A_403 = arith.constant 0 : i32
      %dma_wait3A_404 = tpu.memref_slice %arg3[%dma_wait3A_399, %dma_wait3A_403] : memref<2x320000xi32, #tpu.memory_space<hbm>> -> memref<1x128xi32, #tpu.memory_space<hbm>>
      %dma_wait3A_405 = tpu.memref_squeeze %dma_wait3A_404 : memref<1x128xi32, #tpu.memory_space<hbm>> -> memref<128xi32, #tpu.memory_space<hbm>>
      tpu.wait_dma2 semaphore(%arg23 : memref<!tpu.dma_semaphore, #tpu.memory_space<semaphore_mem>>) src(%dma_wait3A_405 : memref<128xi32, #tpu.memory_space<hbm>>) dst(%arg8 : memref<128xi32, #tpu.memory_space<vmem>>)
      %dma_start3A_406 = arith.constant 0 : i32
      %dma_start3A_407 = arith.constant 0 : i32
      %dma_start3A_408 = tpu.memref_slice %arg2[%dma_start3A_406, %dma_start3A_407] : memref<10240x128xf32, #tpu.memory_space<hbm>> -> memref<10240x128xf32, #tpu.memory_space<hbm>>
      tpu.enqueue_indirect_dma source(%dma_start3A_408 : memref<10240x128xf32, #tpu.memory_space<hbm>>) target(%arg14 : memref<128x128xf32, #tpu.memory_space<vmem>>) offsets(%arg8 : memref<128xi32, #tpu.memory_space<vmem>>) semaphore(%arg17 : memref<!tpu.dma_semaphore, #tpu.memory_space<semaphore_mem>>)
      %add3A_409 = arith.constant 3 : i32
      %add3A_410 = arith.addi %add3A_370, %add3A_409 : i32
      %mul3A_411 = arith.constant 80 : i32
      %mul3A_412 = arith.muli %add3A, %mul3A_411 : i32
      %add3A_413 = arith.addi %mul3A_412, %add3A_410 : i32
      %mul3A_414 = arith.constant 128 : i32
      %mul3A_415 = arith.muli %add3A_413, %mul3A_414 : i32
      %dma_start3A_416 = arith.constant 0 : i32
      %dma_start3A_417 = tpu.memref_slice %arg3[%dma_start3A_416, %mul3A_415] : memref<2x320000xi32, #tpu.memory_space<hbm>> -> memref<1x128xi32, #tpu.memory_space<hbm>>
      %dma_start3A_418 = tpu.memref_squeeze %dma_start3A_417 : memref<1x128xi32, #tpu.memory_space<hbm>> -> memref<128xi32, #tpu.memory_space<hbm>>
      %dma_start3A_419 = tpu.memref_slice %arg3[%dma_start3A_416, %mul3A_415] : memref<2x320000xi32, #tpu.memory_space<hbm>> -> memref<1x128xi32, #tpu.memory_space<hbm>>
      %dma_start3A_420 = tpu.memref_squeeze %dma_start3A_419 : memref<1x128xi32, #tpu.memory_space<hbm>> -> memref<128xi32, #tpu.memory_space<hbm>>
      tpu.enqueue_dma source(%dma_start3A_420 : memref<128xi32, #tpu.memory_space<hbm>>) target(%arg6 : memref<128xi32, #tpu.memory_space<vmem>>) target_semaphore(%arg21 : memref<!tpu.dma_semaphore, #tpu.memory_space<semaphore_mem>>)
      %mul3A_421 = arith.constant 3 : i32
      %mul3A_422 = arith.muli %mul3A_421, %while3A_308 : i32
      %add3A_423 = arith.constant 2 : i32
      %add3A_424 = arith.addi %add3A_423, %mul3A_422 : i32
      %add3A_425 = arith.constant 2 : i32
      %add3A_426 = arith.addi %add3A_424, %add3A_425 : i32
      %dma_wait3A_427 = arith.constant 1 : i32
      %dma_wait3A_428 = arith.constant 0 : i32
      %dma_wait3A_429 = tpu.memref_slice %arg3[%dma_wait3A_427, %dma_wait3A_428] : memref<2x320000xi32, #tpu.memory_space<hbm>> -> memref<1x128xi32, #tpu.memory_space<hbm>>
      %dma_wait3A_430 = tpu.memref_squeeze %dma_wait3A_429 : memref<1x128xi32, #tpu.memory_space<hbm>> -> memref<128xi32, #tpu.memory_space<hbm>>
      %dma_wait3A_431 = arith.constant 0 : i32
      %dma_wait3A_432 = tpu.memref_slice %arg3[%dma_wait3A_427, %dma_wait3A_431] : memref<2x320000xi32, #tpu.memory_space<hbm>> -> memref<1x128xi32, #tpu.memory_space<hbm>>
      %dma_wait3A_433 = tpu.memref_squeeze %dma_wait3A_432 : memref<1x128xi32, #tpu.memory_space<hbm>> -> memref<128xi32, #tpu.memory_space<hbm>>
      tpu.wait_dma2 semaphore(%arg25 : memref<!tpu.dma_semaphore, #tpu.memory_space<semaphore_mem>>) src(%dma_wait3A_433 : memref<128xi32, #tpu.memory_space<hbm>>) dst(%arg10 : memref<128xi32, #tpu.memory_space<vmem>>)
      %dma_wait3A_434 = arith.constant 0 : i32
      %dma_wait3A_435 = arith.constant 0 : i32
      %dma_wait3A_436 = tpu.memref_slice %arg2[%dma_wait3A_434, %dma_wait3A_435] : memref<10240x128xf32, #tpu.memory_space<hbm>> -> memref<10240x128xf32, #tpu.memory_space<hbm>>
      tpu.wait_indirect_dma semaphore(%arg16 : memref<!tpu.dma_semaphore, #tpu.memory_space<semaphore_mem>>) src(%dma_wait3A_436 : memref<10240x128xf32, #tpu.memory_space<hbm>>) dst(%arg13 : memref<128x128xf32, #tpu.memory_space<vmem>>)
      %dma_start3A_437 = arith.constant 0 : i32
      %dma_start3A_438 = arith.constant 0 : i32
      %dma_start3A_439 = tpu.memref_slice %arg5[%dma_start3A_437, %dma_start3A_438] : memref<10112x128xf32, #tpu.memory_space<vmem_shared>> -> memref<10112x128xf32, #tpu.memory_space<vmem_shared>>
      tpu.enqueue_indirect_dma source(%arg13 : memref<128x128xf32, #tpu.memory_space<vmem>>) target(%dma_start3A_439 : memref<10112x128xf32, #tpu.memory_space<vmem_shared>>) offsets(%arg10 : memref<128xi32, #tpu.memory_space<vmem>>) semaphore(%arg19 : memref<!tpu.dma_semaphore, #tpu.memory_space<semaphore_mem>>) {add = true}
      %dma_wait3A_440 = arith.constant 0 : i32
      %dma_wait3A_441 = arith.constant 0 : i32
      %dma_wait3A_442 = tpu.memref_slice %arg5[%dma_wait3A_440, %dma_wait3A_441] : memref<10112x128xf32, #tpu.memory_space<vmem_shared>> -> memref<10112x128xf32, #tpu.memory_space<vmem_shared>>
      tpu.wait_indirect_dma semaphore(%arg18 : memref<!tpu.dma_semaphore, #tpu.memory_space<semaphore_mem>>) src(%arg12 : memref<128x128xf32, #tpu.memory_space<vmem>>) dst(%dma_wait3A_442 : memref<10112x128xf32, #tpu.memory_space<vmem_shared>>)
      %add3A_443 = arith.constant 2 : i32
      %add3A_444 = arith.addi %add3A_426, %add3A_443 : i32
      %mul3A_445 = arith.constant 80 : i32
      %mul3A_446 = arith.muli %add3A, %mul3A_445 : i32
      %add3A_447 = arith.addi %mul3A_446, %add3A_444 : i32
      %mul3A_448 = arith.constant 128 : i32
      %mul3A_449 = arith.muli %add3A_447, %mul3A_448 : i32
      %dma_start3A_450 = arith.constant 1 : i32
      %dma_start3A_451 = tpu.memref_slice %arg3[%dma_start3A_450, %mul3A_449] : memref<2x320000xi32, #tpu.memory_space<hbm>> -> memref<1x128xi32, #tpu.memory_space<hbm>>
      %dma_start3A_452 = tpu.memref_squeeze %dma_start3A_451 : memref<1x128xi32, #tpu.memory_space<hbm>> -> memref<128xi32, #tpu.memory_space<hbm>>
      %dma_start3A_453 = tpu.memref_slice %arg3[%dma_start3A_450, %mul3A_449] : memref<2x320000xi32, #tpu.memory_space<hbm>> -> memref<1x128xi32, #tpu.memory_space<hbm>>
      %dma_start3A_454 = tpu.memref_squeeze %dma_start3A_453 : memref<1x128xi32, #tpu.memory_space<hbm>> -> memref<128xi32, #tpu.memory_space<hbm>>
      tpu.enqueue_dma source(%dma_start3A_454 : memref<128xi32, #tpu.memory_space<hbm>>) target(%arg9 : memref<128xi32, #tpu.memory_space<vmem>>) target_semaphore(%arg24 : memref<!tpu.dma_semaphore, #tpu.memory_space<semaphore_mem>>)
      %dma_wait3A_455 = arith.constant 0 : i32
      %dma_wait3A_456 = arith.constant 0 : i32
      %dma_wait3A_457 = tpu.memref_slice %arg3[%dma_wait3A_455, %dma_wait3A_456] : memref<2x320000xi32, #tpu.memory_space<hbm>> -> memref<1x128xi32, #tpu.memory_space<hbm>>
      %dma_wait3A_458 = tpu.memref_squeeze %dma_wait3A_457 : memref<1x128xi32, #tpu.memory_space<hbm>> -> memref<128xi32, #tpu.memory_space<hbm>>
      %dma_wait3A_459 = arith.constant 0 : i32
      %dma_wait3A_460 = tpu.memref_slice %arg3[%dma_wait3A_455, %dma_wait3A_459] : memref<2x320000xi32, #tpu.memory_space<hbm>> -> memref<1x128xi32, #tpu.memory_space<hbm>>
      %dma_wait3A_461 = tpu.memref_squeeze %dma_wait3A_460 : memref<1x128xi32, #tpu.memory_space<hbm>> -> memref<128xi32, #tpu.memory_space<hbm>>
      tpu.wait_dma2 semaphore(%arg21 : memref<!tpu.dma_semaphore, #tpu.memory_space<semaphore_mem>>) src(%dma_wait3A_461 : memref<128xi32, #tpu.memory_space<hbm>>) dst(%arg6 : memref<128xi32, #tpu.memory_space<vmem>>)
      %dma_start3A_462 = arith.constant 0 : i32
      %dma_start3A_463 = arith.constant 0 : i32
      %dma_start3A_464 = tpu.memref_slice %arg2[%dma_start3A_462, %dma_start3A_463] : memref<10240x128xf32, #tpu.memory_space<hbm>> -> memref<10240x128xf32, #tpu.memory_space<hbm>>
      tpu.enqueue_indirect_dma source(%dma_start3A_464 : memref<10240x128xf32, #tpu.memory_space<hbm>>) target(%arg12 : memref<128x128xf32, #tpu.memory_space<vmem>>) offsets(%arg6 : memref<128xi32, #tpu.memory_space<vmem>>) semaphore(%arg15 : memref<!tpu.dma_semaphore, #tpu.memory_space<semaphore_mem>>)
      %add3A_465 = arith.constant 3 : i32
      %add3A_466 = arith.addi %add3A_426, %add3A_465 : i32
      %mul3A_467 = arith.constant 80 : i32
      %mul3A_468 = arith.muli %add3A, %mul3A_467 : i32
      %add3A_469 = arith.addi %mul3A_468, %add3A_466 : i32
      %mul3A_470 = arith.constant 128 : i32
      %mul3A_471 = arith.muli %add3A_469, %mul3A_470 : i32
      %dma_start3A_472 = arith.constant 0 : i32
      %dma_start3A_473 = tpu.memref_slice %arg3[%dma_start3A_472, %mul3A_471] : memref<2x320000xi32, #tpu.memory_space<hbm>> -> memref<1x128xi32, #tpu.memory_space<hbm>>
      %dma_start3A_474 = tpu.memref_squeeze %dma_start3A_473 : memref<1x128xi32, #tpu.memory_space<hbm>> -> memref<128xi32, #tpu.memory_space<hbm>>
      %dma_start3A_475 = tpu.memref_slice %arg3[%dma_start3A_472, %mul3A_471] : memref<2x320000xi32, #tpu.memory_space<hbm>> -> memref<1x128xi32, #tpu.memory_space<hbm>>
      %dma_start3A_476 = tpu.memref_squeeze %dma_start3A_475 : memref<1x128xi32, #tpu.memory_space<hbm>> -> memref<128xi32, #tpu.memory_space<hbm>>
      tpu.enqueue_dma source(%dma_start3A_476 : memref<128xi32, #tpu.memory_space<hbm>>) target(%arg7 : memref<128xi32, #tpu.memory_space<vmem>>) target_semaphore(%arg22 : memref<!tpu.dma_semaphore, #tpu.memory_space<semaphore_mem>>)
    }
    %sub3A_224 = arith.constant 3 : i32
    %sub3A_225 = arith.subi %select_n3A, %sub3A_224 : i32
    %dma_wait3A_226 = arith.constant 1 : i32
    %dma_wait3A_227 = arith.constant 0 : i32
    %dma_wait3A_228 = tpu.memref_slice %arg3[%dma_wait3A_226, %dma_wait3A_227] : memref<2x320000xi32, #tpu.memory_space<hbm>> -> memref<1x128xi32, #tpu.memory_space<hbm>>
    %dma_wait3A_229 = tpu.memref_squeeze %dma_wait3A_228 : memref<1x128xi32, #tpu.memory_space<hbm>> -> memref<128xi32, #tpu.memory_space<hbm>>
    %dma_wait3A_230 = arith.constant 0 : i32
    %dma_wait3A_231 = tpu.memref_slice %arg3[%dma_wait3A_226, %dma_wait3A_230] : memref<2x320000xi32, #tpu.memory_space<hbm>> -> memref<1x128xi32, #tpu.memory_space<hbm>>
    %dma_wait3A_232 = tpu.memref_squeeze %dma_wait3A_231 : memref<1x128xi32, #tpu.memory_space<hbm>> -> memref<128xi32, #tpu.memory_space<hbm>>
    tpu.wait_dma2 semaphore(%arg26 : memref<!tpu.dma_semaphore, #tpu.memory_space<semaphore_mem>>) src(%dma_wait3A_232 : memref<128xi32, #tpu.memory_space<hbm>>) dst(%arg11 : memref<128xi32, #tpu.memory_space<vmem>>)
    %dma_wait3A_233 = arith.constant 0 : i32
    %dma_wait3A_234 = arith.constant 0 : i32
    %dma_wait3A_235 = tpu.memref_slice %arg2[%dma_wait3A_233, %dma_wait3A_234] : memref<10240x128xf32, #tpu.memory_space<hbm>> -> memref<10240x128xf32, #tpu.memory_space<hbm>>
    tpu.wait_indirect_dma semaphore(%arg17 : memref<!tpu.dma_semaphore, #tpu.memory_space<semaphore_mem>>) src(%dma_wait3A_235 : memref<10240x128xf32, #tpu.memory_space<hbm>>) dst(%arg14 : memref<128x128xf32, #tpu.memory_space<vmem>>)
    %dma_start3A_236 = arith.constant 0 : i32
    %dma_start3A_237 = arith.constant 0 : i32
    %dma_start3A_238 = tpu.memref_slice %arg5[%dma_start3A_236, %dma_start3A_237] : memref<10112x128xf32, #tpu.memory_space<vmem_shared>> -> memref<10112x128xf32, #tpu.memory_space<vmem_shared>>
    tpu.enqueue_indirect_dma source(%arg14 : memref<128x128xf32, #tpu.memory_space<vmem>>) target(%dma_start3A_238 : memref<10112x128xf32, #tpu.memory_space<vmem_shared>>) offsets(%arg11 : memref<128xi32, #tpu.memory_space<vmem>>) semaphore(%arg20 : memref<!tpu.dma_semaphore, #tpu.memory_space<semaphore_mem>>) {add = true}
    %dma_wait3A_239 = arith.constant 0 : i32
    %dma_wait3A_240 = arith.constant 0 : i32
    %dma_wait3A_241 = tpu.memref_slice %arg5[%dma_wait3A_239, %dma_wait3A_240] : memref<10112x128xf32, #tpu.memory_space<vmem_shared>> -> memref<10112x128xf32, #tpu.memory_space<vmem_shared>>
    tpu.wait_indirect_dma semaphore(%arg19 : memref<!tpu.dma_semaphore, #tpu.memory_space<semaphore_mem>>) src(%arg13 : memref<128x128xf32, #tpu.memory_space<vmem>>) dst(%dma_wait3A_241 : memref<10112x128xf32, #tpu.memory_space<vmem_shared>>)
    %add3A_242 = arith.constant 2 : i32
    %add3A_243 = arith.addi %sub3A_225, %add3A_242 : i32
    %mul3A_244 = arith.constant 80 : i32
    %mul3A_245 = arith.muli %add3A, %mul3A_244 : i32
    %add3A_246 = arith.addi %mul3A_245, %add3A_243 : i32
    %mul3A_247 = arith.constant 128 : i32
    %mul3A_248 = arith.muli %add3A_246, %mul3A_247 : i32
    %dma_start3A_249 = arith.constant 1 : i32
    %dma_start3A_250 = tpu.memref_slice %arg3[%dma_start3A_249, %mul3A_248] : memref<2x320000xi32, #tpu.memory_space<hbm>> -> memref<1x128xi32, #tpu.memory_space<hbm>>
    %dma_start3A_251 = tpu.memref_squeeze %dma_start3A_250 : memref<1x128xi32, #tpu.memory_space<hbm>> -> memref<128xi32, #tpu.memory_space<hbm>>
    %dma_start3A_252 = tpu.memref_slice %arg3[%dma_start3A_249, %mul3A_248] : memref<2x320000xi32, #tpu.memory_space<hbm>> -> memref<1x128xi32, #tpu.memory_space<hbm>>
    %dma_start3A_253 = tpu.memref_squeeze %dma_start3A_252 : memref<1x128xi32, #tpu.memory_space<hbm>> -> memref<128xi32, #tpu.memory_space<hbm>>
    tpu.enqueue_dma source(%dma_start3A_253 : memref<128xi32, #tpu.memory_space<hbm>>) target(%arg10 : memref<128xi32, #tpu.memory_space<vmem>>) target_semaphore(%arg25 : memref<!tpu.dma_semaphore, #tpu.memory_space<semaphore_mem>>)
    %dma_wait3A_254 = arith.constant 0 : i32
    %dma_wait3A_255 = arith.constant 0 : i32
    %dma_wait3A_256 = tpu.memref_slice %arg3[%dma_wait3A_254, %dma_wait3A_255] : memref<2x320000xi32, #tpu.memory_space<hbm>> -> memref<1x128xi32, #tpu.memory_space<hbm>>
    %dma_wait3A_257 = tpu.memref_squeeze %dma_wait3A_256 : memref<1x128xi32, #tpu.memory_space<hbm>> -> memref<128xi32, #tpu.memory_space<hbm>>
    %dma_wait3A_258 = arith.constant 0 : i32
    %dma_wait3A_259 = tpu.memref_slice %arg3[%dma_wait3A_254, %dma_wait3A_258] : memref<2x320000xi32, #tpu.memory_space<hbm>> -> memref<1x128xi32, #tpu.memory_space<hbm>>
    %dma_wait3A_260 = tpu.memref_squeeze %dma_wait3A_259 : memref<1x128xi32, #tpu.memory_space<hbm>> -> memref<128xi32, #tpu.memory_space<hbm>>
    tpu.wait_dma2 semaphore(%arg22 : memref<!tpu.dma_semaphore, #tpu.memory_space<semaphore_mem>>) src(%dma_wait3A_260 : memref<128xi32, #tpu.memory_space<hbm>>) dst(%arg7 : memref<128xi32, #tpu.memory_space<vmem>>)
    %dma_start3A_261 = arith.constant 0 : i32
    %dma_start3A_262 = arith.constant 0 : i32
    %dma_start3A_263 = tpu.memref_slice %arg2[%dma_start3A_261, %dma_start3A_262] : memref<10240x128xf32, #tpu.memory_space<hbm>> -> memref<10240x128xf32, #tpu.memory_space<hbm>>
    tpu.enqueue_indirect_dma source(%dma_start3A_263 : memref<10240x128xf32, #tpu.memory_space<hbm>>) target(%arg13 : memref<128x128xf32, #tpu.memory_space<vmem>>) offsets(%arg7 : memref<128xi32, #tpu.memory_space<vmem>>) semaphore(%arg16 : memref<!tpu.dma_semaphore, #tpu.memory_space<semaphore_mem>>)
    %sub3A_264 = arith.constant 2 : i32
    %sub3A_265 = arith.subi %select_n3A, %sub3A_264 : i32
    %dma_wait3A_266 = arith.constant 1 : i32
    %dma_wait3A_267 = arith.constant 0 : i32
    %dma_wait3A_268 = tpu.memref_slice %arg3[%dma_wait3A_266, %dma_wait3A_267] : memref<2x320000xi32, #tpu.memory_space<hbm>> -> memref<1x128xi32, #tpu.memory_space<hbm>>
    %dma_wait3A_269 = tpu.memref_squeeze %dma_wait3A_268 : memref<1x128xi32, #tpu.memory_space<hbm>> -> memref<128xi32, #tpu.memory_space<hbm>>
    %dma_wait3A_270 = arith.constant 0 : i32
    %dma_wait3A_271 = tpu.memref_slice %arg3[%dma_wait3A_266, %dma_wait3A_270] : memref<2x320000xi32, #tpu.memory_space<hbm>> -> memref<1x128xi32, #tpu.memory_space<hbm>>
    %dma_wait3A_272 = tpu.memref_squeeze %dma_wait3A_271 : memref<1x128xi32, #tpu.memory_space<hbm>> -> memref<128xi32, #tpu.memory_space<hbm>>
    tpu.wait_dma2 semaphore(%arg24 : memref<!tpu.dma_semaphore, #tpu.memory_space<semaphore_mem>>) src(%dma_wait3A_272 : memref<128xi32, #tpu.memory_space<hbm>>) dst(%arg9 : memref<128xi32, #tpu.memory_space<vmem>>)
    %dma_wait3A_273 = arith.constant 0 : i32
    %dma_wait3A_274 = arith.constant 0 : i32
    %dma_wait3A_275 = tpu.memref_slice %arg2[%dma_wait3A_273, %dma_wait3A_274] : memref<10240x128xf32, #tpu.memory_space<hbm>> -> memref<10240x128xf32, #tpu.memory_space<hbm>>
    tpu.wait_indirect_dma semaphore(%arg15 : memref<!tpu.dma_semaphore, #tpu.memory_space<semaphore_mem>>) src(%dma_wait3A_275 : memref<10240x128xf32, #tpu.memory_space<hbm>>) dst(%arg12 : memref<128x128xf32, #tpu.memory_space<vmem>>)
    %dma_start3A_276 = arith.constant 0 : i32
    %dma_start3A_277 = arith.constant 0 : i32
    %dma_start3A_278 = tpu.memref_slice %arg5[%dma_start3A_276, %dma_start3A_277] : memref<10112x128xf32, #tpu.memory_space<vmem_shared>> -> memref<10112x128xf32, #tpu.memory_space<vmem_shared>>
    tpu.enqueue_indirect_dma source(%arg12 : memref<128x128xf32, #tpu.memory_space<vmem>>) target(%dma_start3A_278 : memref<10112x128xf32, #tpu.memory_space<vmem_shared>>) offsets(%arg9 : memref<128xi32, #tpu.memory_space<vmem>>) semaphore(%arg18 : memref<!tpu.dma_semaphore, #tpu.memory_space<semaphore_mem>>) {add = true}
    %dma_wait3A_279 = arith.constant 0 : i32
    %dma_wait3A_280 = arith.constant 0 : i32
    %dma_wait3A_281 = tpu.memref_slice %arg5[%dma_wait3A_279, %dma_wait3A_280] : memref<10112x128xf32, #tpu.memory_space<vmem_shared>> -> memref<10112x128xf32, #tpu.memory_space<vmem_shared>>
    tpu.wait_indirect_dma semaphore(%arg20 : memref<!tpu.dma_semaphore, #tpu.memory_space<semaphore_mem>>) src(%arg14 : memref<128x128xf32, #tpu.memory_space<vmem>>) dst(%dma_wait3A_281 : memref<10112x128xf32, #tpu.memory_space<vmem_shared>>)
    %sub3A_282 = arith.constant 1 : i32
    %sub3A_283 = arith.subi %select_n3A, %sub3A_282 : i32
    %dma_wait3A_284 = arith.constant 1 : i32
    %dma_wait3A_285 = arith.constant 0 : i32
    %dma_wait3A_286 = tpu.memref_slice %arg3[%dma_wait3A_284, %dma_wait3A_285] : memref<2x320000xi32, #tpu.memory_space<hbm>> -> memref<1x128xi32, #tpu.memory_space<hbm>>
    %dma_wait3A_287 = tpu.memref_squeeze %dma_wait3A_286 : memref<1x128xi32, #tpu.memory_space<hbm>> -> memref<128xi32, #tpu.memory_space<hbm>>
    %dma_wait3A_288 = arith.constant 0 : i32
    %dma_wait3A_289 = tpu.memref_slice %arg3[%dma_wait3A_284, %dma_wait3A_288] : memref<2x320000xi32, #tpu.memory_space<hbm>> -> memref<1x128xi32, #tpu.memory_space<hbm>>
    %dma_wait3A_290 = tpu.memref_squeeze %dma_wait3A_289 : memref<1x128xi32, #tpu.memory_space<hbm>> -> memref<128xi32, #tpu.memory_space<hbm>>
    tpu.wait_dma2 semaphore(%arg25 : memref<!tpu.dma_semaphore, #tpu.memory_space<semaphore_mem>>) src(%dma_wait3A_290 : memref<128xi32, #tpu.memory_space<hbm>>) dst(%arg10 : memref<128xi32, #tpu.memory_space<vmem>>)
    %dma_wait3A_291 = arith.constant 0 : i32
    %dma_wait3A_292 = arith.constant 0 : i32
    %dma_wait3A_293 = tpu.memref_slice %arg2[%dma_wait3A_291, %dma_wait3A_292] : memref<10240x128xf32, #tpu.memory_space<hbm>> -> memref<10240x128xf32, #tpu.memory_space<hbm>>
    tpu.wait_indirect_dma semaphore(%arg16 : memref<!tpu.dma_semaphore, #tpu.memory_space<semaphore_mem>>) src(%dma_wait3A_293 : memref<10240x128xf32, #tpu.memory_space<hbm>>) dst(%arg13 : memref<128x128xf32, #tpu.memory_space<vmem>>)
    %dma_start3A_294 = arith.constant 0 : i32
    %dma_start3A_295 = arith.constant 0 : i32
    %dma_start3A_296 = tpu.memref_slice %arg5[%dma_start3A_294, %dma_start3A_295] : memref<10112x128xf32, #tpu.memory_space<vmem_shared>> -> memref<10112x128xf32, #tpu.memory_space<vmem_shared>>
    tpu.enqueue_indirect_dma source(%arg13 : memref<128x128xf32, #tpu.memory_space<vmem>>) target(%dma_start3A_296 : memref<10112x128xf32, #tpu.memory_space<vmem_shared>>) offsets(%arg10 : memref<128xi32, #tpu.memory_space<vmem>>) semaphore(%arg19 : memref<!tpu.dma_semaphore, #tpu.memory_space<semaphore_mem>>) {add = true}
    %dma_wait3A_297 = arith.constant 0 : i32
    %dma_wait3A_298 = arith.constant 0 : i32
    %dma_wait3A_299 = tpu.memref_slice %arg5[%dma_wait3A_297, %dma_wait3A_298] : memref<10112x128xf32, #tpu.memory_space<vmem_shared>> -> memref<10112x128xf32, #tpu.memory_space<vmem_shared>>
    tpu.wait_indirect_dma semaphore(%arg18 : memref<!tpu.dma_semaphore, #tpu.memory_space<semaphore_mem>>) src(%arg12 : memref<128x128xf32, #tpu.memory_space<vmem>>) dst(%dma_wait3A_299 : memref<10112x128xf32, #tpu.memory_space<vmem_shared>>)
    %dma_wait3A_300 = arith.constant 0 : i32
    %dma_wait3A_301 = arith.constant 0 : i32
    %dma_wait3A_302 = tpu.memref_slice %arg5[%dma_wait3A_300, %dma_wait3A_301] : memref<10112x128xf32, #tpu.memory_space<vmem_shared>> -> memref<10112x128xf32, #tpu.memory_space<vmem_shared>>
    tpu.wait_indirect_dma semaphore(%arg19 : memref<!tpu.dma_semaphore, #tpu.memory_space<semaphore_mem>>) src(%arg13 : memref<128x128xf32, #tpu.memory_space<vmem>>) dst(%dma_wait3A_302 : memref<10112x128xf32, #tpu.memory_space<vmem_shared>>)
    %barrier3A_303 = arith.constant 0 : index
    tpu.barrier barrier_id(%barrier3A_303)
    %mul3A_304 = arith.constant 632 : i32
    %mul3A_305 = arith.muli %arg1, %mul3A_304 : i32
    %mul3A_306 = arith.constant 632 : i32
    %mul3A_307 = arith.muli %arg1, %mul3A_306 : i32
    "tpu.region"() ({
      %run_scoped3A = tpu.sem_alloc : memref<!tpu.dma_semaphore, #tpu.memory_space<semaphore_mem>>
      %dma_start3A_308 = arith.constant 0 : i32
      %dma_start3A_309 = tpu.memref_slice %arg4[%arg0, %mul3A_307, %dma_start3A_308] : memref<2x10112x128xf32, #tpu.memory_space<hbm>> -> memref<1x632x128xf32, #tpu.memory_space<hbm>>
      %dma_start3A_310 = tpu.memref_squeeze %dma_start3A_309 : memref<1x632x128xf32, #tpu.memory_space<hbm>> -> memref<632x128xf32, #tpu.memory_space<hbm>>
      %dma_start3A_311 = arith.constant 0 : i32
      %dma_start3A_312 = tpu.memref_slice %arg5[%mul3A_305, %dma_start3A_311] : memref<10112x128xf32, #tpu.memory_space<vmem_shared>> -> memref<632x128xf32, #tpu.memory_space<vmem_shared>>
      tpu.enqueue_dma source(%dma_start3A_312 : memref<632x128xf32, #tpu.memory_space<vmem_shared>>) target(%dma_start3A_310 : memref<632x128xf32, #tpu.memory_space<hbm>>) target_semaphore(%run_scoped3A : memref<!tpu.dma_semaphore, #tpu.memory_space<semaphore_mem>>)
      %dma_wait3A_313 = arith.constant 0 : i32
      %dma_wait3A_314 = tpu.memref_slice %arg4[%arg0, %mul3A_307, %dma_wait3A_313] : memref<2x10112x128xf32, #tpu.memory_space<hbm>> -> memref<1x632x128xf32, #tpu.memory_space<hbm>>
      %dma_wait3A_315 = tpu.memref_squeeze %dma_wait3A_314 : memref<1x632x128xf32, #tpu.memory_space<hbm>> -> memref<632x128xf32, #tpu.memory_space<hbm>>
      %dma_wait3A_316 = arith.constant 0 : i32
      %dma_wait3A_317 = tpu.memref_slice %arg5[%mul3A_305, %dma_wait3A_316] : memref<10112x128xf32, #tpu.memory_space<vmem_shared>> -> memref<632x128xf32, #tpu.memory_space<vmem_shared>>
      tpu.wait_dma2 semaphore(%run_scoped3A : memref<!tpu.dma_semaphore, #tpu.memory_space<semaphore_mem>>) src(%dma_wait3A_317 : memref<632x128xf32, #tpu.memory_space<vmem_shared>>) dst(%dma_wait3A_315 : memref<632x128xf32, #tpu.memory_space<hbm>>)
      tpu.yield
    }) : () -> ()
    return
  }
}

#map = affine_map<(d0, d1) -> (0, 0)>
#map1 = affine_map<(d0, d1) -> (0, 0, 0)>
module attributes {stable_mosaic.version = 14 : i64} {
  func.func @_agg_kernel(%arg0: i32, %arg1: i32, %arg2: memref<10240x64xf32, #tpu.memory_space<hbm>>, %arg3: memref<2500x128xi32, #tpu.memory_space<hbm>>, %arg4: memref<2500x128xi32, #tpu.memory_space<hbm>>, %arg5: memref<2x10112x64xf32, #tpu.memory_space<hbm>>, %arg6: memref<80x128xi32, #tpu.memory_space<vmem>>, %arg7: memref<80x128xi32, #tpu.memory_space<vmem>>, %arg8: memref<10112x64xf32, #tpu.memory_space<vmem_shared>>, %arg9: memref<128x64xf32, #tpu.memory_space<vmem>>, %arg10: memref<128x64xf32, #tpu.memory_space<vmem>>, %arg11: memref<128x64xf32, #tpu.memory_space<vmem>>, %arg12: memref<128x64xf32, #tpu.memory_space<vmem>>, %arg13: memref<128x64xf32, #tpu.memory_space<vmem>>, %arg14: memref<!tpu.dma_semaphore, #tpu.memory_space<semaphore_mem>>, %arg15: memref<!tpu.dma_semaphore, #tpu.memory_space<semaphore_mem>>, %arg16: memref<!tpu.dma_semaphore, #tpu.memory_space<semaphore_mem>>, %arg17: memref<!tpu.dma_semaphore, #tpu.memory_space<semaphore_mem>>, %arg18: memref<!tpu.dma_semaphore, #tpu.memory_space<semaphore_mem>>, %arg19: memref<!tpu.dma_semaphore, #tpu.memory_space<semaphore_mem>>, %arg20: memref<!tpu.dma_semaphore, #tpu.memory_space<semaphore_mem>>, %arg21: memref<!tpu.dma_semaphore, #tpu.memory_space<semaphore_mem>>, %arg22: memref<!tpu.dma_semaphore, #tpu.memory_space<semaphore_mem>>, %arg23: memref<!tpu.dma_semaphore, #tpu.memory_space<semaphore_mem>>) attributes {dimension_semantics = [#tpu.dimension_semantics<core_parallel>, #tpu.dimension_semantics<subcore_parallel>], iteration_bounds = array<i64: 2, 16>, scalar_prefetch = 0 : i64, scratch_operands = 18 : i64, tpu.core_type = #tpu.core_type<sc_vector_subcore>, window_params = [{transform_indices = #map}, {transform_indices = #map}, {transform_indices = #map}, {transform_indices = #map1}]} {
    %mul3A = arith.constant 16 : i32
    %mul3A_0 = arith.muli %arg0, %mul3A : i32
    %add3A = arith.addi %mul3A_0, %arg1 : i32
    %mul3A_1 = arith.constant 80 : i32
    %mul3A_2 = arith.muli %add3A, %mul3A_1 : i32
    %multiple_of3A = tpu.assume_multiple %mul3A_2, 8 : i32
    %lt3A = arith.constant 31 : i32
    %lt3A_3 = arith.cmpi slt, %add3A, %lt3A : i32
    %convert_element_type3A = arith.extui %lt3A_3 : i1 to i32
    %cond3A = arith.constant 0 : i32
    %cond3A_4 = arith.cmpi ne, %convert_element_type3A, %cond3A : i32
    scf.if %cond3A_4 {
      "tpu.region"() ({
        %run_scoped3A = tpu.sem_alloc : memref<!tpu.dma_semaphore, #tpu.memory_space<semaphore_mem>>
        %dma_start3A_377 = arith.constant 0 : i32
        %dma_start3A_378 = tpu.memref_slice %arg3[%multiple_of3A, %dma_start3A_377] : memref<2500x128xi32, #tpu.memory_space<hbm>> -> memref<80x128xi32, #tpu.memory_space<hbm>>
        %dma_start3A_379 = arith.constant 0 : i32
        %dma_start3A_380 = tpu.memref_slice %arg3[%multiple_of3A, %dma_start3A_379] : memref<2500x128xi32, #tpu.memory_space<hbm>> -> memref<80x128xi32, #tpu.memory_space<hbm>>
        tpu.enqueue_dma source(%dma_start3A_380 : memref<80x128xi32, #tpu.memory_space<hbm>>) target(%arg6 : memref<80x128xi32, #tpu.memory_space<vmem>>) target_semaphore(%run_scoped3A : memref<!tpu.dma_semaphore, #tpu.memory_space<semaphore_mem>>)
        %dma_wait3A_381 = arith.constant 0 : i32
        %dma_wait3A_382 = tpu.memref_slice %arg3[%multiple_of3A, %dma_wait3A_381] : memref<2500x128xi32, #tpu.memory_space<hbm>> -> memref<80x128xi32, #tpu.memory_space<hbm>>
        %dma_wait3A_383 = arith.constant 0 : i32
        %dma_wait3A_384 = tpu.memref_slice %arg3[%multiple_of3A, %dma_wait3A_383] : memref<2500x128xi32, #tpu.memory_space<hbm>> -> memref<80x128xi32, #tpu.memory_space<hbm>>
        tpu.wait_dma2 semaphore(%run_scoped3A : memref<!tpu.dma_semaphore, #tpu.memory_space<semaphore_mem>>) src(%dma_wait3A_384 : memref<80x128xi32, #tpu.memory_space<hbm>>) dst(%arg6 : memref<80x128xi32, #tpu.memory_space<vmem>>)
        tpu.yield
      }) : () -> ()
      "tpu.region"() ({
        %run_scoped3A = tpu.sem_alloc : memref<!tpu.dma_semaphore, #tpu.memory_space<semaphore_mem>>
        %dma_start3A_377 = arith.constant 0 : i32
        %dma_start3A_378 = tpu.memref_slice %arg4[%multiple_of3A, %dma_start3A_377] : memref<2500x128xi32, #tpu.memory_space<hbm>> -> memref<80x128xi32, #tpu.memory_space<hbm>>
        %dma_start3A_379 = arith.constant 0 : i32
        %dma_start3A_380 = tpu.memref_slice %arg4[%multiple_of3A, %dma_start3A_379] : memref<2500x128xi32, #tpu.memory_space<hbm>> -> memref<80x128xi32, #tpu.memory_space<hbm>>
        tpu.enqueue_dma source(%dma_start3A_380 : memref<80x128xi32, #tpu.memory_space<hbm>>) target(%arg7 : memref<80x128xi32, #tpu.memory_space<vmem>>) target_semaphore(%run_scoped3A : memref<!tpu.dma_semaphore, #tpu.memory_space<semaphore_mem>>)
        %dma_wait3A_381 = arith.constant 0 : i32
        %dma_wait3A_382 = tpu.memref_slice %arg4[%multiple_of3A, %dma_wait3A_381] : memref<2500x128xi32, #tpu.memory_space<hbm>> -> memref<80x128xi32, #tpu.memory_space<hbm>>
        %dma_wait3A_383 = arith.constant 0 : i32
        %dma_wait3A_384 = tpu.memref_slice %arg4[%multiple_of3A, %dma_wait3A_383] : memref<2500x128xi32, #tpu.memory_space<hbm>> -> memref<80x128xi32, #tpu.memory_space<hbm>>
        tpu.wait_dma2 semaphore(%run_scoped3A : memref<!tpu.dma_semaphore, #tpu.memory_space<semaphore_mem>>) src(%dma_wait3A_384 : memref<80x128xi32, #tpu.memory_space<hbm>>) dst(%arg7 : memref<80x128xi32, #tpu.memory_space<vmem>>)
        tpu.yield
      }) : () -> ()
    } else {
    }
    %eq3A = arith.constant 31 : i32
    %eq3A_5 = arith.cmpi eq, %add3A, %eq3A : i32
    %convert_element_type3A_6 = arith.extui %eq3A_5 : i1 to i32
    %cond3A_7 = arith.constant 0 : i32
    %cond3A_8 = arith.cmpi ne, %convert_element_type3A_6, %cond3A_7 : i32
    scf.if %cond3A_8 {
      "tpu.region"() ({
        %run_scoped3A = tpu.sem_alloc : memref<!tpu.dma_semaphore, #tpu.memory_space<semaphore_mem>>
        %dma_start3A_377 = arith.constant 0 : i32
        %dma_start3A_378 = arith.constant 0 : i32
        %dma_start3A_379 = tpu.memref_slice %arg6[%dma_start3A_377, %dma_start3A_378] : memref<80x128xi32, #tpu.memory_space<vmem>> -> memref<20x128xi32, #tpu.memory_space<vmem>>
        %dma_start3A_380 = arith.constant 2480 : i32
        %dma_start3A_381 = arith.constant 0 : i32
        %dma_start3A_382 = tpu.memref_slice %arg3[%dma_start3A_380, %dma_start3A_381] : memref<2500x128xi32, #tpu.memory_space<hbm>> -> memref<20x128xi32, #tpu.memory_space<hbm>>
        %dma_start3A_383 = arith.constant 0 : i32
        %dma_start3A_384 = arith.constant 0 : i32
        %dma_start3A_385 = tpu.memref_slice %arg6[%dma_start3A_383, %dma_start3A_384] : memref<80x128xi32, #tpu.memory_space<vmem>> -> memref<20x128xi32, #tpu.memory_space<vmem>>
        %dma_start3A_386 = arith.constant 2480 : i32
        %dma_start3A_387 = arith.constant 0 : i32
        %dma_start3A_388 = tpu.memref_slice %arg3[%dma_start3A_386, %dma_start3A_387] : memref<2500x128xi32, #tpu.memory_space<hbm>> -> memref<20x128xi32, #tpu.memory_space<hbm>>
        tpu.enqueue_dma source(%dma_start3A_388 : memref<20x128xi32, #tpu.memory_space<hbm>>) target(%dma_start3A_385 : memref<20x128xi32, #tpu.memory_space<vmem>>) target_semaphore(%run_scoped3A : memref<!tpu.dma_semaphore, #tpu.memory_space<semaphore_mem>>)
        %dma_wait3A_389 = arith.constant 0 : i32
        %dma_wait3A_390 = arith.constant 0 : i32
        %dma_wait3A_391 = tpu.memref_slice %arg6[%dma_wait3A_389, %dma_wait3A_390] : memref<80x128xi32, #tpu.memory_space<vmem>> -> memref<20x128xi32, #tpu.memory_space<vmem>>
        %dma_wait3A_392 = arith.constant 2480 : i32
        %dma_wait3A_393 = arith.constant 0 : i32
        %dma_wait3A_394 = tpu.memref_slice %arg3[%dma_wait3A_392, %dma_wait3A_393] : memref<2500x128xi32, #tpu.memory_space<hbm>> -> memref<20x128xi32, #tpu.memory_space<hbm>>
        %dma_wait3A_395 = arith.constant 0 : i32
        %dma_wait3A_396 = arith.constant 0 : i32
        %dma_wait3A_397 = tpu.memref_slice %arg6[%dma_wait3A_395, %dma_wait3A_396] : memref<80x128xi32, #tpu.memory_space<vmem>> -> memref<20x128xi32, #tpu.memory_space<vmem>>
        %dma_wait3A_398 = arith.constant 2480 : i32
        %dma_wait3A_399 = arith.constant 0 : i32
        %dma_wait3A_400 = tpu.memref_slice %arg3[%dma_wait3A_398, %dma_wait3A_399] : memref<2500x128xi32, #tpu.memory_space<hbm>> -> memref<20x128xi32, #tpu.memory_space<hbm>>
        tpu.wait_dma2 semaphore(%run_scoped3A : memref<!tpu.dma_semaphore, #tpu.memory_space<semaphore_mem>>) src(%dma_wait3A_400 : memref<20x128xi32, #tpu.memory_space<hbm>>) dst(%dma_wait3A_397 : memref<20x128xi32, #tpu.memory_space<vmem>>)
        tpu.yield
      }) : () -> ()
      "tpu.region"() ({
        %run_scoped3A = tpu.sem_alloc : memref<!tpu.dma_semaphore, #tpu.memory_space<semaphore_mem>>
        %dma_start3A_377 = arith.constant 0 : i32
        %dma_start3A_378 = arith.constant 0 : i32
        %dma_start3A_379 = tpu.memref_slice %arg7[%dma_start3A_377, %dma_start3A_378] : memref<80x128xi32, #tpu.memory_space<vmem>> -> memref<20x128xi32, #tpu.memory_space<vmem>>
        %dma_start3A_380 = arith.constant 2480 : i32
        %dma_start3A_381 = arith.constant 0 : i32
        %dma_start3A_382 = tpu.memref_slice %arg4[%dma_start3A_380, %dma_start3A_381] : memref<2500x128xi32, #tpu.memory_space<hbm>> -> memref<20x128xi32, #tpu.memory_space<hbm>>
        %dma_start3A_383 = arith.constant 0 : i32
        %dma_start3A_384 = arith.constant 0 : i32
        %dma_start3A_385 = tpu.memref_slice %arg7[%dma_start3A_383, %dma_start3A_384] : memref<80x128xi32, #tpu.memory_space<vmem>> -> memref<20x128xi32, #tpu.memory_space<vmem>>
        %dma_start3A_386 = arith.constant 2480 : i32
        %dma_start3A_387 = arith.constant 0 : i32
        %dma_start3A_388 = tpu.memref_slice %arg4[%dma_start3A_386, %dma_start3A_387] : memref<2500x128xi32, #tpu.memory_space<hbm>> -> memref<20x128xi32, #tpu.memory_space<hbm>>
        tpu.enqueue_dma source(%dma_start3A_388 : memref<20x128xi32, #tpu.memory_space<hbm>>) target(%dma_start3A_385 : memref<20x128xi32, #tpu.memory_space<vmem>>) target_semaphore(%run_scoped3A : memref<!tpu.dma_semaphore, #tpu.memory_space<semaphore_mem>>)
        %dma_wait3A_389 = arith.constant 0 : i32
        %dma_wait3A_390 = arith.constant 0 : i32
        %dma_wait3A_391 = tpu.memref_slice %arg7[%dma_wait3A_389, %dma_wait3A_390] : memref<80x128xi32, #tpu.memory_space<vmem>> -> memref<20x128xi32, #tpu.memory_space<vmem>>
        %dma_wait3A_392 = arith.constant 2480 : i32
        %dma_wait3A_393 = arith.constant 0 : i32
        %dma_wait3A_394 = tpu.memref_slice %arg4[%dma_wait3A_392, %dma_wait3A_393] : memref<2500x128xi32, #tpu.memory_space<hbm>> -> memref<20x128xi32, #tpu.memory_space<hbm>>
        %dma_wait3A_395 = arith.constant 0 : i32
        %dma_wait3A_396 = arith.constant 0 : i32
        %dma_wait3A_397 = tpu.memref_slice %arg7[%dma_wait3A_395, %dma_wait3A_396] : memref<80x128xi32, #tpu.memory_space<vmem>> -> memref<20x128xi32, #tpu.memory_space<vmem>>
        %dma_wait3A_398 = arith.constant 2480 : i32
        %dma_wait3A_399 = arith.constant 0 : i32
        %dma_wait3A_400 = tpu.memref_slice %arg4[%dma_wait3A_398, %dma_wait3A_399] : memref<2500x128xi32, #tpu.memory_space<hbm>> -> memref<20x128xi32, #tpu.memory_space<hbm>>
        tpu.wait_dma2 semaphore(%run_scoped3A : memref<!tpu.dma_semaphore, #tpu.memory_space<semaphore_mem>>) src(%dma_wait3A_400 : memref<20x128xi32, #tpu.memory_space<hbm>>) dst(%dma_wait3A_397 : memref<20x128xi32, #tpu.memory_space<vmem>>)
        tpu.yield
      }) : () -> ()
    } else {
    }
    %broadcast_in_dim3A = arith.constant 0.000000e+00 : f32
    %broadcast_in_dim3A_9 = vector.broadcast %broadcast_in_dim3A : f32 to vector<16xf32>
    %scan3A = arith.constant 0 : i32
    %scan3A_10 = arith.constant 0 : i32
    %scan3A_11 = arith.constant 512 : i32
    %scan3A_12 = arith.addi %scan3A_10, %scan3A_11 : i32
    %scan3A_13 = arith.constant 1 : i32
    scf.for %scan3A_377 = %scan3A_10 to %scan3A_12 step %scan3A_13  : i32 {
      %jit3A_378 = arith.constant 4 : i32
      %div3A_379 = arith.divsi %scan3A_377, %jit3A_378 : i32
      %sign3A_380 = arith.constant 0 : i32
      %sign3A_381 = arith.cmpi sgt, %scan3A_377, %sign3A_380 : i32
      %sign3A_382 = arith.extui %sign3A_381 : i1 to i32
      %sign3A_383 = arith.constant 0 : i32
      %sign3A_384 = arith.cmpi slt, %scan3A_377, %sign3A_383 : i32
      %sign3A_385 = arith.extui %sign3A_384 : i1 to i32
      %sign3A_386 = arith.subi %sign3A_382, %sign3A_385 : i32
      %sign3A_387 = arith.constant 0 : i32
      %sign3A_388 = arith.cmpi sgt, %jit3A_378, %sign3A_387 : i32
      %sign3A_389 = arith.extui %sign3A_388 : i1 to i32
      %sign3A_390 = arith.constant 0 : i32
      %sign3A_391 = arith.cmpi slt, %jit3A_378, %sign3A_390 : i32
      %sign3A_392 = arith.extui %sign3A_391 : i1 to i32
      %sign3A_393 = arith.subi %sign3A_389, %sign3A_392 : i32
      %ne3A_394 = arith.cmpi ne, %sign3A_386, %sign3A_393 : i32
      %rem3A_395 = arith.remsi %scan3A_377, %jit3A_378 : i32
      %ne3A_396 = arith.constant 0 : i32
      %ne3A_397 = arith.cmpi ne, %rem3A_395, %ne3A_396 : i32
      %and3A_398 = arith.andi %ne3A_394, %ne3A_397 : i1
      %sub3A_399 = arith.constant 1 : i32
      %sub3A_400 = arith.subi %div3A_379, %sub3A_399 : i32
      %select_n3A_401 = arith.select %and3A_398, %sub3A_400, %div3A_379 : i32
      %jit3A_402 = arith.constant 4 : i32
      %eq3A_403 = arith.constant 0 : i32
      %eq3A_404 = arith.cmpi eq, %jit3A_402, %eq3A_403 : i32
      %jit3A_405 = arith.constant 1 : i32
      %select_n3A_406 = arith.select %eq3A_404, %jit3A_405, %jit3A_402 : i32
      %rem3A_407 = arith.remsi %scan3A_377, %select_n3A_406 : i32
      %ne3A_408 = arith.constant 0 : i32
      %ne3A_409 = arith.cmpi ne, %rem3A_407, %ne3A_408 : i32
      %lt3A_410 = arith.constant 0 : i32
      %lt3A_411 = arith.cmpi slt, %rem3A_407, %lt3A_410 : i32
      %lt3A_412 = arith.constant 0 : i32
      %lt3A_413 = arith.cmpi slt, %select_n3A_406, %lt3A_412 : i32
      %ne3A_414 = arith.xori %lt3A_411, %lt3A_413 : i1
      %and3A_415 = arith.andi %ne3A_414, %ne3A_409 : i1
      %add3A_416 = arith.addi %rem3A_407, %select_n3A_406 : i32
      %select_n3A_417 = arith.select %and3A_415, %add3A_416, %rem3A_407 : i32
      %mul3A_418 = arith.constant 16 : i32
      %mul3A_419 = arith.muli %select_n3A_417, %mul3A_418 : i32
      %swap3A = arith.index_cast %select_n3A_401 : i32 to index
      %swap3A_420 = arith.index_cast %mul3A_419 : i32 to index
      %swap3A_421 = tpu.vector_load %arg9[%swap3A, %swap3A_420] {strides = array<i32>} : memref<128x64xf32, #tpu.memory_space<vmem>>, vector<1x16xf32>,
      %swap3A_422 = vector.shape_cast %swap3A_421 : vector<1x16xf32> to vector<16xf32>
      %swap3A_423 = vector.shape_cast %broadcast_in_dim3A_9 : vector<16xf32> to vector<1x16xf32>
      tpu.vector_store %arg9[%swap3A, %swap3A_420], %swap3A_423 {strides = array<i32>} : memref<128x64xf32, #tpu.memory_space<vmem>>, vector<1x16xf32>,
    }
    %scan3A_14 = arith.constant 512 : i32
    %mul3A_15 = arith.constant 632 : i32
    %mul3A_16 = arith.muli %arg1, %mul3A_15 : i32
    %add3A_17 = arith.constant 0 : i32
    %add3A_18 = arith.addi %mul3A_16, %add3A_17 : i32
    "tpu.region"() ({
      %run_scoped3A = tpu.sem_alloc : memref<!tpu.dma_semaphore, #tpu.memory_space<semaphore_mem>>
      %dma_start3A_377 = arith.constant 0 : i32
      %dma_start3A_378 = arith.constant 0 : i32
      %dma_start3A_379 = tpu.memref_slice %arg9[%dma_start3A_377, %dma_start3A_378] : memref<128x64xf32, #tpu.memory_space<vmem>> -> memref<128x64xf32, #tpu.memory_space<vmem>>
      %dma_start3A_380 = arith.constant 0 : i32
      %dma_start3A_381 = tpu.memref_slice %arg8[%add3A_18, %dma_start3A_380] : memref<10112x64xf32, #tpu.memory_space<vmem_shared>> -> memref<128x64xf32, #tpu.memory_space<vmem_shared>>
      %dma_start3A_382 = arith.constant 0 : i32
      %dma_start3A_383 = tpu.memref_slice %arg8[%add3A_18, %dma_start3A_382] : memref<10112x64xf32, #tpu.memory_space<vmem_shared>> -> memref<128x64xf32, #tpu.memory_space<vmem_shared>>
      %dma_start3A_384 = arith.constant 0 : i32
      %dma_start3A_385 = arith.constant 0 : i32
      %dma_start3A_386 = tpu.memref_slice %arg9[%dma_start3A_384, %dma_start3A_385] : memref<128x64xf32, #tpu.memory_space<vmem>> -> memref<128x64xf32, #tpu.memory_space<vmem>>
      tpu.enqueue_dma source(%dma_start3A_386 : memref<128x64xf32, #tpu.memory_space<vmem>>) target(%dma_start3A_383 : memref<128x64xf32, #tpu.memory_space<vmem_shared>>) target_semaphore(%run_scoped3A : memref<!tpu.dma_semaphore, #tpu.memory_space<semaphore_mem>>)
      %dma_wait3A_387 = arith.constant 0 : i32
      %dma_wait3A_388 = arith.constant 0 : i32
      %dma_wait3A_389 = tpu.memref_slice %arg9[%dma_wait3A_387, %dma_wait3A_388] : memref<128x64xf32, #tpu.memory_space<vmem>> -> memref<128x64xf32, #tpu.memory_space<vmem>>
      %dma_wait3A_390 = arith.constant 0 : i32
      %dma_wait3A_391 = tpu.memref_slice %arg8[%add3A_18, %dma_wait3A_390] : memref<10112x64xf32, #tpu.memory_space<vmem_shared>> -> memref<128x64xf32, #tpu.memory_space<vmem_shared>>
      %dma_wait3A_392 = arith.constant 0 : i32
      %dma_wait3A_393 = tpu.memref_slice %arg8[%add3A_18, %dma_wait3A_392] : memref<10112x64xf32, #tpu.memory_space<vmem_shared>> -> memref<128x64xf32, #tpu.memory_space<vmem_shared>>
      %dma_wait3A_394 = arith.constant 0 : i32
      %dma_wait3A_395 = arith.constant 0 : i32
      %dma_wait3A_396 = tpu.memref_slice %arg9[%dma_wait3A_394, %dma_wait3A_395] : memref<128x64xf32, #tpu.memory_space<vmem>> -> memref<128x64xf32, #tpu.memory_space<vmem>>
      tpu.wait_dma2 semaphore(%run_scoped3A : memref<!tpu.dma_semaphore, #tpu.memory_space<semaphore_mem>>) src(%dma_wait3A_396 : memref<128x64xf32, #tpu.memory_space<vmem>>) dst(%dma_wait3A_393 : memref<128x64xf32, #tpu.memory_space<vmem_shared>>)
      tpu.yield
    }) : () -> ()
    %mul3A_19 = arith.constant 632 : i32
    %mul3A_20 = arith.muli %arg1, %mul3A_19 : i32
    %add3A_21 = arith.constant 128 : i32
    %add3A_22 = arith.addi %mul3A_20, %add3A_21 : i32
    "tpu.region"() ({
      %run_scoped3A = tpu.sem_alloc : memref<!tpu.dma_semaphore, #tpu.memory_space<semaphore_mem>>
      %dma_start3A_377 = arith.constant 0 : i32
      %dma_start3A_378 = arith.constant 0 : i32
      %dma_start3A_379 = tpu.memref_slice %arg9[%dma_start3A_377, %dma_start3A_378] : memref<128x64xf32, #tpu.memory_space<vmem>> -> memref<128x64xf32, #tpu.memory_space<vmem>>
      %dma_start3A_380 = arith.constant 0 : i32
      %dma_start3A_381 = tpu.memref_slice %arg8[%add3A_22, %dma_start3A_380] : memref<10112x64xf32, #tpu.memory_space<vmem_shared>> -> memref<128x64xf32, #tpu.memory_space<vmem_shared>>
      %dma_start3A_382 = arith.constant 0 : i32
      %dma_start3A_383 = tpu.memref_slice %arg8[%add3A_22, %dma_start3A_382] : memref<10112x64xf32, #tpu.memory_space<vmem_shared>> -> memref<128x64xf32, #tpu.memory_space<vmem_shared>>
      %dma_start3A_384 = arith.constant 0 : i32
      %dma_start3A_385 = arith.constant 0 : i32
      %dma_start3A_386 = tpu.memref_slice %arg9[%dma_start3A_384, %dma_start3A_385] : memref<128x64xf32, #tpu.memory_space<vmem>> -> memref<128x64xf32, #tpu.memory_space<vmem>>
      tpu.enqueue_dma source(%dma_start3A_386 : memref<128x64xf32, #tpu.memory_space<vmem>>) target(%dma_start3A_383 : memref<128x64xf32, #tpu.memory_space<vmem_shared>>) target_semaphore(%run_scoped3A : memref<!tpu.dma_semaphore, #tpu.memory_space<semaphore_mem>>)
      %dma_wait3A_387 = arith.constant 0 : i32
      %dma_wait3A_388 = arith.constant 0 : i32
      %dma_wait3A_389 = tpu.memref_slice %arg9[%dma_wait3A_387, %dma_wait3A_388] : memref<128x64xf32, #tpu.memory_space<vmem>> -> memref<128x64xf32, #tpu.memory_space<vmem>>
      %dma_wait3A_390 = arith.constant 0 : i32
      %dma_wait3A_391 = tpu.memref_slice %arg8[%add3A_22, %dma_wait3A_390] : memref<10112x64xf32, #tpu.memory_space<vmem_shared>> -> memref<128x64xf32, #tpu.memory_space<vmem_shared>>
      %dma_wait3A_392 = arith.constant 0 : i32
      %dma_wait3A_393 = tpu.memref_slice %arg8[%add3A_22, %dma_wait3A_392] : memref<10112x64xf32, #tpu.memory_space<vmem_shared>> -> memref<128x64xf32, #tpu.memory_space<vmem_shared>>
      %dma_wait3A_394 = arith.constant 0 : i32
      %dma_wait3A_395 = arith.constant 0 : i32
      %dma_wait3A_396 = tpu.memref_slice %arg9[%dma_wait3A_394, %dma_wait3A_395] : memref<128x64xf32, #tpu.memory_space<vmem>> -> memref<128x64xf32, #tpu.memory_space<vmem>>
      tpu.wait_dma2 semaphore(%run_scoped3A : memref<!tpu.dma_semaphore, #tpu.memory_space<semaphore_mem>>) src(%dma_wait3A_396 : memref<128x64xf32, #tpu.memory_space<vmem>>) dst(%dma_wait3A_393 : memref<128x64xf32, #tpu.memory_space<vmem_shared>>)
      tpu.yield
    }) : () -> ()
    %mul3A_23 = arith.constant 632 : i32
    %mul3A_24 = arith.muli %arg1, %mul3A_23 : i32
    %add3A_25 = arith.constant 256 : i32
    %add3A_26 = arith.addi %mul3A_24, %add3A_25 : i32
    "tpu.region"() ({
      %run_scoped3A = tpu.sem_alloc : memref<!tpu.dma_semaphore, #tpu.memory_space<semaphore_mem>>
      %dma_start3A_377 = arith.constant 0 : i32
      %dma_start3A_378 = arith.constant 0 : i32
      %dma_start3A_379 = tpu.memref_slice %arg9[%dma_start3A_377, %dma_start3A_378] : memref<128x64xf32, #tpu.memory_space<vmem>> -> memref<128x64xf32, #tpu.memory_space<vmem>>
      %dma_start3A_380 = arith.constant 0 : i32
      %dma_start3A_381 = tpu.memref_slice %arg8[%add3A_26, %dma_start3A_380] : memref<10112x64xf32, #tpu.memory_space<vmem_shared>> -> memref<128x64xf32, #tpu.memory_space<vmem_shared>>
      %dma_start3A_382 = arith.constant 0 : i32
      %dma_start3A_383 = tpu.memref_slice %arg8[%add3A_26, %dma_start3A_382] : memref<10112x64xf32, #tpu.memory_space<vmem_shared>> -> memref<128x64xf32, #tpu.memory_space<vmem_shared>>
      %dma_start3A_384 = arith.constant 0 : i32
      %dma_start3A_385 = arith.constant 0 : i32
      %dma_start3A_386 = tpu.memref_slice %arg9[%dma_start3A_384, %dma_start3A_385] : memref<128x64xf32, #tpu.memory_space<vmem>> -> memref<128x64xf32, #tpu.memory_space<vmem>>
      tpu.enqueue_dma source(%dma_start3A_386 : memref<128x64xf32, #tpu.memory_space<vmem>>) target(%dma_start3A_383 : memref<128x64xf32, #tpu.memory_space<vmem_shared>>) target_semaphore(%run_scoped3A : memref<!tpu.dma_semaphore, #tpu.memory_space<semaphore_mem>>)
      %dma_wait3A_387 = arith.constant 0 : i32
      %dma_wait3A_388 = arith.constant 0 : i32
      %dma_wait3A_389 = tpu.memref_slice %arg9[%dma_wait3A_387, %dma_wait3A_388] : memref<128x64xf32, #tpu.memory_space<vmem>> -> memref<128x64xf32, #tpu.memory_space<vmem>>
      %dma_wait3A_390 = arith.constant 0 : i32
      %dma_wait3A_391 = tpu.memref_slice %arg8[%add3A_26, %dma_wait3A_390] : memref<10112x64xf32, #tpu.memory_space<vmem_shared>> -> memref<128x64xf32, #tpu.memory_space<vmem_shared>>
      %dma_wait3A_392 = arith.constant 0 : i32
      %dma_wait3A_393 = tpu.memref_slice %arg8[%add3A_26, %dma_wait3A_392] : memref<10112x64xf32, #tpu.memory_space<vmem_shared>> -> memref<128x64xf32, #tpu.memory_space<vmem_shared>>
      %dma_wait3A_394 = arith.constant 0 : i32
      %dma_wait3A_395 = arith.constant 0 : i32
      %dma_wait3A_396 = tpu.memref_slice %arg9[%dma_wait3A_394, %dma_wait3A_395] : memref<128x64xf32, #tpu.memory_space<vmem>> -> memref<128x64xf32, #tpu.memory_space<vmem>>
      tpu.wait_dma2 semaphore(%run_scoped3A : memref<!tpu.dma_semaphore, #tpu.memory_space<semaphore_mem>>) src(%dma_wait3A_396 : memref<128x64xf32, #tpu.memory_space<vmem>>) dst(%dma_wait3A_393 : memref<128x64xf32, #tpu.memory_space<vmem_shared>>)
      tpu.yield
    }) : () -> ()
    %mul3A_27 = arith.constant 632 : i32
    %mul3A_28 = arith.muli %arg1, %mul3A_27 : i32
    %add3A_29 = arith.constant 384 : i32
    %add3A_30 = arith.addi %mul3A_28, %add3A_29 : i32
    "tpu.region"() ({
      %run_scoped3A = tpu.sem_alloc : memref<!tpu.dma_semaphore, #tpu.memory_space<semaphore_mem>>
      %dma_start3A_377 = arith.constant 0 : i32
      %dma_start3A_378 = arith.constant 0 : i32
      %dma_start3A_379 = tpu.memref_slice %arg9[%dma_start3A_377, %dma_start3A_378] : memref<128x64xf32, #tpu.memory_space<vmem>> -> memref<128x64xf32, #tpu.memory_space<vmem>>
      %dma_start3A_380 = arith.constant 0 : i32
      %dma_start3A_381 = tpu.memref_slice %arg8[%add3A_30, %dma_start3A_380] : memref<10112x64xf32, #tpu.memory_space<vmem_shared>> -> memref<128x64xf32, #tpu.memory_space<vmem_shared>>
      %dma_start3A_382 = arith.constant 0 : i32
      %dma_start3A_383 = tpu.memref_slice %arg8[%add3A_30, %dma_start3A_382] : memref<10112x64xf32, #tpu.memory_space<vmem_shared>> -> memref<128x64xf32, #tpu.memory_space<vmem_shared>>
      %dma_start3A_384 = arith.constant 0 : i32
      %dma_start3A_385 = arith.constant 0 : i32
      %dma_start3A_386 = tpu.memref_slice %arg9[%dma_start3A_384, %dma_start3A_385] : memref<128x64xf32, #tpu.memory_space<vmem>> -> memref<128x64xf32, #tpu.memory_space<vmem>>
      tpu.enqueue_dma source(%dma_start3A_386 : memref<128x64xf32, #tpu.memory_space<vmem>>) target(%dma_start3A_383 : memref<128x64xf32, #tpu.memory_space<vmem_shared>>) target_semaphore(%run_scoped3A : memref<!tpu.dma_semaphore, #tpu.memory_space<semaphore_mem>>)
      %dma_wait3A_387 = arith.constant 0 : i32
      %dma_wait3A_388 = arith.constant 0 : i32
      %dma_wait3A_389 = tpu.memref_slice %arg9[%dma_wait3A_387, %dma_wait3A_388] : memref<128x64xf32, #tpu.memory_space<vmem>> -> memref<128x64xf32, #tpu.memory_space<vmem>>
      %dma_wait3A_390 = arith.constant 0 : i32
      %dma_wait3A_391 = tpu.memref_slice %arg8[%add3A_30, %dma_wait3A_390] : memref<10112x64xf32, #tpu.memory_space<vmem_shared>> -> memref<128x64xf32, #tpu.memory_space<vmem_shared>>
      %dma_wait3A_392 = arith.constant 0 : i32
      %dma_wait3A_393 = tpu.memref_slice %arg8[%add3A_30, %dma_wait3A_392] : memref<10112x64xf32, #tpu.memory_space<vmem_shared>> -> memref<128x64xf32, #tpu.memory_space<vmem_shared>>
      %dma_wait3A_394 = arith.constant 0 : i32
      %dma_wait3A_395 = arith.constant 0 : i32
      %dma_wait3A_396 = tpu.memref_slice %arg9[%dma_wait3A_394, %dma_wait3A_395] : memref<128x64xf32, #tpu.memory_space<vmem>> -> memref<128x64xf32, #tpu.memory_space<vmem>>
      tpu.wait_dma2 semaphore(%run_scoped3A : memref<!tpu.dma_semaphore, #tpu.memory_space<semaphore_mem>>) src(%dma_wait3A_396 : memref<128x64xf32, #tpu.memory_space<vmem>>) dst(%dma_wait3A_393 : memref<128x64xf32, #tpu.memory_space<vmem_shared>>)
      tpu.yield
    }) : () -> ()
    %mul3A_31 = arith.constant 632 : i32
    %mul3A_32 = arith.muli %arg1, %mul3A_31 : i32
    %add3A_33 = arith.constant 512 : i32
    %add3A_34 = arith.addi %mul3A_32, %add3A_33 : i32
    "tpu.region"() ({
      %run_scoped3A = tpu.sem_alloc : memref<!tpu.dma_semaphore, #tpu.memory_space<semaphore_mem>>
      %dma_start3A_377 = arith.constant 0 : i32
      %dma_start3A_378 = arith.constant 0 : i32
      %dma_start3A_379 = tpu.memref_slice %arg9[%dma_start3A_377, %dma_start3A_378] : memref<128x64xf32, #tpu.memory_space<vmem>> -> memref<120x64xf32, #tpu.memory_space<vmem>>
      %dma_start3A_380 = arith.constant 0 : i32
      %dma_start3A_381 = tpu.memref_slice %arg8[%add3A_34, %dma_start3A_380] : memref<10112x64xf32, #tpu.memory_space<vmem_shared>> -> memref<120x64xf32, #tpu.memory_space<vmem_shared>>
      %dma_start3A_382 = arith.constant 0 : i32
      %dma_start3A_383 = tpu.memref_slice %arg8[%add3A_34, %dma_start3A_382] : memref<10112x64xf32, #tpu.memory_space<vmem_shared>> -> memref<120x64xf32, #tpu.memory_space<vmem_shared>>
      %dma_start3A_384 = arith.constant 0 : i32
      %dma_start3A_385 = arith.constant 0 : i32
      %dma_start3A_386 = tpu.memref_slice %arg9[%dma_start3A_384, %dma_start3A_385] : memref<128x64xf32, #tpu.memory_space<vmem>> -> memref<120x64xf32, #tpu.memory_space<vmem>>
      tpu.enqueue_dma source(%dma_start3A_386 : memref<120x64xf32, #tpu.memory_space<vmem>>) target(%dma_start3A_383 : memref<120x64xf32, #tpu.memory_space<vmem_shared>>) target_semaphore(%run_scoped3A : memref<!tpu.dma_semaphore, #tpu.memory_space<semaphore_mem>>)
      %dma_wait3A_387 = arith.constant 0 : i32
      %dma_wait3A_388 = arith.constant 0 : i32
      %dma_wait3A_389 = tpu.memref_slice %arg9[%dma_wait3A_387, %dma_wait3A_388] : memref<128x64xf32, #tpu.memory_space<vmem>> -> memref<120x64xf32, #tpu.memory_space<vmem>>
      %dma_wait3A_390 = arith.constant 0 : i32
      %dma_wait3A_391 = tpu.memref_slice %arg8[%add3A_34, %dma_wait3A_390] : memref<10112x64xf32, #tpu.memory_space<vmem_shared>> -> memref<120x64xf32, #tpu.memory_space<vmem_shared>>
      %dma_wait3A_392 = arith.constant 0 : i32
      %dma_wait3A_393 = tpu.memref_slice %arg8[%add3A_34, %dma_wait3A_392] : memref<10112x64xf32, #tpu.memory_space<vmem_shared>> -> memref<120x64xf32, #tpu.memory_space<vmem_shared>>
      %dma_wait3A_394 = arith.constant 0 : i32
      %dma_wait3A_395 = arith.constant 0 : i32
      %dma_wait3A_396 = tpu.memref_slice %arg9[%dma_wait3A_394, %dma_wait3A_395] : memref<128x64xf32, #tpu.memory_space<vmem>> -> memref<120x64xf32, #tpu.memory_space<vmem>>
      tpu.wait_dma2 semaphore(%run_scoped3A : memref<!tpu.dma_semaphore, #tpu.memory_space<semaphore_mem>>) src(%dma_wait3A_396 : memref<120x64xf32, #tpu.memory_space<vmem>>) dst(%dma_wait3A_393 : memref<120x64xf32, #tpu.memory_space<vmem_shared>>)
      tpu.yield
    }) : () -> ()
    %barrier3A = arith.constant 0 : index
    tpu.barrier barrier_id(%barrier3A)
    %dma_start3A = arith.constant 0 : i32
    %dma_start3A_35 = arith.constant 0 : i32
    %dma_start3A_36 = tpu.memref_slice %arg6[%dma_start3A, %dma_start3A_35] : memref<80x128xi32, #tpu.memory_space<vmem>> -> memref<1x128xi32, #tpu.memory_space<vmem>>
    %dma_start3A_37 = tpu.memref_squeeze %dma_start3A_36 : memref<1x128xi32, #tpu.memory_space<vmem>> -> memref<128xi32, #tpu.memory_space<vmem>>
    %dma_start3A_38 = arith.constant 0 : i32
    %dma_start3A_39 = arith.constant 0 : i32
    %dma_start3A_40 = tpu.memref_slice %arg2[%dma_start3A_38, %dma_start3A_39] : memref<10240x64xf32, #tpu.memory_space<hbm>> -> memref<10240x64xf32, #tpu.memory_space<hbm>>
    tpu.enqueue_indirect_dma source(%dma_start3A_40 : memref<10240x64xf32, #tpu.memory_space<hbm>>) target(%arg9 : memref<128x64xf32, #tpu.memory_space<vmem>>) offsets(%dma_start3A_37 : memref<128xi32, #tpu.memory_space<vmem>>) semaphore(%arg14 : memref<!tpu.dma_semaphore, #tpu.memory_space<semaphore_mem>>)
    %dma_start3A_41 = arith.constant 1 : i32
    %dma_start3A_42 = arith.constant 0 : i32
    %dma_start3A_43 = tpu.memref_slice %arg6[%dma_start3A_41, %dma_start3A_42] : memref<80x128xi32, #tpu.memory_space<vmem>> -> memref<1x128xi32, #tpu.memory_space<vmem>>
    %dma_start3A_44 = tpu.memref_squeeze %dma_start3A_43 : memref<1x128xi32, #tpu.memory_space<vmem>> -> memref<128xi32, #tpu.memory_space<vmem>>
    %dma_start3A_45 = arith.constant 0 : i32
    %dma_start3A_46 = arith.constant 0 : i32
    %dma_start3A_47 = tpu.memref_slice %arg2[%dma_start3A_45, %dma_start3A_46] : memref<10240x64xf32, #tpu.memory_space<hbm>> -> memref<10240x64xf32, #tpu.memory_space<hbm>>
    tpu.enqueue_indirect_dma source(%dma_start3A_47 : memref<10240x64xf32, #tpu.memory_space<hbm>>) target(%arg10 : memref<128x64xf32, #tpu.memory_space<vmem>>) offsets(%dma_start3A_44 : memref<128xi32, #tpu.memory_space<vmem>>) semaphore(%arg15 : memref<!tpu.dma_semaphore, #tpu.memory_space<semaphore_mem>>)
    %dma_start3A_48 = arith.constant 2 : i32
    %dma_start3A_49 = arith.constant 0 : i32
    %dma_start3A_50 = tpu.memref_slice %arg6[%dma_start3A_48, %dma_start3A_49] : memref<80x128xi32, #tpu.memory_space<vmem>> -> memref<1x128xi32, #tpu.memory_space<vmem>>
    %dma_start3A_51 = tpu.memref_squeeze %dma_start3A_50 : memref<1x128xi32, #tpu.memory_space<vmem>> -> memref<128xi32, #tpu.memory_space<vmem>>
    %dma_start3A_52 = arith.constant 0 : i32
    %dma_start3A_53 = arith.constant 0 : i32
    %dma_start3A_54 = tpu.memref_slice %arg2[%dma_start3A_52, %dma_start3A_53] : memref<10240x64xf32, #tpu.memory_space<hbm>> -> memref<10240x64xf32, #tpu.memory_space<hbm>>
    tpu.enqueue_indirect_dma source(%dma_start3A_54 : memref<10240x64xf32, #tpu.memory_space<hbm>>) target(%arg11 : memref<128x64xf32, #tpu.memory_space<vmem>>) offsets(%dma_start3A_51 : memref<128xi32, #tpu.memory_space<vmem>>) semaphore(%arg16 : memref<!tpu.dma_semaphore, #tpu.memory_space<semaphore_mem>>)
    %dma_wait3A = arith.constant 0 : i32
    %dma_wait3A_55 = arith.constant 0 : i32
    %dma_wait3A_56 = tpu.memref_slice %arg6[%dma_wait3A, %dma_wait3A_55] : memref<80x128xi32, #tpu.memory_space<vmem>> -> memref<1x128xi32, #tpu.memory_space<vmem>>
    %dma_wait3A_57 = tpu.memref_squeeze %dma_wait3A_56 : memref<1x128xi32, #tpu.memory_space<vmem>> -> memref<128xi32, #tpu.memory_space<vmem>>
    %dma_wait3A_58 = arith.constant 0 : i32
    %dma_wait3A_59 = arith.constant 0 : i32
    %dma_wait3A_60 = tpu.memref_slice %arg2[%dma_wait3A_58, %dma_wait3A_59] : memref<10240x64xf32, #tpu.memory_space<hbm>> -> memref<10240x64xf32, #tpu.memory_space<hbm>>
    tpu.wait_indirect_dma semaphore(%arg14 : memref<!tpu.dma_semaphore, #tpu.memory_space<semaphore_mem>>) src(%dma_wait3A_60 : memref<10240x64xf32, #tpu.memory_space<hbm>>) dst(%arg9 : memref<128x64xf32, #tpu.memory_space<vmem>>)
    %dma_start3A_61 = arith.constant 0 : i32
    %dma_start3A_62 = arith.constant 0 : i32
    %dma_start3A_63 = tpu.memref_slice %arg7[%dma_start3A_61, %dma_start3A_62] : memref<80x128xi32, #tpu.memory_space<vmem>> -> memref<1x128xi32, #tpu.memory_space<vmem>>
    %dma_start3A_64 = tpu.memref_squeeze %dma_start3A_63 : memref<1x128xi32, #tpu.memory_space<vmem>> -> memref<128xi32, #tpu.memory_space<vmem>>
    %dma_start3A_65 = arith.constant 0 : i32
    %dma_start3A_66 = arith.constant 0 : i32
    %dma_start3A_67 = tpu.memref_slice %arg8[%dma_start3A_65, %dma_start3A_66] : memref<10112x64xf32, #tpu.memory_space<vmem_shared>> -> memref<10112x64xf32, #tpu.memory_space<vmem_shared>>
    tpu.enqueue_indirect_dma source(%arg9 : memref<128x64xf32, #tpu.memory_space<vmem>>) target(%dma_start3A_67 : memref<10112x64xf32, #tpu.memory_space<vmem_shared>>) offsets(%dma_start3A_64 : memref<128xi32, #tpu.memory_space<vmem>>) semaphore(%arg19 : memref<!tpu.dma_semaphore, #tpu.memory_space<semaphore_mem>>) {add = true}
    %dma_start3A_68 = arith.constant 3 : i32
    %dma_start3A_69 = arith.constant 0 : i32
    %dma_start3A_70 = tpu.memref_slice %arg6[%dma_start3A_68, %dma_start3A_69] : memref<80x128xi32, #tpu.memory_space<vmem>> -> memref<1x128xi32, #tpu.memory_space<vmem>>
    %dma_start3A_71 = tpu.memref_squeeze %dma_start3A_70 : memref<1x128xi32, #tpu.memory_space<vmem>> -> memref<128xi32, #tpu.memory_space<vmem>>
    %dma_start3A_72 = arith.constant 0 : i32
    %dma_start3A_73 = arith.constant 0 : i32
    %dma_start3A_74 = tpu.memref_slice %arg2[%dma_start3A_72, %dma_start3A_73] : memref<10240x64xf32, #tpu.memory_space<hbm>> -> memref<10240x64xf32, #tpu.memory_space<hbm>>
    tpu.enqueue_indirect_dma source(%dma_start3A_74 : memref<10240x64xf32, #tpu.memory_space<hbm>>) target(%arg12 : memref<128x64xf32, #tpu.memory_space<vmem>>) offsets(%dma_start3A_71 : memref<128xi32, #tpu.memory_space<vmem>>) semaphore(%arg17 : memref<!tpu.dma_semaphore, #tpu.memory_space<semaphore_mem>>)
    %dma_wait3A_75 = arith.constant 0 : i32
    %dma_wait3A_76 = arith.constant 0 : i32
    %dma_wait3A_77 = tpu.memref_slice %arg6[%dma_wait3A_75, %dma_wait3A_76] : memref<80x128xi32, #tpu.memory_space<vmem>> -> memref<1x128xi32, #tpu.memory_space<vmem>>
    %dma_wait3A_78 = tpu.memref_squeeze %dma_wait3A_77 : memref<1x128xi32, #tpu.memory_space<vmem>> -> memref<128xi32, #tpu.memory_space<vmem>>
    %dma_wait3A_79 = arith.constant 0 : i32
    %dma_wait3A_80 = arith.constant 0 : i32
    %dma_wait3A_81 = tpu.memref_slice %arg2[%dma_wait3A_79, %dma_wait3A_80] : memref<10240x64xf32, #tpu.memory_space<hbm>> -> memref<10240x64xf32, #tpu.memory_space<hbm>>
    tpu.wait_indirect_dma semaphore(%arg15 : memref<!tpu.dma_semaphore, #tpu.memory_space<semaphore_mem>>) src(%dma_wait3A_81 : memref<10240x64xf32, #tpu.memory_space<hbm>>) dst(%arg10 : memref<128x64xf32, #tpu.memory_space<vmem>>)
    %dma_start3A_82 = arith.constant 1 : i32
    %dma_start3A_83 = arith.constant 0 : i32
    %dma_start3A_84 = tpu.memref_slice %arg7[%dma_start3A_82, %dma_start3A_83] : memref<80x128xi32, #tpu.memory_space<vmem>> -> memref<1x128xi32, #tpu.memory_space<vmem>>
    %dma_start3A_85 = tpu.memref_squeeze %dma_start3A_84 : memref<1x128xi32, #tpu.memory_space<vmem>> -> memref<128xi32, #tpu.memory_space<vmem>>
    %dma_start3A_86 = arith.constant 0 : i32
    %dma_start3A_87 = arith.constant 0 : i32
    %dma_start3A_88 = tpu.memref_slice %arg8[%dma_start3A_86, %dma_start3A_87] : memref<10112x64xf32, #tpu.memory_space<vmem_shared>> -> memref<10112x64xf32, #tpu.memory_space<vmem_shared>>
    tpu.enqueue_indirect_dma source(%arg10 : memref<128x64xf32, #tpu.memory_space<vmem>>) target(%dma_start3A_88 : memref<10112x64xf32, #tpu.memory_space<vmem_shared>>) offsets(%dma_start3A_85 : memref<128xi32, #tpu.memory_space<vmem>>) semaphore(%arg20 : memref<!tpu.dma_semaphore, #tpu.memory_space<semaphore_mem>>) {add = true}
    %dma_start3A_89 = arith.constant 4 : i32
    %dma_start3A_90 = arith.constant 0 : i32
    %dma_start3A_91 = tpu.memref_slice %arg6[%dma_start3A_89, %dma_start3A_90] : memref<80x128xi32, #tpu.memory_space<vmem>> -> memref<1x128xi32, #tpu.memory_space<vmem>>
    %dma_start3A_92 = tpu.memref_squeeze %dma_start3A_91 : memref<1x128xi32, #tpu.memory_space<vmem>> -> memref<128xi32, #tpu.memory_space<vmem>>
    %dma_start3A_93 = arith.constant 0 : i32
    %dma_start3A_94 = arith.constant 0 : i32
    %dma_start3A_95 = tpu.memref_slice %arg2[%dma_start3A_93, %dma_start3A_94] : memref<10240x64xf32, #tpu.memory_space<hbm>> -> memref<10240x64xf32, #tpu.memory_space<hbm>>
    tpu.enqueue_indirect_dma source(%dma_start3A_95 : memref<10240x64xf32, #tpu.memory_space<hbm>>) target(%arg13 : memref<128x64xf32, #tpu.memory_space<vmem>>) offsets(%dma_start3A_92 : memref<128xi32, #tpu.memory_space<vmem>>) semaphore(%arg18 : memref<!tpu.dma_semaphore, #tpu.memory_space<semaphore_mem>>)
    %dma_wait3A_96 = arith.constant 0 : i32
    %dma_wait3A_97 = arith.constant 0 : i32
    %dma_wait3A_98 = tpu.memref_slice %arg6[%dma_wait3A_96, %dma_wait3A_97] : memref<80x128xi32, #tpu.memory_space<vmem>> -> memref<1x128xi32, #tpu.memory_space<vmem>>
    %dma_wait3A_99 = tpu.memref_squeeze %dma_wait3A_98 : memref<1x128xi32, #tpu.memory_space<vmem>> -> memref<128xi32, #tpu.memory_space<vmem>>
    %dma_wait3A_100 = arith.constant 0 : i32
    %dma_wait3A_101 = arith.constant 0 : i32
    %dma_wait3A_102 = tpu.memref_slice %arg2[%dma_wait3A_100, %dma_wait3A_101] : memref<10240x64xf32, #tpu.memory_space<hbm>> -> memref<10240x64xf32, #tpu.memory_space<hbm>>
    tpu.wait_indirect_dma semaphore(%arg16 : memref<!tpu.dma_semaphore, #tpu.memory_space<semaphore_mem>>) src(%dma_wait3A_102 : memref<10240x64xf32, #tpu.memory_space<hbm>>) dst(%arg11 : memref<128x64xf32, #tpu.memory_space<vmem>>)
    %dma_start3A_103 = arith.constant 2 : i32
    %dma_start3A_104 = arith.constant 0 : i32
    %dma_start3A_105 = tpu.memref_slice %arg7[%dma_start3A_103, %dma_start3A_104] : memref<80x128xi32, #tpu.memory_space<vmem>> -> memref<1x128xi32, #tpu.memory_space<vmem>>
    %dma_start3A_106 = tpu.memref_squeeze %dma_start3A_105 : memref<1x128xi32, #tpu.memory_space<vmem>> -> memref<128xi32, #tpu.memory_space<vmem>>
    %dma_start3A_107 = arith.constant 0 : i32
    %dma_start3A_108 = arith.constant 0 : i32
    %dma_start3A_109 = tpu.memref_slice %arg8[%dma_start3A_107, %dma_start3A_108] : memref<10112x64xf32, #tpu.memory_space<vmem_shared>> -> memref<10112x64xf32, #tpu.memory_space<vmem_shared>>
    tpu.enqueue_indirect_dma source(%arg11 : memref<128x64xf32, #tpu.memory_space<vmem>>) target(%dma_start3A_109 : memref<10112x64xf32, #tpu.memory_space<vmem_shared>>) offsets(%dma_start3A_106 : memref<128xi32, #tpu.memory_space<vmem>>) semaphore(%arg21 : memref<!tpu.dma_semaphore, #tpu.memory_space<semaphore_mem>>) {add = true}
    %dma_wait3A_110 = arith.constant 0 : i32
    %dma_wait3A_111 = arith.constant 0 : i32
    %dma_wait3A_112 = tpu.memref_slice %arg7[%dma_wait3A_110, %dma_wait3A_111] : memref<80x128xi32, #tpu.memory_space<vmem>> -> memref<1x128xi32, #tpu.memory_space<vmem>>
    %dma_wait3A_113 = tpu.memref_squeeze %dma_wait3A_112 : memref<1x128xi32, #tpu.memory_space<vmem>> -> memref<128xi32, #tpu.memory_space<vmem>>
    %dma_wait3A_114 = arith.constant 0 : i32
    %dma_wait3A_115 = arith.constant 0 : i32
    %dma_wait3A_116 = tpu.memref_slice %arg8[%dma_wait3A_114, %dma_wait3A_115] : memref<10112x64xf32, #tpu.memory_space<vmem_shared>> -> memref<10112x64xf32, #tpu.memory_space<vmem_shared>>
    tpu.wait_indirect_dma semaphore(%arg19 : memref<!tpu.dma_semaphore, #tpu.memory_space<semaphore_mem>>) src(%arg9 : memref<128x64xf32, #tpu.memory_space<vmem>>) dst(%dma_wait3A_116 : memref<10112x64xf32, #tpu.memory_space<vmem_shared>>)
    %dma_start3A_117 = arith.constant 5 : i32
    %dma_start3A_118 = arith.constant 0 : i32
    %dma_start3A_119 = tpu.memref_slice %arg6[%dma_start3A_117, %dma_start3A_118] : memref<80x128xi32, #tpu.memory_space<vmem>> -> memref<1x128xi32, #tpu.memory_space<vmem>>
    %dma_start3A_120 = tpu.memref_squeeze %dma_start3A_119 : memref<1x128xi32, #tpu.memory_space<vmem>> -> memref<128xi32, #tpu.memory_space<vmem>>
    %dma_start3A_121 = arith.constant 0 : i32
    %dma_start3A_122 = arith.constant 0 : i32
    %dma_start3A_123 = tpu.memref_slice %arg2[%dma_start3A_121, %dma_start3A_122] : memref<10240x64xf32, #tpu.memory_space<hbm>> -> memref<10240x64xf32, #tpu.memory_space<hbm>>
    tpu.enqueue_indirect_dma source(%dma_start3A_123 : memref<10240x64xf32, #tpu.memory_space<hbm>>) target(%arg9 : memref<128x64xf32, #tpu.memory_space<vmem>>) offsets(%dma_start3A_120 : memref<128xi32, #tpu.memory_space<vmem>>) semaphore(%arg14 : memref<!tpu.dma_semaphore, #tpu.memory_space<semaphore_mem>>)
    %dma_wait3A_124 = arith.constant 0 : i32
    %dma_wait3A_125 = arith.constant 0 : i32
    %dma_wait3A_126 = tpu.memref_slice %arg6[%dma_wait3A_124, %dma_wait3A_125] : memref<80x128xi32, #tpu.memory_space<vmem>> -> memref<1x128xi32, #tpu.memory_space<vmem>>
    %dma_wait3A_127 = tpu.memref_squeeze %dma_wait3A_126 : memref<1x128xi32, #tpu.memory_space<vmem>> -> memref<128xi32, #tpu.memory_space<vmem>>
    %dma_wait3A_128 = arith.constant 0 : i32
    %dma_wait3A_129 = arith.constant 0 : i32
    %dma_wait3A_130 = tpu.memref_slice %arg2[%dma_wait3A_128, %dma_wait3A_129] : memref<10240x64xf32, #tpu.memory_space<hbm>> -> memref<10240x64xf32, #tpu.memory_space<hbm>>
    tpu.wait_indirect_dma semaphore(%arg17 : memref<!tpu.dma_semaphore, #tpu.memory_space<semaphore_mem>>) src(%dma_wait3A_130 : memref<10240x64xf32, #tpu.memory_space<hbm>>) dst(%arg12 : memref<128x64xf32, #tpu.memory_space<vmem>>)
    %dma_start3A_131 = arith.constant 3 : i32
    %dma_start3A_132 = arith.constant 0 : i32
    %dma_start3A_133 = tpu.memref_slice %arg7[%dma_start3A_131, %dma_start3A_132] : memref<80x128xi32, #tpu.memory_space<vmem>> -> memref<1x128xi32, #tpu.memory_space<vmem>>
    %dma_start3A_134 = tpu.memref_squeeze %dma_start3A_133 : memref<1x128xi32, #tpu.memory_space<vmem>> -> memref<128xi32, #tpu.memory_space<vmem>>
    %dma_start3A_135 = arith.constant 0 : i32
    %dma_start3A_136 = arith.constant 0 : i32
    %dma_start3A_137 = tpu.memref_slice %arg8[%dma_start3A_135, %dma_start3A_136] : memref<10112x64xf32, #tpu.memory_space<vmem_shared>> -> memref<10112x64xf32, #tpu.memory_space<vmem_shared>>
    tpu.enqueue_indirect_dma source(%arg12 : memref<128x64xf32, #tpu.memory_space<vmem>>) target(%dma_start3A_137 : memref<10112x64xf32, #tpu.memory_space<vmem_shared>>) offsets(%dma_start3A_134 : memref<128xi32, #tpu.memory_space<vmem>>) semaphore(%arg22 : memref<!tpu.dma_semaphore, #tpu.memory_space<semaphore_mem>>) {add = true}
    %dma_wait3A_138 = arith.constant 0 : i32
    %dma_wait3A_139 = arith.constant 0 : i32
    %dma_wait3A_140 = tpu.memref_slice %arg7[%dma_wait3A_138, %dma_wait3A_139] : memref<80x128xi32, #tpu.memory_space<vmem>> -> memref<1x128xi32, #tpu.memory_space<vmem>>
    %dma_wait3A_141 = tpu.memref_squeeze %dma_wait3A_140 : memref<1x128xi32, #tpu.memory_space<vmem>> -> memref<128xi32, #tpu.memory_space<vmem>>
    %dma_wait3A_142 = arith.constant 0 : i32
    %dma_wait3A_143 = arith.constant 0 : i32
    %dma_wait3A_144 = tpu.memref_slice %arg8[%dma_wait3A_142, %dma_wait3A_143] : memref<10112x64xf32, #tpu.memory_space<vmem_shared>> -> memref<10112x64xf32, #tpu.memory_space<vmem_shared>>
    tpu.wait_indirect_dma semaphore(%arg20 : memref<!tpu.dma_semaphore, #tpu.memory_space<semaphore_mem>>) src(%arg10 : memref<128x64xf32, #tpu.memory_space<vmem>>) dst(%dma_wait3A_144 : memref<10112x64xf32, #tpu.memory_space<vmem_shared>>)
    %dma_start3A_145 = arith.constant 6 : i32
    %dma_start3A_146 = arith.constant 0 : i32
    %dma_start3A_147 = tpu.memref_slice %arg6[%dma_start3A_145, %dma_start3A_146] : memref<80x128xi32, #tpu.memory_space<vmem>> -> memref<1x128xi32, #tpu.memory_space<vmem>>
    %dma_start3A_148 = tpu.memref_squeeze %dma_start3A_147 : memref<1x128xi32, #tpu.memory_space<vmem>> -> memref<128xi32, #tpu.memory_space<vmem>>
    %dma_start3A_149 = arith.constant 0 : i32
    %dma_start3A_150 = arith.constant 0 : i32
    %dma_start3A_151 = tpu.memref_slice %arg2[%dma_start3A_149, %dma_start3A_150] : memref<10240x64xf32, #tpu.memory_space<hbm>> -> memref<10240x64xf32, #tpu.memory_space<hbm>>
    tpu.enqueue_indirect_dma source(%dma_start3A_151 : memref<10240x64xf32, #tpu.memory_space<hbm>>) target(%arg10 : memref<128x64xf32, #tpu.memory_space<vmem>>) offsets(%dma_start3A_148 : memref<128xi32, #tpu.memory_space<vmem>>) semaphore(%arg15 : memref<!tpu.dma_semaphore, #tpu.memory_space<semaphore_mem>>)
    %dma_wait3A_152 = arith.constant 0 : i32
    %dma_wait3A_153 = arith.constant 0 : i32
    %dma_wait3A_154 = tpu.memref_slice %arg6[%dma_wait3A_152, %dma_wait3A_153] : memref<80x128xi32, #tpu.memory_space<vmem>> -> memref<1x128xi32, #tpu.memory_space<vmem>>
    %dma_wait3A_155 = tpu.memref_squeeze %dma_wait3A_154 : memref<1x128xi32, #tpu.memory_space<vmem>> -> memref<128xi32, #tpu.memory_space<vmem>>
    %dma_wait3A_156 = arith.constant 0 : i32
    %dma_wait3A_157 = arith.constant 0 : i32
    %dma_wait3A_158 = tpu.memref_slice %arg2[%dma_wait3A_156, %dma_wait3A_157] : memref<10240x64xf32, #tpu.memory_space<hbm>> -> memref<10240x64xf32, #tpu.memory_space<hbm>>
    tpu.wait_indirect_dma semaphore(%arg18 : memref<!tpu.dma_semaphore, #tpu.memory_space<semaphore_mem>>) src(%dma_wait3A_158 : memref<10240x64xf32, #tpu.memory_space<hbm>>) dst(%arg13 : memref<128x64xf32, #tpu.memory_space<vmem>>)
    %dma_start3A_159 = arith.constant 4 : i32
    %dma_start3A_160 = arith.constant 0 : i32
    %dma_start3A_161 = tpu.memref_slice %arg7[%dma_start3A_159, %dma_start3A_160] : memref<80x128xi32, #tpu.memory_space<vmem>> -> memref<1x128xi32, #tpu.memory_space<vmem>>
    %dma_start3A_162 = tpu.memref_squeeze %dma_start3A_161 : memref<1x128xi32, #tpu.memory_space<vmem>> -> memref<128xi32, #tpu.memory_space<vmem>>
    %dma_start3A_163 = arith.constant 0 : i32
    %dma_start3A_164 = arith.constant 0 : i32
    %dma_start3A_165 = tpu.memref_slice %arg8[%dma_start3A_163, %dma_start3A_164] : memref<10112x64xf32, #tpu.memory_space<vmem_shared>> -> memref<10112x64xf32, #tpu.memory_space<vmem_shared>>
    tpu.enqueue_indirect_dma source(%arg13 : memref<128x64xf32, #tpu.memory_space<vmem>>) target(%dma_start3A_165 : memref<10112x64xf32, #tpu.memory_space<vmem_shared>>) offsets(%dma_start3A_162 : memref<128xi32, #tpu.memory_space<vmem>>) semaphore(%arg23 : memref<!tpu.dma_semaphore, #tpu.memory_space<semaphore_mem>>) {add = true}
    %dma_wait3A_166 = arith.constant 0 : i32
    %dma_wait3A_167 = arith.constant 0 : i32
    %dma_wait3A_168 = tpu.memref_slice %arg7[%dma_wait3A_166, %dma_wait3A_167] : memref<80x128xi32, #tpu.memory_space<vmem>> -> memref<1x128xi32, #tpu.memory_space<vmem>>
    %dma_wait3A_169 = tpu.memref_squeeze %dma_wait3A_168 : memref<1x128xi32, #tpu.memory_space<vmem>> -> memref<128xi32, #tpu.memory_space<vmem>>
    %dma_wait3A_170 = arith.constant 0 : i32
    %dma_wait3A_171 = arith.constant 0 : i32
    %dma_wait3A_172 = tpu.memref_slice %arg8[%dma_wait3A_170, %dma_wait3A_171] : memref<10112x64xf32, #tpu.memory_space<vmem_shared>> -> memref<10112x64xf32, #tpu.memory_space<vmem_shared>>
    tpu.wait_indirect_dma semaphore(%arg21 : memref<!tpu.dma_semaphore, #tpu.memory_space<semaphore_mem>>) src(%arg11 : memref<128x64xf32, #tpu.memory_space<vmem>>) dst(%dma_wait3A_172 : memref<10112x64xf32, #tpu.memory_space<vmem_shared>>)
    %dma_start3A_173 = arith.constant 7 : i32
    %dma_start3A_174 = arith.constant 0 : i32
    %dma_start3A_175 = tpu.memref_slice %arg6[%dma_start3A_173, %dma_start3A_174] : memref<80x128xi32, #tpu.memory_space<vmem>> -> memref<1x128xi32, #tpu.memory_space<vmem>>
    %dma_start3A_176 = tpu.memref_squeeze %dma_start3A_175 : memref<1x128xi32, #tpu.memory_space<vmem>> -> memref<128xi32, #tpu.memory_space<vmem>>
    %dma_start3A_177 = arith.constant 0 : i32
    %dma_start3A_178 = arith.constant 0 : i32
    %dma_start3A_179 = tpu.memref_slice %arg2[%dma_start3A_177, %dma_start3A_178] : memref<10240x64xf32, #tpu.memory_space<hbm>> -> memref<10240x64xf32, #tpu.memory_space<hbm>>
    tpu.enqueue_indirect_dma source(%dma_start3A_179 : memref<10240x64xf32, #tpu.memory_space<hbm>>) target(%arg11 : memref<128x64xf32, #tpu.memory_space<vmem>>) offsets(%dma_start3A_176 : memref<128xi32, #tpu.memory_space<vmem>>) semaphore(%arg16 : memref<!tpu.dma_semaphore, #tpu.memory_space<semaphore_mem>>)
    %eq3A_180 = arith.constant 31 : i32
    %eq3A_181 = arith.cmpi eq, %add3A, %eq3A_180 : i32
    %jit3A = arith.constant 20 : i32
    %jit3A_182 = arith.constant 80 : i32
    %select_n3A = arith.select %eq3A_181, %jit3A, %jit3A_182 : i32
    %jit3A_183 = arith.constant 5 : i32
    %div3A = arith.divsi %select_n3A, %jit3A_183 : i32
    %sign3A = arith.constant 0 : i32
    %sign3A_184 = arith.cmpi sgt, %select_n3A, %sign3A : i32
    %sign3A_185 = arith.extui %sign3A_184 : i1 to i32
    %sign3A_186 = arith.constant 0 : i32
    %sign3A_187 = arith.cmpi slt, %select_n3A, %sign3A_186 : i32
    %sign3A_188 = arith.extui %sign3A_187 : i1 to i32
    %sign3A_189 = arith.subi %sign3A_185, %sign3A_188 : i32
    %sign3A_190 = arith.constant 0 : i32
    %sign3A_191 = arith.cmpi sgt, %jit3A_183, %sign3A_190 : i32
    %sign3A_192 = arith.extui %sign3A_191 : i1 to i32
    %sign3A_193 = arith.constant 0 : i32
    %sign3A_194 = arith.cmpi slt, %jit3A_183, %sign3A_193 : i32
    %sign3A_195 = arith.extui %sign3A_194 : i1 to i32
    %sign3A_196 = arith.subi %sign3A_192, %sign3A_195 : i32
    %ne3A = arith.cmpi ne, %sign3A_189, %sign3A_196 : i32
    %rem3A = arith.remsi %select_n3A, %jit3A_183 : i32
    %ne3A_197 = arith.constant 0 : i32
    %ne3A_198 = arith.cmpi ne, %rem3A, %ne3A_197 : i32
    %and3A = arith.andi %ne3A, %ne3A_198 : i1
    %sub3A = arith.constant 1 : i32
    %sub3A_199 = arith.subi %div3A, %sub3A : i32
    %select_n3A_200 = arith.select %and3A, %sub3A_199, %div3A : i32
    %sub3A_201 = arith.constant 1 : i32
    %sub3A_202 = arith.subi %select_n3A_200, %sub3A_201 : i32
    %while3A = arith.constant 0 : i32
    %while3A_203 = arith.constant 1 : i32
    %while3A_204 = arith.subi %sub3A_202, %while3A_203 : i32
    %while3A_205 = arith.addi %while3A_203, %while3A_204 : i32
    %while3A_206 = arith.constant 1 : i32
    %while3A_207 = arith.divsi %while3A_204, %while3A_206 : i32
    %while3A_208 = arith.muli %while3A_207, %while3A_206 : i32
    %while3A_209 = arith.addi %while3A_203, %while3A_208 : i32
    %while3A_210 = arith.constant 1 : i32
    scf.for %while3A_377 = %while3A_203 to %while3A_209 step %while3A_210  : i32 {
      %mul3A_378 = arith.constant 5 : i32
      %mul3A_379 = arith.muli %while3A_377, %mul3A_378 : i32
      %add3A_380 = arith.constant 0 : i32
      %add3A_381 = arith.addi %mul3A_379, %add3A_380 : i32
      %dma_wait3A_382 = arith.constant 0 : i32
      %dma_wait3A_383 = arith.constant 0 : i32
      %dma_wait3A_384 = tpu.memref_slice %arg6[%dma_wait3A_382, %dma_wait3A_383] : memref<80x128xi32, #tpu.memory_space<vmem>> -> memref<1x128xi32, #tpu.memory_space<vmem>>
      %dma_wait3A_385 = tpu.memref_squeeze %dma_wait3A_384 : memref<1x128xi32, #tpu.memory_space<vmem>> -> memref<128xi32, #tpu.memory_space<vmem>>
      %dma_wait3A_386 = arith.constant 0 : i32
      %dma_wait3A_387 = arith.constant 0 : i32
      %dma_wait3A_388 = tpu.memref_slice %arg2[%dma_wait3A_386, %dma_wait3A_387] : memref<10240x64xf32, #tpu.memory_space<hbm>> -> memref<10240x64xf32, #tpu.memory_space<hbm>>
      tpu.wait_indirect_dma semaphore(%arg14 : memref<!tpu.dma_semaphore, #tpu.memory_space<semaphore_mem>>) src(%dma_wait3A_388 : memref<10240x64xf32, #tpu.memory_space<hbm>>) dst(%arg9 : memref<128x64xf32, #tpu.memory_space<vmem>>)
      %dma_start3A_389 = arith.constant 0 : i32
      %dma_start3A_390 = tpu.memref_slice %arg7[%add3A_381, %dma_start3A_389] : memref<80x128xi32, #tpu.memory_space<vmem>> -> memref<1x128xi32, #tpu.memory_space<vmem>>
      %dma_start3A_391 = tpu.memref_squeeze %dma_start3A_390 : memref<1x128xi32, #tpu.memory_space<vmem>> -> memref<128xi32, #tpu.memory_space<vmem>>
      %dma_start3A_392 = arith.constant 0 : i32
      %dma_start3A_393 = arith.constant 0 : i32
      %dma_start3A_394 = tpu.memref_slice %arg8[%dma_start3A_392, %dma_start3A_393] : memref<10112x64xf32, #tpu.memory_space<vmem_shared>> -> memref<10112x64xf32, #tpu.memory_space<vmem_shared>>
      tpu.enqueue_indirect_dma source(%arg9 : memref<128x64xf32, #tpu.memory_space<vmem>>) target(%dma_start3A_394 : memref<10112x64xf32, #tpu.memory_space<vmem_shared>>) offsets(%dma_start3A_391 : memref<128xi32, #tpu.memory_space<vmem>>) semaphore(%arg19 : memref<!tpu.dma_semaphore, #tpu.memory_space<semaphore_mem>>) {add = true}
      %dma_wait3A_395 = arith.constant 0 : i32
      %dma_wait3A_396 = arith.constant 0 : i32
      %dma_wait3A_397 = tpu.memref_slice %arg7[%dma_wait3A_395, %dma_wait3A_396] : memref<80x128xi32, #tpu.memory_space<vmem>> -> memref<1x128xi32, #tpu.memory_space<vmem>>
      %dma_wait3A_398 = tpu.memref_squeeze %dma_wait3A_397 : memref<1x128xi32, #tpu.memory_space<vmem>> -> memref<128xi32, #tpu.memory_space<vmem>>
      %dma_wait3A_399 = arith.constant 0 : i32
      %dma_wait3A_400 = arith.constant 0 : i32
      %dma_wait3A_401 = tpu.memref_slice %arg8[%dma_wait3A_399, %dma_wait3A_400] : memref<10112x64xf32, #tpu.memory_space<vmem_shared>> -> memref<10112x64xf32, #tpu.memory_space<vmem_shared>>
      tpu.wait_indirect_dma semaphore(%arg22 : memref<!tpu.dma_semaphore, #tpu.memory_space<semaphore_mem>>) src(%arg12 : memref<128x64xf32, #tpu.memory_space<vmem>>) dst(%dma_wait3A_401 : memref<10112x64xf32, #tpu.memory_space<vmem_shared>>)
      %add3A_402 = arith.constant 3 : i32
      %add3A_403 = arith.addi %add3A_381, %add3A_402 : i32
      %dma_start3A_404 = arith.constant 0 : i32
      %dma_start3A_405 = tpu.memref_slice %arg6[%add3A_403, %dma_start3A_404] : memref<80x128xi32, #tpu.memory_space<vmem>> -> memref<1x128xi32, #tpu.memory_space<vmem>>
      %dma_start3A_406 = tpu.memref_squeeze %dma_start3A_405 : memref<1x128xi32, #tpu.memory_space<vmem>> -> memref<128xi32, #tpu.memory_space<vmem>>
      %dma_start3A_407 = arith.constant 0 : i32
      %dma_start3A_408 = arith.constant 0 : i32
      %dma_start3A_409 = tpu.memref_slice %arg2[%dma_start3A_407, %dma_start3A_408] : memref<10240x64xf32, #tpu.memory_space<hbm>> -> memref<10240x64xf32, #tpu.memory_space<hbm>>
      tpu.enqueue_indirect_dma source(%dma_start3A_409 : memref<10240x64xf32, #tpu.memory_space<hbm>>) target(%arg12 : memref<128x64xf32, #tpu.memory_space<vmem>>) offsets(%dma_start3A_406 : memref<128xi32, #tpu.memory_space<vmem>>) semaphore(%arg17 : memref<!tpu.dma_semaphore, #tpu.memory_space<semaphore_mem>>)
      %mul3A_410 = arith.constant 5 : i32
      %mul3A_411 = arith.muli %while3A_377, %mul3A_410 : i32
      %add3A_412 = arith.constant 1 : i32
      %add3A_413 = arith.addi %mul3A_411, %add3A_412 : i32
      %dma_wait3A_414 = arith.constant 0 : i32
      %dma_wait3A_415 = arith.constant 0 : i32
      %dma_wait3A_416 = tpu.memref_slice %arg6[%dma_wait3A_414, %dma_wait3A_415] : memref<80x128xi32, #tpu.memory_space<vmem>> -> memref<1x128xi32, #tpu.memory_space<vmem>>
      %dma_wait3A_417 = tpu.memref_squeeze %dma_wait3A_416 : memref<1x128xi32, #tpu.memory_space<vmem>> -> memref<128xi32, #tpu.memory_space<vmem>>
      %dma_wait3A_418 = arith.constant 0 : i32
      %dma_wait3A_419 = arith.constant 0 : i32
      %dma_wait3A_420 = tpu.memref_slice %arg2[%dma_wait3A_418, %dma_wait3A_419] : memref<10240x64xf32, #tpu.memory_space<hbm>> -> memref<10240x64xf32, #tpu.memory_space<hbm>>
      tpu.wait_indirect_dma semaphore(%arg15 : memref<!tpu.dma_semaphore, #tpu.memory_space<semaphore_mem>>) src(%dma_wait3A_420 : memref<10240x64xf32, #tpu.memory_space<hbm>>) dst(%arg10 : memref<128x64xf32, #tpu.memory_space<vmem>>)
      %dma_start3A_421 = arith.constant 0 : i32
      %dma_start3A_422 = tpu.memref_slice %arg7[%add3A_413, %dma_start3A_421] : memref<80x128xi32, #tpu.memory_space<vmem>> -> memref<1x128xi32, #tpu.memory_space<vmem>>
      %dma_start3A_423 = tpu.memref_squeeze %dma_start3A_422 : memref<1x128xi32, #tpu.memory_space<vmem>> -> memref<128xi32, #tpu.memory_space<vmem>>
      %dma_start3A_424 = arith.constant 0 : i32
      %dma_start3A_425 = arith.constant 0 : i32
      %dma_start3A_426 = tpu.memref_slice %arg8[%dma_start3A_424, %dma_start3A_425] : memref<10112x64xf32, #tpu.memory_space<vmem_shared>> -> memref<10112x64xf32, #tpu.memory_space<vmem_shared>>
      tpu.enqueue_indirect_dma source(%arg10 : memref<128x64xf32, #tpu.memory_space<vmem>>) target(%dma_start3A_426 : memref<10112x64xf32, #tpu.memory_space<vmem_shared>>) offsets(%dma_start3A_423 : memref<128xi32, #tpu.memory_space<vmem>>) semaphore(%arg20 : memref<!tpu.dma_semaphore, #tpu.memory_space<semaphore_mem>>) {add = true}
      %dma_wait3A_427 = arith.constant 0 : i32
      %dma_wait3A_428 = arith.constant 0 : i32
      %dma_wait3A_429 = tpu.memref_slice %arg7[%dma_wait3A_427, %dma_wait3A_428] : memref<80x128xi32, #tpu.memory_space<vmem>> -> memref<1x128xi32, #tpu.memory_space<vmem>>
      %dma_wait3A_430 = tpu.memref_squeeze %dma_wait3A_429 : memref<1x128xi32, #tpu.memory_space<vmem>> -> memref<128xi32, #tpu.memory_space<vmem>>
      %dma_wait3A_431 = arith.constant 0 : i32
      %dma_wait3A_432 = arith.constant 0 : i32
      %dma_wait3A_433 = tpu.memref_slice %arg8[%dma_wait3A_431, %dma_wait3A_432] : memref<10112x64xf32, #tpu.memory_space<vmem_shared>> -> memref<10112x64xf32, #tpu.memory_space<vmem_shared>>
      tpu.wait_indirect_dma semaphore(%arg23 : memref<!tpu.dma_semaphore, #tpu.memory_space<semaphore_mem>>) src(%arg13 : memref<128x64xf32, #tpu.memory_space<vmem>>) dst(%dma_wait3A_433 : memref<10112x64xf32, #tpu.memory_space<vmem_shared>>)
      %add3A_434 = arith.constant 3 : i32
      %add3A_435 = arith.addi %add3A_413, %add3A_434 : i32
      %dma_start3A_436 = arith.constant 0 : i32
      %dma_start3A_437 = tpu.memref_slice %arg6[%add3A_435, %dma_start3A_436] : memref<80x128xi32, #tpu.memory_space<vmem>> -> memref<1x128xi32, #tpu.memory_space<vmem>>
      %dma_start3A_438 = tpu.memref_squeeze %dma_start3A_437 : memref<1x128xi32, #tpu.memory_space<vmem>> -> memref<128xi32, #tpu.memory_space<vmem>>
      %dma_start3A_439 = arith.constant 0 : i32
      %dma_start3A_440 = arith.constant 0 : i32
      %dma_start3A_441 = tpu.memref_slice %arg2[%dma_start3A_439, %dma_start3A_440] : memref<10240x64xf32, #tpu.memory_space<hbm>> -> memref<10240x64xf32, #tpu.memory_space<hbm>>
      tpu.enqueue_indirect_dma source(%dma_start3A_441 : memref<10240x64xf32, #tpu.memory_space<hbm>>) target(%arg13 : memref<128x64xf32, #tpu.memory_space<vmem>>) offsets(%dma_start3A_438 : memref<128xi32, #tpu.memory_space<vmem>>) semaphore(%arg18 : memref<!tpu.dma_semaphore, #tpu.memory_space<semaphore_mem>>)
      %mul3A_442 = arith.constant 5 : i32
      %mul3A_443 = arith.muli %while3A_377, %mul3A_442 : i32
      %add3A_444 = arith.constant 2 : i32
      %add3A_445 = arith.addi %mul3A_443, %add3A_444 : i32
      %dma_wait3A_446 = arith.constant 0 : i32
      %dma_wait3A_447 = arith.constant 0 : i32
      %dma_wait3A_448 = tpu.memref_slice %arg6[%dma_wait3A_446, %dma_wait3A_447] : memref<80x128xi32, #tpu.memory_space<vmem>> -> memref<1x128xi32, #tpu.memory_space<vmem>>
      %dma_wait3A_449 = tpu.memref_squeeze %dma_wait3A_448 : memref<1x128xi32, #tpu.memory_space<vmem>> -> memref<128xi32, #tpu.memory_space<vmem>>
      %dma_wait3A_450 = arith.constant 0 : i32
      %dma_wait3A_451 = arith.constant 0 : i32
      %dma_wait3A_452 = tpu.memref_slice %arg2[%dma_wait3A_450, %dma_wait3A_451] : memref<10240x64xf32, #tpu.memory_space<hbm>> -> memref<10240x64xf32, #tpu.memory_space<hbm>>
      tpu.wait_indirect_dma semaphore(%arg16 : memref<!tpu.dma_semaphore, #tpu.memory_space<semaphore_mem>>) src(%dma_wait3A_452 : memref<10240x64xf32, #tpu.memory_space<hbm>>) dst(%arg11 : memref<128x64xf32, #tpu.memory_space<vmem>>)
      %dma_start3A_453 = arith.constant 0 : i32
      %dma_start3A_454 = tpu.memref_slice %arg7[%add3A_445, %dma_start3A_453] : memref<80x128xi32, #tpu.memory_space<vmem>> -> memref<1x128xi32, #tpu.memory_space<vmem>>
      %dma_start3A_455 = tpu.memref_squeeze %dma_start3A_454 : memref<1x128xi32, #tpu.memory_space<vmem>> -> memref<128xi32, #tpu.memory_space<vmem>>
      %dma_start3A_456 = arith.constant 0 : i32
      %dma_start3A_457 = arith.constant 0 : i32
      %dma_start3A_458 = tpu.memref_slice %arg8[%dma_start3A_456, %dma_start3A_457] : memref<10112x64xf32, #tpu.memory_space<vmem_shared>> -> memref<10112x64xf32, #tpu.memory_space<vmem_shared>>
      tpu.enqueue_indirect_dma source(%arg11 : memref<128x64xf32, #tpu.memory_space<vmem>>) target(%dma_start3A_458 : memref<10112x64xf32, #tpu.memory_space<vmem_shared>>) offsets(%dma_start3A_455 : memref<128xi32, #tpu.memory_space<vmem>>) semaphore(%arg21 : memref<!tpu.dma_semaphore, #tpu.memory_space<semaphore_mem>>) {add = true}
      %dma_wait3A_459 = arith.constant 0 : i32
      %dma_wait3A_460 = arith.constant 0 : i32
      %dma_wait3A_461 = tpu.memref_slice %arg7[%dma_wait3A_459, %dma_wait3A_460] : memref<80x128xi32, #tpu.memory_space<vmem>> -> memref<1x128xi32, #tpu.memory_space<vmem>>
      %dma_wait3A_462 = tpu.memref_squeeze %dma_wait3A_461 : memref<1x128xi32, #tpu.memory_space<vmem>> -> memref<128xi32, #tpu.memory_space<vmem>>
      %dma_wait3A_463 = arith.constant 0 : i32
      %dma_wait3A_464 = arith.constant 0 : i32
      %dma_wait3A_465 = tpu.memref_slice %arg8[%dma_wait3A_463, %dma_wait3A_464] : memref<10112x64xf32, #tpu.memory_space<vmem_shared>> -> memref<10112x64xf32, #tpu.memory_space<vmem_shared>>
      tpu.wait_indirect_dma semaphore(%arg19 : memref<!tpu.dma_semaphore, #tpu.memory_space<semaphore_mem>>) src(%arg9 : memref<128x64xf32, #tpu.memory_space<vmem>>) dst(%dma_wait3A_465 : memref<10112x64xf32, #tpu.memory_space<vmem_shared>>)
      %add3A_466 = arith.constant 3 : i32
      %add3A_467 = arith.addi %add3A_445, %add3A_466 : i32
      %dma_start3A_468 = arith.constant 0 : i32
      %dma_start3A_469 = tpu.memref_slice %arg6[%add3A_467, %dma_start3A_468] : memref<80x128xi32, #tpu.memory_space<vmem>> -> memref<1x128xi32, #tpu.memory_space<vmem>>
      %dma_start3A_470 = tpu.memref_squeeze %dma_start3A_469 : memref<1x128xi32, #tpu.memory_space<vmem>> -> memref<128xi32, #tpu.memory_space<vmem>>
      %dma_start3A_471 = arith.constant 0 : i32
      %dma_start3A_472 = arith.constant 0 : i32
      %dma_start3A_473 = tpu.memref_slice %arg2[%dma_start3A_471, %dma_start3A_472] : memref<10240x64xf32, #tpu.memory_space<hbm>> -> memref<10240x64xf32, #tpu.memory_space<hbm>>
      tpu.enqueue_indirect_dma source(%dma_start3A_473 : memref<10240x64xf32, #tpu.memory_space<hbm>>) target(%arg9 : memref<128x64xf32, #tpu.memory_space<vmem>>) offsets(%dma_start3A_470 : memref<128xi32, #tpu.memory_space<vmem>>) semaphore(%arg14 : memref<!tpu.dma_semaphore, #tpu.memory_space<semaphore_mem>>)
      %mul3A_474 = arith.constant 5 : i32
      %mul3A_475 = arith.muli %while3A_377, %mul3A_474 : i32
      %add3A_476 = arith.constant 3 : i32
      %add3A_477 = arith.addi %mul3A_475, %add3A_476 : i32
      %dma_wait3A_478 = arith.constant 0 : i32
      %dma_wait3A_479 = arith.constant 0 : i32
      %dma_wait3A_480 = tpu.memref_slice %arg6[%dma_wait3A_478, %dma_wait3A_479] : memref<80x128xi32, #tpu.memory_space<vmem>> -> memref<1x128xi32, #tpu.memory_space<vmem>>
      %dma_wait3A_481 = tpu.memref_squeeze %dma_wait3A_480 : memref<1x128xi32, #tpu.memory_space<vmem>> -> memref<128xi32, #tpu.memory_space<vmem>>
      %dma_wait3A_482 = arith.constant 0 : i32
      %dma_wait3A_483 = arith.constant 0 : i32
      %dma_wait3A_484 = tpu.memref_slice %arg2[%dma_wait3A_482, %dma_wait3A_483] : memref<10240x64xf32, #tpu.memory_space<hbm>> -> memref<10240x64xf32, #tpu.memory_space<hbm>>
      tpu.wait_indirect_dma semaphore(%arg17 : memref<!tpu.dma_semaphore, #tpu.memory_space<semaphore_mem>>) src(%dma_wait3A_484 : memref<10240x64xf32, #tpu.memory_space<hbm>>) dst(%arg12 : memref<128x64xf32, #tpu.memory_space<vmem>>)
      %dma_start3A_485 = arith.constant 0 : i32
      %dma_start3A_486 = tpu.memref_slice %arg7[%add3A_477, %dma_start3A_485] : memref<80x128xi32, #tpu.memory_space<vmem>> -> memref<1x128xi32, #tpu.memory_space<vmem>>
      %dma_start3A_487 = tpu.memref_squeeze %dma_start3A_486 : memref<1x128xi32, #tpu.memory_space<vmem>> -> memref<128xi32, #tpu.memory_space<vmem>>
      %dma_start3A_488 = arith.constant 0 : i32
      %dma_start3A_489 = arith.constant 0 : i32
      %dma_start3A_490 = tpu.memref_slice %arg8[%dma_start3A_488, %dma_start3A_489] : memref<10112x64xf32, #tpu.memory_space<vmem_shared>> -> memref<10112x64xf32, #tpu.memory_space<vmem_shared>>
      tpu.enqueue_indirect_dma source(%arg12 : memref<128x64xf32, #tpu.memory_space<vmem>>) target(%dma_start3A_490 : memref<10112x64xf32, #tpu.memory_space<vmem_shared>>) offsets(%dma_start3A_487 : memref<128xi32, #tpu.memory_space<vmem>>) semaphore(%arg22 : memref<!tpu.dma_semaphore, #tpu.memory_space<semaphore_mem>>) {add = true}
      %dma_wait3A_491 = arith.constant 0 : i32
      %dma_wait3A_492 = arith.constant 0 : i32
      %dma_wait3A_493 = tpu.memref_slice %arg7[%dma_wait3A_491, %dma_wait3A_492] : memref<80x128xi32, #tpu.memory_space<vmem>> -> memref<1x128xi32, #tpu.memory_space<vmem>>
      %dma_wait3A_494 = tpu.memref_squeeze %dma_wait3A_493 : memref<1x128xi32, #tpu.memory_space<vmem>> -> memref<128xi32, #tpu.memory_space<vmem>>
      %dma_wait3A_495 = arith.constant 0 : i32
      %dma_wait3A_496 = arith.constant 0 : i32
      %dma_wait3A_497 = tpu.memref_slice %arg8[%dma_wait3A_495, %dma_wait3A_496] : memref<10112x64xf32, #tpu.memory_space<vmem_shared>> -> memref<10112x64xf32, #tpu.memory_space<vmem_shared>>
      tpu.wait_indirect_dma semaphore(%arg20 : memref<!tpu.dma_semaphore, #tpu.memory_space<semaphore_mem>>) src(%arg10 : memref<128x64xf32, #tpu.memory_space<vmem>>) dst(%dma_wait3A_497 : memref<10112x64xf32, #tpu.memory_space<vmem_shared>>)
      %add3A_498 = arith.constant 3 : i32
      %add3A_499 = arith.addi %add3A_477, %add3A_498 : i32
      %dma_start3A_500 = arith.constant 0 : i32
      %dma_start3A_501 = tpu.memref_slice %arg6[%add3A_499, %dma_start3A_500] : memref<80x128xi32, #tpu.memory_space<vmem>> -> memref<1x128xi32, #tpu.memory_space<vmem>>
      %dma_start3A_502 = tpu.memref_squeeze %dma_start3A_501 : memref<1x128xi32, #tpu.memory_space<vmem>> -> memref<128xi32, #tpu.memory_space<vmem>>
      %dma_start3A_503 = arith.constant 0 : i32
      %dma_start3A_504 = arith.constant 0 : i32
      %dma_start3A_505 = tpu.memref_slice %arg2[%dma_start3A_503, %dma_start3A_504] : memref<10240x64xf32, #tpu.memory_space<hbm>> -> memref<10240x64xf32, #tpu.memory_space<hbm>>
      tpu.enqueue_indirect_dma source(%dma_start3A_505 : memref<10240x64xf32, #tpu.memory_space<hbm>>) target(%arg10 : memref<128x64xf32, #tpu.memory_space<vmem>>) offsets(%dma_start3A_502 : memref<128xi32, #tpu.memory_space<vmem>>) semaphore(%arg15 : memref<!tpu.dma_semaphore, #tpu.memory_space<semaphore_mem>>)
      %mul3A_506 = arith.constant 5 : i32
      %mul3A_507 = arith.muli %while3A_377, %mul3A_506 : i32
      %add3A_508 = arith.constant 4 : i32
      %add3A_509 = arith.addi %mul3A_507, %add3A_508 : i32
      %dma_wait3A_510 = arith.constant 0 : i32
      %dma_wait3A_511 = arith.constant 0 : i32
      %dma_wait3A_512 = tpu.memref_slice %arg6[%dma_wait3A_510, %dma_wait3A_511] : memref<80x128xi32, #tpu.memory_space<vmem>> -> memref<1x128xi32, #tpu.memory_space<vmem>>
      %dma_wait3A_513 = tpu.memref_squeeze %dma_wait3A_512 : memref<1x128xi32, #tpu.memory_space<vmem>> -> memref<128xi32, #tpu.memory_space<vmem>>
      %dma_wait3A_514 = arith.constant 0 : i32
      %dma_wait3A_515 = arith.constant 0 : i32
      %dma_wait3A_516 = tpu.memref_slice %arg2[%dma_wait3A_514, %dma_wait3A_515] : memref<10240x64xf32, #tpu.memory_space<hbm>> -> memref<10240x64xf32, #tpu.memory_space<hbm>>
      tpu.wait_indirect_dma semaphore(%arg18 : memref<!tpu.dma_semaphore, #tpu.memory_space<semaphore_mem>>) src(%dma_wait3A_516 : memref<10240x64xf32, #tpu.memory_space<hbm>>) dst(%arg13 : memref<128x64xf32, #tpu.memory_space<vmem>>)
      %dma_start3A_517 = arith.constant 0 : i32
      %dma_start3A_518 = tpu.memref_slice %arg7[%add3A_509, %dma_start3A_517] : memref<80x128xi32, #tpu.memory_space<vmem>> -> memref<1x128xi32, #tpu.memory_space<vmem>>
      %dma_start3A_519 = tpu.memref_squeeze %dma_start3A_518 : memref<1x128xi32, #tpu.memory_space<vmem>> -> memref<128xi32, #tpu.memory_space<vmem>>
      %dma_start3A_520 = arith.constant 0 : i32
      %dma_start3A_521 = arith.constant 0 : i32
      %dma_start3A_522 = tpu.memref_slice %arg8[%dma_start3A_520, %dma_start3A_521] : memref<10112x64xf32, #tpu.memory_space<vmem_shared>> -> memref<10112x64xf32, #tpu.memory_space<vmem_shared>>
      tpu.enqueue_indirect_dma source(%arg13 : memref<128x64xf32, #tpu.memory_space<vmem>>) target(%dma_start3A_522 : memref<10112x64xf32, #tpu.memory_space<vmem_shared>>) offsets(%dma_start3A_519 : memref<128xi32, #tpu.memory_space<vmem>>) semaphore(%arg23 : memref<!tpu.dma_semaphore, #tpu.memory_space<semaphore_mem>>) {add = true}
      %dma_wait3A_523 = arith.constant 0 : i32
      %dma_wait3A_524 = arith.constant 0 : i32
      %dma_wait3A_525 = tpu.memref_slice %arg7[%dma_wait3A_523, %dma_wait3A_524] : memref<80x128xi32, #tpu.memory_space<vmem>> -> memref<1x128xi32, #tpu.memory_space<vmem>>
      %dma_wait3A_526 = tpu.memref_squeeze %dma_wait3A_525 : memref<1x128xi32, #tpu.memory_space<vmem>> -> memref<128xi32, #tpu.memory_space<vmem>>
      %dma_wait3A_527 = arith.constant 0 : i32
      %dma_wait3A_528 = arith.constant 0 : i32
      %dma_wait3A_529 = tpu.memref_slice %arg8[%dma_wait3A_527, %dma_wait3A_528] : memref<10112x64xf32, #tpu.memory_space<vmem_shared>> -> memref<10112x64xf32, #tpu.memory_space<vmem_shared>>
      tpu.wait_indirect_dma semaphore(%arg21 : memref<!tpu.dma_semaphore, #tpu.memory_space<semaphore_mem>>) src(%arg11 : memref<128x64xf32, #tpu.memory_space<vmem>>) dst(%dma_wait3A_529 : memref<10112x64xf32, #tpu.memory_space<vmem_shared>>)
      %add3A_530 = arith.constant 3 : i32
      %add3A_531 = arith.addi %add3A_509, %add3A_530 : i32
      %dma_start3A_532 = arith.constant 0 : i32
      %dma_start3A_533 = tpu.memref_slice %arg6[%add3A_531, %dma_start3A_532] : memref<80x128xi32, #tpu.memory_space<vmem>> -> memref<1x128xi32, #tpu.memory_space<vmem>>
      %dma_start3A_534 = tpu.memref_squeeze %dma_start3A_533 : memref<1x128xi32, #tpu.memory_space<vmem>> -> memref<128xi32, #tpu.memory_space<vmem>>
      %dma_start3A_535 = arith.constant 0 : i32
      %dma_start3A_536 = arith.constant 0 : i32
      %dma_start3A_537 = tpu.memref_slice %arg2[%dma_start3A_535, %dma_start3A_536] : memref<10240x64xf32, #tpu.memory_space<hbm>> -> memref<10240x64xf32, #tpu.memory_space<hbm>>
      tpu.enqueue_indirect_dma source(%dma_start3A_537 : memref<10240x64xf32, #tpu.memory_space<hbm>>) target(%arg11 : memref<128x64xf32, #tpu.memory_space<vmem>>) offsets(%dma_start3A_534 : memref<128xi32, #tpu.memory_space<vmem>>) semaphore(%arg16 : memref<!tpu.dma_semaphore, #tpu.memory_space<semaphore_mem>>)
    }
    %while3A_211 = arith.constant 1 : i32
    scf.for %while3A_377 = %while3A_209 to %while3A_205 step %while3A_211  : i32 {
      %mul3A_378 = arith.constant 5 : i32
      %mul3A_379 = arith.muli %while3A_377, %mul3A_378 : i32
      %add3A_380 = arith.constant 0 : i32
      %add3A_381 = arith.addi %mul3A_379, %add3A_380 : i32
      %dma_wait3A_382 = arith.constant 0 : i32
      %dma_wait3A_383 = arith.constant 0 : i32
      %dma_wait3A_384 = tpu.memref_slice %arg6[%dma_wait3A_382, %dma_wait3A_383] : memref<80x128xi32, #tpu.memory_space<vmem>> -> memref<1x128xi32, #tpu.memory_space<vmem>>
      %dma_wait3A_385 = tpu.memref_squeeze %dma_wait3A_384 : memref<1x128xi32, #tpu.memory_space<vmem>> -> memref<128xi32, #tpu.memory_space<vmem>>
      %dma_wait3A_386 = arith.constant 0 : i32
      %dma_wait3A_387 = arith.constant 0 : i32
      %dma_wait3A_388 = tpu.memref_slice %arg2[%dma_wait3A_386, %dma_wait3A_387] : memref<10240x64xf32, #tpu.memory_space<hbm>> -> memref<10240x64xf32, #tpu.memory_space<hbm>>
      tpu.wait_indirect_dma semaphore(%arg14 : memref<!tpu.dma_semaphore, #tpu.memory_space<semaphore_mem>>) src(%dma_wait3A_388 : memref<10240x64xf32, #tpu.memory_space<hbm>>) dst(%arg9 : memref<128x64xf32, #tpu.memory_space<vmem>>)
      %dma_start3A_389 = arith.constant 0 : i32
      %dma_start3A_390 = tpu.memref_slice %arg7[%add3A_381, %dma_start3A_389] : memref<80x128xi32, #tpu.memory_space<vmem>> -> memref<1x128xi32, #tpu.memory_space<vmem>>
      %dma_start3A_391 = tpu.memref_squeeze %dma_start3A_390 : memref<1x128xi32, #tpu.memory_space<vmem>> -> memref<128xi32, #tpu.memory_space<vmem>>
      %dma_start3A_392 = arith.constant 0 : i32
      %dma_start3A_393 = arith.constant 0 : i32
      %dma_start3A_394 = tpu.memref_slice %arg8[%dma_start3A_392, %dma_start3A_393] : memref<10112x64xf32, #tpu.memory_space<vmem_shared>> -> memref<10112x64xf32, #tpu.memory_space<vmem_shared>>
      tpu.enqueue_indirect_dma source(%arg9 : memref<128x64xf32, #tpu.memory_space<vmem>>) target(%dma_start3A_394 : memref<10112x64xf32, #tpu.memory_space<vmem_shared>>) offsets(%dma_start3A_391 : memref<128xi32, #tpu.memory_space<vmem>>) semaphore(%arg19 : memref<!tpu.dma_semaphore, #tpu.memory_space<semaphore_mem>>) {add = true}
      %dma_wait3A_395 = arith.constant 0 : i32
      %dma_wait3A_396 = arith.constant 0 : i32
      %dma_wait3A_397 = tpu.memref_slice %arg7[%dma_wait3A_395, %dma_wait3A_396] : memref<80x128xi32, #tpu.memory_space<vmem>> -> memref<1x128xi32, #tpu.memory_space<vmem>>
      %dma_wait3A_398 = tpu.memref_squeeze %dma_wait3A_397 : memref<1x128xi32, #tpu.memory_space<vmem>> -> memref<128xi32, #tpu.memory_space<vmem>>
      %dma_wait3A_399 = arith.constant 0 : i32
      %dma_wait3A_400 = arith.constant 0 : i32
      %dma_wait3A_401 = tpu.memref_slice %arg8[%dma_wait3A_399, %dma_wait3A_400] : memref<10112x64xf32, #tpu.memory_space<vmem_shared>> -> memref<10112x64xf32, #tpu.memory_space<vmem_shared>>
      tpu.wait_indirect_dma semaphore(%arg22 : memref<!tpu.dma_semaphore, #tpu.memory_space<semaphore_mem>>) src(%arg12 : memref<128x64xf32, #tpu.memory_space<vmem>>) dst(%dma_wait3A_401 : memref<10112x64xf32, #tpu.memory_space<vmem_shared>>)
      %add3A_402 = arith.constant 3 : i32
      %add3A_403 = arith.addi %add3A_381, %add3A_402 : i32
      %dma_start3A_404 = arith.constant 0 : i32
      %dma_start3A_405 = tpu.memref_slice %arg6[%add3A_403, %dma_start3A_404] : memref<80x128xi32, #tpu.memory_space<vmem>> -> memref<1x128xi32, #tpu.memory_space<vmem>>
      %dma_start3A_406 = tpu.memref_squeeze %dma_start3A_405 : memref<1x128xi32, #tpu.memory_space<vmem>> -> memref<128xi32, #tpu.memory_space<vmem>>
      %dma_start3A_407 = arith.constant 0 : i32
      %dma_start3A_408 = arith.constant 0 : i32
      %dma_start3A_409 = tpu.memref_slice %arg2[%dma_start3A_407, %dma_start3A_408] : memref<10240x64xf32, #tpu.memory_space<hbm>> -> memref<10240x64xf32, #tpu.memory_space<hbm>>
      tpu.enqueue_indirect_dma source(%dma_start3A_409 : memref<10240x64xf32, #tpu.memory_space<hbm>>) target(%arg12 : memref<128x64xf32, #tpu.memory_space<vmem>>) offsets(%dma_start3A_406 : memref<128xi32, #tpu.memory_space<vmem>>) semaphore(%arg17 : memref<!tpu.dma_semaphore, #tpu.memory_space<semaphore_mem>>)
      %mul3A_410 = arith.constant 5 : i32
      %mul3A_411 = arith.muli %while3A_377, %mul3A_410 : i32
      %add3A_412 = arith.constant 1 : i32
      %add3A_413 = arith.addi %mul3A_411, %add3A_412 : i32
      %dma_wait3A_414 = arith.constant 0 : i32
      %dma_wait3A_415 = arith.constant 0 : i32
      %dma_wait3A_416 = tpu.memref_slice %arg6[%dma_wait3A_414, %dma_wait3A_415] : memref<80x128xi32, #tpu.memory_space<vmem>> -> memref<1x128xi32, #tpu.memory_space<vmem>>
      %dma_wait3A_417 = tpu.memref_squeeze %dma_wait3A_416 : memref<1x128xi32, #tpu.memory_space<vmem>> -> memref<128xi32, #tpu.memory_space<vmem>>
      %dma_wait3A_418 = arith.constant 0 : i32
      %dma_wait3A_419 = arith.constant 0 : i32
      %dma_wait3A_420 = tpu.memref_slice %arg2[%dma_wait3A_418, %dma_wait3A_419] : memref<10240x64xf32, #tpu.memory_space<hbm>> -> memref<10240x64xf32, #tpu.memory_space<hbm>>
      tpu.wait_indirect_dma semaphore(%arg15 : memref<!tpu.dma_semaphore, #tpu.memory_space<semaphore_mem>>) src(%dma_wait3A_420 : memref<10240x64xf32, #tpu.memory_space<hbm>>) dst(%arg10 : memref<128x64xf32, #tpu.memory_space<vmem>>)
      %dma_start3A_421 = arith.constant 0 : i32
      %dma_start3A_422 = tpu.memref_slice %arg7[%add3A_413, %dma_start3A_421] : memref<80x128xi32, #tpu.memory_space<vmem>> -> memref<1x128xi32, #tpu.memory_space<vmem>>
      %dma_start3A_423 = tpu.memref_squeeze %dma_start3A_422 : memref<1x128xi32, #tpu.memory_space<vmem>> -> memref<128xi32, #tpu.memory_space<vmem>>
      %dma_start3A_424 = arith.constant 0 : i32
      %dma_start3A_425 = arith.constant 0 : i32
      %dma_start3A_426 = tpu.memref_slice %arg8[%dma_start3A_424, %dma_start3A_425] : memref<10112x64xf32, #tpu.memory_space<vmem_shared>> -> memref<10112x64xf32, #tpu.memory_space<vmem_shared>>
      tpu.enqueue_indirect_dma source(%arg10 : memref<128x64xf32, #tpu.memory_space<vmem>>) target(%dma_start3A_426 : memref<10112x64xf32, #tpu.memory_space<vmem_shared>>) offsets(%dma_start3A_423 : memref<128xi32, #tpu.memory_space<vmem>>) semaphore(%arg20 : memref<!tpu.dma_semaphore, #tpu.memory_space<semaphore_mem>>) {add = true}
      %dma_wait3A_427 = arith.constant 0 : i32
      %dma_wait3A_428 = arith.constant 0 : i32
      %dma_wait3A_429 = tpu.memref_slice %arg7[%dma_wait3A_427, %dma_wait3A_428] : memref<80x128xi32, #tpu.memory_space<vmem>> -> memref<1x128xi32, #tpu.memory_space<vmem>>
      %dma_wait3A_430 = tpu.memref_squeeze %dma_wait3A_429 : memref<1x128xi32, #tpu.memory_space<vmem>> -> memref<128xi32, #tpu.memory_space<vmem>>
      %dma_wait3A_431 = arith.constant 0 : i32
      %dma_wait3A_432 = arith.constant 0 : i32
      %dma_wait3A_433 = tpu.memref_slice %arg8[%dma_wait3A_431, %dma_wait3A_432] : memref<10112x64xf32, #tpu.memory_space<vmem_shared>> -> memref<10112x64xf32, #tpu.memory_space<vmem_shared>>
      tpu.wait_indirect_dma semaphore(%arg23 : memref<!tpu.dma_semaphore, #tpu.memory_space<semaphore_mem>>) src(%arg13 : memref<128x64xf32, #tpu.memory_space<vmem>>) dst(%dma_wait3A_433 : memref<10112x64xf32, #tpu.memory_space<vmem_shared>>)
      %add3A_434 = arith.constant 3 : i32
      %add3A_435 = arith.addi %add3A_413, %add3A_434 : i32
      %dma_start3A_436 = arith.constant 0 : i32
      %dma_start3A_437 = tpu.memref_slice %arg6[%add3A_435, %dma_start3A_436] : memref<80x128xi32, #tpu.memory_space<vmem>> -> memref<1x128xi32, #tpu.memory_space<vmem>>
      %dma_start3A_438 = tpu.memref_squeeze %dma_start3A_437 : memref<1x128xi32, #tpu.memory_space<vmem>> -> memref<128xi32, #tpu.memory_space<vmem>>
      %dma_start3A_439 = arith.constant 0 : i32
      %dma_start3A_440 = arith.constant 0 : i32
      %dma_start3A_441 = tpu.memref_slice %arg2[%dma_start3A_439, %dma_start3A_440] : memref<10240x64xf32, #tpu.memory_space<hbm>> -> memref<10240x64xf32, #tpu.memory_space<hbm>>
      tpu.enqueue_indirect_dma source(%dma_start3A_441 : memref<10240x64xf32, #tpu.memory_space<hbm>>) target(%arg13 : memref<128x64xf32, #tpu.memory_space<vmem>>) offsets(%dma_start3A_438 : memref<128xi32, #tpu.memory_space<vmem>>) semaphore(%arg18 : memref<!tpu.dma_semaphore, #tpu.memory_space<semaphore_mem>>)
      %mul3A_442 = arith.constant 5 : i32
      %mul3A_443 = arith.muli %while3A_377, %mul3A_442 : i32
      %add3A_444 = arith.constant 2 : i32
      %add3A_445 = arith.addi %mul3A_443, %add3A_444 : i32
      %dma_wait3A_446 = arith.constant 0 : i32
      %dma_wait3A_447 = arith.constant 0 : i32
      %dma_wait3A_448 = tpu.memref_slice %arg6[%dma_wait3A_446, %dma_wait3A_447] : memref<80x128xi32, #tpu.memory_space<vmem>> -> memref<1x128xi32, #tpu.memory_space<vmem>>
      %dma_wait3A_449 = tpu.memref_squeeze %dma_wait3A_448 : memref<1x128xi32, #tpu.memory_space<vmem>> -> memref<128xi32, #tpu.memory_space<vmem>>
      %dma_wait3A_450 = arith.constant 0 : i32
      %dma_wait3A_451 = arith.constant 0 : i32
      %dma_wait3A_452 = tpu.memref_slice %arg2[%dma_wait3A_450, %dma_wait3A_451] : memref<10240x64xf32, #tpu.memory_space<hbm>> -> memref<10240x64xf32, #tpu.memory_space<hbm>>
      tpu.wait_indirect_dma semaphore(%arg16 : memref<!tpu.dma_semaphore, #tpu.memory_space<semaphore_mem>>) src(%dma_wait3A_452 : memref<10240x64xf32, #tpu.memory_space<hbm>>) dst(%arg11 : memref<128x64xf32, #tpu.memory_space<vmem>>)
      %dma_start3A_453 = arith.constant 0 : i32
      %dma_start3A_454 = tpu.memref_slice %arg7[%add3A_445, %dma_start3A_453] : memref<80x128xi32, #tpu.memory_space<vmem>> -> memref<1x128xi32, #tpu.memory_space<vmem>>
      %dma_start3A_455 = tpu.memref_squeeze %dma_start3A_454 : memref<1x128xi32, #tpu.memory_space<vmem>> -> memref<128xi32, #tpu.memory_space<vmem>>
      %dma_start3A_456 = arith.constant 0 : i32
      %dma_start3A_457 = arith.constant 0 : i32
      %dma_start3A_458 = tpu.memref_slice %arg8[%dma_start3A_456, %dma_start3A_457] : memref<10112x64xf32, #tpu.memory_space<vmem_shared>> -> memref<10112x64xf32, #tpu.memory_space<vmem_shared>>
      tpu.enqueue_indirect_dma source(%arg11 : memref<128x64xf32, #tpu.memory_space<vmem>>) target(%dma_start3A_458 : memref<10112x64xf32, #tpu.memory_space<vmem_shared>>) offsets(%dma_start3A_455 : memref<128xi32, #tpu.memory_space<vmem>>) semaphore(%arg21 : memref<!tpu.dma_semaphore, #tpu.memory_space<semaphore_mem>>) {add = true}
      %dma_wait3A_459 = arith.constant 0 : i32
      %dma_wait3A_460 = arith.constant 0 : i32
      %dma_wait3A_461 = tpu.memref_slice %arg7[%dma_wait3A_459, %dma_wait3A_460] : memref<80x128xi32, #tpu.memory_space<vmem>> -> memref<1x128xi32, #tpu.memory_space<vmem>>
      %dma_wait3A_462 = tpu.memref_squeeze %dma_wait3A_461 : memref<1x128xi32, #tpu.memory_space<vmem>> -> memref<128xi32, #tpu.memory_space<vmem>>
      %dma_wait3A_463 = arith.constant 0 : i32
      %dma_wait3A_464 = arith.constant 0 : i32
      %dma_wait3A_465 = tpu.memref_slice %arg8[%dma_wait3A_463, %dma_wait3A_464] : memref<10112x64xf32, #tpu.memory_space<vmem_shared>> -> memref<10112x64xf32, #tpu.memory_space<vmem_shared>>
      tpu.wait_indirect_dma semaphore(%arg19 : memref<!tpu.dma_semaphore, #tpu.memory_space<semaphore_mem>>) src(%arg9 : memref<128x64xf32, #tpu.memory_space<vmem>>) dst(%dma_wait3A_465 : memref<10112x64xf32, #tpu.memory_space<vmem_shared>>)
      %add3A_466 = arith.constant 3 : i32
      %add3A_467 = arith.addi %add3A_445, %add3A_466 : i32
      %dma_start3A_468 = arith.constant 0 : i32
      %dma_start3A_469 = tpu.memref_slice %arg6[%add3A_467, %dma_start3A_468] : memref<80x128xi32, #tpu.memory_space<vmem>> -> memref<1x128xi32, #tpu.memory_space<vmem>>
      %dma_start3A_470 = tpu.memref_squeeze %dma_start3A_469 : memref<1x128xi32, #tpu.memory_space<vmem>> -> memref<128xi32, #tpu.memory_space<vmem>>
      %dma_start3A_471 = arith.constant 0 : i32
      %dma_start3A_472 = arith.constant 0 : i32
      %dma_start3A_473 = tpu.memref_slice %arg2[%dma_start3A_471, %dma_start3A_472] : memref<10240x64xf32, #tpu.memory_space<hbm>> -> memref<10240x64xf32, #tpu.memory_space<hbm>>
      tpu.enqueue_indirect_dma source(%dma_start3A_473 : memref<10240x64xf32, #tpu.memory_space<hbm>>) target(%arg9 : memref<128x64xf32, #tpu.memory_space<vmem>>) offsets(%dma_start3A_470 : memref<128xi32, #tpu.memory_space<vmem>>) semaphore(%arg14 : memref<!tpu.dma_semaphore, #tpu.memory_space<semaphore_mem>>)
      %mul3A_474 = arith.constant 5 : i32
      %mul3A_475 = arith.muli %while3A_377, %mul3A_474 : i32
      %add3A_476 = arith.constant 3 : i32
      %add3A_477 = arith.addi %mul3A_475, %add3A_476 : i32
      %dma_wait3A_478 = arith.constant 0 : i32
      %dma_wait3A_479 = arith.constant 0 : i32
      %dma_wait3A_480 = tpu.memref_slice %arg6[%dma_wait3A_478, %dma_wait3A_479] : memref<80x128xi32, #tpu.memory_space<vmem>> -> memref<1x128xi32, #tpu.memory_space<vmem>>
      %dma_wait3A_481 = tpu.memref_squeeze %dma_wait3A_480 : memref<1x128xi32, #tpu.memory_space<vmem>> -> memref<128xi32, #tpu.memory_space<vmem>>
      %dma_wait3A_482 = arith.constant 0 : i32
      %dma_wait3A_483 = arith.constant 0 : i32
      %dma_wait3A_484 = tpu.memref_slice %arg2[%dma_wait3A_482, %dma_wait3A_483] : memref<10240x64xf32, #tpu.memory_space<hbm>> -> memref<10240x64xf32, #tpu.memory_space<hbm>>
      tpu.wait_indirect_dma semaphore(%arg17 : memref<!tpu.dma_semaphore, #tpu.memory_space<semaphore_mem>>) src(%dma_wait3A_484 : memref<10240x64xf32, #tpu.memory_space<hbm>>) dst(%arg12 : memref<128x64xf32, #tpu.memory_space<vmem>>)
      %dma_start3A_485 = arith.constant 0 : i32
      %dma_start3A_486 = tpu.memref_slice %arg7[%add3A_477, %dma_start3A_485] : memref<80x128xi32, #tpu.memory_space<vmem>> -> memref<1x128xi32, #tpu.memory_space<vmem>>
      %dma_start3A_487 = tpu.memref_squeeze %dma_start3A_486 : memref<1x128xi32, #tpu.memory_space<vmem>> -> memref<128xi32, #tpu.memory_space<vmem>>
      %dma_start3A_488 = arith.constant 0 : i32
      %dma_start3A_489 = arith.constant 0 : i32
      %dma_start3A_490 = tpu.memref_slice %arg8[%dma_start3A_488, %dma_start3A_489] : memref<10112x64xf32, #tpu.memory_space<vmem_shared>> -> memref<10112x64xf32, #tpu.memory_space<vmem_shared>>
      tpu.enqueue_indirect_dma source(%arg12 : memref<128x64xf32, #tpu.memory_space<vmem>>) target(%dma_start3A_490 : memref<10112x64xf32, #tpu.memory_space<vmem_shared>>) offsets(%dma_start3A_487 : memref<128xi32, #tpu.memory_space<vmem>>) semaphore(%arg22 : memref<!tpu.dma_semaphore, #tpu.memory_space<semaphore_mem>>) {add = true}
      %dma_wait3A_491 = arith.constant 0 : i32
      %dma_wait3A_492 = arith.constant 0 : i32
      %dma_wait3A_493 = tpu.memref_slice %arg7[%dma_wait3A_491, %dma_wait3A_492] : memref<80x128xi32, #tpu.memory_space<vmem>> -> memref<1x128xi32, #tpu.memory_space<vmem>>
      %dma_wait3A_494 = tpu.memref_squeeze %dma_wait3A_493 : memref<1x128xi32, #tpu.memory_space<vmem>> -> memref<128xi32, #tpu.memory_space<vmem>>
      %dma_wait3A_495 = arith.constant 0 : i32
      %dma_wait3A_496 = arith.constant 0 : i32
      %dma_wait3A_497 = tpu.memref_slice %arg8[%dma_wait3A_495, %dma_wait3A_496] : memref<10112x64xf32, #tpu.memory_space<vmem_shared>> -> memref<10112x64xf32, #tpu.memory_space<vmem_shared>>
      tpu.wait_indirect_dma semaphore(%arg20 : memref<!tpu.dma_semaphore, #tpu.memory_space<semaphore_mem>>) src(%arg10 : memref<128x64xf32, #tpu.memory_space<vmem>>) dst(%dma_wait3A_497 : memref<10112x64xf32, #tpu.memory_space<vmem_shared>>)
      %add3A_498 = arith.constant 3 : i32
      %add3A_499 = arith.addi %add3A_477, %add3A_498 : i32
      %dma_start3A_500 = arith.constant 0 : i32
      %dma_start3A_501 = tpu.memref_slice %arg6[%add3A_499, %dma_start3A_500] : memref<80x128xi32, #tpu.memory_space<vmem>> -> memref<1x128xi32, #tpu.memory_space<vmem>>
      %dma_start3A_502 = tpu.memref_squeeze %dma_start3A_501 : memref<1x128xi32, #tpu.memory_space<vmem>> -> memref<128xi32, #tpu.memory_space<vmem>>
      %dma_start3A_503 = arith.constant 0 : i32
      %dma_start3A_504 = arith.constant 0 : i32
      %dma_start3A_505 = tpu.memref_slice %arg2[%dma_start3A_503, %dma_start3A_504] : memref<10240x64xf32, #tpu.memory_space<hbm>> -> memref<10240x64xf32, #tpu.memory_space<hbm>>
      tpu.enqueue_indirect_dma source(%dma_start3A_505 : memref<10240x64xf32, #tpu.memory_space<hbm>>) target(%arg10 : memref<128x64xf32, #tpu.memory_space<vmem>>) offsets(%dma_start3A_502 : memref<128xi32, #tpu.memory_space<vmem>>) semaphore(%arg15 : memref<!tpu.dma_semaphore, #tpu.memory_space<semaphore_mem>>)
      %mul3A_506 = arith.constant 5 : i32
      %mul3A_507 = arith.muli %while3A_377, %mul3A_506 : i32
      %add3A_508 = arith.constant 4 : i32
      %add3A_509 = arith.addi %mul3A_507, %add3A_508 : i32
      %dma_wait3A_510 = arith.constant 0 : i32
      %dma_wait3A_511 = arith.constant 0 : i32
      %dma_wait3A_512 = tpu.memref_slice %arg6[%dma_wait3A_510, %dma_wait3A_511] : memref<80x128xi32, #tpu.memory_space<vmem>> -> memref<1x128xi32, #tpu.memory_space<vmem>>
      %dma_wait3A_513 = tpu.memref_squeeze %dma_wait3A_512 : memref<1x128xi32, #tpu.memory_space<vmem>> -> memref<128xi32, #tpu.memory_space<vmem>>
      %dma_wait3A_514 = arith.constant 0 : i32
      %dma_wait3A_515 = arith.constant 0 : i32
      %dma_wait3A_516 = tpu.memref_slice %arg2[%dma_wait3A_514, %dma_wait3A_515] : memref<10240x64xf32, #tpu.memory_space<hbm>> -> memref<10240x64xf32, #tpu.memory_space<hbm>>
      tpu.wait_indirect_dma semaphore(%arg18 : memref<!tpu.dma_semaphore, #tpu.memory_space<semaphore_mem>>) src(%dma_wait3A_516 : memref<10240x64xf32, #tpu.memory_space<hbm>>) dst(%arg13 : memref<128x64xf32, #tpu.memory_space<vmem>>)
      %dma_start3A_517 = arith.constant 0 : i32
      %dma_start3A_518 = tpu.memref_slice %arg7[%add3A_509, %dma_start3A_517] : memref<80x128xi32, #tpu.memory_space<vmem>> -> memref<1x128xi32, #tpu.memory_space<vmem>>
      %dma_start3A_519 = tpu.memref_squeeze %dma_start3A_518 : memref<1x128xi32, #tpu.memory_space<vmem>> -> memref<128xi32, #tpu.memory_space<vmem>>
      %dma_start3A_520 = arith.constant 0 : i32
      %dma_start3A_521 = arith.constant 0 : i32
      %dma_start3A_522 = tpu.memref_slice %arg8[%dma_start3A_520, %dma_start3A_521] : memref<10112x64xf32, #tpu.memory_space<vmem_shared>> -> memref<10112x64xf32, #tpu.memory_space<vmem_shared>>
      tpu.enqueue_indirect_dma source(%arg13 : memref<128x64xf32, #tpu.memory_space<vmem>>) target(%dma_start3A_522 : memref<10112x64xf32, #tpu.memory_space<vmem_shared>>) offsets(%dma_start3A_519 : memref<128xi32, #tpu.memory_space<vmem>>) semaphore(%arg23 : memref<!tpu.dma_semaphore, #tpu.memory_space<semaphore_mem>>) {add = true}
      %dma_wait3A_523 = arith.constant 0 : i32
      %dma_wait3A_524 = arith.constant 0 : i32
      %dma_wait3A_525 = tpu.memref_slice %arg7[%dma_wait3A_523, %dma_wait3A_524] : memref<80x128xi32, #tpu.memory_space<vmem>> -> memref<1x128xi32, #tpu.memory_space<vmem>>
      %dma_wait3A_526 = tpu.memref_squeeze %dma_wait3A_525 : memref<1x128xi32, #tpu.memory_space<vmem>> -> memref<128xi32, #tpu.memory_space<vmem>>
      %dma_wait3A_527 = arith.constant 0 : i32
      %dma_wait3A_528 = arith.constant 0 : i32
      %dma_wait3A_529 = tpu.memref_slice %arg8[%dma_wait3A_527, %dma_wait3A_528] : memref<10112x64xf32, #tpu.memory_space<vmem_shared>> -> memref<10112x64xf32, #tpu.memory_space<vmem_shared>>
      tpu.wait_indirect_dma semaphore(%arg21 : memref<!tpu.dma_semaphore, #tpu.memory_space<semaphore_mem>>) src(%arg11 : memref<128x64xf32, #tpu.memory_space<vmem>>) dst(%dma_wait3A_529 : memref<10112x64xf32, #tpu.memory_space<vmem_shared>>)
      %add3A_530 = arith.constant 3 : i32
      %add3A_531 = arith.addi %add3A_509, %add3A_530 : i32
      %dma_start3A_532 = arith.constant 0 : i32
      %dma_start3A_533 = tpu.memref_slice %arg6[%add3A_531, %dma_start3A_532] : memref<80x128xi32, #tpu.memory_space<vmem>> -> memref<1x128xi32, #tpu.memory_space<vmem>>
      %dma_start3A_534 = tpu.memref_squeeze %dma_start3A_533 : memref<1x128xi32, #tpu.memory_space<vmem>> -> memref<128xi32, #tpu.memory_space<vmem>>
      %dma_start3A_535 = arith.constant 0 : i32
      %dma_start3A_536 = arith.constant 0 : i32
      %dma_start3A_537 = tpu.memref_slice %arg2[%dma_start3A_535, %dma_start3A_536] : memref<10240x64xf32, #tpu.memory_space<hbm>> -> memref<10240x64xf32, #tpu.memory_space<hbm>>
      tpu.enqueue_indirect_dma source(%dma_start3A_537 : memref<10240x64xf32, #tpu.memory_space<hbm>>) target(%arg11 : memref<128x64xf32, #tpu.memory_space<vmem>>) offsets(%dma_start3A_534 : memref<128xi32, #tpu.memory_space<vmem>>) semaphore(%arg16 : memref<!tpu.dma_semaphore, #tpu.memory_space<semaphore_mem>>)
    }
    %sub3A_212 = arith.constant 1 : i32
    %sub3A_213 = arith.subi %select_n3A_200, %sub3A_212 : i32
    %mul3A_214 = arith.constant 5 : i32
    %mul3A_215 = arith.muli %sub3A_213, %mul3A_214 : i32
    %add3A_216 = arith.constant 0 : i32
    %add3A_217 = arith.addi %mul3A_215, %add3A_216 : i32
    %dma_wait3A_218 = arith.constant 0 : i32
    %dma_wait3A_219 = arith.constant 0 : i32
    %dma_wait3A_220 = tpu.memref_slice %arg6[%dma_wait3A_218, %dma_wait3A_219] : memref<80x128xi32, #tpu.memory_space<vmem>> -> memref<1x128xi32, #tpu.memory_space<vmem>>
    %dma_wait3A_221 = tpu.memref_squeeze %dma_wait3A_220 : memref<1x128xi32, #tpu.memory_space<vmem>> -> memref<128xi32, #tpu.memory_space<vmem>>
    %dma_wait3A_222 = arith.constant 0 : i32
    %dma_wait3A_223 = arith.constant 0 : i32
    %dma_wait3A_224 = tpu.memref_slice %arg2[%dma_wait3A_222, %dma_wait3A_223] : memref<10240x64xf32, #tpu.memory_space<hbm>> -> memref<10240x64xf32, #tpu.memory_space<hbm>>
    tpu.wait_indirect_dma semaphore(%arg14 : memref<!tpu.dma_semaphore, #tpu.memory_space<semaphore_mem>>) src(%dma_wait3A_224 : memref<10240x64xf32, #tpu.memory_space<hbm>>) dst(%arg9 : memref<128x64xf32, #tpu.memory_space<vmem>>)
    %dma_start3A_225 = arith.constant 0 : i32
    %dma_start3A_226 = tpu.memref_slice %arg7[%add3A_217, %dma_start3A_225] : memref<80x128xi32, #tpu.memory_space<vmem>> -> memref<1x128xi32, #tpu.memory_space<vmem>>
    %dma_start3A_227 = tpu.memref_squeeze %dma_start3A_226 : memref<1x128xi32, #tpu.memory_space<vmem>> -> memref<128xi32, #tpu.memory_space<vmem>>
    %dma_start3A_228 = arith.constant 0 : i32
    %dma_start3A_229 = arith.constant 0 : i32
    %dma_start3A_230 = tpu.memref_slice %arg8[%dma_start3A_228, %dma_start3A_229] : memref<10112x64xf32, #tpu.memory_space<vmem_shared>> -> memref<10112x64xf32, #tpu.memory_space<vmem_shared>>
    tpu.enqueue_indirect_dma source(%arg9 : memref<128x64xf32, #tpu.memory_space<vmem>>) target(%dma_start3A_230 : memref<10112x64xf32, #tpu.memory_space<vmem_shared>>) offsets(%dma_start3A_227 : memref<128xi32, #tpu.memory_space<vmem>>) semaphore(%arg19 : memref<!tpu.dma_semaphore, #tpu.memory_space<semaphore_mem>>) {add = true}
    %dma_wait3A_231 = arith.constant 0 : i32
    %dma_wait3A_232 = arith.constant 0 : i32
    %dma_wait3A_233 = tpu.memref_slice %arg7[%dma_wait3A_231, %dma_wait3A_232] : memref<80x128xi32, #tpu.memory_space<vmem>> -> memref<1x128xi32, #tpu.memory_space<vmem>>
    %dma_wait3A_234 = tpu.memref_squeeze %dma_wait3A_233 : memref<1x128xi32, #tpu.memory_space<vmem>> -> memref<128xi32, #tpu.memory_space<vmem>>
    %dma_wait3A_235 = arith.constant 0 : i32
    %dma_wait3A_236 = arith.constant 0 : i32
    %dma_wait3A_237 = tpu.memref_slice %arg8[%dma_wait3A_235, %dma_wait3A_236] : memref<10112x64xf32, #tpu.memory_space<vmem_shared>> -> memref<10112x64xf32, #tpu.memory_space<vmem_shared>>
    tpu.wait_indirect_dma semaphore(%arg22 : memref<!tpu.dma_semaphore, #tpu.memory_space<semaphore_mem>>) src(%arg12 : memref<128x64xf32, #tpu.memory_space<vmem>>) dst(%dma_wait3A_237 : memref<10112x64xf32, #tpu.memory_space<vmem_shared>>)
    %add3A_238 = arith.constant 3 : i32
    %add3A_239 = arith.addi %add3A_217, %add3A_238 : i32
    %dma_start3A_240 = arith.constant 0 : i32
    %dma_start3A_241 = tpu.memref_slice %arg6[%add3A_239, %dma_start3A_240] : memref<80x128xi32, #tpu.memory_space<vmem>> -> memref<1x128xi32, #tpu.memory_space<vmem>>
    %dma_start3A_242 = tpu.memref_squeeze %dma_start3A_241 : memref<1x128xi32, #tpu.memory_space<vmem>> -> memref<128xi32, #tpu.memory_space<vmem>>
    %dma_start3A_243 = arith.constant 0 : i32
    %dma_start3A_244 = arith.constant 0 : i32
    %dma_start3A_245 = tpu.memref_slice %arg2[%dma_start3A_243, %dma_start3A_244] : memref<10240x64xf32, #tpu.memory_space<hbm>> -> memref<10240x64xf32, #tpu.memory_space<hbm>>
    tpu.enqueue_indirect_dma source(%dma_start3A_245 : memref<10240x64xf32, #tpu.memory_space<hbm>>) target(%arg12 : memref<128x64xf32, #tpu.memory_space<vmem>>) offsets(%dma_start3A_242 : memref<128xi32, #tpu.memory_space<vmem>>) semaphore(%arg17 : memref<!tpu.dma_semaphore, #tpu.memory_space<semaphore_mem>>)
    %sub3A_246 = arith.constant 1 : i32
    %sub3A_247 = arith.subi %select_n3A_200, %sub3A_246 : i32
    %mul3A_248 = arith.constant 5 : i32
    %mul3A_249 = arith.muli %sub3A_247, %mul3A_248 : i32
    %add3A_250 = arith.constant 1 : i32
    %add3A_251 = arith.addi %mul3A_249, %add3A_250 : i32
    %dma_wait3A_252 = arith.constant 0 : i32
    %dma_wait3A_253 = arith.constant 0 : i32
    %dma_wait3A_254 = tpu.memref_slice %arg6[%dma_wait3A_252, %dma_wait3A_253] : memref<80x128xi32, #tpu.memory_space<vmem>> -> memref<1x128xi32, #tpu.memory_space<vmem>>
    %dma_wait3A_255 = tpu.memref_squeeze %dma_wait3A_254 : memref<1x128xi32, #tpu.memory_space<vmem>> -> memref<128xi32, #tpu.memory_space<vmem>>
    %dma_wait3A_256 = arith.constant 0 : i32
    %dma_wait3A_257 = arith.constant 0 : i32
    %dma_wait3A_258 = tpu.memref_slice %arg2[%dma_wait3A_256, %dma_wait3A_257] : memref<10240x64xf32, #tpu.memory_space<hbm>> -> memref<10240x64xf32, #tpu.memory_space<hbm>>
    tpu.wait_indirect_dma semaphore(%arg15 : memref<!tpu.dma_semaphore, #tpu.memory_space<semaphore_mem>>) src(%dma_wait3A_258 : memref<10240x64xf32, #tpu.memory_space<hbm>>) dst(%arg10 : memref<128x64xf32, #tpu.memory_space<vmem>>)
    %dma_start3A_259 = arith.constant 0 : i32
    %dma_start3A_260 = tpu.memref_slice %arg7[%add3A_251, %dma_start3A_259] : memref<80x128xi32, #tpu.memory_space<vmem>> -> memref<1x128xi32, #tpu.memory_space<vmem>>
    %dma_start3A_261 = tpu.memref_squeeze %dma_start3A_260 : memref<1x128xi32, #tpu.memory_space<vmem>> -> memref<128xi32, #tpu.memory_space<vmem>>
    %dma_start3A_262 = arith.constant 0 : i32
    %dma_start3A_263 = arith.constant 0 : i32
    %dma_start3A_264 = tpu.memref_slice %arg8[%dma_start3A_262, %dma_start3A_263] : memref<10112x64xf32, #tpu.memory_space<vmem_shared>> -> memref<10112x64xf32, #tpu.memory_space<vmem_shared>>
    tpu.enqueue_indirect_dma source(%arg10 : memref<128x64xf32, #tpu.memory_space<vmem>>) target(%dma_start3A_264 : memref<10112x64xf32, #tpu.memory_space<vmem_shared>>) offsets(%dma_start3A_261 : memref<128xi32, #tpu.memory_space<vmem>>) semaphore(%arg20 : memref<!tpu.dma_semaphore, #tpu.memory_space<semaphore_mem>>) {add = true}
    %dma_wait3A_265 = arith.constant 0 : i32
    %dma_wait3A_266 = arith.constant 0 : i32
    %dma_wait3A_267 = tpu.memref_slice %arg7[%dma_wait3A_265, %dma_wait3A_266] : memref<80x128xi32, #tpu.memory_space<vmem>> -> memref<1x128xi32, #tpu.memory_space<vmem>>
    %dma_wait3A_268 = tpu.memref_squeeze %dma_wait3A_267 : memref<1x128xi32, #tpu.memory_space<vmem>> -> memref<128xi32, #tpu.memory_space<vmem>>
    %dma_wait3A_269 = arith.constant 0 : i32
    %dma_wait3A_270 = arith.constant 0 : i32
    %dma_wait3A_271 = tpu.memref_slice %arg8[%dma_wait3A_269, %dma_wait3A_270] : memref<10112x64xf32, #tpu.memory_space<vmem_shared>> -> memref<10112x64xf32, #tpu.memory_space<vmem_shared>>
    tpu.wait_indirect_dma semaphore(%arg23 : memref<!tpu.dma_semaphore, #tpu.memory_space<semaphore_mem>>) src(%arg13 : memref<128x64xf32, #tpu.memory_space<vmem>>) dst(%dma_wait3A_271 : memref<10112x64xf32, #tpu.memory_space<vmem_shared>>)
    %add3A_272 = arith.constant 3 : i32
    %add3A_273 = arith.addi %add3A_251, %add3A_272 : i32
    %dma_start3A_274 = arith.constant 0 : i32
    %dma_start3A_275 = tpu.memref_slice %arg6[%add3A_273, %dma_start3A_274] : memref<80x128xi32, #tpu.memory_space<vmem>> -> memref<1x128xi32, #tpu.memory_space<vmem>>
    %dma_start3A_276 = tpu.memref_squeeze %dma_start3A_275 : memref<1x128xi32, #tpu.memory_space<vmem>> -> memref<128xi32, #tpu.memory_space<vmem>>
    %dma_start3A_277 = arith.constant 0 : i32
    %dma_start3A_278 = arith.constant 0 : i32
    %dma_start3A_279 = tpu.memref_slice %arg2[%dma_start3A_277, %dma_start3A_278] : memref<10240x64xf32, #tpu.memory_space<hbm>> -> memref<10240x64xf32, #tpu.memory_space<hbm>>
    tpu.enqueue_indirect_dma source(%dma_start3A_279 : memref<10240x64xf32, #tpu.memory_space<hbm>>) target(%arg13 : memref<128x64xf32, #tpu.memory_space<vmem>>) offsets(%dma_start3A_276 : memref<128xi32, #tpu.memory_space<vmem>>) semaphore(%arg18 : memref<!tpu.dma_semaphore, #tpu.memory_space<semaphore_mem>>)
    %sub3A_280 = arith.constant 1 : i32
    %sub3A_281 = arith.subi %select_n3A_200, %sub3A_280 : i32
    %mul3A_282 = arith.constant 5 : i32
    %mul3A_283 = arith.muli %sub3A_281, %mul3A_282 : i32
    %add3A_284 = arith.constant 2 : i32
    %add3A_285 = arith.addi %mul3A_283, %add3A_284 : i32
    %dma_wait3A_286 = arith.constant 0 : i32
    %dma_wait3A_287 = arith.constant 0 : i32
    %dma_wait3A_288 = tpu.memref_slice %arg6[%dma_wait3A_286, %dma_wait3A_287] : memref<80x128xi32, #tpu.memory_space<vmem>> -> memref<1x128xi32, #tpu.memory_space<vmem>>
    %dma_wait3A_289 = tpu.memref_squeeze %dma_wait3A_288 : memref<1x128xi32, #tpu.memory_space<vmem>> -> memref<128xi32, #tpu.memory_space<vmem>>
    %dma_wait3A_290 = arith.constant 0 : i32
    %dma_wait3A_291 = arith.constant 0 : i32
    %dma_wait3A_292 = tpu.memref_slice %arg2[%dma_wait3A_290, %dma_wait3A_291] : memref<10240x64xf32, #tpu.memory_space<hbm>> -> memref<10240x64xf32, #tpu.memory_space<hbm>>
    tpu.wait_indirect_dma semaphore(%arg16 : memref<!tpu.dma_semaphore, #tpu.memory_space<semaphore_mem>>) src(%dma_wait3A_292 : memref<10240x64xf32, #tpu.memory_space<hbm>>) dst(%arg11 : memref<128x64xf32, #tpu.memory_space<vmem>>)
    %dma_start3A_293 = arith.constant 0 : i32
    %dma_start3A_294 = tpu.memref_slice %arg7[%add3A_285, %dma_start3A_293] : memref<80x128xi32, #tpu.memory_space<vmem>> -> memref<1x128xi32, #tpu.memory_space<vmem>>
    %dma_start3A_295 = tpu.memref_squeeze %dma_start3A_294 : memref<1x128xi32, #tpu.memory_space<vmem>> -> memref<128xi32, #tpu.memory_space<vmem>>
    %dma_start3A_296 = arith.constant 0 : i32
    %dma_start3A_297 = arith.constant 0 : i32
    %dma_start3A_298 = tpu.memref_slice %arg8[%dma_start3A_296, %dma_start3A_297] : memref<10112x64xf32, #tpu.memory_space<vmem_shared>> -> memref<10112x64xf32, #tpu.memory_space<vmem_shared>>
    tpu.enqueue_indirect_dma source(%arg11 : memref<128x64xf32, #tpu.memory_space<vmem>>) target(%dma_start3A_298 : memref<10112x64xf32, #tpu.memory_space<vmem_shared>>) offsets(%dma_start3A_295 : memref<128xi32, #tpu.memory_space<vmem>>) semaphore(%arg21 : memref<!tpu.dma_semaphore, #tpu.memory_space<semaphore_mem>>) {add = true}
    %sub3A_299 = arith.constant 1 : i32
    %sub3A_300 = arith.subi %select_n3A_200, %sub3A_299 : i32
    %mul3A_301 = arith.constant 5 : i32
    %mul3A_302 = arith.muli %sub3A_300, %mul3A_301 : i32
    %add3A_303 = arith.constant 3 : i32
    %add3A_304 = arith.addi %mul3A_302, %add3A_303 : i32
    %dma_wait3A_305 = arith.constant 0 : i32
    %dma_wait3A_306 = arith.constant 0 : i32
    %dma_wait3A_307 = tpu.memref_slice %arg6[%dma_wait3A_305, %dma_wait3A_306] : memref<80x128xi32, #tpu.memory_space<vmem>> -> memref<1x128xi32, #tpu.memory_space<vmem>>
    %dma_wait3A_308 = tpu.memref_squeeze %dma_wait3A_307 : memref<1x128xi32, #tpu.memory_space<vmem>> -> memref<128xi32, #tpu.memory_space<vmem>>
    %dma_wait3A_309 = arith.constant 0 : i32
    %dma_wait3A_310 = arith.constant 0 : i32
    %dma_wait3A_311 = tpu.memref_slice %arg2[%dma_wait3A_309, %dma_wait3A_310] : memref<10240x64xf32, #tpu.memory_space<hbm>> -> memref<10240x64xf32, #tpu.memory_space<hbm>>
    tpu.wait_indirect_dma semaphore(%arg17 : memref<!tpu.dma_semaphore, #tpu.memory_space<semaphore_mem>>) src(%dma_wait3A_311 : memref<10240x64xf32, #tpu.memory_space<hbm>>) dst(%arg12 : memref<128x64xf32, #tpu.memory_space<vmem>>)
    %dma_start3A_312 = arith.constant 0 : i32
    %dma_start3A_313 = tpu.memref_slice %arg7[%add3A_304, %dma_start3A_312] : memref<80x128xi32, #tpu.memory_space<vmem>> -> memref<1x128xi32, #tpu.memory_space<vmem>>
    %dma_start3A_314 = tpu.memref_squeeze %dma_start3A_313 : memref<1x128xi32, #tpu.memory_space<vmem>> -> memref<128xi32, #tpu.memory_space<vmem>>
    %dma_start3A_315 = arith.constant 0 : i32
    %dma_start3A_316 = arith.constant 0 : i32
    %dma_start3A_317 = tpu.memref_slice %arg8[%dma_start3A_315, %dma_start3A_316] : memref<10112x64xf32, #tpu.memory_space<vmem_shared>> -> memref<10112x64xf32, #tpu.memory_space<vmem_shared>>
    tpu.enqueue_indirect_dma source(%arg12 : memref<128x64xf32, #tpu.memory_space<vmem>>) target(%dma_start3A_317 : memref<10112x64xf32, #tpu.memory_space<vmem_shared>>) offsets(%dma_start3A_314 : memref<128xi32, #tpu.memory_space<vmem>>) semaphore(%arg22 : memref<!tpu.dma_semaphore, #tpu.memory_space<semaphore_mem>>) {add = true}
    %sub3A_318 = arith.constant 1 : i32
    %sub3A_319 = arith.subi %select_n3A_200, %sub3A_318 : i32
    %mul3A_320 = arith.constant 5 : i32
    %mul3A_321 = arith.muli %sub3A_319, %mul3A_320 : i32
    %add3A_322 = arith.constant 4 : i32
    %add3A_323 = arith.addi %mul3A_321, %add3A_322 : i32
    %dma_wait3A_324 = arith.constant 0 : i32
    %dma_wait3A_325 = arith.constant 0 : i32
    %dma_wait3A_326 = tpu.memref_slice %arg6[%dma_wait3A_324, %dma_wait3A_325] : memref<80x128xi32, #tpu.memory_space<vmem>> -> memref<1x128xi32, #tpu.memory_space<vmem>>
    %dma_wait3A_327 = tpu.memref_squeeze %dma_wait3A_326 : memref<1x128xi32, #tpu.memory_space<vmem>> -> memref<128xi32, #tpu.memory_space<vmem>>
    %dma_wait3A_328 = arith.constant 0 : i32
    %dma_wait3A_329 = arith.constant 0 : i32
    %dma_wait3A_330 = tpu.memref_slice %arg2[%dma_wait3A_328, %dma_wait3A_329] : memref<10240x64xf32, #tpu.memory_space<hbm>> -> memref<10240x64xf32, #tpu.memory_space<hbm>>
    tpu.wait_indirect_dma semaphore(%arg18 : memref<!tpu.dma_semaphore, #tpu.memory_space<semaphore_mem>>) src(%dma_wait3A_330 : memref<10240x64xf32, #tpu.memory_space<hbm>>) dst(%arg13 : memref<128x64xf32, #tpu.memory_space<vmem>>)
    %dma_start3A_331 = arith.constant 0 : i32
    %dma_start3A_332 = tpu.memref_slice %arg7[%add3A_323, %dma_start3A_331] : memref<80x128xi32, #tpu.memory_space<vmem>> -> memref<1x128xi32, #tpu.memory_space<vmem>>
    %dma_start3A_333 = tpu.memref_squeeze %dma_start3A_332 : memref<1x128xi32, #tpu.memory_space<vmem>> -> memref<128xi32, #tpu.memory_space<vmem>>
    %dma_start3A_334 = arith.constant 0 : i32
    %dma_start3A_335 = arith.constant 0 : i32
    %dma_start3A_336 = tpu.memref_slice %arg8[%dma_start3A_334, %dma_start3A_335] : memref<10112x64xf32, #tpu.memory_space<vmem_shared>> -> memref<10112x64xf32, #tpu.memory_space<vmem_shared>>
    tpu.enqueue_indirect_dma source(%arg13 : memref<128x64xf32, #tpu.memory_space<vmem>>) target(%dma_start3A_336 : memref<10112x64xf32, #tpu.memory_space<vmem_shared>>) offsets(%dma_start3A_333 : memref<128xi32, #tpu.memory_space<vmem>>) semaphore(%arg23 : memref<!tpu.dma_semaphore, #tpu.memory_space<semaphore_mem>>) {add = true}
    %dma_wait3A_337 = arith.constant 0 : i32
    %dma_wait3A_338 = arith.constant 0 : i32
    %dma_wait3A_339 = tpu.memref_slice %arg7[%dma_wait3A_337, %dma_wait3A_338] : memref<80x128xi32, #tpu.memory_space<vmem>> -> memref<1x128xi32, #tpu.memory_space<vmem>>
    %dma_wait3A_340 = tpu.memref_squeeze %dma_wait3A_339 : memref<1x128xi32, #tpu.memory_space<vmem>> -> memref<128xi32, #tpu.memory_space<vmem>>
    %dma_wait3A_341 = arith.constant 0 : i32
    %dma_wait3A_342 = arith.constant 0 : i32
    %dma_wait3A_343 = tpu.memref_slice %arg8[%dma_wait3A_341, %dma_wait3A_342] : memref<10112x64xf32, #tpu.memory_space<vmem_shared>> -> memref<10112x64xf32, #tpu.memory_space<vmem_shared>>
    tpu.wait_indirect_dma semaphore(%arg19 : memref<!tpu.dma_semaphore, #tpu.memory_space<semaphore_mem>>) src(%arg9 : memref<128x64xf32, #tpu.memory_space<vmem>>) dst(%dma_wait3A_343 : memref<10112x64xf32, #tpu.memory_space<vmem_shared>>)
    %dma_wait3A_344 = arith.constant 0 : i32
    %dma_wait3A_345 = arith.constant 0 : i32
    %dma_wait3A_346 = tpu.memref_slice %arg7[%dma_wait3A_344, %dma_wait3A_345] : memref<80x128xi32, #tpu.memory_space<vmem>> -> memref<1x128xi32, #tpu.memory_space<vmem>>
    %dma_wait3A_347 = tpu.memref_squeeze %dma_wait3A_346 : memref<1x128xi32, #tpu.memory_space<vmem>> -> memref<128xi32, #tpu.memory_space<vmem>>
    %dma_wait3A_348 = arith.constant 0 : i32
    %dma_wait3A_349 = arith.constant 0 : i32
    %dma_wait3A_350 = tpu.memref_slice %arg8[%dma_wait3A_348, %dma_wait3A_349] : memref<10112x64xf32, #tpu.memory_space<vmem_shared>> -> memref<10112x64xf32, #tpu.memory_space<vmem_shared>>
    tpu.wait_indirect_dma semaphore(%arg20 : memref<!tpu.dma_semaphore, #tpu.memory_space<semaphore_mem>>) src(%arg10 : memref<128x64xf32, #tpu.memory_space<vmem>>) dst(%dma_wait3A_350 : memref<10112x64xf32, #tpu.memory_space<vmem_shared>>)
    %dma_wait3A_351 = arith.constant 0 : i32
    %dma_wait3A_352 = arith.constant 0 : i32
    %dma_wait3A_353 = tpu.memref_slice %arg7[%dma_wait3A_351, %dma_wait3A_352] : memref<80x128xi32, #tpu.memory_space<vmem>> -> memref<1x128xi32, #tpu.memory_space<vmem>>
    %dma_wait3A_354 = tpu.memref_squeeze %dma_wait3A_353 : memref<1x128xi32, #tpu.memory_space<vmem>> -> memref<128xi32, #tpu.memory_space<vmem>>
    %dma_wait3A_355 = arith.constant 0 : i32
    %dma_wait3A_356 = arith.constant 0 : i32
    %dma_wait3A_357 = tpu.memref_slice %arg8[%dma_wait3A_355, %dma_wait3A_356] : memref<10112x64xf32, #tpu.memory_space<vmem_shared>> -> memref<10112x64xf32, #tpu.memory_space<vmem_shared>>
    tpu.wait_indirect_dma semaphore(%arg21 : memref<!tpu.dma_semaphore, #tpu.memory_space<semaphore_mem>>) src(%arg11 : memref<128x64xf32, #tpu.memory_space<vmem>>) dst(%dma_wait3A_357 : memref<10112x64xf32, #tpu.memory_space<vmem_shared>>)
    %dma_wait3A_358 = arith.constant 0 : i32
    %dma_wait3A_359 = arith.constant 0 : i32
    %dma_wait3A_360 = tpu.memref_slice %arg7[%dma_wait3A_358, %dma_wait3A_359] : memref<80x128xi32, #tpu.memory_space<vmem>> -> memref<1x128xi32, #tpu.memory_space<vmem>>
    %dma_wait3A_361 = tpu.memref_squeeze %dma_wait3A_360 : memref<1x128xi32, #tpu.memory_space<vmem>> -> memref<128xi32, #tpu.memory_space<vmem>>
    %dma_wait3A_362 = arith.constant 0 : i32
    %dma_wait3A_363 = arith.constant 0 : i32
    %dma_wait3A_364 = tpu.memref_slice %arg8[%dma_wait3A_362, %dma_wait3A_363] : memref<10112x64xf32, #tpu.memory_space<vmem_shared>> -> memref<10112x64xf32, #tpu.memory_space<vmem_shared>>
    tpu.wait_indirect_dma semaphore(%arg22 : memref<!tpu.dma_semaphore, #tpu.memory_space<semaphore_mem>>) src(%arg12 : memref<128x64xf32, #tpu.memory_space<vmem>>) dst(%dma_wait3A_364 : memref<10112x64xf32, #tpu.memory_space<vmem_shared>>)
    %dma_wait3A_365 = arith.constant 0 : i32
    %dma_wait3A_366 = arith.constant 0 : i32
    %dma_wait3A_367 = tpu.memref_slice %arg7[%dma_wait3A_365, %dma_wait3A_366] : memref<80x128xi32, #tpu.memory_space<vmem>> -> memref<1x128xi32, #tpu.memory_space<vmem>>
    %dma_wait3A_368 = tpu.memref_squeeze %dma_wait3A_367 : memref<1x128xi32, #tpu.memory_space<vmem>> -> memref<128xi32, #tpu.memory_space<vmem>>
    %dma_wait3A_369 = arith.constant 0 : i32
    %dma_wait3A_370 = arith.constant 0 : i32
    %dma_wait3A_371 = tpu.memref_slice %arg8[%dma_wait3A_369, %dma_wait3A_370] : memref<10112x64xf32, #tpu.memory_space<vmem_shared>> -> memref<10112x64xf32, #tpu.memory_space<vmem_shared>>
    tpu.wait_indirect_dma semaphore(%arg23 : memref<!tpu.dma_semaphore, #tpu.memory_space<semaphore_mem>>) src(%arg13 : memref<128x64xf32, #tpu.memory_space<vmem>>) dst(%dma_wait3A_371 : memref<10112x64xf32, #tpu.memory_space<vmem_shared>>)
    %barrier3A_372 = arith.constant 0 : index
    tpu.barrier barrier_id(%barrier3A_372)
    %mul3A_373 = arith.constant 632 : i32
    %mul3A_374 = arith.muli %arg1, %mul3A_373 : i32
    %mul3A_375 = arith.constant 632 : i32
    %mul3A_376 = arith.muli %arg1, %mul3A_375 : i32
    "tpu.region"() ({
      %run_scoped3A = tpu.sem_alloc : memref<!tpu.dma_semaphore, #tpu.memory_space<semaphore_mem>>
      %dma_start3A_377 = arith.constant 0 : i32
      %dma_start3A_378 = tpu.memref_slice %arg5[%arg0, %mul3A_376, %dma_start3A_377] : memref<2x10112x64xf32, #tpu.memory_space<hbm>> -> memref<1x632x64xf32, #tpu.memory_space<hbm>>
      %dma_start3A_379 = tpu.memref_squeeze %dma_start3A_378 : memref<1x632x64xf32, #tpu.memory_space<hbm>> -> memref<632x64xf32, #tpu.memory_space<hbm>>
      %dma_start3A_380 = arith.constant 0 : i32
      %dma_start3A_381 = tpu.memref_slice %arg8[%mul3A_374, %dma_start3A_380] : memref<10112x64xf32, #tpu.memory_space<vmem_shared>> -> memref<632x64xf32, #tpu.memory_space<vmem_shared>>
      tpu.enqueue_dma source(%dma_start3A_381 : memref<632x64xf32, #tpu.memory_space<vmem_shared>>) target(%dma_start3A_379 : memref<632x64xf32, #tpu.memory_space<hbm>>) target_semaphore(%run_scoped3A : memref<!tpu.dma_semaphore, #tpu.memory_space<semaphore_mem>>)
      %dma_wait3A_382 = arith.constant 0 : i32
      %dma_wait3A_383 = tpu.memref_slice %arg5[%arg0, %mul3A_376, %dma_wait3A_382] : memref<2x10112x64xf32, #tpu.memory_space<hbm>> -> memref<1x632x64xf32, #tpu.memory_space<hbm>>
      %dma_wait3A_384 = tpu.memref_squeeze %dma_wait3A_383 : memref<1x632x64xf32, #tpu.memory_space<hbm>> -> memref<632x64xf32, #tpu.memory_space<hbm>>
      %dma_wait3A_385 = arith.constant 0 : i32
      %dma_wait3A_386 = tpu.memref_slice %arg8[%mul3A_374, %dma_wait3A_385] : memref<10112x64xf32, #tpu.memory_space<vmem_shared>> -> memref<632x64xf32, #tpu.memory_space<vmem_shared>>
      tpu.wait_dma2 semaphore(%run_scoped3A : memref<!tpu.dma_semaphore, #tpu.memory_space<semaphore_mem>>) src(%dma_wait3A_386 : memref<632x64xf32, #tpu.memory_space<vmem_shared>>) dst(%dma_wait3A_384 : memref<632x64xf32, #tpu.memory_space<hbm>>)
      tpu.yield
    }) : () -> ()
    return
  }
}

#map = affine_map<(d0, d1) -> (0, 0)>
#map1 = affine_map<(d0, d1) -> (0, 0, 0)>
module attributes {stable_mosaic.version = 14 : i64} {
  func.func @_deg_kernel(%arg0: i32, %arg1: i32, %arg2: memref<2x320000xi32, #tpu.memory_space<hbm>>, %arg3: memref<2x2x10240xf32, #tpu.memory_space<hbm>>, %arg4: memref<128xf32, #tpu.memory_space<vmem>>, %arg5: memref<640xf32, #tpu.memory_space<vmem>>, %arg6: memref<10240xf32, #tpu.memory_space<vmem_shared>>, %arg7: memref<10240xf32, #tpu.memory_space<vmem_shared>>, %arg8: memref<10240xi32, #tpu.memory_space<vmem>>, %arg9: memref<10240xi32, #tpu.memory_space<vmem>>, %arg10: memref<!tpu.dma_semaphore, #tpu.memory_space<semaphore_mem>>, %arg11: memref<!tpu.dma_semaphore, #tpu.memory_space<semaphore_mem>>, %arg12: memref<!tpu.dma_semaphore, #tpu.memory_space<semaphore_mem>>, %arg13: memref<!tpu.dma_semaphore, #tpu.memory_space<semaphore_mem>>, %arg14: memref<!tpu.dma_semaphore, #tpu.memory_space<semaphore_mem>>, %arg15: memref<!tpu.dma_semaphore, #tpu.memory_space<semaphore_mem>>, %arg16: memref<!tpu.dma_semaphore, #tpu.memory_space<semaphore_mem>>, %arg17: memref<!tpu.dma_semaphore, #tpu.memory_space<semaphore_mem>>, %arg18: memref<!tpu.dma_semaphore, #tpu.memory_space<semaphore_mem>>, %arg19: memref<!tpu.dma_semaphore, #tpu.memory_space<semaphore_mem>>) attributes {dimension_semantics = [#tpu.dimension_semantics<core_parallel>, #tpu.dimension_semantics<subcore_parallel>], iteration_bounds = array<i64: 2, 16>, scalar_prefetch = 0 : i64, scratch_operands = 16 : i64, tpu.core_type = #tpu.core_type<sc_vector_subcore>, window_params = [{transform_indices = #map}, {transform_indices = #map1}]} {
    %mul3A = arith.constant 16 : i32
    %mul3A_0 = arith.muli %arg0, %mul3A : i32
    %add3A = arith.addi %mul3A_0, %arg1 : i32
    %mul3A_1 = arith.constant 80 : i32
    %mul3A_2 = arith.muli %add3A, %mul3A_1 : i32
    %mul3A_3 = arith.constant 128 : i32
    %mul3A_4 = arith.muli %mul3A_2, %mul3A_3 : i32
    %multiple_of3A = tpu.assume_multiple %mul3A_4, 8 : i32
    %lt3A = arith.constant 31 : i32
    %lt3A_5 = arith.cmpi slt, %add3A, %lt3A : i32
    %convert_element_type3A = arith.extui %lt3A_5 : i1 to i32
    %cond3A = arith.constant 0 : i32
    %cond3A_6 = arith.cmpi ne, %convert_element_type3A, %cond3A : i32
    scf.if %cond3A_6 {
      %run_scoped3A_98 = arith.constant 0 : i32
      "tpu.region"() ({
        %run_scoped3A_100 = tpu.sem_alloc : memref<!tpu.dma_semaphore, #tpu.memory_space<semaphore_mem>>
        %dma_start3A = tpu.memref_slice %arg2[%run_scoped3A_98, %multiple_of3A] : memref<2x320000xi32, #tpu.memory_space<hbm>> -> memref<1x10240xi32, #tpu.memory_space<hbm>>
        %dma_start3A_101 = tpu.memref_squeeze %dma_start3A : memref<1x10240xi32, #tpu.memory_space<hbm>> -> memref<10240xi32, #tpu.memory_space<hbm>>
        %dma_start3A_102 = tpu.memref_slice %arg2[%run_scoped3A_98, %multiple_of3A] : memref<2x320000xi32, #tpu.memory_space<hbm>> -> memref<1x10240xi32, #tpu.memory_space<hbm>>
        %dma_start3A_103 = tpu.memref_squeeze %dma_start3A_102 : memref<1x10240xi32, #tpu.memory_space<hbm>> -> memref<10240xi32, #tpu.memory_space<hbm>>
        tpu.enqueue_dma source(%dma_start3A_103 : memref<10240xi32, #tpu.memory_space<hbm>>) target(%arg8 : memref<10240xi32, #tpu.memory_space<vmem>>) target_semaphore(%run_scoped3A_100 : memref<!tpu.dma_semaphore, #tpu.memory_space<semaphore_mem>>)
        %dma_wait3A_104 = tpu.memref_slice %arg2[%run_scoped3A_98, %multiple_of3A] : memref<2x320000xi32, #tpu.memory_space<hbm>> -> memref<1x10240xi32, #tpu.memory_space<hbm>>
        %dma_wait3A_105 = tpu.memref_squeeze %dma_wait3A_104 : memref<1x10240xi32, #tpu.memory_space<hbm>> -> memref<10240xi32, #tpu.memory_space<hbm>>
        %dma_wait3A_106 = tpu.memref_slice %arg2[%run_scoped3A_98, %multiple_of3A] : memref<2x320000xi32, #tpu.memory_space<hbm>> -> memref<1x10240xi32, #tpu.memory_space<hbm>>
        %dma_wait3A_107 = tpu.memref_squeeze %dma_wait3A_106 : memref<1x10240xi32, #tpu.memory_space<hbm>> -> memref<10240xi32, #tpu.memory_space<hbm>>
        tpu.wait_dma2 semaphore(%run_scoped3A_100 : memref<!tpu.dma_semaphore, #tpu.memory_space<semaphore_mem>>) src(%dma_wait3A_107 : memref<10240xi32, #tpu.memory_space<hbm>>) dst(%arg8 : memref<10240xi32, #tpu.memory_space<vmem>>)
        tpu.yield
      }) : () -> ()
      %run_scoped3A_99 = arith.constant 1 : i32
      "tpu.region"() ({
        %run_scoped3A_100 = tpu.sem_alloc : memref<!tpu.dma_semaphore, #tpu.memory_space<semaphore_mem>>
        %dma_start3A = tpu.memref_slice %arg2[%run_scoped3A_99, %multiple_of3A] : memref<2x320000xi32, #tpu.memory_space<hbm>> -> memref<1x10240xi32, #tpu.memory_space<hbm>>
        %dma_start3A_101 = tpu.memref_squeeze %dma_start3A : memref<1x10240xi32, #tpu.memory_space<hbm>> -> memref<10240xi32, #tpu.memory_space<hbm>>
        %dma_start3A_102 = tpu.memref_slice %arg2[%run_scoped3A_99, %multiple_of3A] : memref<2x320000xi32, #tpu.memory_space<hbm>> -> memref<1x10240xi32, #tpu.memory_space<hbm>>
        %dma_start3A_103 = tpu.memref_squeeze %dma_start3A_102 : memref<1x10240xi32, #tpu.memory_space<hbm>> -> memref<10240xi32, #tpu.memory_space<hbm>>
        tpu.enqueue_dma source(%dma_start3A_103 : memref<10240xi32, #tpu.memory_space<hbm>>) target(%arg9 : memref<10240xi32, #tpu.memory_space<vmem>>) target_semaphore(%run_scoped3A_100 : memref<!tpu.dma_semaphore, #tpu.memory_space<semaphore_mem>>)
        %dma_wait3A_104 = tpu.memref_slice %arg2[%run_scoped3A_99, %multiple_of3A] : memref<2x320000xi32, #tpu.memory_space<hbm>> -> memref<1x10240xi32, #tpu.memory_space<hbm>>
        %dma_wait3A_105 = tpu.memref_squeeze %dma_wait3A_104 : memref<1x10240xi32, #tpu.memory_space<hbm>> -> memref<10240xi32, #tpu.memory_space<hbm>>
        %dma_wait3A_106 = tpu.memref_slice %arg2[%run_scoped3A_99, %multiple_of3A] : memref<2x320000xi32, #tpu.memory_space<hbm>> -> memref<1x10240xi32, #tpu.memory_space<hbm>>
        %dma_wait3A_107 = tpu.memref_squeeze %dma_wait3A_106 : memref<1x10240xi32, #tpu.memory_space<hbm>> -> memref<10240xi32, #tpu.memory_space<hbm>>
        tpu.wait_dma2 semaphore(%run_scoped3A_100 : memref<!tpu.dma_semaphore, #tpu.memory_space<semaphore_mem>>) src(%dma_wait3A_107 : memref<10240xi32, #tpu.memory_space<hbm>>) dst(%arg9 : memref<10240xi32, #tpu.memory_space<vmem>>)
        tpu.yield
      }) : () -> ()
    } else {
    }
    %eq3A = arith.constant 31 : i32
    %eq3A_7 = arith.cmpi eq, %add3A, %eq3A : i32
    %convert_element_type3A_8 = arith.extui %eq3A_7 : i1 to i32
    %cond3A_9 = arith.constant 0 : i32
    %cond3A_10 = arith.cmpi ne, %convert_element_type3A_8, %cond3A_9 : i32
    scf.if %cond3A_10 {
      %run_scoped3A_98 = arith.constant 0 : i32
      "tpu.region"() ({
        %run_scoped3A_100 = tpu.sem_alloc : memref<!tpu.dma_semaphore, #tpu.memory_space<semaphore_mem>>
        %dma_start3A = arith.constant 0 : i32
        %dma_start3A_101 = tpu.memref_slice %arg8[%dma_start3A] : memref<10240xi32, #tpu.memory_space<vmem>> -> memref<2560xi32, #tpu.memory_space<vmem>>
        %dma_start3A_102 = arith.constant 317440 : i32
        %dma_start3A_103 = tpu.memref_slice %arg2[%run_scoped3A_98, %dma_start3A_102] : memref<2x320000xi32, #tpu.memory_space<hbm>> -> memref<1x2560xi32, #tpu.memory_space<hbm>>
        %dma_start3A_104 = tpu.memref_squeeze %dma_start3A_103 : memref<1x2560xi32, #tpu.memory_space<hbm>> -> memref<2560xi32, #tpu.memory_space<hbm>>
        %dma_start3A_105 = arith.constant 0 : i32
        %dma_start3A_106 = tpu.memref_slice %arg8[%dma_start3A_105] : memref<10240xi32, #tpu.memory_space<vmem>> -> memref<2560xi32, #tpu.memory_space<vmem>>
        %dma_start3A_107 = arith.constant 317440 : i32
        %dma_start3A_108 = tpu.memref_slice %arg2[%run_scoped3A_98, %dma_start3A_107] : memref<2x320000xi32, #tpu.memory_space<hbm>> -> memref<1x2560xi32, #tpu.memory_space<hbm>>
        %dma_start3A_109 = tpu.memref_squeeze %dma_start3A_108 : memref<1x2560xi32, #tpu.memory_space<hbm>> -> memref<2560xi32, #tpu.memory_space<hbm>>
        tpu.enqueue_dma source(%dma_start3A_109 : memref<2560xi32, #tpu.memory_space<hbm>>) target(%dma_start3A_106 : memref<2560xi32, #tpu.memory_space<vmem>>) target_semaphore(%run_scoped3A_100 : memref<!tpu.dma_semaphore, #tpu.memory_space<semaphore_mem>>)
        %dma_wait3A_110 = arith.constant 0 : i32
        %dma_wait3A_111 = tpu.memref_slice %arg8[%dma_wait3A_110] : memref<10240xi32, #tpu.memory_space<vmem>> -> memref<2560xi32, #tpu.memory_space<vmem>>
        %dma_wait3A_112 = arith.constant 317440 : i32
        %dma_wait3A_113 = tpu.memref_slice %arg2[%run_scoped3A_98, %dma_wait3A_112] : memref<2x320000xi32, #tpu.memory_space<hbm>> -> memref<1x2560xi32, #tpu.memory_space<hbm>>
        %dma_wait3A_114 = tpu.memref_squeeze %dma_wait3A_113 : memref<1x2560xi32, #tpu.memory_space<hbm>> -> memref<2560xi32, #tpu.memory_space<hbm>>
        %dma_wait3A_115 = arith.constant 0 : i32
        %dma_wait3A_116 = tpu.memref_slice %arg8[%dma_wait3A_115] : memref<10240xi32, #tpu.memory_space<vmem>> -> memref<2560xi32, #tpu.memory_space<vmem>>
        %dma_wait3A_117 = arith.constant 317440 : i32
        %dma_wait3A_118 = tpu.memref_slice %arg2[%run_scoped3A_98, %dma_wait3A_117] : memref<2x320000xi32, #tpu.memory_space<hbm>> -> memref<1x2560xi32, #tpu.memory_space<hbm>>
        %dma_wait3A_119 = tpu.memref_squeeze %dma_wait3A_118 : memref<1x2560xi32, #tpu.memory_space<hbm>> -> memref<2560xi32, #tpu.memory_space<hbm>>
        tpu.wait_dma2 semaphore(%run_scoped3A_100 : memref<!tpu.dma_semaphore, #tpu.memory_space<semaphore_mem>>) src(%dma_wait3A_119 : memref<2560xi32, #tpu.memory_space<hbm>>) dst(%dma_wait3A_116 : memref<2560xi32, #tpu.memory_space<vmem>>)
        tpu.yield
      }) : () -> ()
      %run_scoped3A_99 = arith.constant 1 : i32
      "tpu.region"() ({
        %run_scoped3A_100 = tpu.sem_alloc : memref<!tpu.dma_semaphore, #tpu.memory_space<semaphore_mem>>
        %dma_start3A = arith.constant 0 : i32
        %dma_start3A_101 = tpu.memref_slice %arg9[%dma_start3A] : memref<10240xi32, #tpu.memory_space<vmem>> -> memref<2560xi32, #tpu.memory_space<vmem>>
        %dma_start3A_102 = arith.constant 317440 : i32
        %dma_start3A_103 = tpu.memref_slice %arg2[%run_scoped3A_99, %dma_start3A_102] : memref<2x320000xi32, #tpu.memory_space<hbm>> -> memref<1x2560xi32, #tpu.memory_space<hbm>>
        %dma_start3A_104 = tpu.memref_squeeze %dma_start3A_103 : memref<1x2560xi32, #tpu.memory_space<hbm>> -> memref<2560xi32, #tpu.memory_space<hbm>>
        %dma_start3A_105 = arith.constant 0 : i32
        %dma_start3A_106 = tpu.memref_slice %arg9[%dma_start3A_105] : memref<10240xi32, #tpu.memory_space<vmem>> -> memref<2560xi32, #tpu.memory_space<vmem>>
        %dma_start3A_107 = arith.constant 317440 : i32
        %dma_start3A_108 = tpu.memref_slice %arg2[%run_scoped3A_99, %dma_start3A_107] : memref<2x320000xi32, #tpu.memory_space<hbm>> -> memref<1x2560xi32, #tpu.memory_space<hbm>>
        %dma_start3A_109 = tpu.memref_squeeze %dma_start3A_108 : memref<1x2560xi32, #tpu.memory_space<hbm>> -> memref<2560xi32, #tpu.memory_space<hbm>>
        tpu.enqueue_dma source(%dma_start3A_109 : memref<2560xi32, #tpu.memory_space<hbm>>) target(%dma_start3A_106 : memref<2560xi32, #tpu.memory_space<vmem>>) target_semaphore(%run_scoped3A_100 : memref<!tpu.dma_semaphore, #tpu.memory_space<semaphore_mem>>)
        %dma_wait3A_110 = arith.constant 0 : i32
        %dma_wait3A_111 = tpu.memref_slice %arg9[%dma_wait3A_110] : memref<10240xi32, #tpu.memory_space<vmem>> -> memref<2560xi32, #tpu.memory_space<vmem>>
        %dma_wait3A_112 = arith.constant 317440 : i32
        %dma_wait3A_113 = tpu.memref_slice %arg2[%run_scoped3A_99, %dma_wait3A_112] : memref<2x320000xi32, #tpu.memory_space<hbm>> -> memref<1x2560xi32, #tpu.memory_space<hbm>>
        %dma_wait3A_114 = tpu.memref_squeeze %dma_wait3A_113 : memref<1x2560xi32, #tpu.memory_space<hbm>> -> memref<2560xi32, #tpu.memory_space<hbm>>
        %dma_wait3A_115 = arith.constant 0 : i32
        %dma_wait3A_116 = tpu.memref_slice %arg9[%dma_wait3A_115] : memref<10240xi32, #tpu.memory_space<vmem>> -> memref<2560xi32, #tpu.memory_space<vmem>>
        %dma_wait3A_117 = arith.constant 317440 : i32
        %dma_wait3A_118 = tpu.memref_slice %arg2[%run_scoped3A_99, %dma_wait3A_117] : memref<2x320000xi32, #tpu.memory_space<hbm>> -> memref<1x2560xi32, #tpu.memory_space<hbm>>
        %dma_wait3A_119 = tpu.memref_squeeze %dma_wait3A_118 : memref<1x2560xi32, #tpu.memory_space<hbm>> -> memref<2560xi32, #tpu.memory_space<hbm>>
        tpu.wait_dma2 semaphore(%run_scoped3A_100 : memref<!tpu.dma_semaphore, #tpu.memory_space<semaphore_mem>>) src(%dma_wait3A_119 : memref<2560xi32, #tpu.memory_space<hbm>>) dst(%dma_wait3A_116 : memref<2560xi32, #tpu.memory_space<vmem>>)
        tpu.yield
      }) : () -> ()
    } else {
    }
    %broadcast_in_dim3A = arith.constant 0.000000e+00 : f32
    %broadcast_in_dim3A_11 = vector.broadcast %broadcast_in_dim3A : f32 to vector<16xf32>
    %scan3A = arith.constant 0 : i32
    %scan3A_12 = arith.constant 0 : i32
    %scan3A_13 = arith.constant 40 : i32
    %scan3A_14 = arith.addi %scan3A_12, %scan3A_13 : i32
    %scan3A_15 = arith.constant 1 : i32
    scf.for %scan3A_98 = %scan3A_12 to %scan3A_14 step %scan3A_15  : i32 {
      %mul3A_99 = arith.constant 16 : i32
      %mul3A_100 = arith.muli %scan3A_98, %mul3A_99 : i32
      %swap3A = arith.index_cast %mul3A_100 : i32 to index
      %swap3A_101 = tpu.vector_load %arg5[%swap3A] {strides = array<i32>} : memref<640xf32, #tpu.memory_space<vmem>>, vector<16xf32>,
      %swap3A_102 = vector.shape_cast %swap3A_101 : vector<16xf32> to vector<16xf32>
      %swap3A_103 = vector.shape_cast %broadcast_in_dim3A_11 : vector<16xf32> to vector<16xf32>
      tpu.vector_store %arg5[%swap3A], %swap3A_103 {strides = array<i32>} : memref<640xf32, #tpu.memory_space<vmem>>, vector<16xf32>,
    }
    %scan3A_16 = arith.constant 40 : i32
    %broadcast_in_dim3A_17 = arith.constant 1.000000e+00 : f32
    %broadcast_in_dim3A_18 = vector.broadcast %broadcast_in_dim3A_17 : f32 to vector<16xf32>
    %scan3A_19 = arith.constant 0 : i32
    %scan3A_20 = arith.constant 0 : i32
    %scan3A_21 = arith.constant 8 : i32
    %scan3A_22 = arith.addi %scan3A_20, %scan3A_21 : i32
    %scan3A_23 = arith.constant 1 : i32
    scf.for %scan3A_98 = %scan3A_20 to %scan3A_22 step %scan3A_23  : i32 {
      %mul3A_99 = arith.constant 16 : i32
      %mul3A_100 = arith.muli %scan3A_98, %mul3A_99 : i32
      %swap3A = arith.index_cast %mul3A_100 : i32 to index
      %swap3A_101 = tpu.vector_load %arg4[%swap3A] {strides = array<i32>} : memref<128xf32, #tpu.memory_space<vmem>>, vector<16xf32>,
      %swap3A_102 = vector.shape_cast %swap3A_101 : vector<16xf32> to vector<16xf32>
      %swap3A_103 = vector.shape_cast %broadcast_in_dim3A_18 : vector<16xf32> to vector<16xf32>
      tpu.vector_store %arg4[%swap3A], %swap3A_103 {strides = array<i32>} : memref<128xf32, #tpu.memory_space<vmem>>, vector<16xf32>,
    }
    %scan3A_24 = arith.constant 8 : i32
    %mul3A_25 = arith.constant 640 : i32
    %mul3A_26 = arith.muli %arg1, %mul3A_25 : i32
    "tpu.region"() ({
      %run_scoped3A_98 = tpu.sem_alloc : memref<!tpu.dma_semaphore, #tpu.memory_space<semaphore_mem>>
      %dma_start3A = tpu.memref_slice %arg6[%mul3A_26] : memref<10240xf32, #tpu.memory_space<vmem_shared>> -> memref<640xf32, #tpu.memory_space<vmem_shared>>
      %dma_start3A_99 = tpu.memref_slice %arg6[%mul3A_26] : memref<10240xf32, #tpu.memory_space<vmem_shared>> -> memref<640xf32, #tpu.memory_space<vmem_shared>>
      tpu.enqueue_dma source(%arg5 : memref<640xf32, #tpu.memory_space<vmem>>) target(%dma_start3A_99 : memref<640xf32, #tpu.memory_space<vmem_shared>>) target_semaphore(%run_scoped3A_98 : memref<!tpu.dma_semaphore, #tpu.memory_space<semaphore_mem>>)
      %dma_wait3A_100 = tpu.memref_slice %arg6[%mul3A_26] : memref<10240xf32, #tpu.memory_space<vmem_shared>> -> memref<640xf32, #tpu.memory_space<vmem_shared>>
      %dma_wait3A_101 = tpu.memref_slice %arg6[%mul3A_26] : memref<10240xf32, #tpu.memory_space<vmem_shared>> -> memref<640xf32, #tpu.memory_space<vmem_shared>>
      tpu.wait_dma2 semaphore(%run_scoped3A_98 : memref<!tpu.dma_semaphore, #tpu.memory_space<semaphore_mem>>) src(%arg5 : memref<640xf32, #tpu.memory_space<vmem>>) dst(%dma_wait3A_101 : memref<640xf32, #tpu.memory_space<vmem_shared>>)
      tpu.yield
    }) : () -> ()
    "tpu.region"() ({
      %run_scoped3A_98 = tpu.sem_alloc : memref<!tpu.dma_semaphore, #tpu.memory_space<semaphore_mem>>
      %dma_start3A = tpu.memref_slice %arg7[%mul3A_26] : memref<10240xf32, #tpu.memory_space<vmem_shared>> -> memref<640xf32, #tpu.memory_space<vmem_shared>>
      %dma_start3A_99 = tpu.memref_slice %arg7[%mul3A_26] : memref<10240xf32, #tpu.memory_space<vmem_shared>> -> memref<640xf32, #tpu.memory_space<vmem_shared>>
      tpu.enqueue_dma source(%arg5 : memref<640xf32, #tpu.memory_space<vmem>>) target(%dma_start3A_99 : memref<640xf32, #tpu.memory_space<vmem_shared>>) target_semaphore(%run_scoped3A_98 : memref<!tpu.dma_semaphore, #tpu.memory_space<semaphore_mem>>)
      %dma_wait3A_100 = tpu.memref_slice %arg7[%mul3A_26] : memref<10240xf32, #tpu.memory_space<vmem_shared>> -> memref<640xf32, #tpu.memory_space<vmem_shared>>
      %dma_wait3A_101 = tpu.memref_slice %arg7[%mul3A_26] : memref<10240xf32, #tpu.memory_space<vmem_shared>> -> memref<640xf32, #tpu.memory_space<vmem_shared>>
      tpu.wait_dma2 semaphore(%run_scoped3A_98 : memref<!tpu.dma_semaphore, #tpu.memory_space<semaphore_mem>>) src(%arg5 : memref<640xf32, #tpu.memory_space<vmem>>) dst(%dma_wait3A_101 : memref<640xf32, #tpu.memory_space<vmem_shared>>)
      tpu.yield
    }) : () -> ()
    %barrier3A = arith.constant 0 : index
    tpu.barrier barrier_id(%barrier3A)
    %eq3A_27 = arith.constant 31 : i32
    %eq3A_28 = arith.cmpi eq, %add3A, %eq3A_27 : i32
    %jit3A = arith.constant 20 : i32
    %jit3A_29 = arith.constant 80 : i32
    %select_n3A = arith.select %eq3A_28, %jit3A, %jit3A_29 : i32
    %jit3A_30 = arith.constant 5 : i32
    %div3A = arith.divsi %select_n3A, %jit3A_30 : i32
    %sign3A = arith.constant 0 : i32
    %sign3A_31 = arith.cmpi sgt, %select_n3A, %sign3A : i32
    %sign3A_32 = arith.extui %sign3A_31 : i1 to i32
    %sign3A_33 = arith.constant 0 : i32
    %sign3A_34 = arith.cmpi slt, %select_n3A, %sign3A_33 : i32
    %sign3A_35 = arith.extui %sign3A_34 : i1 to i32
    %sign3A_36 = arith.subi %sign3A_32, %sign3A_35 : i32
    %sign3A_37 = arith.constant 0 : i32
    %sign3A_38 = arith.cmpi sgt, %jit3A_30, %sign3A_37 : i32
    %sign3A_39 = arith.extui %sign3A_38 : i1 to i32
    %sign3A_40 = arith.constant 0 : i32
    %sign3A_41 = arith.cmpi slt, %jit3A_30, %sign3A_40 : i32
    %sign3A_42 = arith.extui %sign3A_41 : i1 to i32
    %sign3A_43 = arith.subi %sign3A_39, %sign3A_42 : i32
    %ne3A = arith.cmpi ne, %sign3A_36, %sign3A_43 : i32
    %rem3A = arith.remsi %select_n3A, %jit3A_30 : i32
    %ne3A_44 = arith.constant 0 : i32
    %ne3A_45 = arith.cmpi ne, %rem3A, %ne3A_44 : i32
    %and3A = arith.andi %ne3A, %ne3A_45 : i1
    %sub3A = arith.constant 1 : i32
    %sub3A_46 = arith.subi %div3A, %sub3A : i32
    %select_n3A_47 = arith.select %and3A, %sub3A_46, %div3A : i32
    %while3A = arith.constant 0 : i32
    %while3A_48 = arith.constant 0 : i32
    %while3A_49 = arith.subi %select_n3A_47, %while3A_48 : i32
    %while3A_50 = arith.addi %while3A_48, %while3A_49 : i32
    %while3A_51 = arith.constant 1 : i32
    %while3A_52 = arith.divsi %while3A_49, %while3A_51 : i32
    %while3A_53 = arith.muli %while3A_52, %while3A_51 : i32
    %while3A_54 = arith.addi %while3A_48, %while3A_53 : i32
    %while3A_55 = arith.constant 1 : i32
    scf.for %while3A_98 = %while3A_48 to %while3A_54 step %while3A_55  : i32 {
      %mul3A_99 = arith.constant 5 : i32
      %mul3A_100 = arith.muli %while3A_98, %mul3A_99 : i32
      %add3A_101 = arith.constant 0 : i32
      %add3A_102 = arith.addi %mul3A_100, %add3A_101 : i32
      %mul3A_103 = arith.constant 128 : i32
      %mul3A_104 = arith.muli %add3A_102, %mul3A_103 : i32
      %dma_start3A = tpu.memref_slice %arg8[%mul3A_104] : memref<10240xi32, #tpu.memory_space<vmem>> -> memref<128xi32, #tpu.memory_space<vmem>>
      %dma_start3A_105 = arith.constant 0 : i32
      %dma_start3A_106 = tpu.memref_slice %arg6[%dma_start3A_105] : memref<10240xf32, #tpu.memory_space<vmem_shared>> -> memref<10240xf32, #tpu.memory_space<vmem_shared>>
      tpu.enqueue_indirect_dma source(%arg4 : memref<128xf32, #tpu.memory_space<vmem>>) target(%dma_start3A_106 : memref<10240xf32, #tpu.memory_space<vmem_shared>>) offsets(%dma_start3A : memref<128xi32, #tpu.memory_space<vmem>>) semaphore(%arg10 : memref<!tpu.dma_semaphore, #tpu.memory_space<semaphore_mem>>) {add = true}
      %mul3A_107 = arith.constant 128 : i32
      %mul3A_108 = arith.muli %add3A_102, %mul3A_107 : i32
      %dma_start3A_109 = tpu.memref_slice %arg9[%mul3A_108] : memref<10240xi32, #tpu.memory_space<vmem>> -> memref<128xi32, #tpu.memory_space<vmem>>
      %dma_start3A_110 = arith.constant 0 : i32
      %dma_start3A_111 = tpu.memref_slice %arg7[%dma_start3A_110] : memref<10240xf32, #tpu.memory_space<vmem_shared>> -> memref<10240xf32, #tpu.memory_space<vmem_shared>>
      tpu.enqueue_indirect_dma source(%arg4 : memref<128xf32, #tpu.memory_space<vmem>>) target(%dma_start3A_111 : memref<10240xf32, #tpu.memory_space<vmem_shared>>) offsets(%dma_start3A_109 : memref<128xi32, #tpu.memory_space<vmem>>) semaphore(%arg15 : memref<!tpu.dma_semaphore, #tpu.memory_space<semaphore_mem>>) {add = true}
      %gt3A = arith.constant 0 : i32
      %gt3A_112 = arith.cmpi sgt, %while3A_98, %gt3A : i32
      %convert_element_type3A_113 = arith.extui %gt3A_112 : i1 to i32
      %cond3A_114 = arith.constant 0 : i32
      %cond3A_115 = arith.cmpi ne, %convert_element_type3A_113, %cond3A_114 : i32
      scf.if %cond3A_115 {
        %dma_wait3A_192 = arith.constant 0 : i32
        %dma_wait3A_193 = tpu.memref_slice %arg8[%dma_wait3A_192] : memref<10240xi32, #tpu.memory_space<vmem>> -> memref<128xi32, #tpu.memory_space<vmem>>
        %dma_wait3A_194 = arith.constant 0 : i32
        %dma_wait3A_195 = tpu.memref_slice %arg6[%dma_wait3A_194] : memref<10240xf32, #tpu.memory_space<vmem_shared>> -> memref<10240xf32, #tpu.memory_space<vmem_shared>>
        tpu.wait_indirect_dma semaphore(%arg10 : memref<!tpu.dma_semaphore, #tpu.memory_space<semaphore_mem>>) src(%arg4 : memref<128xf32, #tpu.memory_space<vmem>>) dst(%dma_wait3A_195 : memref<10240xf32, #tpu.memory_space<vmem_shared>>)
        %dma_wait3A_196 = arith.constant 0 : i32
        %dma_wait3A_197 = tpu.memref_slice %arg9[%dma_wait3A_196] : memref<10240xi32, #tpu.memory_space<vmem>> -> memref<128xi32, #tpu.memory_space<vmem>>
        %dma_wait3A_198 = arith.constant 0 : i32
        %dma_wait3A_199 = tpu.memref_slice %arg7[%dma_wait3A_198] : memref<10240xf32, #tpu.memory_space<vmem_shared>> -> memref<10240xf32, #tpu.memory_space<vmem_shared>>
        tpu.wait_indirect_dma semaphore(%arg15 : memref<!tpu.dma_semaphore, #tpu.memory_space<semaphore_mem>>) src(%arg4 : memref<128xf32, #tpu.memory_space<vmem>>) dst(%dma_wait3A_199 : memref<10240xf32, #tpu.memory_space<vmem_shared>>)
      } else {
      }
      %mul3A_116 = arith.constant 5 : i32
      %mul3A_117 = arith.muli %while3A_98, %mul3A_116 : i32
      %add3A_118 = arith.constant 1 : i32
      %add3A_119 = arith.addi %mul3A_117, %add3A_118 : i32
      %mul3A_120 = arith.constant 128 : i32
      %mul3A_121 = arith.muli %add3A_119, %mul3A_120 : i32
      %dma_start3A_122 = tpu.memref_slice %arg8[%mul3A_121] : memref<10240xi32, #tpu.memory_space<vmem>> -> memref<128xi32, #tpu.memory_space<vmem>>
      %dma_start3A_123 = arith.constant 0 : i32
      %dma_start3A_124 = tpu.memref_slice %arg6[%dma_start3A_123] : memref<10240xf32, #tpu.memory_space<vmem_shared>> -> memref<10240xf32, #tpu.memory_space<vmem_shared>>
      tpu.enqueue_indirect_dma source(%arg4 : memref<128xf32, #tpu.memory_space<vmem>>) target(%dma_start3A_124 : memref<10240xf32, #tpu.memory_space<vmem_shared>>) offsets(%dma_start3A_122 : memref<128xi32, #tpu.memory_space<vmem>>) semaphore(%arg11 : memref<!tpu.dma_semaphore, #tpu.memory_space<semaphore_mem>>) {add = true}
      %mul3A_125 = arith.constant 128 : i32
      %mul3A_126 = arith.muli %add3A_119, %mul3A_125 : i32
      %dma_start3A_127 = tpu.memref_slice %arg9[%mul3A_126] : memref<10240xi32, #tpu.memory_space<vmem>> -> memref<128xi32, #tpu.memory_space<vmem>>
      %dma_start3A_128 = arith.constant 0 : i32
      %dma_start3A_129 = tpu.memref_slice %arg7[%dma_start3A_128] : memref<10240xf32, #tpu.memory_space<vmem_shared>> -> memref<10240xf32, #tpu.memory_space<vmem_shared>>
      tpu.enqueue_indirect_dma source(%arg4 : memref<128xf32, #tpu.memory_space<vmem>>) target(%dma_start3A_129 : memref<10240xf32, #tpu.memory_space<vmem_shared>>) offsets(%dma_start3A_127 : memref<128xi32, #tpu.memory_space<vmem>>) semaphore(%arg16 : memref<!tpu.dma_semaphore, #tpu.memory_space<semaphore_mem>>) {add = true}
      %gt3A_130 = arith.constant 0 : i32
      %gt3A_131 = arith.cmpi sgt, %while3A_98, %gt3A_130 : i32
      %convert_element_type3A_132 = arith.extui %gt3A_131 : i1 to i32
      %cond3A_133 = arith.constant 0 : i32
      %cond3A_134 = arith.cmpi ne, %convert_element_type3A_132, %cond3A_133 : i32
      scf.if %cond3A_134 {
        %dma_wait3A_192 = arith.constant 0 : i32
        %dma_wait3A_193 = tpu.memref_slice %arg8[%dma_wait3A_192] : memref<10240xi32, #tpu.memory_space<vmem>> -> memref<128xi32, #tpu.memory_space<vmem>>
        %dma_wait3A_194 = arith.constant 0 : i32
        %dma_wait3A_195 = tpu.memref_slice %arg6[%dma_wait3A_194] : memref<10240xf32, #tpu.memory_space<vmem_shared>> -> memref<10240xf32, #tpu.memory_space<vmem_shared>>
        tpu.wait_indirect_dma semaphore(%arg11 : memref<!tpu.dma_semaphore, #tpu.memory_space<semaphore_mem>>) src(%arg4 : memref<128xf32, #tpu.memory_space<vmem>>) dst(%dma_wait3A_195 : memref<10240xf32, #tpu.memory_space<vmem_shared>>)
        %dma_wait3A_196 = arith.constant 0 : i32
        %dma_wait3A_197 = tpu.memref_slice %arg9[%dma_wait3A_196] : memref<10240xi32, #tpu.memory_space<vmem>> -> memref<128xi32, #tpu.memory_space<vmem>>
        %dma_wait3A_198 = arith.constant 0 : i32
        %dma_wait3A_199 = tpu.memref_slice %arg7[%dma_wait3A_198] : memref<10240xf32, #tpu.memory_space<vmem_shared>> -> memref<10240xf32, #tpu.memory_space<vmem_shared>>
        tpu.wait_indirect_dma semaphore(%arg16 : memref<!tpu.dma_semaphore, #tpu.memory_space<semaphore_mem>>) src(%arg4 : memref<128xf32, #tpu.memory_space<vmem>>) dst(%dma_wait3A_199 : memref<10240xf32, #tpu.memory_space<vmem_shared>>)
      } else {
      }
      %mul3A_135 = arith.constant 5 : i32
      %mul3A_136 = arith.muli %while3A_98, %mul3A_135 : i32
      %add3A_137 = arith.constant 2 : i32
      %add3A_138 = arith.addi %mul3A_136, %add3A_137 : i32
      %mul3A_139 = arith.constant 128 : i32
      %mul3A_140 = arith.muli %add3A_138, %mul3A_139 : i32
      %dma_start3A_141 = tpu.memref_slice %arg8[%mul3A_140] : memref<10240xi32, #tpu.memory_space<vmem>> -> memref<128xi32, #tpu.memory_space<vmem>>
      %dma_start3A_142 = arith.constant 0 : i32
      %dma_start3A_143 = tpu.memref_slice %arg6[%dma_start3A_142] : memref<10240xf32, #tpu.memory_space<vmem_shared>> -> memref<10240xf32, #tpu.memory_space<vmem_shared>>
      tpu.enqueue_indirect_dma source(%arg4 : memref<128xf32, #tpu.memory_space<vmem>>) target(%dma_start3A_143 : memref<10240xf32, #tpu.memory_space<vmem_shared>>) offsets(%dma_start3A_141 : memref<128xi32, #tpu.memory_space<vmem>>) semaphore(%arg12 : memref<!tpu.dma_semaphore, #tpu.memory_space<semaphore_mem>>) {add = true}
      %mul3A_144 = arith.constant 128 : i32
      %mul3A_145 = arith.muli %add3A_138, %mul3A_144 : i32
      %dma_start3A_146 = tpu.memref_slice %arg9[%mul3A_145] : memref<10240xi32, #tpu.memory_space<vmem>> -> memref<128xi32, #tpu.memory_space<vmem>>
      %dma_start3A_147 = arith.constant 0 : i32
      %dma_start3A_148 = tpu.memref_slice %arg7[%dma_start3A_147] : memref<10240xf32, #tpu.memory_space<vmem_shared>> -> memref<10240xf32, #tpu.memory_space<vmem_shared>>
      tpu.enqueue_indirect_dma source(%arg4 : memref<128xf32, #tpu.memory_space<vmem>>) target(%dma_start3A_148 : memref<10240xf32, #tpu.memory_space<vmem_shared>>) offsets(%dma_start3A_146 : memref<128xi32, #tpu.memory_space<vmem>>) semaphore(%arg17 : memref<!tpu.dma_semaphore, #tpu.memory_space<semaphore_mem>>) {add = true}
      %gt3A_149 = arith.constant 0 : i32
      %gt3A_150 = arith.cmpi sgt, %while3A_98, %gt3A_149 : i32
      %convert_element_type3A_151 = arith.extui %gt3A_150 : i1 to i32
      %cond3A_152 = arith.constant 0 : i32
      %cond3A_153 = arith.cmpi ne, %convert_element_type3A_151, %cond3A_152 : i32
      scf.if %cond3A_153 {
        %dma_wait3A_192 = arith.constant 0 : i32
        %dma_wait3A_193 = tpu.memref_slice %arg8[%dma_wait3A_192] : memref<10240xi32, #tpu.memory_space<vmem>> -> memref<128xi32, #tpu.memory_space<vmem>>
        %dma_wait3A_194 = arith.constant 0 : i32
        %dma_wait3A_195 = tpu.memref_slice %arg6[%dma_wait3A_194] : memref<10240xf32, #tpu.memory_space<vmem_shared>> -> memref<10240xf32, #tpu.memory_space<vmem_shared>>
        tpu.wait_indirect_dma semaphore(%arg12 : memref<!tpu.dma_semaphore, #tpu.memory_space<semaphore_mem>>) src(%arg4 : memref<128xf32, #tpu.memory_space<vmem>>) dst(%dma_wait3A_195 : memref<10240xf32, #tpu.memory_space<vmem_shared>>)
        %dma_wait3A_196 = arith.constant 0 : i32
        %dma_wait3A_197 = tpu.memref_slice %arg9[%dma_wait3A_196] : memref<10240xi32, #tpu.memory_space<vmem>> -> memref<128xi32, #tpu.memory_space<vmem>>
        %dma_wait3A_198 = arith.constant 0 : i32
        %dma_wait3A_199 = tpu.memref_slice %arg7[%dma_wait3A_198] : memref<10240xf32, #tpu.memory_space<vmem_shared>> -> memref<10240xf32, #tpu.memory_space<vmem_shared>>
        tpu.wait_indirect_dma semaphore(%arg17 : memref<!tpu.dma_semaphore, #tpu.memory_space<semaphore_mem>>) src(%arg4 : memref<128xf32, #tpu.memory_space<vmem>>) dst(%dma_wait3A_199 : memref<10240xf32, #tpu.memory_space<vmem_shared>>)
      } else {
      }
      %mul3A_154 = arith.constant 5 : i32
      %mul3A_155 = arith.muli %while3A_98, %mul3A_154 : i32
      %add3A_156 = arith.constant 3 : i32
      %add3A_157 = arith.addi %mul3A_155, %add3A_156 : i32
      %mul3A_158 = arith.constant 128 : i32
      %mul3A_159 = arith.muli %add3A_157, %mul3A_158 : i32
      %dma_start3A_160 = tpu.memref_slice %arg8[%mul3A_159] : memref<10240xi32, #tpu.memory_space<vmem>> -> memref<128xi32, #tpu.memory_space<vmem>>
      %dma_start3A_161 = arith.constant 0 : i32
      %dma_start3A_162 = tpu.memref_slice %arg6[%dma_start3A_161] : memref<10240xf32, #tpu.memory_space<vmem_shared>> -> memref<10240xf32, #tpu.memory_space<vmem_shared>>
      tpu.enqueue_indirect_dma source(%arg4 : memref<128xf32, #tpu.memory_space<vmem>>) target(%dma_start3A_162 : memref<10240xf32, #tpu.memory_space<vmem_shared>>) offsets(%dma_start3A_160 : memref<128xi32, #tpu.memory_space<vmem>>) semaphore(%arg13 : memref<!tpu.dma_semaphore, #tpu.memory_space<semaphore_mem>>) {add = true}
      %mul3A_163 = arith.constant 128 : i32
      %mul3A_164 = arith.muli %add3A_157, %mul3A_163 : i32
      %dma_start3A_165 = tpu.memref_slice %arg9[%mul3A_164] : memref<10240xi32, #tpu.memory_space<vmem>> -> memref<128xi32, #tpu.memory_space<vmem>>
      %dma_start3A_166 = arith.constant 0 : i32
      %dma_start3A_167 = tpu.memref_slice %arg7[%dma_start3A_166] : memref<10240xf32, #tpu.memory_space<vmem_shared>> -> memref<10240xf32, #tpu.memory_space<vmem_shared>>
      tpu.enqueue_indirect_dma source(%arg4 : memref<128xf32, #tpu.memory_space<vmem>>) target(%dma_start3A_167 : memref<10240xf32, #tpu.memory_space<vmem_shared>>) offsets(%dma_start3A_165 : memref<128xi32, #tpu.memory_space<vmem>>) semaphore(%arg18 : memref<!tpu.dma_semaphore, #tpu.memory_space<semaphore_mem>>) {add = true}
      %gt3A_168 = arith.constant 0 : i32
      %gt3A_169 = arith.cmpi sgt, %while3A_98, %gt3A_168 : i32
      %convert_element_type3A_170 = arith.extui %gt3A_169 : i1 to i32
      %cond3A_171 = arith.constant 0 : i32
      %cond3A_172 = arith.cmpi ne, %convert_element_type3A_170, %cond3A_171 : i32
      scf.if %cond3A_172 {
        %dma_wait3A_192 = arith.constant 0 : i32
        %dma_wait3A_193 = tpu.memref_slice %arg8[%dma_wait3A_192] : memref<10240xi32, #tpu.memory_space<vmem>> -> memref<128xi32, #tpu.memory_space<vmem>>
        %dma_wait3A_194 = arith.constant 0 : i32
        %dma_wait3A_195 = tpu.memref_slice %arg6[%dma_wait3A_194] : memref<10240xf32, #tpu.memory_space<vmem_shared>> -> memref<10240xf32, #tpu.memory_space<vmem_shared>>
        tpu.wait_indirect_dma semaphore(%arg13 : memref<!tpu.dma_semaphore, #tpu.memory_space<semaphore_mem>>) src(%arg4 : memref<128xf32, #tpu.memory_space<vmem>>) dst(%dma_wait3A_195 : memref<10240xf32, #tpu.memory_space<vmem_shared>>)
        %dma_wait3A_196 = arith.constant 0 : i32
        %dma_wait3A_197 = tpu.memref_slice %arg9[%dma_wait3A_196] : memref<10240xi32, #tpu.memory_space<vmem>> -> memref<128xi32, #tpu.memory_space<vmem>>
        %dma_wait3A_198 = arith.constant 0 : i32
        %dma_wait3A_199 = tpu.memref_slice %arg7[%dma_wait3A_198] : memref<10240xf32, #tpu.memory_space<vmem_shared>> -> memref<10240xf32, #tpu.memory_space<vmem_shared>>
        tpu.wait_indirect_dma semaphore(%arg18 : memref<!tpu.dma_semaphore, #tpu.memory_space<semaphore_mem>>) src(%arg4 : memref<128xf32, #tpu.memory_space<vmem>>) dst(%dma_wait3A_199 : memref<10240xf32, #tpu.memory_space<vmem_shared>>)
      } else {
      }
      %mul3A_173 = arith.constant 5 : i32
      %mul3A_174 = arith.muli %while3A_98, %mul3A_173 : i32
      %add3A_175 = arith.constant 4 : i32
      %add3A_176 = arith.addi %mul3A_174, %add3A_175 : i32
      %mul3A_177 = arith.constant 128 : i32
      %mul3A_178 = arith.muli %add3A_176, %mul3A_177 : i32
      %dma_start3A_179 = tpu.memref_slice %arg8[%mul3A_178] : memref<10240xi32, #tpu.memory_space<vmem>> -> memref<128xi32, #tpu.memory_space<vmem>>
      %dma_start3A_180 = arith.constant 0 : i32
      %dma_start3A_181 = tpu.memref_slice %arg6[%dma_start3A_180] : memref<10240xf32, #tpu.memory_space<vmem_shared>> -> memref<10240xf32, #tpu.memory_space<vmem_shared>>
      tpu.enqueue_indirect_dma source(%arg4 : memref<128xf32, #tpu.memory_space<vmem>>) target(%dma_start3A_181 : memref<10240xf32, #tpu.memory_space<vmem_shared>>) offsets(%dma_start3A_179 : memref<128xi32, #tpu.memory_space<vmem>>) semaphore(%arg14 : memref<!tpu.dma_semaphore, #tpu.memory_space<semaphore_mem>>) {add = true}
      %mul3A_182 = arith.constant 128 : i32
      %mul3A_183 = arith.muli %add3A_176, %mul3A_182 : i32
      %dma_start3A_184 = tpu.memref_slice %arg9[%mul3A_183] : memref<10240xi32, #tpu.memory_space<vmem>> -> memref<128xi32, #tpu.memory_space<vmem>>
      %dma_start3A_185 = arith.constant 0 : i32
      %dma_start3A_186 = tpu.memref_slice %arg7[%dma_start3A_185] : memref<10240xf32, #tpu.memory_space<vmem_shared>> -> memref<10240xf32, #tpu.memory_space<vmem_shared>>
      tpu.enqueue_indirect_dma source(%arg4 : memref<128xf32, #tpu.memory_space<vmem>>) target(%dma_start3A_186 : memref<10240xf32, #tpu.memory_space<vmem_shared>>) offsets(%dma_start3A_184 : memref<128xi32, #tpu.memory_space<vmem>>) semaphore(%arg19 : memref<!tpu.dma_semaphore, #tpu.memory_space<semaphore_mem>>) {add = true}
      %gt3A_187 = arith.constant 0 : i32
      %gt3A_188 = arith.cmpi sgt, %while3A_98, %gt3A_187 : i32
      %convert_element_type3A_189 = arith.extui %gt3A_188 : i1 to i32
      %cond3A_190 = arith.constant 0 : i32
      %cond3A_191 = arith.cmpi ne, %convert_element_type3A_189, %cond3A_190 : i32
      scf.if %cond3A_191 {
        %dma_wait3A_192 = arith.constant 0 : i32
        %dma_wait3A_193 = tpu.memref_slice %arg8[%dma_wait3A_192] : memref<10240xi32, #tpu.memory_space<vmem>> -> memref<128xi32, #tpu.memory_space<vmem>>
        %dma_wait3A_194 = arith.constant 0 : i32
        %dma_wait3A_195 = tpu.memref_slice %arg6[%dma_wait3A_194] : memref<10240xf32, #tpu.memory_space<vmem_shared>> -> memref<10240xf32, #tpu.memory_space<vmem_shared>>
        tpu.wait_indirect_dma semaphore(%arg14 : memref<!tpu.dma_semaphore, #tpu.memory_space<semaphore_mem>>) src(%arg4 : memref<128xf32, #tpu.memory_space<vmem>>) dst(%dma_wait3A_195 : memref<10240xf32, #tpu.memory_space<vmem_shared>>)
        %dma_wait3A_196 = arith.constant 0 : i32
        %dma_wait3A_197 = tpu.memref_slice %arg9[%dma_wait3A_196] : memref<10240xi32, #tpu.memory_space<vmem>> -> memref<128xi32, #tpu.memory_space<vmem>>
        %dma_wait3A_198 = arith.constant 0 : i32
        %dma_wait3A_199 = tpu.memref_slice %arg7[%dma_wait3A_198] : memref<10240xf32, #tpu.memory_space<vmem_shared>> -> memref<10240xf32, #tpu.memory_space<vmem_shared>>
        tpu.wait_indirect_dma semaphore(%arg19 : memref<!tpu.dma_semaphore, #tpu.memory_space<semaphore_mem>>) src(%arg4 : memref<128xf32, #tpu.memory_space<vmem>>) dst(%dma_wait3A_199 : memref<10240xf32, #tpu.memory_space<vmem_shared>>)
      } else {
      }
    }
    %while3A_56 = arith.constant 1 : i32
    scf.for %while3A_98 = %while3A_54 to %while3A_50 step %while3A_56  : i32 {
      %mul3A_99 = arith.constant 5 : i32
      %mul3A_100 = arith.muli %while3A_98, %mul3A_99 : i32
      %add3A_101 = arith.constant 0 : i32
      %add3A_102 = arith.addi %mul3A_100, %add3A_101 : i32
      %mul3A_103 = arith.constant 128 : i32
      %mul3A_104 = arith.muli %add3A_102, %mul3A_103 : i32
      %dma_start3A = tpu.memref_slice %arg8[%mul3A_104] : memref<10240xi32, #tpu.memory_space<vmem>> -> memref<128xi32, #tpu.memory_space<vmem>>
      %dma_start3A_105 = arith.constant 0 : i32
      %dma_start3A_106 = tpu.memref_slice %arg6[%dma_start3A_105] : memref<10240xf32, #tpu.memory_space<vmem_shared>> -> memref<10240xf32, #tpu.memory_space<vmem_shared>>
      tpu.enqueue_indirect_dma source(%arg4 : memref<128xf32, #tpu.memory_space<vmem>>) target(%dma_start3A_106 : memref<10240xf32, #tpu.memory_space<vmem_shared>>) offsets(%dma_start3A : memref<128xi32, #tpu.memory_space<vmem>>) semaphore(%arg10 : memref<!tpu.dma_semaphore, #tpu.memory_space<semaphore_mem>>) {add = true}
      %mul3A_107 = arith.constant 128 : i32
      %mul3A_108 = arith.muli %add3A_102, %mul3A_107 : i32
      %dma_start3A_109 = tpu.memref_slice %arg9[%mul3A_108] : memref<10240xi32, #tpu.memory_space<vmem>> -> memref<128xi32, #tpu.memory_space<vmem>>
      %dma_start3A_110 = arith.constant 0 : i32
      %dma_start3A_111 = tpu.memref_slice %arg7[%dma_start3A_110] : memref<10240xf32, #tpu.memory_space<vmem_shared>> -> memref<10240xf32, #tpu.memory_space<vmem_shared>>
      tpu.enqueue_indirect_dma source(%arg4 : memref<128xf32, #tpu.memory_space<vmem>>) target(%dma_start3A_111 : memref<10240xf32, #tpu.memory_space<vmem_shared>>) offsets(%dma_start3A_109 : memref<128xi32, #tpu.memory_space<vmem>>) semaphore(%arg15 : memref<!tpu.dma_semaphore, #tpu.memory_space<semaphore_mem>>) {add = true}
      %gt3A = arith.constant 0 : i32
      %gt3A_112 = arith.cmpi sgt, %while3A_98, %gt3A : i32
      %convert_element_type3A_113 = arith.extui %gt3A_112 : i1 to i32
      %cond3A_114 = arith.constant 0 : i32
      %cond3A_115 = arith.cmpi ne, %convert_element_type3A_113, %cond3A_114 : i32
      scf.if %cond3A_115 {
        %dma_wait3A_192 = arith.constant 0 : i32
        %dma_wait3A_193 = tpu.memref_slice %arg8[%dma_wait3A_192] : memref<10240xi32, #tpu.memory_space<vmem>> -> memref<128xi32, #tpu.memory_space<vmem>>
        %dma_wait3A_194 = arith.constant 0 : i32
        %dma_wait3A_195 = tpu.memref_slice %arg6[%dma_wait3A_194] : memref<10240xf32, #tpu.memory_space<vmem_shared>> -> memref<10240xf32, #tpu.memory_space<vmem_shared>>
        tpu.wait_indirect_dma semaphore(%arg10 : memref<!tpu.dma_semaphore, #tpu.memory_space<semaphore_mem>>) src(%arg4 : memref<128xf32, #tpu.memory_space<vmem>>) dst(%dma_wait3A_195 : memref<10240xf32, #tpu.memory_space<vmem_shared>>)
        %dma_wait3A_196 = arith.constant 0 : i32
        %dma_wait3A_197 = tpu.memref_slice %arg9[%dma_wait3A_196] : memref<10240xi32, #tpu.memory_space<vmem>> -> memref<128xi32, #tpu.memory_space<vmem>>
        %dma_wait3A_198 = arith.constant 0 : i32
        %dma_wait3A_199 = tpu.memref_slice %arg7[%dma_wait3A_198] : memref<10240xf32, #tpu.memory_space<vmem_shared>> -> memref<10240xf32, #tpu.memory_space<vmem_shared>>
        tpu.wait_indirect_dma semaphore(%arg15 : memref<!tpu.dma_semaphore, #tpu.memory_space<semaphore_mem>>) src(%arg4 : memref<128xf32, #tpu.memory_space<vmem>>) dst(%dma_wait3A_199 : memref<10240xf32, #tpu.memory_space<vmem_shared>>)
      } else {
      }
      %mul3A_116 = arith.constant 5 : i32
      %mul3A_117 = arith.muli %while3A_98, %mul3A_116 : i32
      %add3A_118 = arith.constant 1 : i32
      %add3A_119 = arith.addi %mul3A_117, %add3A_118 : i32
      %mul3A_120 = arith.constant 128 : i32
      %mul3A_121 = arith.muli %add3A_119, %mul3A_120 : i32
      %dma_start3A_122 = tpu.memref_slice %arg8[%mul3A_121] : memref<10240xi32, #tpu.memory_space<vmem>> -> memref<128xi32, #tpu.memory_space<vmem>>
      %dma_start3A_123 = arith.constant 0 : i32
      %dma_start3A_124 = tpu.memref_slice %arg6[%dma_start3A_123] : memref<10240xf32, #tpu.memory_space<vmem_shared>> -> memref<10240xf32, #tpu.memory_space<vmem_shared>>
      tpu.enqueue_indirect_dma source(%arg4 : memref<128xf32, #tpu.memory_space<vmem>>) target(%dma_start3A_124 : memref<10240xf32, #tpu.memory_space<vmem_shared>>) offsets(%dma_start3A_122 : memref<128xi32, #tpu.memory_space<vmem>>) semaphore(%arg11 : memref<!tpu.dma_semaphore, #tpu.memory_space<semaphore_mem>>) {add = true}
      %mul3A_125 = arith.constant 128 : i32
      %mul3A_126 = arith.muli %add3A_119, %mul3A_125 : i32
      %dma_start3A_127 = tpu.memref_slice %arg9[%mul3A_126] : memref<10240xi32, #tpu.memory_space<vmem>> -> memref<128xi32, #tpu.memory_space<vmem>>
      %dma_start3A_128 = arith.constant 0 : i32
      %dma_start3A_129 = tpu.memref_slice %arg7[%dma_start3A_128] : memref<10240xf32, #tpu.memory_space<vmem_shared>> -> memref<10240xf32, #tpu.memory_space<vmem_shared>>
      tpu.enqueue_indirect_dma source(%arg4 : memref<128xf32, #tpu.memory_space<vmem>>) target(%dma_start3A_129 : memref<10240xf32, #tpu.memory_space<vmem_shared>>) offsets(%dma_start3A_127 : memref<128xi32, #tpu.memory_space<vmem>>) semaphore(%arg16 : memref<!tpu.dma_semaphore, #tpu.memory_space<semaphore_mem>>) {add = true}
      %gt3A_130 = arith.constant 0 : i32
      %gt3A_131 = arith.cmpi sgt, %while3A_98, %gt3A_130 : i32
      %convert_element_type3A_132 = arith.extui %gt3A_131 : i1 to i32
      %cond3A_133 = arith.constant 0 : i32
      %cond3A_134 = arith.cmpi ne, %convert_element_type3A_132, %cond3A_133 : i32
      scf.if %cond3A_134 {
        %dma_wait3A_192 = arith.constant 0 : i32
        %dma_wait3A_193 = tpu.memref_slice %arg8[%dma_wait3A_192] : memref<10240xi32, #tpu.memory_space<vmem>> -> memref<128xi32, #tpu.memory_space<vmem>>
        %dma_wait3A_194 = arith.constant 0 : i32
        %dma_wait3A_195 = tpu.memref_slice %arg6[%dma_wait3A_194] : memref<10240xf32, #tpu.memory_space<vmem_shared>> -> memref<10240xf32, #tpu.memory_space<vmem_shared>>
        tpu.wait_indirect_dma semaphore(%arg11 : memref<!tpu.dma_semaphore, #tpu.memory_space<semaphore_mem>>) src(%arg4 : memref<128xf32, #tpu.memory_space<vmem>>) dst(%dma_wait3A_195 : memref<10240xf32, #tpu.memory_space<vmem_shared>>)
        %dma_wait3A_196 = arith.constant 0 : i32
        %dma_wait3A_197 = tpu.memref_slice %arg9[%dma_wait3A_196] : memref<10240xi32, #tpu.memory_space<vmem>> -> memref<128xi32, #tpu.memory_space<vmem>>
        %dma_wait3A_198 = arith.constant 0 : i32
        %dma_wait3A_199 = tpu.memref_slice %arg7[%dma_wait3A_198] : memref<10240xf32, #tpu.memory_space<vmem_shared>> -> memref<10240xf32, #tpu.memory_space<vmem_shared>>
        tpu.wait_indirect_dma semaphore(%arg16 : memref<!tpu.dma_semaphore, #tpu.memory_space<semaphore_mem>>) src(%arg4 : memref<128xf32, #tpu.memory_space<vmem>>) dst(%dma_wait3A_199 : memref<10240xf32, #tpu.memory_space<vmem_shared>>)
      } else {
      }
      %mul3A_135 = arith.constant 5 : i32
      %mul3A_136 = arith.muli %while3A_98, %mul3A_135 : i32
      %add3A_137 = arith.constant 2 : i32
      %add3A_138 = arith.addi %mul3A_136, %add3A_137 : i32
      %mul3A_139 = arith.constant 128 : i32
      %mul3A_140 = arith.muli %add3A_138, %mul3A_139 : i32
      %dma_start3A_141 = tpu.memref_slice %arg8[%mul3A_140] : memref<10240xi32, #tpu.memory_space<vmem>> -> memref<128xi32, #tpu.memory_space<vmem>>
      %dma_start3A_142 = arith.constant 0 : i32
      %dma_start3A_143 = tpu.memref_slice %arg6[%dma_start3A_142] : memref<10240xf32, #tpu.memory_space<vmem_shared>> -> memref<10240xf32, #tpu.memory_space<vmem_shared>>
      tpu.enqueue_indirect_dma source(%arg4 : memref<128xf32, #tpu.memory_space<vmem>>) target(%dma_start3A_143 : memref<10240xf32, #tpu.memory_space<vmem_shared>>) offsets(%dma_start3A_141 : memref<128xi32, #tpu.memory_space<vmem>>) semaphore(%arg12 : memref<!tpu.dma_semaphore, #tpu.memory_space<semaphore_mem>>) {add = true}
      %mul3A_144 = arith.constant 128 : i32
      %mul3A_145 = arith.muli %add3A_138, %mul3A_144 : i32
      %dma_start3A_146 = tpu.memref_slice %arg9[%mul3A_145] : memref<10240xi32, #tpu.memory_space<vmem>> -> memref<128xi32, #tpu.memory_space<vmem>>
      %dma_start3A_147 = arith.constant 0 : i32
      %dma_start3A_148 = tpu.memref_slice %arg7[%dma_start3A_147] : memref<10240xf32, #tpu.memory_space<vmem_shared>> -> memref<10240xf32, #tpu.memory_space<vmem_shared>>
      tpu.enqueue_indirect_dma source(%arg4 : memref<128xf32, #tpu.memory_space<vmem>>) target(%dma_start3A_148 : memref<10240xf32, #tpu.memory_space<vmem_shared>>) offsets(%dma_start3A_146 : memref<128xi32, #tpu.memory_space<vmem>>) semaphore(%arg17 : memref<!tpu.dma_semaphore, #tpu.memory_space<semaphore_mem>>) {add = true}
      %gt3A_149 = arith.constant 0 : i32
      %gt3A_150 = arith.cmpi sgt, %while3A_98, %gt3A_149 : i32
      %convert_element_type3A_151 = arith.extui %gt3A_150 : i1 to i32
      %cond3A_152 = arith.constant 0 : i32
      %cond3A_153 = arith.cmpi ne, %convert_element_type3A_151, %cond3A_152 : i32
      scf.if %cond3A_153 {
        %dma_wait3A_192 = arith.constant 0 : i32
        %dma_wait3A_193 = tpu.memref_slice %arg8[%dma_wait3A_192] : memref<10240xi32, #tpu.memory_space<vmem>> -> memref<128xi32, #tpu.memory_space<vmem>>
        %dma_wait3A_194 = arith.constant 0 : i32
        %dma_wait3A_195 = tpu.memref_slice %arg6[%dma_wait3A_194] : memref<10240xf32, #tpu.memory_space<vmem_shared>> -> memref<10240xf32, #tpu.memory_space<vmem_shared>>
        tpu.wait_indirect_dma semaphore(%arg12 : memref<!tpu.dma_semaphore, #tpu.memory_space<semaphore_mem>>) src(%arg4 : memref<128xf32, #tpu.memory_space<vmem>>) dst(%dma_wait3A_195 : memref<10240xf32, #tpu.memory_space<vmem_shared>>)
        %dma_wait3A_196 = arith.constant 0 : i32
        %dma_wait3A_197 = tpu.memref_slice %arg9[%dma_wait3A_196] : memref<10240xi32, #tpu.memory_space<vmem>> -> memref<128xi32, #tpu.memory_space<vmem>>
        %dma_wait3A_198 = arith.constant 0 : i32
        %dma_wait3A_199 = tpu.memref_slice %arg7[%dma_wait3A_198] : memref<10240xf32, #tpu.memory_space<vmem_shared>> -> memref<10240xf32, #tpu.memory_space<vmem_shared>>
        tpu.wait_indirect_dma semaphore(%arg17 : memref<!tpu.dma_semaphore, #tpu.memory_space<semaphore_mem>>) src(%arg4 : memref<128xf32, #tpu.memory_space<vmem>>) dst(%dma_wait3A_199 : memref<10240xf32, #tpu.memory_space<vmem_shared>>)
      } else {
      }
      %mul3A_154 = arith.constant 5 : i32
      %mul3A_155 = arith.muli %while3A_98, %mul3A_154 : i32
      %add3A_156 = arith.constant 3 : i32
      %add3A_157 = arith.addi %mul3A_155, %add3A_156 : i32
      %mul3A_158 = arith.constant 128 : i32
      %mul3A_159 = arith.muli %add3A_157, %mul3A_158 : i32
      %dma_start3A_160 = tpu.memref_slice %arg8[%mul3A_159] : memref<10240xi32, #tpu.memory_space<vmem>> -> memref<128xi32, #tpu.memory_space<vmem>>
      %dma_start3A_161 = arith.constant 0 : i32
      %dma_start3A_162 = tpu.memref_slice %arg6[%dma_start3A_161] : memref<10240xf32, #tpu.memory_space<vmem_shared>> -> memref<10240xf32, #tpu.memory_space<vmem_shared>>
      tpu.enqueue_indirect_dma source(%arg4 : memref<128xf32, #tpu.memory_space<vmem>>) target(%dma_start3A_162 : memref<10240xf32, #tpu.memory_space<vmem_shared>>) offsets(%dma_start3A_160 : memref<128xi32, #tpu.memory_space<vmem>>) semaphore(%arg13 : memref<!tpu.dma_semaphore, #tpu.memory_space<semaphore_mem>>) {add = true}
      %mul3A_163 = arith.constant 128 : i32
      %mul3A_164 = arith.muli %add3A_157, %mul3A_163 : i32
      %dma_start3A_165 = tpu.memref_slice %arg9[%mul3A_164] : memref<10240xi32, #tpu.memory_space<vmem>> -> memref<128xi32, #tpu.memory_space<vmem>>
      %dma_start3A_166 = arith.constant 0 : i32
      %dma_start3A_167 = tpu.memref_slice %arg7[%dma_start3A_166] : memref<10240xf32, #tpu.memory_space<vmem_shared>> -> memref<10240xf32, #tpu.memory_space<vmem_shared>>
      tpu.enqueue_indirect_dma source(%arg4 : memref<128xf32, #tpu.memory_space<vmem>>) target(%dma_start3A_167 : memref<10240xf32, #tpu.memory_space<vmem_shared>>) offsets(%dma_start3A_165 : memref<128xi32, #tpu.memory_space<vmem>>) semaphore(%arg18 : memref<!tpu.dma_semaphore, #tpu.memory_space<semaphore_mem>>) {add = true}
      %gt3A_168 = arith.constant 0 : i32
      %gt3A_169 = arith.cmpi sgt, %while3A_98, %gt3A_168 : i32
      %convert_element_type3A_170 = arith.extui %gt3A_169 : i1 to i32
      %cond3A_171 = arith.constant 0 : i32
      %cond3A_172 = arith.cmpi ne, %convert_element_type3A_170, %cond3A_171 : i32
      scf.if %cond3A_172 {
        %dma_wait3A_192 = arith.constant 0 : i32
        %dma_wait3A_193 = tpu.memref_slice %arg8[%dma_wait3A_192] : memref<10240xi32, #tpu.memory_space<vmem>> -> memref<128xi32, #tpu.memory_space<vmem>>
        %dma_wait3A_194 = arith.constant 0 : i32
        %dma_wait3A_195 = tpu.memref_slice %arg6[%dma_wait3A_194] : memref<10240xf32, #tpu.memory_space<vmem_shared>> -> memref<10240xf32, #tpu.memory_space<vmem_shared>>
        tpu.wait_indirect_dma semaphore(%arg13 : memref<!tpu.dma_semaphore, #tpu.memory_space<semaphore_mem>>) src(%arg4 : memref<128xf32, #tpu.memory_space<vmem>>) dst(%dma_wait3A_195 : memref<10240xf32, #tpu.memory_space<vmem_shared>>)
        %dma_wait3A_196 = arith.constant 0 : i32
        %dma_wait3A_197 = tpu.memref_slice %arg9[%dma_wait3A_196] : memref<10240xi32, #tpu.memory_space<vmem>> -> memref<128xi32, #tpu.memory_space<vmem>>
        %dma_wait3A_198 = arith.constant 0 : i32
        %dma_wait3A_199 = tpu.memref_slice %arg7[%dma_wait3A_198] : memref<10240xf32, #tpu.memory_space<vmem_shared>> -> memref<10240xf32, #tpu.memory_space<vmem_shared>>
        tpu.wait_indirect_dma semaphore(%arg18 : memref<!tpu.dma_semaphore, #tpu.memory_space<semaphore_mem>>) src(%arg4 : memref<128xf32, #tpu.memory_space<vmem>>) dst(%dma_wait3A_199 : memref<10240xf32, #tpu.memory_space<vmem_shared>>)
      } else {
      }
      %mul3A_173 = arith.constant 5 : i32
      %mul3A_174 = arith.muli %while3A_98, %mul3A_173 : i32
      %add3A_175 = arith.constant 4 : i32
      %add3A_176 = arith.addi %mul3A_174, %add3A_175 : i32
      %mul3A_177 = arith.constant 128 : i32
      %mul3A_178 = arith.muli %add3A_176, %mul3A_177 : i32
      %dma_start3A_179 = tpu.memref_slice %arg8[%mul3A_178] : memref<10240xi32, #tpu.memory_space<vmem>> -> memref<128xi32, #tpu.memory_space<vmem>>
      %dma_start3A_180 = arith.constant 0 : i32
      %dma_start3A_181 = tpu.memref_slice %arg6[%dma_start3A_180] : memref<10240xf32, #tpu.memory_space<vmem_shared>> -> memref<10240xf32, #tpu.memory_space<vmem_shared>>
      tpu.enqueue_indirect_dma source(%arg4 : memref<128xf32, #tpu.memory_space<vmem>>) target(%dma_start3A_181 : memref<10240xf32, #tpu.memory_space<vmem_shared>>) offsets(%dma_start3A_179 : memref<128xi32, #tpu.memory_space<vmem>>) semaphore(%arg14 : memref<!tpu.dma_semaphore, #tpu.memory_space<semaphore_mem>>) {add = true}
      %mul3A_182 = arith.constant 128 : i32
      %mul3A_183 = arith.muli %add3A_176, %mul3A_182 : i32
      %dma_start3A_184 = tpu.memref_slice %arg9[%mul3A_183] : memref<10240xi32, #tpu.memory_space<vmem>> -> memref<128xi32, #tpu.memory_space<vmem>>
      %dma_start3A_185 = arith.constant 0 : i32
      %dma_start3A_186 = tpu.memref_slice %arg7[%dma_start3A_185] : memref<10240xf32, #tpu.memory_space<vmem_shared>> -> memref<10240xf32, #tpu.memory_space<vmem_shared>>
      tpu.enqueue_indirect_dma source(%arg4 : memref<128xf32, #tpu.memory_space<vmem>>) target(%dma_start3A_186 : memref<10240xf32, #tpu.memory_space<vmem_shared>>) offsets(%dma_start3A_184 : memref<128xi32, #tpu.memory_space<vmem>>) semaphore(%arg19 : memref<!tpu.dma_semaphore, #tpu.memory_space<semaphore_mem>>) {add = true}
      %gt3A_187 = arith.constant 0 : i32
      %gt3A_188 = arith.cmpi sgt, %while3A_98, %gt3A_187 : i32
      %convert_element_type3A_189 = arith.extui %gt3A_188 : i1 to i32
      %cond3A_190 = arith.constant 0 : i32
      %cond3A_191 = arith.cmpi ne, %convert_element_type3A_189, %cond3A_190 : i32
      scf.if %cond3A_191 {
        %dma_wait3A_192 = arith.constant 0 : i32
        %dma_wait3A_193 = tpu.memref_slice %arg8[%dma_wait3A_192] : memref<10240xi32, #tpu.memory_space<vmem>> -> memref<128xi32, #tpu.memory_space<vmem>>
        %dma_wait3A_194 = arith.constant 0 : i32
        %dma_wait3A_195 = tpu.memref_slice %arg6[%dma_wait3A_194] : memref<10240xf32, #tpu.memory_space<vmem_shared>> -> memref<10240xf32, #tpu.memory_space<vmem_shared>>
        tpu.wait_indirect_dma semaphore(%arg14 : memref<!tpu.dma_semaphore, #tpu.memory_space<semaphore_mem>>) src(%arg4 : memref<128xf32, #tpu.memory_space<vmem>>) dst(%dma_wait3A_195 : memref<10240xf32, #tpu.memory_space<vmem_shared>>)
        %dma_wait3A_196 = arith.constant 0 : i32
        %dma_wait3A_197 = tpu.memref_slice %arg9[%dma_wait3A_196] : memref<10240xi32, #tpu.memory_space<vmem>> -> memref<128xi32, #tpu.memory_space<vmem>>
        %dma_wait3A_198 = arith.constant 0 : i32
        %dma_wait3A_199 = tpu.memref_slice %arg7[%dma_wait3A_198] : memref<10240xf32, #tpu.memory_space<vmem_shared>> -> memref<10240xf32, #tpu.memory_space<vmem_shared>>
        tpu.wait_indirect_dma semaphore(%arg19 : memref<!tpu.dma_semaphore, #tpu.memory_space<semaphore_mem>>) src(%arg4 : memref<128xf32, #tpu.memory_space<vmem>>) dst(%dma_wait3A_199 : memref<10240xf32, #tpu.memory_space<vmem_shared>>)
      } else {
      }
    }
    %dma_wait3A = arith.constant 0 : i32
    %dma_wait3A_57 = tpu.memref_slice %arg8[%dma_wait3A] : memref<10240xi32, #tpu.memory_space<vmem>> -> memref<128xi32, #tpu.memory_space<vmem>>
    %dma_wait3A_58 = arith.constant 0 : i32
    %dma_wait3A_59 = tpu.memref_slice %arg6[%dma_wait3A_58] : memref<10240xf32, #tpu.memory_space<vmem_shared>> -> memref<10240xf32, #tpu.memory_space<vmem_shared>>
    tpu.wait_indirect_dma semaphore(%arg10 : memref<!tpu.dma_semaphore, #tpu.memory_space<semaphore_mem>>) src(%arg4 : memref<128xf32, #tpu.memory_space<vmem>>) dst(%dma_wait3A_59 : memref<10240xf32, #tpu.memory_space<vmem_shared>>)
    %dma_wait3A_60 = arith.constant 0 : i32
    %dma_wait3A_61 = tpu.memref_slice %arg9[%dma_wait3A_60] : memref<10240xi32, #tpu.memory_space<vmem>> -> memref<128xi32, #tpu.memory_space<vmem>>
    %dma_wait3A_62 = arith.constant 0 : i32
    %dma_wait3A_63 = tpu.memref_slice %arg7[%dma_wait3A_62] : memref<10240xf32, #tpu.memory_space<vmem_shared>> -> memref<10240xf32, #tpu.memory_space<vmem_shared>>
    tpu.wait_indirect_dma semaphore(%arg15 : memref<!tpu.dma_semaphore, #tpu.memory_space<semaphore_mem>>) src(%arg4 : memref<128xf32, #tpu.memory_space<vmem>>) dst(%dma_wait3A_63 : memref<10240xf32, #tpu.memory_space<vmem_shared>>)
    %dma_wait3A_64 = arith.constant 0 : i32
    %dma_wait3A_65 = tpu.memref_slice %arg8[%dma_wait3A_64] : memref<10240xi32, #tpu.memory_space<vmem>> -> memref<128xi32, #tpu.memory_space<vmem>>
    %dma_wait3A_66 = arith.constant 0 : i32
    %dma_wait3A_67 = tpu.memref_slice %arg6[%dma_wait3A_66] : memref<10240xf32, #tpu.memory_space<vmem_shared>> -> memref<10240xf32, #tpu.memory_space<vmem_shared>>
    tpu.wait_indirect_dma semaphore(%arg11 : memref<!tpu.dma_semaphore, #tpu.memory_space<semaphore_mem>>) src(%arg4 : memref<128xf32, #tpu.memory_space<vmem>>) dst(%dma_wait3A_67 : memref<10240xf32, #tpu.memory_space<vmem_shared>>)
    %dma_wait3A_68 = arith.constant 0 : i32
    %dma_wait3A_69 = tpu.memref_slice %arg9[%dma_wait3A_68] : memref<10240xi32, #tpu.memory_space<vmem>> -> memref<128xi32, #tpu.memory_space<vmem>>
    %dma_wait3A_70 = arith.constant 0 : i32
    %dma_wait3A_71 = tpu.memref_slice %arg7[%dma_wait3A_70] : memref<10240xf32, #tpu.memory_space<vmem_shared>> -> memref<10240xf32, #tpu.memory_space<vmem_shared>>
    tpu.wait_indirect_dma semaphore(%arg16 : memref<!tpu.dma_semaphore, #tpu.memory_space<semaphore_mem>>) src(%arg4 : memref<128xf32, #tpu.memory_space<vmem>>) dst(%dma_wait3A_71 : memref<10240xf32, #tpu.memory_space<vmem_shared>>)
    %dma_wait3A_72 = arith.constant 0 : i32
    %dma_wait3A_73 = tpu.memref_slice %arg8[%dma_wait3A_72] : memref<10240xi32, #tpu.memory_space<vmem>> -> memref<128xi32, #tpu.memory_space<vmem>>
    %dma_wait3A_74 = arith.constant 0 : i32
    %dma_wait3A_75 = tpu.memref_slice %arg6[%dma_wait3A_74] : memref<10240xf32, #tpu.memory_space<vmem_shared>> -> memref<10240xf32, #tpu.memory_space<vmem_shared>>
    tpu.wait_indirect_dma semaphore(%arg12 : memref<!tpu.dma_semaphore, #tpu.memory_space<semaphore_mem>>) src(%arg4 : memref<128xf32, #tpu.memory_space<vmem>>) dst(%dma_wait3A_75 : memref<10240xf32, #tpu.memory_space<vmem_shared>>)
    %dma_wait3A_76 = arith.constant 0 : i32
    %dma_wait3A_77 = tpu.memref_slice %arg9[%dma_wait3A_76] : memref<10240xi32, #tpu.memory_space<vmem>> -> memref<128xi32, #tpu.memory_space<vmem>>
    %dma_wait3A_78 = arith.constant 0 : i32
    %dma_wait3A_79 = tpu.memref_slice %arg7[%dma_wait3A_78] : memref<10240xf32, #tpu.memory_space<vmem_shared>> -> memref<10240xf32, #tpu.memory_space<vmem_shared>>
    tpu.wait_indirect_dma semaphore(%arg17 : memref<!tpu.dma_semaphore, #tpu.memory_space<semaphore_mem>>) src(%arg4 : memref<128xf32, #tpu.memory_space<vmem>>) dst(%dma_wait3A_79 : memref<10240xf32, #tpu.memory_space<vmem_shared>>)
    %dma_wait3A_80 = arith.constant 0 : i32
    %dma_wait3A_81 = tpu.memref_slice %arg8[%dma_wait3A_80] : memref<10240xi32, #tpu.memory_space<vmem>> -> memref<128xi32, #tpu.memory_space<vmem>>
    %dma_wait3A_82 = arith.constant 0 : i32
    %dma_wait3A_83 = tpu.memref_slice %arg6[%dma_wait3A_82] : memref<10240xf32, #tpu.memory_space<vmem_shared>> -> memref<10240xf32, #tpu.memory_space<vmem_shared>>
    tpu.wait_indirect_dma semaphore(%arg13 : memref<!tpu.dma_semaphore, #tpu.memory_space<semaphore_mem>>) src(%arg4 : memref<128xf32, #tpu.memory_space<vmem>>) dst(%dma_wait3A_83 : memref<10240xf32, #tpu.memory_space<vmem_shared>>)
    %dma_wait3A_84 = arith.constant 0 : i32
    %dma_wait3A_85 = tpu.memref_slice %arg9[%dma_wait3A_84] : memref<10240xi32, #tpu.memory_space<vmem>> -> memref<128xi32, #tpu.memory_space<vmem>>
    %dma_wait3A_86 = arith.constant 0 : i32
    %dma_wait3A_87 = tpu.memref_slice %arg7[%dma_wait3A_86] : memref<10240xf32, #tpu.memory_space<vmem_shared>> -> memref<10240xf32, #tpu.memory_space<vmem_shared>>
    tpu.wait_indirect_dma semaphore(%arg18 : memref<!tpu.dma_semaphore, #tpu.memory_space<semaphore_mem>>) src(%arg4 : memref<128xf32, #tpu.memory_space<vmem>>) dst(%dma_wait3A_87 : memref<10240xf32, #tpu.memory_space<vmem_shared>>)
    %dma_wait3A_88 = arith.constant 0 : i32
    %dma_wait3A_89 = tpu.memref_slice %arg8[%dma_wait3A_88] : memref<10240xi32, #tpu.memory_space<vmem>> -> memref<128xi32, #tpu.memory_space<vmem>>
    %dma_wait3A_90 = arith.constant 0 : i32
    %dma_wait3A_91 = tpu.memref_slice %arg6[%dma_wait3A_90] : memref<10240xf32, #tpu.memory_space<vmem_shared>> -> memref<10240xf32, #tpu.memory_space<vmem_shared>>
    tpu.wait_indirect_dma semaphore(%arg14 : memref<!tpu.dma_semaphore, #tpu.memory_space<semaphore_mem>>) src(%arg4 : memref<128xf32, #tpu.memory_space<vmem>>) dst(%dma_wait3A_91 : memref<10240xf32, #tpu.memory_space<vmem_shared>>)
    %dma_wait3A_92 = arith.constant 0 : i32
    %dma_wait3A_93 = tpu.memref_slice %arg9[%dma_wait3A_92] : memref<10240xi32, #tpu.memory_space<vmem>> -> memref<128xi32, #tpu.memory_space<vmem>>
    %dma_wait3A_94 = arith.constant 0 : i32
    %dma_wait3A_95 = tpu.memref_slice %arg7[%dma_wait3A_94] : memref<10240xf32, #tpu.memory_space<vmem_shared>> -> memref<10240xf32, #tpu.memory_space<vmem_shared>>
    tpu.wait_indirect_dma semaphore(%arg19 : memref<!tpu.dma_semaphore, #tpu.memory_space<semaphore_mem>>) src(%arg4 : memref<128xf32, #tpu.memory_space<vmem>>) dst(%dma_wait3A_95 : memref<10240xf32, #tpu.memory_space<vmem_shared>>)
    %barrier3A_96 = arith.constant 0 : index
    tpu.barrier barrier_id(%barrier3A_96)
    %run_scoped3A = arith.constant 0 : i32
    "tpu.region"() ({
      %run_scoped3A_98 = tpu.sem_alloc : memref<!tpu.dma_semaphore, #tpu.memory_space<semaphore_mem>>
      %dma_start3A = tpu.memref_slice %arg3[%arg0, %run_scoped3A, %mul3A_26] : memref<2x2x10240xf32, #tpu.memory_space<hbm>> -> memref<1x1x640xf32, #tpu.memory_space<hbm>>
      %dma_start3A_99 = tpu.memref_squeeze %dma_start3A : memref<1x1x640xf32, #tpu.memory_space<hbm>> -> memref<640xf32, #tpu.memory_space<hbm>>
      %dma_start3A_100 = tpu.memref_slice %arg6[%mul3A_26] : memref<10240xf32, #tpu.memory_space<vmem_shared>> -> memref<640xf32, #tpu.memory_space<vmem_shared>>
      tpu.enqueue_dma source(%dma_start3A_100 : memref<640xf32, #tpu.memory_space<vmem_shared>>) target(%dma_start3A_99 : memref<640xf32, #tpu.memory_space<hbm>>) target_semaphore(%run_scoped3A_98 : memref<!tpu.dma_semaphore, #tpu.memory_space<semaphore_mem>>)
      %dma_wait3A_101 = tpu.memref_slice %arg3[%arg0, %run_scoped3A, %mul3A_26] : memref<2x2x10240xf32, #tpu.memory_space<hbm>> -> memref<1x1x640xf32, #tpu.memory_space<hbm>>
      %dma_wait3A_102 = tpu.memref_squeeze %dma_wait3A_101 : memref<1x1x640xf32, #tpu.memory_space<hbm>> -> memref<640xf32, #tpu.memory_space<hbm>>
      %dma_wait3A_103 = tpu.memref_slice %arg6[%mul3A_26] : memref<10240xf32, #tpu.memory_space<vmem_shared>> -> memref<640xf32, #tpu.memory_space<vmem_shared>>
      tpu.wait_dma2 semaphore(%run_scoped3A_98 : memref<!tpu.dma_semaphore, #tpu.memory_space<semaphore_mem>>) src(%dma_wait3A_103 : memref<640xf32, #tpu.memory_space<vmem_shared>>) dst(%dma_wait3A_102 : memref<640xf32, #tpu.memory_space<hbm>>)
      tpu.yield
    }) : () -> ()
    %run_scoped3A_97 = arith.constant 1 : i32
    "tpu.region"() ({
      %run_scoped3A_98 = tpu.sem_alloc : memref<!tpu.dma_semaphore, #tpu.memory_space<semaphore_mem>>
      %dma_start3A = tpu.memref_slice %arg3[%arg0, %run_scoped3A_97, %mul3A_26] : memref<2x2x10240xf32, #tpu.memory_space<hbm>> -> memref<1x1x640xf32, #tpu.memory_space<hbm>>
      %dma_start3A_99 = tpu.memref_squeeze %dma_start3A : memref<1x1x640xf32, #tpu.memory_space<hbm>> -> memref<640xf32, #tpu.memory_space<hbm>>
      %dma_start3A_100 = tpu.memref_slice %arg7[%mul3A_26] : memref<10240xf32, #tpu.memory_space<vmem_shared>> -> memref<640xf32, #tpu.memory_space<vmem_shared>>
      tpu.enqueue_dma source(%dma_start3A_100 : memref<640xf32, #tpu.memory_space<vmem_shared>>) target(%dma_start3A_99 : memref<640xf32, #tpu.memory_space<hbm>>) target_semaphore(%run_scoped3A_98 : memref<!tpu.dma_semaphore, #tpu.memory_space<semaphore_mem>>)
      %dma_wait3A_101 = tpu.memref_slice %arg3[%arg0, %run_scoped3A_97, %mul3A_26] : memref<2x2x10240xf32, #tpu.memory_space<hbm>> -> memref<1x1x640xf32, #tpu.memory_space<hbm>>
      %dma_wait3A_102 = tpu.memref_squeeze %dma_wait3A_101 : memref<1x1x640xf32, #tpu.memory_space<hbm>> -> memref<640xf32, #tpu.memory_space<hbm>>
      %dma_wait3A_103 = tpu.memref_slice %arg7[%mul3A_26] : memref<10240xf32, #tpu.memory_space<vmem_shared>> -> memref<640xf32, #tpu.memory_space<vmem_shared>>
      tpu.wait_dma2 semaphore(%run_scoped3A_98 : memref<!tpu.dma_semaphore, #tpu.memory_space<semaphore_mem>>) src(%dma_wait3A_103 : memref<640xf32, #tpu.memory_space<vmem_shared>>) dst(%dma_wait3A_102 : memref<640xf32, #tpu.memory_space<hbm>>)
      tpu.yield
    }) : () -> ()
    return
  }
}

module attributes {stable_mosaic.version = 14 : i64} {
  func.func @_mid_body(%arg0: i32, %arg1: memref<2x2048x128xf32, #tpu.memory_space<vmem>>, %arg2: memref<2048x1xf32, #tpu.memory_space<vmem>>, %arg3: memref<2048x1xf32, #tpu.memory_space<vmem>>, %arg4: memref<128x128xf32, #tpu.memory_space<vmem>>, %arg5: memref<1x128xf32, #tpu.memory_space<vmem>>, %arg6: memref<128x64xf32, #tpu.memory_space<vmem>>, %arg7: memref<2048x64xf32, #tpu.memory_space<vmem>>) attributes {dimension_semantics = [#tpu.dimension_semantics<arbitrary>], iteration_bounds = array<i64: 5>, scalar_prefetch = 0 : i64, scratch_operands = 0 : i64, tpu.core_type = #tpu.core_type<tc>, window_params = [{transform_indices = @transform_0, window_bounds = array<i64: 2, 2048, 128>}, {transform_indices = @transform_1, window_bounds = array<i64: 2048, 1>}, {transform_indices = @transform_2, window_bounds = array<i64: 2048, 1>}, {pipeline_mode = #tpu.pipeline_mode<synchronous>, transform_indices = @transform_3, window_bounds = array<i64: 128, 128>}, {pipeline_mode = #tpu.pipeline_mode<synchronous>, transform_indices = @transform_4, window_bounds = array<i64: 1, 128>}, {pipeline_mode = #tpu.pipeline_mode<synchronous>, transform_indices = @transform_5, window_bounds = array<i64: 128, 64>}, {transform_indices = @transform_6, window_bounds = array<i64: 2048, 64>}]} {
    %get3A = arith.constant 0 : index
    %get3A_0 = arith.constant 0 : index
    %get3A_1 = arith.constant 0 : index
    %get3A_2 = vector.load %arg1[%get3A, %get3A_0, %get3A_1] : memref<2x2048x128xf32, #tpu.memory_space<vmem>>, vector<1x2048x128xf32>
    %get3A_3 = vector.shape_cast %get3A_2 : vector<1x2048x128xf32> to vector<2048x128xf32>
    %get3A_4 = arith.constant 1 : index
    %get3A_5 = arith.constant 0 : index
    %get3A_6 = arith.constant 0 : index
    %get3A_7 = vector.load %arg1[%get3A_4, %get3A_5, %get3A_6] : memref<2x2048x128xf32, #tpu.memory_space<vmem>>, vector<1x2048x128xf32>
    %get3A_8 = vector.shape_cast %get3A_7 : vector<1x2048x128xf32> to vector<2048x128xf32>
    %add3A = arith.addf %get3A_3, %get3A_8 : vector<2048x128xf32>
    %get3A_9 = arith.constant 0 : index
    %get3A_10 = arith.constant 0 : index
    %get3A_11 = vector.load %arg2[%get3A_9, %get3A_10] : memref<2048x1xf32, #tpu.memory_space<vmem>>, vector<2048x1xf32>
    %mul3A = vector.broadcast %get3A_11 : vector<2048x1xf32> to vector<2048x128xf32>
    %mul3A_12 = arith.mulf %add3A, %mul3A : vector<2048x128xf32>
    %get3A_13 = arith.constant 0 : index
    %get3A_14 = arith.constant 0 : index
    %get3A_15 = vector.load %arg4[%get3A_13, %get3A_14] : memref<128x128xf32, #tpu.memory_space<vmem>>, vector<128x128xf32>
    %dot_general3A = arith.constant dense<0.000000e+00> : vector<2048x128xf32>
    %dot_general3A_16 = tpu.matmul %mul3A_12, %get3A_15, %dot_general3A {dimension_numbers = #tpu.dot_dimension_numbers<[1], [0], [0], [1], [0, 0, 1, 1], [], []>, transpose_lhs_hint = false} : vector<2048x128xf32>, vector<128x128xf32>, vector<2048x128xf32> -> vector<2048x128xf32>
    %get3A_17 = arith.constant 0 : index
    %get3A_18 = arith.constant 0 : index
    %get3A_19 = vector.load %arg5[%get3A_17, %get3A_18] : memref<1x128xf32, #tpu.memory_space<vmem>>, vector<1x128xf32>
    %add3A_20 = vector.broadcast %get3A_19 : vector<1x128xf32> to vector<2048x128xf32>
    %add3A_21 = arith.addf %dot_general3A_16, %add3A_20 : vector<2048x128xf32>
    %max3A = arith.constant 0.000000e+00 : f32
    %max3A_22 = vector.broadcast %max3A : f32 to vector<2048x128xf32>
    %max3A_23 = arith.maximumf %add3A_21, %max3A_22 : vector<2048x128xf32>
    %get3A_24 = arith.constant 0 : index
    %get3A_25 = arith.constant 0 : index
    %get3A_26 = vector.load %arg3[%get3A_24, %get3A_25] : memref<2048x1xf32, #tpu.memory_space<vmem>>, vector<2048x1xf32>
    %mul3A_27 = vector.broadcast %get3A_26 : vector<2048x1xf32> to vector<2048x128xf32>
    %mul3A_28 = arith.mulf %max3A_23, %mul3A_27 : vector<2048x128xf32>
    %get3A_29 = arith.constant 0 : index
    %get3A_30 = arith.constant 0 : index
    %get3A_31 = vector.load %arg6[%get3A_29, %get3A_30] : memref<128x64xf32, #tpu.memory_space<vmem>>, vector<128x64xf32>
    %dot_general3A_32 = arith.constant dense<0.000000e+00> : vector<2048x64xf32>
    %dot_general3A_33 = tpu.matmul %mul3A_28, %get3A_31, %dot_general3A_32 {dimension_numbers = #tpu.dot_dimension_numbers<[1], [0], [0], [1], [0, 0, 1, 1], [], []>, transpose_lhs_hint = false} : vector<2048x128xf32>, vector<128x64xf32>, vector<2048x64xf32> -> vector<2048x64xf32>
    %swap3A = arith.constant 0 : index
    %swap3A_34 = arith.constant 0 : index
    %swap3A_35 = vector.load %arg7[%swap3A, %swap3A_34] : memref<2048x64xf32, #tpu.memory_space<vmem>>, vector<2048x64xf32>
    tpu.vector_store %arg7[%swap3A, %swap3A_34], %dot_general3A_33 {strides = array<i32>} : memref<2048x64xf32, #tpu.memory_space<vmem>>, vector<2048x64xf32>,
    return
  }
  func.func @transform_0(%arg0: i32) -> (i32, i32, i32) {
    %c0_i32 = arith.constant 0 : i32
    %c0_i32_0 = arith.constant 0 : i32
    %c0_i32_1 = arith.constant 0 : i32
    return %c0_i32, %arg0, %c0_i32_0 : i32, i32, i32
  }
  func.func @transform_1(%arg0: i32) -> (i32, i32) {
    %c0_i32 = arith.constant 0 : i32
    %c0_i32_0 = arith.constant 0 : i32
    return %arg0, %c0_i32 : i32, i32
  }
  func.func @transform_2(%arg0: i32) -> (i32, i32) {
    %c0_i32 = arith.constant 0 : i32
    %c0_i32_0 = arith.constant 0 : i32
    return %arg0, %c0_i32 : i32, i32
  }
  func.func @transform_3(%arg0: i32) -> (i32, i32) {
    %c0_i32 = arith.constant 0 : i32
    %c0_i32_0 = arith.constant 0 : i32
    %c0_i32_1 = arith.constant 0 : i32
    return %c0_i32, %c0_i32_0 : i32, i32
  }
  func.func @transform_4(%arg0: i32) -> (i32, i32) {
    %c0_i32 = arith.constant 0 : i32
    %c0_i32_0 = arith.constant 0 : i32
    %c0_i32_1 = arith.constant 0 : i32
    return %c0_i32, %c0_i32_0 : i32, i32
  }
  func.func @transform_5(%arg0: i32) -> (i32, i32) {
    %c0_i32 = arith.constant 0 : i32
    %c0_i32_0 = arith.constant 0 : i32
    %c0_i32_1 = arith.constant 0 : i32
    return %c0_i32, %c0_i32_0 : i32, i32
  }
  func.func @transform_6(%arg0: i32) -> (i32, i32) {
    %c0_i32 = arith.constant 0 : i32
    %c0_i32_0 = arith.constant 0 : i32
    return %arg0, %c0_i32 : i32, i32
  }
}

module attributes {stable_mosaic.version = 14 : i64} {
  func.func @_prep_body(%arg0: i32, %arg1: memref<2048x128xf32, #tpu.memory_space<vmem>>, %arg2: memref<2x2x2048xf32, #tpu.memory_space<vmem>>, %arg3: memref<2048x128xf32, #tpu.memory_space<vmem>>, %arg4: memref<2048x1xf32, #tpu.memory_space<vmem>>, %arg5: memref<2048x1xf32, #tpu.memory_space<vmem>>) attributes {dimension_semantics = [#tpu.dimension_semantics<arbitrary>], iteration_bounds = array<i64: 5>, scalar_prefetch = 0 : i64, scratch_operands = 0 : i64, tpu.core_type = #tpu.core_type<tc>, window_params = [{transform_indices = @transform_0, window_bounds = array<i64: 2048, 128>}, {transform_indices = @transform_1, window_bounds = array<i64: 2, 2, 2048>}, {transform_indices = @transform_2, window_bounds = array<i64: 2048, 128>}, {transform_indices = @transform_3, window_bounds = array<i64: 2048, 1>}, {transform_indices = @transform_4, window_bounds = array<i64: 2048, 1>}]} {
    %get3A = arith.constant 0 : index
    %get3A_0 = arith.constant 0 : index
    %get3A_1 = arith.constant 0 : index
    %get3A_2 = vector.load %arg2[%get3A, %get3A_0, %get3A_1] : memref<2x2x2048xf32, #tpu.memory_space<vmem>>, vector<1x1x2048xf32>
    %get3A_3 = vector.shape_cast %get3A_2 : vector<1x1x2048xf32> to vector<2048xf32>
    %get3A_4 = arith.constant 1 : index
    %get3A_5 = arith.constant 0 : index
    %get3A_6 = arith.constant 0 : index
    %get3A_7 = vector.load %arg2[%get3A_4, %get3A_5, %get3A_6] : memref<2x2x2048xf32, #tpu.memory_space<vmem>>, vector<1x1x2048xf32>
    %get3A_8 = vector.shape_cast %get3A_7 : vector<1x1x2048xf32> to vector<2048xf32>
    %add3A = arith.addf %get3A_3, %get3A_8 : vector<2048xf32>
    %get3A_9 = arith.constant 0 : index
    %get3A_10 = arith.constant 1 : index
    %get3A_11 = arith.constant 0 : index
    %get3A_12 = vector.load %arg2[%get3A_9, %get3A_10, %get3A_11] : memref<2x2x2048xf32, #tpu.memory_space<vmem>>, vector<1x1x2048xf32>
    %get3A_13 = vector.shape_cast %get3A_12 : vector<1x1x2048xf32> to vector<2048xf32>
    %get3A_14 = arith.constant 1 : index
    %get3A_15 = arith.constant 1 : index
    %get3A_16 = arith.constant 0 : index
    %get3A_17 = vector.load %arg2[%get3A_14, %get3A_15, %get3A_16] : memref<2x2x2048xf32, #tpu.memory_space<vmem>>, vector<1x1x2048xf32>
    %get3A_18 = vector.shape_cast %get3A_17 : vector<1x1x2048xf32> to vector<2048xf32>
    %add3A_19 = arith.addf %get3A_13, %get3A_18 : vector<2048xf32>
    %max3A = arith.constant 1.000000e+00 : f32
    %max3A_20 = vector.broadcast %max3A : f32 to vector<2048xf32>
    %max3A_21 = arith.maximumf %add3A, %max3A_20 : vector<2048xf32>
    %rsqrt3A = math.rsqrt %max3A_21 : vector<2048xf32>
    %reshape3A = vector.shape_cast %rsqrt3A : vector<2048xf32> to vector<2048x1xf32>
    %max3A_22 = arith.constant 1.000000e+00 : f32
    %max3A_23 = vector.broadcast %max3A_22 : f32 to vector<2048xf32>
    %max3A_24 = arith.maximumf %add3A_19, %max3A_23 : vector<2048xf32>
    %rsqrt3A_25 = math.rsqrt %max3A_24 : vector<2048xf32>
    %reshape3A_26 = vector.shape_cast %rsqrt3A_25 : vector<2048xf32> to vector<2048x1xf32>
    %get3A_27 = arith.constant 0 : index
    %get3A_28 = arith.constant 0 : index
    %get3A_29 = vector.load %arg1[%get3A_27, %get3A_28] : memref<2048x128xf32, #tpu.memory_space<vmem>>, vector<2048x128xf32>
    %mul3A = vector.broadcast %reshape3A : vector<2048x1xf32> to vector<2048x128xf32>
    %mul3A_30 = arith.mulf %get3A_29, %mul3A : vector<2048x128xf32>
    %swap3A = arith.constant 0 : index
    %swap3A_31 = arith.constant 0 : index
    %swap3A_32 = vector.load %arg3[%swap3A, %swap3A_31] : memref<2048x128xf32, #tpu.memory_space<vmem>>, vector<2048x128xf32>
    tpu.vector_store %arg3[%swap3A, %swap3A_31], %mul3A_30 {strides = array<i32>} : memref<2048x128xf32, #tpu.memory_space<vmem>>, vector<2048x128xf32>,
    %swap3A_33 = arith.constant 0 : index
    %swap3A_34 = arith.constant 0 : index
    %swap3A_35 = vector.load %arg4[%swap3A_33, %swap3A_34] : memref<2048x1xf32, #tpu.memory_space<vmem>>, vector<2048x1xf32>
    tpu.vector_store %arg4[%swap3A_33, %swap3A_34], %reshape3A {strides = array<i32>} : memref<2048x1xf32, #tpu.memory_space<vmem>>, vector<2048x1xf32>,
    %swap3A_36 = arith.constant 0 : index
    %swap3A_37 = arith.constant 0 : index
    %swap3A_38 = vector.load %arg5[%swap3A_36, %swap3A_37] : memref<2048x1xf32, #tpu.memory_space<vmem>>, vector<2048x1xf32>
    tpu.vector_store %arg5[%swap3A_36, %swap3A_37], %reshape3A_26 {strides = array<i32>} : memref<2048x1xf32, #tpu.memory_space<vmem>>, vector<2048x1xf32>,
    return
  }
  func.func @transform_0(%arg0: i32) -> (i32, i32) {
    %c0_i32 = arith.constant 0 : i32
    %c0_i32_0 = arith.constant 0 : i32
    return %arg0, %c0_i32 : i32, i32
  }
  func.func @transform_1(%arg0: i32) -> (i32, i32, i32) {
    %c0_i32 = arith.constant 0 : i32
    %c0_i32_0 = arith.constant 0 : i32
    %c0_i32_1 = arith.constant 0 : i32
    return %c0_i32, %c0_i32_0, %arg0 : i32, i32, i32
  }
  func.func @transform_2(%arg0: i32) -> (i32, i32) {
    %c0_i32 = arith.constant 0 : i32
    %c0_i32_0 = arith.constant 0 : i32
    return %arg0, %c0_i32 : i32, i32
  }
  func.func @transform_3(%arg0: i32) -> (i32, i32) {
    %c0_i32 = arith.constant 0 : i32
    %c0_i32_0 = arith.constant 0 : i32
    return %arg0, %c0_i32 : i32, i32
  }
  func.func @transform_4(%arg0: i32) -> (i32, i32) {
    %c0_i32 = arith.constant 0 : i32
    %c0_i32_0 = arith.constant 0 : i32
    return %arg0, %c0_i32 : i32, i32
  }
}

module attributes {stable_mosaic.version = 14 : i64} {
  func.func @_fin_body(%arg0: i32, %arg1: memref<2x2048x64xf32, #tpu.memory_space<vmem>>, %arg2: memref<2048x1xf32, #tpu.memory_space<vmem>>, %arg3: memref<1x64xf32, #tpu.memory_space<vmem>>, %arg4: memref<2048x64xf32, #tpu.memory_space<vmem>>) attributes {dimension_semantics = [#tpu.dimension_semantics<arbitrary>], iteration_bounds = array<i64: 5>, scalar_prefetch = 0 : i64, scratch_operands = 0 : i64, tpu.core_type = #tpu.core_type<tc>, window_params = [{transform_indices = @transform_0, window_bounds = array<i64: 2, 2048, 64>}, {transform_indices = @transform_1, window_bounds = array<i64: 2048, 1>}, {pipeline_mode = #tpu.pipeline_mode<synchronous>, transform_indices = @transform_2, window_bounds = array<i64: 1, 64>}, {transform_indices = @transform_3, window_bounds = array<i64: 2048, 64>}]} {
    %get3A = arith.constant 0 : index
    %get3A_0 = arith.constant 0 : index
    %get3A_1 = arith.constant 0 : index
    %get3A_2 = vector.load %arg1[%get3A, %get3A_0, %get3A_1] : memref<2x2048x64xf32, #tpu.memory_space<vmem>>, vector<1x2048x64xf32>
    %get3A_3 = vector.shape_cast %get3A_2 : vector<1x2048x64xf32> to vector<2048x64xf32>
    %get3A_4 = arith.constant 1 : index
    %get3A_5 = arith.constant 0 : index
    %get3A_6 = arith.constant 0 : index
    %get3A_7 = vector.load %arg1[%get3A_4, %get3A_5, %get3A_6] : memref<2x2048x64xf32, #tpu.memory_space<vmem>>, vector<1x2048x64xf32>
    %get3A_8 = vector.shape_cast %get3A_7 : vector<1x2048x64xf32> to vector<2048x64xf32>
    %add3A = arith.addf %get3A_3, %get3A_8 : vector<2048x64xf32>
    %get3A_9 = arith.constant 0 : index
    %get3A_10 = arith.constant 0 : index
    %get3A_11 = vector.load %arg2[%get3A_9, %get3A_10] : memref<2048x1xf32, #tpu.memory_space<vmem>>, vector<2048x1xf32>
    %mul3A = vector.broadcast %get3A_11 : vector<2048x1xf32> to vector<2048x64xf32>
    %mul3A_12 = arith.mulf %add3A, %mul3A : vector<2048x64xf32>
    %get3A_13 = arith.constant 0 : index
    %get3A_14 = arith.constant 0 : index
    %get3A_15 = vector.load %arg3[%get3A_13, %get3A_14] : memref<1x64xf32, #tpu.memory_space<vmem>>, vector<1x64xf32>
    %add3A_16 = vector.broadcast %get3A_15 : vector<1x64xf32> to vector<2048x64xf32>
    %add3A_17 = arith.addf %mul3A_12, %add3A_16 : vector<2048x64xf32>
    %reduce_max3A = arith.constant dense<0xFF800000> : vector<2048xf32>
    %reduce_max3A_18 = vector.multi_reduction <maximumf>, %add3A_17, %reduce_max3A [1] : vector<2048x64xf32> to vector<2048xf32>
    %broadcast_in_dim3A = vector.shape_cast %reduce_max3A_18 : vector<2048xf32> to vector<2048x1xf32>
    %sub3A = vector.broadcast %broadcast_in_dim3A : vector<2048x1xf32> to vector<2048x64xf32>
    %sub3A_19 = arith.subf %add3A_17, %sub3A : vector<2048x64xf32>
    %exp3A = math.exp %sub3A_19 : vector<2048x64xf32>
    %reduce_sum3A = arith.constant dense<0.000000e+00> : vector<2048xf32>
    %reduce_sum3A_20 = vector.multi_reduction <add>, %exp3A, %reduce_sum3A [1] : vector<2048x64xf32> to vector<2048xf32>
    %broadcast_in_dim3A_21 = vector.shape_cast %reduce_sum3A_20 : vector<2048xf32> to vector<2048x1xf32>
    %log3A = math.log %broadcast_in_dim3A_21 : vector<2048x1xf32>
    %add3A_22 = arith.addf %log3A, %broadcast_in_dim3A : vector<2048x1xf32>
    %sub3A_23 = vector.broadcast %add3A_22 : vector<2048x1xf32> to vector<2048x64xf32>
    %sub3A_24 = arith.subf %add3A_17, %sub3A_23 : vector<2048x64xf32>
    %swap3A = arith.constant 0 : index
    %swap3A_25 = arith.constant 0 : index
    %swap3A_26 = vector.load %arg4[%swap3A, %swap3A_25] : memref<2048x64xf32, #tpu.memory_space<vmem>>, vector<2048x64xf32>
    tpu.vector_store %arg4[%swap3A, %swap3A_25], %sub3A_24 {strides = array<i32>} : memref<2048x64xf32, #tpu.memory_space<vmem>>, vector<2048x64xf32>,
    return
  }
  func.func @transform_0(%arg0: i32) -> (i32, i32, i32) {
    %c0_i32 = arith.constant 0 : i32
    %c0_i32_0 = arith.constant 0 : i32
    %c0_i32_1 = arith.constant 0 : i32
    return %c0_i32, %arg0, %c0_i32_0 : i32, i32, i32
  }
  func.func @transform_1(%arg0: i32) -> (i32, i32) {
    %c0_i32 = arith.constant 0 : i32
    %c0_i32_0 = arith.constant 0 : i32
    return %arg0, %c0_i32 : i32, i32
  }
  func.func @transform_2(%arg0: i32) -> (i32, i32) {
    %c0_i32 = arith.constant 0 : i32
    %c0_i32_0 = arith.constant 0 : i32
    %c0_i32_1 = arith.constant 0 : i32
    return %c0_i32, %c0_i32_0 : i32, i32
  }
  func.func @transform_3(%arg0: i32) -> (i32, i32) {
    %c0_i32 = arith.constant 0 : i32
    %c0_i32_0 = arith.constant 0 : i32
    return %arg0, %c0_i32 : i32, i32
  }
}

</mosaic_0001>

<sc_bundles>
// kernel: kernel.11.cloned.1.call-start
scs
__scs_entry_jumppad:
0x0: {  	(pc) =	sbr.rel $0x88, $3  }
0x1: {  	(tag) =	ssettag $0x0;
	lr =	simm.s32 $0x1  }
0x2: {  	[smem:$0x3F9B] =	sst lr;
	_ =	strace $0xD0000000  }
0x3: {  	_ = 	snop  }
0x4: {  	_ = 	snop  }
0x5: {  	_ = 	snop  }
0x6: {  	_ = 	snop  }
0x7: {  	_ = 	snop  }
__scs_overlays_trampoline_lowered:
0x8: {  	[smem:$0x3FAA] =	sst s0  }
0x9: {  	[smem:$0x3FAB] =	sst s1  }
0xa: {  	[smem:$0x3FAC] =	sst s2  }
0xb: {  	[smem:$0x3FAD] =	sst s3  }
0xc: {  	[smem:$0x3FAE] =	sst s4  }
0xd: {  	[smem:$0x3FAF] =	sst s5  }
0xe: {  	[smem:$0x3FB0] =	sst s6  }
0xf: {  	[smem:$0x3FB1] =	sst s7  }
0x10: {  	[smem:$0x3FB2] =	sst s8  }
0x11: {  	[smem:$0x3FB3] =	sst s9;
	s0 =	simm.s32 @!p0 $0x0  }
0x12: {  	s1 =	sld [smem:$0x3F99];
	s0 =	simm.s32 @p0 $0x1  }
0x13: {  	[smem:$0x3FB4] =	sst s0;
	s0 =	simm.s32 @!p1 $0x0  }
0x14: {  	s2 =	sld [smem:$0x3F98];
	s0 =	simm.s32 @p1 $0x1  }
0x15: {  	[smem:$0x3FB5] =	sst s0;
	s0 =	simm.s32 @!p2 $0x0  }
0x16: {  	s3 =	sld [smem:$0x3FDB];
	s0 =	simm.s32 @p2 $0x1  }
0x17: {  	s4 =	simm.s32 $0x1BF5;
	[smem:$0x3FB7] =	sst s0  }
0x18: {  	s0 =	sld [smem:$0x3F9A];
	_ =	swait.ge [sflag:s4], $0x0  }
0x19: {  	s7 =	sld [smem:$0x3F9B]  }
0x1a: {  	s8 =	sadd.s32 $0xFFFFE003, lr  }
0x1b: {  	s9 =	sadd.s32 $0xFFFFFEF7, lr;
	s5 =	simm.s32 $0xFFFFFFFF;
	p2 =	slt.u32 s8, $0xFFFFF086  }
0x1c: {  	p1 =	slt.u32 s9, $0xF7A;
	s5 =	simm.s32 @!p2 $0x0  }
0x1d: {  	s5 =	simm.s32 @p1 $0x1;
	p0 =	seq.s32 s7, s2  }
0x1e: {  	s7 =	smul.u32 @!p0 $0xF7A, s2;
	p2 =	seq.s32 @!p0 s5, $0x0  }
0x1f: {  	s9 =	smul.u32 $0xF7A, s1;
	s8 =	simm.s32 @!p0 $0x1BF5;
	p2 =	por !p2, p0  }
0x20: {  	[sflag:s8] =	ssyncset.s32 @!p0 $0xFFFFF086;
	s6 =	sadd.s32 @!p0 s3, s7;
	s7 =	simm.s32 @!p0 $0x108  }
0x21: {  	s3 =	sadd.s32 s3, s9;
	s6 =	sadd.s32 @!p0 $0x88, s6;
	s7 =	simm.s32 @p2 $0x1082  }
0x22: {  	[simem:s7], [sflag:s8] =	dma.local @!p0 [hbm:s6], $0xF7A  }
0x23: {  	s9 =	sor.u32 $0xD0000000, s2;
	s6 =	simm.s32 $0x108;
	_ =	swait.ge @!p0 [sflag:s8], $0x0  }
0x24: {  	s3 =	sadd.s32 $0x88, s3;
	s6 =	simm.s32 @!p1 $0x1082;
	[sflag:s4] =	ssyncset.s32 $0xFFFFF086  }
0x25: {  	[simem:s6], [sflag:s4] =	dma.local [hbm:s3], $0xF7A  }
0x26: {  	[smem:$0x3F9B] =	sst s1;
	(tag) =	ssettag s2;
	_ =	strace s9  }
0x27: {  	s1 =	sld [smem:$0x3FAB]  }
0x28: {  	s2 =	sld [smem:$0x3FAC]  }
0x29: {  	s4 =	sld [smem:$0x3FAE]  }
0x2a: {  	p0 =	seq.s32 s5, $0x0;
	s5 =	sld [smem:$0x3FAF]  }
0x2b: {  	s6 =	sld [smem:$0x3FB0]  }
0x2c: {  	s7 =	sld [smem:$0x3FB1]  }
0x2d: {  	s3 =	simm.s32 $0x108;
	s8 =	sld [smem:$0x3FB2]  }
0x2e: {  	s3 =	simm.s32 @!p0 $0x1082;
	s9 =	sld [smem:$0x3FB3]  }
0x2f: {  	lr =	sadd.s32 s0, s3;
	s0 =	sld [smem:$0x3FAA]  }
0x30: {  	s3 =	sld [smem:$0x3FAD]  }
0x31: {  	[smem:$0x3FB6] =	sst s10  }
0x32: {  	s10 =	sld [smem:$0x3FB4];
	_ =	sdelay $0x3  }
0x33: {  	p0 =	seq.s32 s10, $0x1;
	s10 =	sld [smem:$0x3FB6];
	_ =	sdelay $0x3  }
0x34: {  	[smem:$0x3FB6] =	sst s10  }
0x35: {  	s10 =	sld [smem:$0x3FB5];
	_ =	sdelay $0x3  }
0x36: {  	p1 =	seq.s32 s10, $0x1;
	s10 =	sld [smem:$0x3FB6];
	_ =	sdelay $0x3  }
0x37: {  	[smem:$0x3FB6] =	sst s10  }
0x38: {  	s10 =	sld [smem:$0x3FB7]  }
0x39: {  	_ = 	snop;
	(pc) =	sbr.ind lr, $3  }
0x3a: {  	_ = 	snop  }
0x3b: {  	_ = 	snop  }
0x3c: {  	p2 =	seq.s32 s10, $0x1;
	s10 =	sld [smem:$0x3FB6]  }
0x3d: {  	_ =	shalt  }
0x3e: {  	_ =	shalt  }
0x3f: {  	_ =	shalt  }
0x40: {  	_ =	shalt  }
0x41: {  	_ =	shalt  }
0x42: {  	_ =	shalt  }
0x43: {  	_ =	shalt  }
0x44: {  	_ =	shalt  }
0x45: {  	_ =	shalt  }
0x46: {  	_ =	shalt  }
0x47: {  	_ =	shalt  }
0x48: {  	_ =	shalt  }
0x49: {  	_ =	shalt  }
0x4a: {  	_ =	shalt  }
0x4b: {  	_ =	shalt  }
0x4c: {  	_ =	shalt  }
0x4d: {  	_ =	shalt  }
0x4e: {  	_ =	shalt  }
0x4f: {  	_ =	shalt  }
0x50: {  	_ =	shalt  }
0x51: {  	_ =	shalt  }
0x52: {  	_ =	shalt  }
0x53: {  	_ =	shalt  }
0x54: {  	_ =	shalt  }
0x55: {  	_ =	shalt  }
0x56: {  	_ =	shalt  }
0x57: {  	_ =	shalt  }
0x58: {  	_ =	shalt  }
0x59: {  	_ =	shalt  }
0x5a: {  	_ =	shalt  }
0x5b: {  	_ =	shalt  }
0x5c: {  	_ =	shalt  }
0x5d: {  	_ =	shalt  }
0x5e: {  	_ =	shalt  }
0x5f: {  	_ =	shalt  }
0x60: {  	_ =	shalt  }
0x61: {  	_ =	shalt  }
0x62: {  	_ =	shalt  }
0x63: {  	_ =	shalt  }
0x64: {  	_ =	shalt  }
0x65: {  	_ =	shalt  }
0x66: {  	_ =	shalt  }
0x67: {  	_ =	shalt  }
0x68: {  	_ =	shalt  }
0x69: {  	_ =	shalt  }
0x6a: {  	_ =	shalt  }
0x6b: {  	_ =	shalt  }
0x6c: {  	_ =	shalt  }
0x6d: {  	_ =	shalt  }
0x6e: {  	_ =	shalt  }
0x6f: {  	_ =	shalt  }
0x70: {  	_ =	shalt  }
0x71: {  	_ =	shalt  }
0x72: {  	_ =	shalt  }
0x73: {  	_ =	shalt  }
0x74: {  	_ =	shalt  }
0x75: {  	_ =	shalt  }
0x76: {  	_ =	shalt  }
0x77: {  	_ =	shalt  }
0x78: {  	_ =	shalt  }
0x79: {  	_ =	shalt  }
0x7a: {  	_ =	shalt  }
0x7b: {  	_ =	shalt  }
0x7c: {  	_ =	shalt  }
0x7d: {  	_ =	shalt  }
0x7e: {  	_ =	shalt  }
0x7f: {  	_ =	shalt  }
0x80: {  	_ =	shalt  }
0x81: {  	_ =	shalt  }
0x82: {  	_ =	shalt  }
0x83: {  	_ =	shalt  }
0x84: {  	_ =	shalt  }
0x85: {  	_ =	shalt  }
0x86: {  	_ =	shalt  }
0x87: {  	_ =	shalt  }
.Lfunc_end0:
.L_simem_size_0:
called_computation.1_lowered:
.L_overlay_start_0:
0x88: {  	s2 =	sld [smem:$0x3FD9]  }
0x89: {  	s3 =	sld [smem:$0x3FFE];
	_ =	sdelay $0x1  }
0x8a: {  	s1 =	srdreg.scid  }
0x8b: {  	s0 =	sand.u32 $0x1, s1  }
0x8c: {  	s17 =	sshll.u32 s0, $0xA;
	s2 =	sadd.s32 s3, s2  }
0x8d: {  	s2 =	sadd.s32 s2, s17  }
0x8e: {  	[smem:$0x3FC2] =	sst s2  }
0x8f: {  	_ = 	snop  }
0x90: {  	s2 =	sld [smem:$0x3FC8];
	(tm) =	ssettm $0x1  }
0x91: {  	s18 =	sld [smem:$0x3FFB];
	_ =	sdelay $0x3  }
0x92: {  	_ =	strace s18  }
0x93: {  	s3 =	sld [smem:$0x3FFC];
	_ =	sdelay $0x3  }
0x94: {  	_ =	strace s3  }
0x95: {  	s3 =	sld [smem:$0x3FFD];
	_ =	sdelay $0x3  }
0x96: {  	_ =	strace s3  }
0x97: {  	_ =	strace $0x8FFFFFFF  }
0x98: {  	s19 =	sld [smem:$0x3FDB];
	_ =	sdelay $0x1  }
0x99: {  	s4 =	simm.s32 $_scs_section_size  }
0x9a: {  	s5 =	simm.s32 $_size__tile_overlayer_lowered;
	s6 =	simm.s32 $_tile_overlayer_lowered  }
0x9b: {  	s22 =	simm.s32 $0x1BFF;
	s21 =	sshll.u32 s6, $0x1;
	s3 =	sadd.s32 s4, s19  }
0x9c: {  	s7 =	simm.s32 $0x0;
	s20 =	sshll.u32 s5, $0x1;
	s5 =	sadd.s32 s21, s3  }
0x9d: {  	[timem:s7], [sflag:s22] =	dma.local [hbm:s5], s20  }
0x9e: {  	_ =	swait.ge [sflag:s22], s20  }
0x9f: {  	s4 =	ssub.s32 $0x0, s20;
	[sflag:s22] =	ssyncset.done $0x0  }
0xa0: {  	[sflag:s22] =	ssyncadd.s32 s4;
	_ =	sdelay $0x1  }
0xa1: {  	s23 =	simm.s32 $0x1B8B  }
0xa2: {  	_ =	swait.ge [sflag:s23], $0x1  }
0xa3: {  	[sflag:s23] =	ssyncset.done $0x0  }
0xa4: {  	s25 =	simm.s32 $0x1B8E;
	s24 =	sld [smem:$0x3FFE];
	[sflag:s23] =	ssyncadd.s32 $0xFFFFFFFF  }
0xa5: {  	s26 =	simm.s32 $execute0_lowered;
	[smem:$0x3FD2] =	sst s25  }
0xa6: {  	s5 =	sshll.u32 s26, $0x1;
	_ =	strace $0x80000049;
	[dreg:$0x1] =	wrdreg $0xFFFFFFFF  }
0xa7: {  	s28 =	simm.s32 $_size_execute0_lowered;
	s3 =	sadd.s32 s3, s5;
	[dreg:$0x0] =	wrdreg $0x0  }
0xa8: {  	s5 =	sshll.u32 s28, $0x1;
	[dreg:$0x2] =	wrdreg s3  }
0xa9: {  	[dreg:$0x3] =	wrdreg s5  }
0xaa: {  	[dreg:$0x4] =	wrdreg $0xC0  }
0xab: {  	_ =	task [dreg:s7], $0x5FFFF  }
0xac: {  	[dreg:$0x1] =	wrdreg $0xFFFFFFFF  }
0xad: {  	[dreg:$0x0] =	wrdreg $0x60  }
0xae: {  	[dreg:$0x2] =	wrdreg s24  }
0xaf: {  	[dreg:$0x3] =	wrdreg s2  }
0xb0: {  	[dreg:$0x4] =	wrdreg $0x0  }
0xb1: {  	[dreg:$0x5] =	wrdreg $0x9  }
0xb2: {  	_ =	task.clear_ibuf [dreg:s7], $0x6FFFF;
	_ =	strace $0x90000049  }
0xb3: {  	s29 =	simm.s32 $0x9;
	_ =	strace $0x8000004B  }
0xb4: {  	_ =	swait.ge [sflag:s29], $0x1  }
0xb5: {  	[sflag:s29] =	ssyncadd.s32 $0xFFFFFFFF  }
0xb6: {  	_ =	strace $0x9000004B  }
0xb7: {  	_ =	sfence  }
0xb8: {  	s30 =	sld [smem:$0x0];
	_ =	sdelay $0x2  }
0xb9: {  	s31 =	sshll.u32 s1, $0xD;
	s1 =	sshrl.u32 s1, $0x2  }
0xba: {  	s3 =	sand.u32 $0x4000, s31;
	s1 =	sadd.s32 s1, s30  }
0xbb: {  	s0 =	sor.u32 s3, s0;
	s1 =	sshll.u32 s1, $0x11  }
0xbc: {  	s0 =	sor.u32 s1, s0  }
0xbd: {  	s0 =	sadd.s32 $0x8F2B, s0  }
0xbe: {  	[sflag:s0] =	ssyncadd.remote.s32 $0x1  }
0xbf: {  	_ =	sfence.sel $0xFFFF  }
0xc0: {  	[dreg:$0x0] =	wrdreg $0xFFFFFFFF;
	(pc) =	sbr.abs _section_cstart, $3  }
0xc1: {  	[dreg:$0x1] =	wrdreg $0xFFFFFFFF  }
0xc2: {  	_ =	task.clear_ibuf [dreg:s7], $0x2FFFF;
	_ =	strace $0x9FFFFFFF  }
0xc3: {  	(tm) =	ssettm $0x7FFFFFFF  }
tec
execute0_lowered:
.L_overlay_start_1:
0x0: {  	(tag) =	ssettag $0x1  }
0x1: {  	s0 =	rddreg [dreg:$0x0]  }
0x2: {  	s1 =	rddreg [dreg:$0x1];
	s3 =	srdreg.scid  }
0x3: {  	s2 =	rddreg [dreg:$0x2];
	s12 =	stileid.u32  }
0x4: {  	s28 =	simm.s32 $0x13E00;
	s29 =	simm.s32 $0x13D00;
	s5 =	smul.u32 $0x13C00, s12  }
0x5: {  	s30 =	simm.s32 $0x7;
	s31 =	simm.s32 $0x80;
	s7 =	smul.u32 $0x4F000, s12  }
0x6: {  	s6 =	sand.u32 $0x1, s3;
	s3 =	simm.s32 $0x0;
	s23 =	smul.u32 $0x50, s12  }
0x7: {  	s18 =	sadd.s32 $0x10, s1;
	s4 =	smul.u32 $0x13C000, s6;
	[smem:$0x7FF] =	sst s3  }
0x8: {  	s11 =	ssub.s32 $0x2, s6;
	s8 =	sshll.u32 s6, $0x4;
	s6 =	smul.u32 $0x500, s6  }
0x9: {  	_ =	strace $0x8000004A;
	s9 =	sshrl.u32 s11, $0x1;
	s8 =	sor.u32 s12, s8  }
0xa: {  	s7 =	sshrl.u32 s7, $0x2;
	s12 =	simm.s32 $0xB;
	s5 =	sadd.s32 s5, s4  }
0xb: {  	s4 =	sadd.s32 $0x1600, s0;
	s9 =	ssub.s32 s11, s9;
	s13 =	sadd.s32 s7, s2  }
0xc: {  	s14 =	smul.u32 $0xA00, s8;
	s10 =	sadd.s32 $0x4000, s13;
	[dreg:$0x6] =	wrdreg s13  }
0xd: {  	p0 =	seq.s32 s8, $0x1F;
	s15 =	sadd.s32 $0x8000, s13;
	[dreg:$0x7] =	wrdreg s10  }
0xe: {  	s8 =	smul.u32 $0x50, s8;
	s16 =	sadd.s32 $0xC000, s13;
	[dreg:$0x8] =	wrdreg s15  }
0xf: {  	s5 =	sshrl.u32 s5, $0x3;
	s26 =	smax.u32 s9, $0x1;
	[dreg:$0x9] =	wrdreg s16  }
0x10: {  	s0 =	sadd.s32 s5, s0;
	s5 =	sadd.s32 $0x10000, s13;
	[dreg:$0x16] =	wrdreg s26  }
0x11: {  	s6 =	sadd.s32 s23, s6;
	s7 =	sadd.s32 s14, s18;
	[dreg:$0xa] =	wrdreg s5  }
0x12: {  	s6 =	sshll.u32 s6, $0x5;
	s17 =	sadd.s32 s1, s14;
	[dreg:$0xc] =	wrdreg s7  }
0x13: {  	s23 =	simm.s32 $0xD;
	s1 =	sadd.s32 s6, s1;
	[dreg:$0xb] =	wrdreg s17  }
0x14: {  	s9 =	simm.s32 $0x9;
	s11 =	sadd.s32 $0x20, s17;
	[dreg:$0x5] =	wrdreg s1  }
0x15: {  	s26 =	simm.s32 $0x13C80;
	s19 =	sadd.s32 $0x30, s17;
	[dreg:$0xd] =	wrdreg s11  }
0x16: {  	s6 =	simm.s32 $0xA;
	s20 =	sadd.s32 $0x40, s17;
	[dreg:$0xe] =	wrdreg s19  }
0x17: {  	s14 =	simm.s32 $0x4;
	s13 =	sadd.s32 $0x50, s17;
	[dreg:$0xf] =	wrdreg s20  }
0x18: {  	s15 =	simm.s32 $0xC;
	s22 =	sadd.s32 $0x60, s17;
	[dreg:$0x10] =	wrdreg s13  }
0x19: {  	s16 =	simm.s32 $0x3;
	s24 =	sadd.s32 $0x70, s17;
	[dreg:$0x11] =	wrdreg s22  }
0x1a: {  	s7 =	simm.s32 $0x14;
	s5 =	sadd.s32 $0x80, s17;
	[dreg:$0x12] =	wrdreg s24  }
0x1b: {  	s0 =	sadd.s32 $0x29600, s0;
	s1 =	simm.s32 $0x17F00;
	[dreg:$0x13] =	wrdreg s5  }
0x1c: {  	s17 =	simm.s32 $0x5;
	s7 =	simm.s32 @!p0 $0x50;
	[dreg:$0x15] =	wrdreg s0  }
0x1d: {  	s22 =	simm.s32 $0x13F00;
	s21 =	smul.u32 $0x56, s7;
	s7 =	sadd.s32 s7, s8  }
0x1e: {  	s24 =	simm.s32 $0x13C00;
	s0 =	simm.s32 $0x8;
	s7 =	sshll.u32 s7, $0x5  }
0x1f: {  	s13 =	simm.s32 $0x2;
	s11 =	sadd.s32 $0xFFFFFE52, s21;
	s7 =	sadd.s32 $0xFFFFFFE0, s7  }
0x20: {  	s19 =	simm.s32 $0x0;
	s11 =	sshrl.u32 s11, $0x8;
	s7 =	sand.u32 $0x1FFFFFE0, s7  }
0x21: {  	s8 =	simm.s32 $0x13E80;
	s11 =	smul.u32 $0x60, s11;
	s25 =	sadd.s32 s7, s18  }
0x22: {  	s7 =	simm.s32 $0x1;
	s18 =	simm.s32 $0x6;
	[dreg:$0x14] =	wrdreg s25  }
0x23: {  	v0 =	vimm.f32 $0.0e+00;
	s25 =	simm.s32 $0x13D80;
	[dreg:$0x4] =	wrdreg s11;
	s11 =	simm.s32 $0x1BF00  }
.LBB2_1:
0x24: {  	s10 =	sand.u32 $0xFE00, s3  }
0x25: {  	s21 =	sand.u32 $0x70, s3;
	s10 =	sshrl.u32 s10, $0x2  }
0x26: {  	s20 =	simm.s32 $0x40;
	s10 =	sor.u32 s21, s10;
	s21 =	simm.s32 $0x0  }
.LBB2_2:
0x27: {  	p0 =	sne.s32 s20, $0xFFC0  }
0x28: {  	[tilespmem:s10+$0x13F00] =	vst v0;
	s21 =	sadd.s32 $0x10, s21;
	s10 =	smov.u32 s20;
	s20 =	sadd.s32 $0x40, s20  }
.Ltmp0:
0x29: {  	(pc) =	sbr.rel @p0 .LBB2_2-.Ltmp0, $4  }
0x2a: {  	_ = 	snop  }
0x2b: {  	s10 =	sand.u32 $0xFE00, s10  }
0x2c: {  	s5 =	sand.u32 $0x70, s21;
	s10 =	sshrl.u32 s10, $0x2  }
0x2d: {  	s10 =	sor.u32 s5, s10  }
0x2e: {  	[tilespmem:s10+$0x13F00] =	vst v0;
	s5 =	rddreg [dreg:$0x6]  }
0x2f: {  	[spmem:s5] =	stream.linear.scatter [tilespmem:s22], [sflag:$0xD], $0x4000, $0x38;
	[tilespmem:$0x1FF00] =	vst v63  }
0x30: {  	_ =	swait.ge [sflag:s23], $0x4000  }
0x31: {  	[sflag:s23] =	ssyncset.done $0x0  }
0x32: {  	s20 =	rddreg [dreg:$0x7];
	[sflag:s23] =	ssyncadd.s32 $0xFFFFC000  }
0x33: {  	[spmem:s20] =	stream.linear.scatter [tilespmem:s22], [sflag:$0xD], $0x4000, $0x38;
	[tilespmem:$0x1FF00] =	vst v63  }
0x34: {  	_ =	swait.ge [sflag:s23], $0x4000  }
0x35: {  	[sflag:s23] =	ssyncset.done $0x0  }
0x36: {  	s21 =	rddreg [dreg:$0x8];
	[sflag:s23] =	ssyncadd.s32 $0xFFFFC000  }
0x37: {  	[spmem:s21] =	stream.linear.scatter [tilespmem:s22], [sflag:$0xD], $0x4000, $0x38;
	[tilespmem:$0x1FF00] =	vst v63  }
0x38: {  	_ =	swait.ge [sflag:s23], $0x4000  }
0x39: {  	[sflag:s23] =	ssyncset.done $0x0  }
0x3a: {  	s10 =	rddreg [dreg:$0x9];
	[sflag:s23] =	ssyncadd.s32 $0xFFFFC000  }
0x3b: {  	[spmem:s10] =	stream.linear.scatter [tilespmem:s22], [sflag:$0xD], $0x4000, $0x38;
	[tilespmem:$0x1FF00] =	vst v63  }
0x3c: {  	_ =	swait.ge [sflag:s23], $0x4000  }
0x3d: {  	[sflag:s23] =	ssyncset.done $0x0  }
0x3e: {  	s20 =	rddreg [dreg:$0xa];
	[sflag:s23] =	ssyncadd.s32 $0xFFFFC000  }
0x3f: {  	[spmem:s20] =	stream.linear.scatter [tilespmem:s22], [sflag:$0xD], $0x3C00, $0x38;
	[tilespmem:$0x1FF00] =	vst v63  }
0x40: {  	_ =	swait.ge [sflag:s23], $0x3C00  }
0x41: {  	[sflag:s23] =	ssyncset.done $0x0  }
0x42: {  	[sflag:s23] =	ssyncadd.s32 $0xFFFFC400  }
0x43: {  	[bflag:$0x0] =	sbarrier.arrive $0xFFFF  }
0x44: {  	s5 =	simm.s32 $0x0;
	s21 =	rddreg [dreg:$0xb]  }
0x45: {  	[tilespmem:s24], [sflag:$0x7] =	stream.linear.gather [hbm4b:s21+s5], $0x80, $0x38;
	[tilespmem:$0x1FF00] =	vst v63  }
0x46: {  	s20 =	rddreg [dreg:$0xc]  }
0x47: {  	[tilespmem:s25], [sflag:$0xA] =	stream.linear.gather [hbm4b:s20+s5], $0x80, $0x38;
	[tilespmem:$0x1FF00] =	vst v63  }
0x48: {  	s21 =	rddreg [dreg:$0xd]  }
0x49: {  	[tilespmem:s26], [sflag:$0x8] =	stream.linear.gather [hbm4b:s21+s5], $0x80, $0x38;
	[tilespmem:$0x1FF00] =	vst v63  }
0x4a: {  	s20 =	rddreg [dreg:$0xe]  }
0x4b: {  	[tilespmem:s28], [sflag:$0xB] =	stream.linear.gather [hbm4b:s20+s5], $0x80, $0x38;
	[tilespmem:$0x1FF00] =	vst v63  }
0x4c: {  	s21 =	rddreg [dreg:$0xf]  }
0x4d: {  	[tilespmem:s29], [sflag:$0x9] =	stream.linear.gather [hbm4b:s21+s5], $0x80, $0x38;
	[tilespmem:$0x1FF00] =	vst v63  }
0x4e: {  	_ =	swait.ge [sflag:s30], $0x80  }
0x4f: {  	[sflag:s30] =	ssyncset.done $0x0  }
0x50: {  	[sflag:s30] =	ssyncadd.s32 $0xFFFFFF80  }
0x51: {  	[tilespmem:s22], [sflag:$0x1] =	stream.indirect.gather [hbm4b:s4+s31], $0x80, s24, s31, $0xb8;
	[tilespmem:$0x1FF00] =	vst v63  }
0x52: {  	_ =	swait.ge [sflag:s0], $0x80  }
0x53: {  	[sflag:s0] =	ssyncset.done $0x0  }
0x54: {  	[sflag:s0] =	ssyncadd.s32 $0xFFFFFF80  }
0x55: {  	[tilespmem:s1], [sflag:$0x2] =	stream.indirect.gather [hbm4b:s4+s31], $0x80, s26, s31, $0xb8;
	[tilespmem:$0x1FF00] =	vst v63  }
0x56: {  	_ =	swait.ge [sflag:s6], $0x80  }
0x57: {  	[sflag:s6] =	ssyncset.done $0x0  }
0x58: {  	[sflag:s6] =	ssyncadd.s32 $0xFFFFFF80  }
0x59: {  	_ =	swait.ge [sflag:s7], $0x4000  }
0x5a: {  	[sflag:s7] =	ssyncset.done $0x0  }
0x5b: {  	[sflag:s7] =	ssyncadd.s32 $0xFFFFC000  }
0x5c: {  	[spmem:s2] =	stream.indirect.scatter.add.f32 [tilespmem:s22], [sflag:$0x4], $0x80, s25, s31, $0xb8;
	[tilespmem:$0x1FF00] =	vst v63  }
0x5d: {  	s20 =	rddreg [dreg:$0x10]  }
0x5e: {  	[tilespmem:s8], [sflag:$0xC] =	stream.linear.gather [hbm4b:s20+s5], $0x80, $0x38;
	[tilespmem:$0x1FF00] =	vst v63  }
0x5f: {  	_ =	swait.ge [sflag:s9], $0x80  }
0x60: {  	[sflag:s9] =	ssyncset.done $0x0  }
0x61: {  	[sflag:s9] =	ssyncadd.s32 $0xFFFFFF80  }
0x62: {  	[tilespmem:s11], [sflag:$0x3] =	stream.indirect.gather [hbm4b:s4+s31], $0x80, s29, s31, $0xb8;
	[tilespmem:$0x1FF00] =	vst v63  }
0x63: {  	s21 =	rddreg [dreg:$0x11]  }
0x64: {  	[tilespmem:s24], [sflag:$0x7] =	stream.linear.gather [hbm4b:s21+s5], $0x80, $0x38;
	[tilespmem:$0x1FF00] =	vst v63  }
0x65: {  	_ =	swait.ge [sflag:s12], $0x80  }
0x66: {  	[sflag:s12] =	ssyncset.done $0x0  }
0x67: {  	[sflag:s12] =	ssyncadd.s32 $0xFFFFFF80  }
0x68: {  	_ =	swait.ge [sflag:s13], $0x4000  }
0x69: {  	[sflag:s13] =	ssyncset.done $0x0  }
0x6a: {  	[sflag:s13] =	ssyncadd.s32 $0xFFFFC000  }
0x6b: {  	[spmem:s2] =	stream.indirect.scatter.add.f32 [tilespmem:s1], [sflag:$0x5], $0x80, s28, s31, $0xb8;
	[tilespmem:$0x1FF00] =	vst v63  }
0x6c: {  	_ =	swait.ge [sflag:s14], $0x4000  }
0x6d: {  	[sflag:s14] =	ssyncset.done $0x0  }
0x6e: {  	s20 =	rddreg [dreg:$0x12];
	[sflag:s14] =	ssyncadd.s32 $0xFFFFC000  }
0x6f: {  	[tilespmem:s25], [sflag:$0xA] =	stream.linear.gather [hbm4b:s20+s5], $0x80, $0x38;
	[tilespmem:$0x1FF00] =	vst v63  }
0x70: {  	_ =	swait.ge [sflag:s30], $0x80  }
0x71: {  	[sflag:s30] =	ssyncset.done $0x0  }
0x72: {  	[sflag:s30] =	ssyncadd.s32 $0xFFFFFF80  }
0x73: {  	[tilespmem:s22], [sflag:$0x1] =	stream.indirect.gather [hbm4b:s4+s31], $0x80, s24, s31, $0xb8;
	[tilespmem:$0x1FF00] =	vst v63  }
0x74: {  	s21 =	rddreg [dreg:$0x13]  }
0x75: {  	[tilespmem:s26], [sflag:$0x8] =	stream.linear.gather [hbm4b:s21+s5], $0x80, $0x38;
	[tilespmem:$0x1FF00] =	vst v63  }
0x76: {  	_ =	swait.ge [sflag:s15], $0x80  }
0x77: {  	[sflag:s15] =	ssyncset.done $0x0  }
0x78: {  	[sflag:s15] =	ssyncadd.s32 $0xFFFFFF80  }
0x79: {  	_ =	swait.ge [sflag:s16], $0x4000  }
0x7a: {  	[sflag:s16] =	ssyncset.done $0x0  }
0x7b: {  	[sflag:s16] =	ssyncadd.s32 $0xFFFFC000  }
0x7c: {  	[spmem:s2] =	stream.indirect.scatter.add.f32 [tilespmem:s11], [sflag:$0x6], $0x80, s8, s31, $0xb8;
	[tilespmem:$0x1FF00] =	vst v63  }
0x7d: {  	_ =	swait.ge [sflag:s17], $0x4000  }
0x7e: {  	s10 =	rddreg [dreg:$0x5]  }
0x7f: {  	[sflag:s17] =	ssyncset.done $0x0;
	s5 =	sadd.s32 $0x0, s10  }
0x80: {  	[sflag:s17] =	ssyncadd.s32 $0xFFFFC000;
	s20 =	sadd.s32 $0x90, s5  }
0x81: {  	[tilespmem:s28], [sflag:$0xB] =	stream.linear.gather [hbm4b:s20+s3], $0x80, $0x38;
	[tilespmem:$0x1FF00] =	vst v63  }
0x82: {  	_ =	swait.ge [sflag:s0], $0x80  }
0x83: {  	[sflag:s0] =	ssyncset.done $0x0  }
0x84: {  	[sflag:s0] =	ssyncadd.s32 $0xFFFFFF80  }
0x85: {  	[tilespmem:s1], [sflag:$0x2] =	stream.indirect.gather [hbm4b:s4+s31], $0x80, s26, s31, $0xb8;
	[tilespmem:$0x1FF00] =	vst v63  }
0x86: {  	s21 =	sadd.s32 $0xA0, s5  }
0x87: {  	[tilespmem:s29], [sflag:$0x9] =	stream.linear.gather [hbm4b:s21+s3], $0x80, $0x38;
	[tilespmem:$0x1FF00] =	vst v63  }
0x88: {  	_ =	swait.ge [sflag:s6], $0x80  }
0x89: {  	[sflag:s6] =	ssyncset.done $0x0  }
0x8a: {  	[sflag:s6] =	ssyncadd.s32 $0xFFFFFF80  }
0x8b: {  	_ =	swait.ge [sflag:s7], $0x4000  }
0x8c: {  	[sflag:s7] =	ssyncset.done $0x0  }
0x8d: {  	[sflag:s7] =	ssyncadd.s32 $0xFFFFC000  }
0x8e: {  	[spmem:s2] =	stream.indirect.scatter.add.f32 [tilespmem:s22], [sflag:$0x4], $0x80, s25, s31, $0xb8;
	[tilespmem:$0x1FF00] =	vst v63  }
0x8f: {  	_ =	swait.ge [sflag:s18], $0x4000  }
0x90: {  	[sflag:s18] =	ssyncset.done $0x0  }
0x91: {  	s20 =	sadd.s32 $0xB0, s5;
	[sflag:s18] =	ssyncadd.s32 $0xFFFFC000  }
0x92: {  	[tilespmem:s8], [sflag:$0xC] =	stream.linear.gather [hbm4b:s20+s3], $0x80, $0x38;
	[tilespmem:$0x1FF00] =	vst v63  }
0x93: {  	_ =	swait.ge [sflag:s9], $0x80  }
0x94: {  	[sflag:s9] =	ssyncset.done $0x0  }
0x95: {  	[sflag:s9] =	ssyncadd.s32 $0xFFFFFF80  }
0x96: {  	[tilespmem:s11], [sflag:$0x3] =	stream.indirect.gather [hbm4b:s4+s31], $0x80, s29, s31, $0xb8;
	[tilespmem:$0x1FF00] =	vst v63  }
0x97: {  	s21 =	sadd.s32 $0xC0, s5  }
0x98: {  	[tilespmem:s24], [sflag:$0x7] =	stream.linear.gather [hbm4b:s21+s3], $0x80, $0x38;
	[tilespmem:$0x1FF00] =	vst v63  }
0x99: {  	_ =	swait.ge [sflag:s12], $0x80  }
0x9a: {  	[sflag:s12] =	ssyncset.done $0x0  }
0x9b: {  	[sflag:s12] =	ssyncadd.s32 $0xFFFFFF80  }
0x9c: {  	_ =	swait.ge [sflag:s13], $0x4000  }
0x9d: {  	[sflag:s13] =	ssyncset.done $0x0  }
0x9e: {  	[sflag:s13] =	ssyncadd.s32 $0xFFFFC000  }
0x9f: {  	[spmem:s2] =	stream.indirect.scatter.add.f32 [tilespmem:s1], [sflag:$0x5], $0x80, s28, s31, $0xb8;
	[tilespmem:$0x1FF00] =	vst v63  }
0xa0: {  	_ =	swait.ge [sflag:s14], $0x4000  }
0xa1: {  	[sflag:s14] =	ssyncset.done $0x0  }
0xa2: {  	s20 =	sadd.s32 $0xD0, s5;
	[sflag:s14] =	ssyncadd.s32 $0xFFFFC000  }
0xa3: {  	[tilespmem:s25], [sflag:$0xA] =	stream.linear.gather [hbm4b:s20+s3], $0x80, $0x38;
	[tilespmem:$0x1FF00] =	vst v63  }
0xa4: {  	_ =	swait.ge [sflag:s30], $0x80  }
0xa5: {  	s21 =	rddreg [dreg:$0x4]  }
0xa6: {  	p0 =	sne.s32 s21, $0x60  }
.Ltmp1:
0xa7: {  	_ = 	snop;
	(pc) =	sbr.rel @!p0 .LBB2_5-.Ltmp1, $4  }
0xa8: {  	_ = 	snop  }
0xa9: {  	[sflag:s30] =	ssyncset.done $0x0  }
0xaa: {  	s20 =	simm.s32 $0x60;
	[sflag:s30] =	ssyncadd.s32 $0xFFFFFF80;
	s21 =	sadd.s32 $0xE0, s5  }
0xab: {  	[tilespmem:s22], [sflag:$0x1] =	stream.indirect.gather [hbm4b:s4+s31], $0x80, s24, s31, $0xb8;
	[tilespmem:$0x1FF00] =	vst v63  }
.LBB2_4:
0xac: {  	[tilespmem:s26], [sflag:$0x8] =	stream.linear.gather [hbm4b:s21+s3], $0x80, $0x38;
	[tilespmem:$0x1FF00] =	vst v63  }
0xad: {  	_ =	swait.ge [sflag:s15], $0x80  }
0xae: {  	[sflag:s15] =	ssyncset.done $0x0  }
0xaf: {  	[sflag:s15] =	ssyncadd.s32 $0xFFFFFF80  }
0xb0: {  	_ =	swait.ge [sflag:s16], $0x4000  }
0xb1: {  	[sflag:s16] =	ssyncset.done $0x0  }
0xb2: {  	[sflag:s16] =	ssyncadd.s32 $0xFFFFC000  }
0xb3: {  	[spmem:s2] =	stream.indirect.scatter.add.f32 [tilespmem:s11], [sflag:$0x6], $0x80, s8, s31, $0xb8;
	[tilespmem:$0x1FF00] =	vst v63  }
0xb4: {  	_ =	swait.ge [sflag:s17], $0x4000  }
0xb5: {  	s5 =	smov.u32 s20;
	s10 =	rddreg [dreg:$0x5]  }
0xb6: {  	[sflag:s17] =	ssyncset.done $0x0;
	s21 =	sadd.s32 s5, s10  }
0xb7: {  	[sflag:s17] =	ssyncadd.s32 $0xFFFFC000;
	s5 =	sadd.s32 $0x90, s21  }
0xb8: {  	[tilespmem:s28], [sflag:$0xB] =	stream.linear.gather [hbm4b:s5+s3], $0x80, $0x38;
	[tilespmem:$0x1FF00] =	vst v63  }
0xb9: {  	_ =	swait.ge [sflag:s0], $0x80  }
0xba: {  	[sflag:s0] =	ssyncset.done $0x0  }
0xbb: {  	[sflag:s0] =	ssyncadd.s32 $0xFFFFFF80  }
0xbc: {  	[tilespmem:s1], [sflag:$0x2] =	stream.indirect.gather [hbm4b:s4+s31], $0x80, s26, s31, $0xb8;
	[tilespmem:$0x1FF00] =	vst v63  }
0xbd: {  	s10 =	sadd.s32 $0xA0, s21  }
0xbe: {  	[tilespmem:s29], [sflag:$0x9] =	stream.linear.gather [hbm4b:s10+s3], $0x80, $0x38;
	[tilespmem:$0x1FF00] =	vst v63  }
0xbf: {  	_ =	swait.ge [sflag:s6], $0x80  }
0xc0: {  	[sflag:s6] =	ssyncset.done $0x0  }
0xc1: {  	[sflag:s6] =	ssyncadd.s32 $0xFFFFFF80  }
0xc2: {  	_ =	swait.ge [sflag:s7], $0x4000  }
0xc3: {  	[sflag:s7] =	ssyncset.done $0x0  }
0xc4: {  	[sflag:s7] =	ssyncadd.s32 $0xFFFFC000  }
0xc5: {  	[spmem:s2] =	stream.indirect.scatter.add.f32 [tilespmem:s22], [sflag:$0x4], $0x80, s25, s31, $0xb8;
	[tilespmem:$0x1FF00] =	vst v63  }
0xc6: {  	_ =	swait.ge [sflag:s18], $0x4000  }
0xc7: {  	[sflag:s18] =	ssyncset.done $0x0  }
0xc8: {  	s10 =	sadd.s32 $0xB0, s21;
	[sflag:s18] =	ssyncadd.s32 $0xFFFFC000  }
0xc9: {  	[tilespmem:s8], [sflag:$0xC] =	stream.linear.gather [hbm4b:s10+s3], $0x80, $0x38;
	[tilespmem:$0x1FF00] =	vst v63  }
0xca: {  	_ =	swait.ge [sflag:s9], $0x80  }
0xcb: {  	[sflag:s9] =	ssyncset.done $0x0  }
0xcc: {  	[sflag:s9] =	ssyncadd.s32 $0xFFFFFF80  }
0xcd: {  	[tilespmem:s11], [sflag:$0x3] =	stream.indirect.gather [hbm4b:s4+s31], $0x80, s29, s31, $0xb8;
	[tilespmem:$0x1FF00] =	vst v63  }
0xce: {  	s10 =	sadd.s32 $0xC0, s21  }
0xcf: {  	[tilespmem:s24], [sflag:$0x7] =	stream.linear.gather [hbm4b:s10+s3], $0x80, $0x38;
	[tilespmem:$0x1FF00] =	vst v63  }
0xd0: {  	_ =	swait.ge [sflag:s12], $0x80  }
0xd1: {  	[sflag:s12] =	ssyncset.done $0x0  }
0xd2: {  	[sflag:s12] =	ssyncadd.s32 $0xFFFFFF80  }
0xd3: {  	_ =	swait.ge [sflag:s13], $0x4000  }
0xd4: {  	[sflag:s13] =	ssyncset.done $0x0  }
0xd5: {  	[sflag:s13] =	ssyncadd.s32 $0xFFFFC000  }
0xd6: {  	[spmem:s2] =	stream.indirect.scatter.add.f32 [tilespmem:s1], [sflag:$0x5], $0x80, s28, s31, $0xb8;
	[tilespmem:$0x1FF00] =	vst v63  }
0xd7: {  	_ =	swait.ge [sflag:s14], $0x4000  }
0xd8: {  	[sflag:s14] =	ssyncset.done $0x0  }
0xd9: {  	s10 =	sadd.s32 $0xD0, s21;
	[sflag:s14] =	ssyncadd.s32 $0xFFFFC000  }
0xda: {  	[tilespmem:s25], [sflag:$0xA] =	stream.linear.gather [hbm4b:s10+s3], $0x80, $0x38;
	[tilespmem:$0x1FF00] =	vst v63  }
0xdb: {  	_ =	swait.ge [sflag:s30], $0x80  }
0xdc: {  	s20 =	sadd.s32 $0x60, s20;
	s10 =	rddreg [dreg:$0x4]  }
0xdd: {  	p0 =	sne.s32 s10, s20  }
.Ltmp2:
0xde: {  	_ = 	snop;
	(pc) =	sbr.rel @p0 .LBB2_4-.Ltmp2, $4  }
0xdf: {  	_ = 	snop  }
0xe0: {  	[sflag:s30] =	ssyncset.done $0x0  }
0xe1: {  	s21 =	sadd.s32 $0xE0, s21;
	[sflag:s30] =	ssyncadd.s32 $0xFFFFFF80  }
0xe2: {  	[tilespmem:s22], [sflag:$0x1] =	stream.indirect.gather [hbm4b:s4+s31], $0x80, s24, s31, $0xb8;
	[tilespmem:$0x1FF00] =	vst v63  }
.LBB2_5:
0xe3: {  	[tilespmem:s26], [sflag:$0x8] =	stream.linear.gather [hbm4b:s21+s3], $0x80, $0x38;
	[tilespmem:$0x1FF00] =	vst v63  }
0xe4: {  	_ =	swait.ge [sflag:s15], $0x80  }
0xe5: {  	[sflag:s15] =	ssyncset.done $0x0  }
0xe6: {  	[sflag:s15] =	ssyncadd.s32 $0xFFFFFF80  }
0xe7: {  	_ =	swait.ge [sflag:s16], $0x4000  }
0xe8: {  	[sflag:s16] =	ssyncset.done $0x0  }
0xe9: {  	[sflag:s16] =	ssyncadd.s32 $0xFFFFC000  }
0xea: {  	[spmem:s2] =	stream.indirect.scatter.add.f32 [tilespmem:s11], [sflag:$0x6], $0x80, s8, s31, $0xb8;
	[tilespmem:$0x1FF00] =	vst v63  }
0xeb: {  	_ =	swait.ge [sflag:s17], $0x4000  }
0xec: {  	[sflag:s17] =	ssyncset.done $0x0  }
0xed: {  	s5 =	rddreg [dreg:$0x14];
	[sflag:s17] =	ssyncadd.s32 $0xFFFFC000  }
0xee: {  	[tilespmem:s28], [sflag:$0xB] =	stream.linear.gather [hbm4b:s5+s3], $0x80, $0x38;
	[tilespmem:$0x1FF00] =	vst v63  }
0xef: {  	_ =	swait.ge [sflag:s0], $0x80  }
0xf0: {  	[sflag:s0] =	ssyncset.done $0x0  }
0xf1: {  	[sflag:s0] =	ssyncadd.s32 $0xFFFFFF80  }
0xf2: {  	[tilespmem:s1], [sflag:$0x2] =	stream.indirect.gather [hbm4b:s4+s31], $0x80, s26, s31, $0xb8;
	[tilespmem:$0x1FF00] =	vst v63  }
0xf3: {  	_ =	swait.ge [sflag:s6], $0x80  }
0xf4: {  	[sflag:s6] =	ssyncset.done $0x0  }
0xf5: {  	[sflag:s6] =	ssyncadd.s32 $0xFFFFFF80  }
0xf6: {  	_ =	swait.ge [sflag:s7], $0x4000  }
0xf7: {  	[sflag:s7] =	ssyncset.done $0x0  }
0xf8: {  	[sflag:s7] =	ssyncadd.s32 $0xFFFFC000  }
0xf9: {  	[spmem:s2] =	stream.indirect.scatter.add.f32 [tilespmem:s22], [sflag:$0x4], $0x80, s25, s31, $0xb8;
	[tilespmem:$0x1FF00] =	vst v63  }
0xfa: {  	_ =	swait.ge [sflag:s18], $0x4000  }
0xfb: {  	[sflag:s18] =	ssyncset.done $0x0  }
0xfc: {  	[sflag:s18] =	ssyncadd.s32 $0xFFFFC000  }
0xfd: {  	_ =	swait.ge [sflag:s12], $0x80  }
0xfe: {  	[sflag:s12] =	ssyncset.done $0x0  }
0xff: {  	[sflag:s12] =	ssyncadd.s32 $0xFFFFFF80  }
0x100: {  	_ =	swait.ge [sflag:s13], $0x4000  }
0x101: {  	[sflag:s13] =	ssyncset.done $0x0  }
0x102: {  	[sflag:s13] =	ssyncadd.s32 $0xFFFFC000  }
0x103: {  	[spmem:s2] =	stream.indirect.scatter.add.f32 [tilespmem:s1], [sflag:$0x5], $0x80, s28, s31, $0xb8;
	[tilespmem:$0x1FF00] =	vst v63  }
0x104: {  	_ =	swait.ge [sflag:s14], $0x4000  }
0x105: {  	[sflag:s14] =	ssyncset.done $0x0  }
0x106: {  	[sflag:s14] =	ssyncadd.s32 $0xFFFFC000  }
0x107: {  	_ =	swait.ge [sflag:s17], $0x4000  }
0x108: {  	[sflag:s17] =	ssyncset.done $0x0  }
0x109: {  	[sflag:s17] =	ssyncadd.s32 $0xFFFFC000  }
0x10a: {  	s20 =	stileid.u32;
	[bflag:$0x0] =	sbarrier.arrive $0xFFFF  }
0x10b: {  	s5 =	sshll.u32 s20, $0x6;
	s10 =	rddreg [dreg:$0x6]  }
0x10c: {  	s5 =	sor.u32 $0x1C0D, s5;
	s20 =	rddreg [dreg:$0x15];
	s10 =	sshrl.u32 s10, $0x3  }
0x10d: {  	[hbm:s20], [sflag:s5] =	dma.local [spmem:s10], $0x2780  }
0x10e: {  	_ =	swait.ge [sflag:s23], $0x2780  }
0x10f: {  	s19 =	sadd.s32 $0x1, s19;
	s21 =	rddreg [dreg:$0x16]  }
0x110: {  	p0 =	sne.s32 s19, s21  }
.Ltmp3:
0x111: {  	_ = 	snop;
	(pc) =	sbr.rel @p0 .LBB2_1-.Ltmp3, $3  }
0x112: {  	_ =	sdelay $0x1  }
0x113: {  	[sflag:s23] =	ssyncset.done $0x0  }
0x114: {  	[sflag:s23] =	ssyncadd.s32 $0xFFFFD880  }
0x115: {  	_ =	sfence.sel $0x180000  }
0x116: {  	[bflag:$0x0] =	sbarrier.arrive $0xFFFF  }
0x117: {  	_ =	strace $0x9000004A  }
0x118: {  	s0 =	stileid.u32;
	[bflag:$0x2] =	sbarrier.arrive $0xFFFF  }
0x119: {  	p0 =	sne.s32 s0, $0x0;
	s0 =	rddreg [dreg:$0x3]  }
0x11a: {  	s0 =	sadd.s32 @!p0 $0x100000, s0  }
0x11b: {  	[sflag:s0] =	ssyncadd.tile.s32 @!p0 $0x1;
	_ =	shalt  }
.Lfunc_end2:
_tile_overlayer_lowered:
.L_overlay_start_2:
0x11c: {  	(tag) =	ssettag $0x2  }
0x11d: {  	s0 =	rddreg [dreg:$0x0];
	s2 =	stileid.u32  }
0x11e: {  	s1 =	rddreg [dreg:$0x1];
	p0 =	sne.s32 s2, $0x0  }
0x11f: {  	s3 =	rddreg [dreg:$0x2];
	[bflag:$0x3] =	sbarrier.arrive $0xFFFF;
	s2 =	simm.s32 @!p0 $0x1C0D  }
0x120: {  	[timem:s3], [sflag:s2] =	dma.local @!p0 [hbm:s0], s1  }
0x121: {  	s0 =	simm.s32 @!p0 $0xD  }
0x122: {  	_ =	swait.ge @!p0 [sflag:s0], s1  }
0x123: {  	s1 =	ssub.s32 @!p0 $0x0, s1;
	[sflag:s0] =	ssyncset.done @!p0 $0x0  }
0x124: {  	[sflag:s0] =	ssyncadd.s32 @!p0 s1  }
0x125: {  	[bflag:$0x3] =	sbarrier.arrive $0xFFFF  }
0x126: {  	_ =	shalt  }

// kernel: kernel.14.cloned.1.call-start
scs
__scs_entry_jumppad:
0x0: {  	(pc) =	sbr.rel $0x88, $3  }
0x1: {  	(tag) =	ssettag $0x0;
	lr =	simm.s32 $0x1  }
0x2: {  	[smem:$0x3F9B] =	sst lr;
	_ =	strace $0xD0000000  }
0x3: {  	_ = 	snop  }
0x4: {  	_ = 	snop  }
0x5: {  	_ = 	snop  }
0x6: {  	_ = 	snop  }
0x7: {  	_ = 	snop  }
__scs_overlays_trampoline_lowered:
0x8: {  	[smem:$0x3FAA] =	sst s0  }
0x9: {  	[smem:$0x3FAB] =	sst s1  }
0xa: {  	[smem:$0x3FAC] =	sst s2  }
0xb: {  	[smem:$0x3FAD] =	sst s3  }
0xc: {  	[smem:$0x3FAE] =	sst s4  }
0xd: {  	[smem:$0x3FAF] =	sst s5  }
0xe: {  	[smem:$0x3FB0] =	sst s6  }
0xf: {  	[smem:$0x3FB1] =	sst s7  }
0x10: {  	[smem:$0x3FB2] =	sst s8  }
0x11: {  	[smem:$0x3FB3] =	sst s9;
	s0 =	simm.s32 @!p0 $0x0  }
0x12: {  	s1 =	sld [smem:$0x3F99];
	s0 =	simm.s32 @p0 $0x1  }
0x13: {  	[smem:$0x3FB4] =	sst s0;
	s0 =	simm.s32 @!p1 $0x0  }
0x14: {  	s2 =	sld [smem:$0x3F98];
	s0 =	simm.s32 @p1 $0x1  }
0x15: {  	[smem:$0x3FB5] =	sst s0;
	s0 =	simm.s32 @!p2 $0x0  }
0x16: {  	s3 =	sld [smem:$0x3FDB];
	s0 =	simm.s32 @p2 $0x1  }
0x17: {  	s4 =	simm.s32 $0x1BF5;
	[smem:$0x3FB7] =	sst s0  }
0x18: {  	s0 =	sld [smem:$0x3F9A];
	_ =	swait.ge [sflag:s4], $0x0  }
0x19: {  	s7 =	sld [smem:$0x3F9B]  }
0x1a: {  	s8 =	sadd.s32 $0xFFFFE003, lr  }
0x1b: {  	s9 =	sadd.s32 $0xFFFFFEF7, lr;
	s5 =	simm.s32 $0xFFFFFFFF;
	p2 =	slt.u32 s8, $0xFFFFF086  }
0x1c: {  	p1 =	slt.u32 s9, $0xF7A;
	s5 =	simm.s32 @!p2 $0x0  }
0x1d: {  	s5 =	simm.s32 @p1 $0x1;
	p0 =	seq.s32 s7, s2  }
0x1e: {  	s7 =	smul.u32 @!p0 $0xF7A, s2;
	p2 =	seq.s32 @!p0 s5, $0x0  }
0x1f: {  	s9 =	smul.u32 $0xF7A, s1;
	s8 =	simm.s32 @!p0 $0x1BF5;
	p2 =	por !p2, p0  }
0x20: {  	[sflag:s8] =	ssyncset.s32 @!p0 $0xFFFFF086;
	s6 =	sadd.s32 @!p0 s3, s7;
	s7 =	simm.s32 @!p0 $0x108  }
0x21: {  	s3 =	sadd.s32 s3, s9;
	s6 =	sadd.s32 @!p0 $0x88, s6;
	s7 =	simm.s32 @p2 $0x1082  }
0x22: {  	[simem:s7], [sflag:s8] =	dma.local @!p0 [hbm:s6], $0xF7A  }
0x23: {  	s9 =	sor.u32 $0xD0000000, s2;
	s6 =	simm.s32 $0x108;
	_ =	swait.ge @!p0 [sflag:s8], $0x0  }
0x24: {  	s3 =	sadd.s32 $0x88, s3;
	s6 =	simm.s32 @!p1 $0x1082;
	[sflag:s4] =	ssyncset.s32 $0xFFFFF086  }
0x25: {  	[simem:s6], [sflag:s4] =	dma.local [hbm:s3], $0xF7A  }
0x26: {  	[smem:$0x3F9B] =	sst s1;
	(tag) =	ssettag s2;
	_ =	strace s9  }
0x27: {  	s1 =	sld [smem:$0x3FAB]  }
0x28: {  	s2 =	sld [smem:$0x3FAC]  }
0x29: {  	s4 =	sld [smem:$0x3FAE]  }
0x2a: {  	p0 =	seq.s32 s5, $0x0;
	s5 =	sld [smem:$0x3FAF]  }
0x2b: {  	s6 =	sld [smem:$0x3FB0]  }
0x2c: {  	s7 =	sld [smem:$0x3FB1]  }
0x2d: {  	s3 =	simm.s32 $0x108;
	s8 =	sld [smem:$0x3FB2]  }
0x2e: {  	s3 =	simm.s32 @!p0 $0x1082;
	s9 =	sld [smem:$0x3FB3]  }
0x2f: {  	lr =	sadd.s32 s0, s3;
	s0 =	sld [smem:$0x3FAA]  }
0x30: {  	s3 =	sld [smem:$0x3FAD]  }
0x31: {  	[smem:$0x3FB6] =	sst s10  }
0x32: {  	s10 =	sld [smem:$0x3FB4];
	_ =	sdelay $0x3  }
0x33: {  	p0 =	seq.s32 s10, $0x1;
	s10 =	sld [smem:$0x3FB6];
	_ =	sdelay $0x3  }
0x34: {  	[smem:$0x3FB6] =	sst s10  }
0x35: {  	s10 =	sld [smem:$0x3FB5];
	_ =	sdelay $0x3  }
0x36: {  	p1 =	seq.s32 s10, $0x1;
	s10 =	sld [smem:$0x3FB6];
	_ =	sdelay $0x3  }
0x37: {  	[smem:$0x3FB6] =	sst s10  }
0x38: {  	s10 =	sld [smem:$0x3FB7]  }
0x39: {  	_ = 	snop;
	(pc) =	sbr.ind lr, $3  }
0x3a: {  	_ = 	snop  }
0x3b: {  	_ = 	snop  }
0x3c: {  	p2 =	seq.s32 s10, $0x1;
	s10 =	sld [smem:$0x3FB6]  }
0x3d: {  	_ =	shalt  }
0x3e: {  	_ =	shalt  }
0x3f: {  	_ =	shalt  }
0x40: {  	_ =	shalt  }
0x41: {  	_ =	shalt  }
0x42: {  	_ =	shalt  }
0x43: {  	_ =	shalt  }
0x44: {  	_ =	shalt  }
0x45: {  	_ =	shalt  }
0x46: {  	_ =	shalt  }
0x47: {  	_ =	shalt  }
0x48: {  	_ =	shalt  }
0x49: {  	_ =	shalt  }
0x4a: {  	_ =	shalt  }
0x4b: {  	_ =	shalt  }
0x4c: {  	_ =	shalt  }
0x4d: {  	_ =	shalt  }
0x4e: {  	_ =	shalt  }
0x4f: {  	_ =	shalt  }
0x50: {  	_ =	shalt  }
0x51: {  	_ =	shalt  }
0x52: {  	_ =	shalt  }
0x53: {  	_ =	shalt  }
0x54: {  	_ =	shalt  }
0x55: {  	_ =	shalt  }
0x56: {  	_ =	shalt  }
0x57: {  	_ =	shalt  }
0x58: {  	_ =	shalt  }
0x59: {  	_ =	shalt  }
0x5a: {  	_ =	shalt  }
0x5b: {  	_ =	shalt  }
0x5c: {  	_ =	shalt  }
0x5d: {  	_ =	shalt  }
0x5e: {  	_ =	shalt  }
0x5f: {  	_ =	shalt  }
0x60: {  	_ =	shalt  }
0x61: {  	_ =	shalt  }
0x62: {  	_ =	shalt  }
0x63: {  	_ =	shalt  }
0x64: {  	_ =	shalt  }
0x65: {  	_ =	shalt  }
0x66: {  	_ =	shalt  }
0x67: {  	_ =	shalt  }
0x68: {  	_ =	shalt  }
0x69: {  	_ =	shalt  }
0x6a: {  	_ =	shalt  }
0x6b: {  	_ =	shalt  }
0x6c: {  	_ =	shalt  }
0x6d: {  	_ =	shalt  }
0x6e: {  	_ =	shalt  }
0x6f: {  	_ =	shalt  }
0x70: {  	_ =	shalt  }
0x71: {  	_ =	shalt  }
0x72: {  	_ =	shalt  }
0x73: {  	_ =	shalt  }
0x74: {  	_ =	shalt  }
0x75: {  	_ =	shalt  }
0x76: {  	_ =	shalt  }
0x77: {  	_ =	shalt  }
0x78: {  	_ =	shalt  }
0x79: {  	_ =	shalt  }
0x7a: {  	_ =	shalt  }
0x7b: {  	_ =	shalt  }
0x7c: {  	_ =	shalt  }
0x7d: {  	_ =	shalt  }
0x7e: {  	_ =	shalt  }
0x7f: {  	_ =	shalt  }
0x80: {  	_ =	shalt  }
0x81: {  	_ =	shalt  }
0x82: {  	_ =	shalt  }
0x83: {  	_ =	shalt  }
0x84: {  	_ =	shalt  }
0x85: {  	_ =	shalt  }
0x86: {  	_ =	shalt  }
0x87: {  	_ =	shalt  }
.Lfunc_end0:
.L_simem_size_0:
called_computation.2_lowered:
.L_overlay_start_0:
0x88: {  	s2 =	sld [smem:$0x3FD9]  }
0x89: {  	s3 =	sld [smem:$0x3FFE];
	_ =	sdelay $0x1  }
0x8a: {  	s1 =	srdreg.scid  }
0x8b: {  	s0 =	sand.u32 $0x1, s1  }
0x8c: {  	s17 =	sshll.u32 s0, $0xA;
	s2 =	sadd.s32 s3, s2  }
0x8d: {  	s2 =	sadd.s32 s2, s17  }
0x8e: {  	[smem:$0x3FC2] =	sst s2  }
0x8f: {  	_ = 	snop  }
0x90: {  	s2 =	sld [smem:$0x3FD0];
	(tm) =	ssettm $0x1  }
0x91: {  	s18 =	sld [smem:$0x3FFB];
	_ =	sdelay $0x3  }
0x92: {  	_ =	strace s18  }
0x93: {  	s3 =	sld [smem:$0x3FFC];
	_ =	sdelay $0x3  }
0x94: {  	_ =	strace s3  }
0x95: {  	s3 =	sld [smem:$0x3FFD];
	_ =	sdelay $0x3  }
0x96: {  	_ =	strace s3  }
0x97: {  	_ =	strace $0x8FFFFFFF  }
0x98: {  	s19 =	sld [smem:$0x3FDB];
	_ =	sdelay $0x1  }
0x99: {  	s4 =	simm.s32 $_scs_section_size  }
0x9a: {  	s5 =	simm.s32 $_size__tile_overlayer_lowered;
	s6 =	simm.s32 $_tile_overlayer_lowered  }
0x9b: {  	s22 =	simm.s32 $0x1BFF;
	s21 =	sshll.u32 s6, $0x1;
	s3 =	sadd.s32 s4, s19  }
0x9c: {  	s7 =	simm.s32 $0x0;
	s20 =	sshll.u32 s5, $0x1;
	s5 =	sadd.s32 s21, s3  }
0x9d: {  	[timem:s7], [sflag:s22] =	dma.local [hbm:s5], s20  }
0x9e: {  	_ =	swait.ge [sflag:s22], s20  }
0x9f: {  	s4 =	ssub.s32 $0x0, s20;
	[sflag:s22] =	ssyncset.done $0x0  }
0xa0: {  	[sflag:s22] =	ssyncadd.s32 s4;
	_ =	sdelay $0x1  }
0xa1: {  	s23 =	simm.s32 $0x1B8B  }
0xa2: {  	_ =	swait.ge [sflag:s23], $0x1  }
0xa3: {  	[sflag:s23] =	ssyncset.done $0x0  }
0xa4: {  	s25 =	simm.s32 $0x1B8E;
	s24 =	sld [smem:$0x3FFE];
	[sflag:s23] =	ssyncadd.s32 $0xFFFFFFFF  }
0xa5: {  	s26 =	simm.s32 $execute0_lowered;
	[smem:$0x3FD2] =	sst s25  }
0xa6: {  	s5 =	sshll.u32 s26, $0x1;
	_ =	strace $0x8000004C;
	[dreg:$0x1] =	wrdreg $0xFFFFFFFF  }
0xa7: {  	s28 =	simm.s32 $_size_execute0_lowered;
	s3 =	sadd.s32 s3, s5;
	[dreg:$0x0] =	wrdreg $0x0  }
0xa8: {  	s5 =	sshll.u32 s28, $0x1;
	[dreg:$0x2] =	wrdreg s3  }
0xa9: {  	[dreg:$0x3] =	wrdreg s5  }
0xaa: {  	[dreg:$0x4] =	wrdreg $0xC0  }
0xab: {  	_ =	task [dreg:s7], $0x5FFFF  }
0xac: {  	[dreg:$0x1] =	wrdreg $0xFFFFFFFF  }
0xad: {  	[dreg:$0x0] =	wrdreg $0x60  }
0xae: {  	[dreg:$0x2] =	wrdreg s24  }
0xaf: {  	[dreg:$0x3] =	wrdreg s2  }
0xb0: {  	[dreg:$0x4] =	wrdreg $0x50000  }
0xb1: {  	[dreg:$0x5] =	wrdreg $0x9  }
0xb2: {  	_ =	task.clear_ibuf [dreg:s7], $0x6FFFF;
	_ =	strace $0x9000004C  }
0xb3: {  	s29 =	simm.s32 $0x9;
	_ =	strace $0x8000004E  }
0xb4: {  	_ =	swait.ge [sflag:s29], $0x1  }
0xb5: {  	[sflag:s29] =	ssyncadd.s32 $0xFFFFFFFF  }
0xb6: {  	_ =	strace $0x9000004E  }
0xb7: {  	_ =	sfence  }
0xb8: {  	s30 =	sld [smem:$0x0];
	_ =	sdelay $0x2  }
0xb9: {  	s31 =	sshll.u32 s1, $0xD;
	s1 =	sshrl.u32 s1, $0x2  }
0xba: {  	s3 =	sand.u32 $0x4000, s31;
	s1 =	sadd.s32 s1, s30  }
0xbb: {  	s0 =	sor.u32 s3, s0;
	s1 =	sshll.u32 s1, $0x11  }
0xbc: {  	s0 =	sor.u32 s1, s0  }
0xbd: {  	s0 =	sadd.s32 $0x8F2B, s0  }
0xbe: {  	[sflag:s0] =	ssyncadd.remote.s32 $0x1  }
0xbf: {  	_ =	sfence.sel $0xFFFF  }
0xc0: {  	[dreg:$0x0] =	wrdreg $0xFFFFFFFF;
	(pc) =	sbr.abs _section_cstart, $3  }
0xc1: {  	[dreg:$0x1] =	wrdreg $0xFFFFFFFF  }
0xc2: {  	_ =	task.clear_ibuf [dreg:s7], $0x2FFFF;
	_ =	strace $0x9FFFFFFF  }
0xc3: {  	(tm) =	ssettm $0x7FFFFFFF  }
tec
execute0_lowered:
.L_overlay_start_1:
0x0: {  	(tag) =	ssettag $0x1  }
0x1: {  	s0 =	rddreg [dreg:$0x0]  }
0x2: {  	s1 =	rddreg [dreg:$0x1]  }
0x3: {  	s2 =	rddreg [dreg:$0x2]  }
0x4: {  	s3 =	srdreg.scid;
	s10 =	stileid.u32;
	s4 =	simm.s32 $0x0  }
0x5: {  	s15 =	simm.s32 $0x1400;
	s28 =	simm.s32 $0x10E00;
	s30 =	simm.s32 $0x12E00  }
0x6: {  	s31 =	simm.s32 $0x1;
	s29 =	simm.s32 $0x14E00;
	s12 =	simm.s32 $0xA  }
0x7: {  	s13 =	simm.s32 $0x0;
	s3 =	sand.u32 $0x1, s3;
	s5 =	smul.u32 $0x9E00, s10  }
0x8: {  	[smem:$0x7FF] =	sst s4;
	s4 =	sadd.s32 $0x1600, s0;
	s6 =	sshll.u32 s3, $0x4  }
0x9: {  	s7 =	smul.u32 $0x9E000, s3;
	_ =	strace $0x8000004D;
	s3 =	ssub.s32 $0x2, s3  }
0xa: {  	s6 =	sor.u32 s10, s6;
	s9 =	sshrl.u32 s3, $0x1;
	s10 =	smul.u32 $0x27800, s10  }
0xb: {  	s8 =	smul.u32 $0x500, s6;
	s7 =	sadd.s32 s5, s7;
	s3 =	ssub.s32 s3, s9  }
0xc: {  	p0 =	seq.s32 s6, $0x1F;
	s9 =	sadd.s32 s5, s2;
	s5 =	simm.s32 $0x6  }
0xd: {  	s6 =	simm.s32 $0x4;
	s7 =	sshrl.u32 s7, $0x3;
	s18 =	sshrl.u32 s10, $0x2  }
0xe: {  	s24 =	smax.u32 s3, $0x1;
	s15 =	simm.s32 @!p0 $0x8C00;
	s3 =	simm.s32 $0x3  }
0xf: {  	s11 =	sadd.s32 s8, s0;
	s8 =	sadd.s32 s1, s8;
	[dreg:$0xd] =	wrdreg s24  }
0x10: {  	s7 =	sadd.s32 s7, s0;
	s0 =	sadd.s32 $0x82100, s0;
	[dreg:$0x5] =	wrdreg s8  }
0x11: {  	s10 =	simm.s32 $0x8;
	s1 =	sadd.s32 $0x9B00, s1;
	[dreg:$0x6] =	wrdreg s0  }
0x12: {  	s19 =	sadd.s32 s18, s2;
	s17 =	sadd.s32 $0x78600, s11;
	[dreg:$0x7] =	wrdreg s1  }
0x13: {  	s24 =	simm.s32 $0xEE00;
	s20 =	sadd.s32 $0x2000, s19;
	[dreg:$0x4] =	wrdreg s17  }
0x14: {  	s21 =	sadd.s32 $0x4000, s19;
	s22 =	sadd.s32 $0x6000, s19;
	[dreg:$0x8] =	wrdreg s20  }
0x15: {  	s0 =	sadd.s32 $0x8000, s19;
	s23 =	sadd.s32 $0x15600, s7;
	[dreg:$0x9] =	wrdreg s21  }
0x16: {  	s1 =	simm.s32 $0x16E00;
	s7 =	simm.s32 $0x7;
	[dreg:$0xa] =	wrdreg s22  }
0x17: {  	s8 =	simm.s32 $0x5;
	[dreg:$0xb] =	wrdreg s0;
	s0 =	simm.s32 $0x780  }
0x18: {  	s11 =	simm.s32 $0x9;
	[dreg:$0xc] =	wrdreg s23;
	s0 =	simm.s32 @!p0 $0x2580  }
0x19: {  	s25 =	sadd.s32 $0x2800, s0;
	s26 =	sadd.s32 $0x180, s0;
	s19 =	sadd.s32 $0x2880, s0  }
0x1a: {  	s20 =	sadd.s32 $0x200, s0;
	s21 =	sadd.s32 $0x2900, s0;
	s22 =	sadd.s32 $0x2980, s0  }
0x1b: {  	s23 =	sadd.s32 $0x2A00, s0;
	s0 =	simm.s32 $0x2;
	[dreg:$0xe] =	wrdreg s25  }
0x1c: {  	v0 =	vimm.f32 $0.0e+00;
	[dreg:$0xf] =	wrdreg s26;
	s25 =	simm.s32 $0xB;
	s26 =	simm.s32 $0x80  }
.LBB2_1:
0x1d: {  	s14 =	simm.s32 @p0 $0x0;
	s16 =	rddreg [dreg:$0x6]  }
0x1e: {  	[tilespmem:s14], [sflag:$0xB] =	stream.linear.gather @p0 [hbm4b:s16+s14], $0xA00, $0x38;
	[tilespmem:$0x18E00] =	vst v63  }
0x1f: {  	s16 =	simm.s32 @p0 $0xB  }
0x20: {  	_ =	swait.ge @p0 [sflag:s16], $0xA00  }
0x21: {  	[sflag:s16] =	ssyncset.done @p0 $0x0  }
0x22: {  	s17 =	simm.s32 @p0 $0x2800;
	s18 =	rddreg [dreg:$0x7];
	[sflag:s16] =	ssyncadd.s32 @p0 $0xFFFFF600  }
0x23: {  	[tilespmem:s17], [sflag:$0xB] =	stream.linear.gather @p0 [hbm4b:s18+s14], $0xA00, $0x38;
	[tilespmem:$0x18E00] =	vst v63  }
0x24: {  	_ =	swait.ge @p0 [sflag:s16], $0xA00  }
0x25: {  	[sflag:s16] =	ssyncset.done @p0 $0x0  }
0x26: {  	s14 =	simm.s32 @!p0 $0x0;
	[sflag:s16] =	ssyncadd.s32 @p0 $0xFFFFF600;
	s16 =	rddreg [dreg:$0x4]  }
0x27: {  	[tilespmem:s14], [sflag:$0xB] =	stream.linear.gather @!p0 [hbm4b:s16+s14], $0x2800, $0x38;
	[tilespmem:$0x18E00] =	vst v63  }
0x28: {  	s16 =	simm.s32 @!p0 $0xB  }
0x29: {  	_ =	swait.ge @!p0 [sflag:s16], $0x2800  }
0x2a: {  	[sflag:s16] =	ssyncset.done @!p0 $0x0  }
0x2b: {  	s17 =	simm.s32 @!p0 $0x2800;
	s18 =	rddreg [dreg:$0x5];
	[sflag:s16] =	ssyncadd.s32 @!p0 $0xFFFFD800  }
0x2c: {  	[tilespmem:s17], [sflag:$0xB] =	stream.linear.gather @!p0 [hbm4b:s18+s14], $0x2800, $0x38;
	[tilespmem:$0x18E00] =	vst v63  }
0x2d: {  	s14 =	simm.s32 $0x0  }
0x2e: {  	_ =	swait.ge @!p0 [sflag:s16], $0x2800;
	s18 =	sand.u32 $0x7F00, s14;
	s17 =	sand.u32 $0x30, s14  }
0x2f: {  	s14 =	simm.s32 $0x40;
	[sflag:s16] =	ssyncset.done @!p0 $0x0;
	s18 =	sshrl.u32 s18, $0x2  }
0x30: {  	[sflag:s16] =	ssyncadd.s32 @!p0 $0xFFFFD800;
	s17 =	sor.u32 s17, s18;
	s16 =	simm.s32 $0x0  }
.LBB2_2:
0x31: {  	p1 =	sne.s32 s14, $0x7FC0  }
0x32: {  	[tilespmem:s17+$0xEE00] =	vst v0;
	s16 =	sadd.s32 $0x10, s16;
	s17 =	smov.u32 s14;
	s14 =	sadd.s32 $0x40, s14  }
.Ltmp0:
0x33: {  	(pc) =	sbr.rel @p1 .LBB2_2-.Ltmp0, $4  }
0x34: {  	_ = 	snop  }
0x35: {  	s17 =	sand.u32 $0x7F00, s17  }
0x36: {  	s18 =	sand.u32 $0x30, s16;
	s17 =	sshrl.u32 s17, $0x2  }
0x37: {  	s17 =	sor.u32 s18, s17  }
0x38: {  	[tilespmem:s17+$0xEE00] =	vst v0  }
0x39: {  	[spmem:s9] =	stream.linear.scatter [tilespmem:s24], [sflag:$0xB], $0x2000, $0x38;
	[tilespmem:$0x18E00] =	vst v63  }
0x3a: {  	_ =	swait.ge [sflag:s25], $0x2000  }
0x3b: {  	[sflag:s25] =	ssyncset.done $0x0  }
0x3c: {  	s14 =	rddreg [dreg:$0x8];
	[sflag:s25] =	ssyncadd.s32 $0xFFFFE000  }
0x3d: {  	[spmem:s14] =	stream.linear.scatter [tilespmem:s24], [sflag:$0xB], $0x2000, $0x38;
	[tilespmem:$0x18E00] =	vst v63  }
0x3e: {  	_ =	swait.ge [sflag:s25], $0x2000  }
0x3f: {  	[sflag:s25] =	ssyncset.done $0x0  }
0x40: {  	s16 =	rddreg [dreg:$0x9];
	[sflag:s25] =	ssyncadd.s32 $0xFFFFE000  }
0x41: {  	[spmem:s16] =	stream.linear.scatter [tilespmem:s24], [sflag:$0xB], $0x2000, $0x38;
	[tilespmem:$0x18E00] =	vst v63  }
0x42: {  	_ =	swait.ge [sflag:s25], $0x2000  }
0x43: {  	[sflag:s25] =	ssyncset.done $0x0  }
0x44: {  	s17 =	rddreg [dreg:$0xa];
	[sflag:s25] =	ssyncadd.s32 $0xFFFFE000  }
0x45: {  	[spmem:s17] =	stream.linear.scatter [tilespmem:s24], [sflag:$0xB], $0x2000, $0x38;
	[tilespmem:$0x18E00] =	vst v63  }
0x46: {  	_ =	swait.ge [sflag:s25], $0x2000  }
0x47: {  	[sflag:s25] =	ssyncset.done $0x0  }
0x48: {  	s18 =	rddreg [dreg:$0xb];
	[sflag:s25] =	ssyncadd.s32 $0xFFFFE000  }
0x49: {  	[spmem:s18] =	stream.linear.scatter [tilespmem:s24], [sflag:$0xB], $0x1E00, $0x38;
	[tilespmem:$0x18E00] =	vst v63  }
0x4a: {  	_ =	swait.ge [sflag:s25], $0x1E00  }
0x4b: {  	[sflag:s25] =	ssyncset.done $0x0  }
0x4c: {  	[sflag:s25] =	ssyncadd.s32 $0xFFFFE200  }
0x4d: {  	s16 =	simm.s32 $0x0;
	[bflag:$0x0] =	sbarrier.arrive $0xFFFF  }
0x4e: {  	[tilespmem:s24], [sflag:$0x1] =	stream.indirect.gather [hbm4b:s4+s26], $0x40, s16, s26, $0xb8;
	[tilespmem:$0x18E00] =	vst v63  }
0x4f: {  	_ = 	snop  }
0x50: {  	[tilespmem:s28], [sflag:$0x2] =	stream.indirect.gather [hbm4b:s4+s26], $0x40, s26, s26, $0xb8;
	[tilespmem:$0x18E00] =	vst v63  }
0x51: {  	s17 =	simm.s32 $0x100  }
0x52: {  	[tilespmem:s30], [sflag:$0x3] =	stream.indirect.gather [hbm4b:s4+s26], $0x40, s17, s26, $0xb8;
	[tilespmem:$0x18E00] =	vst v63  }
0x53: {  	_ =	swait.ge [sflag:s31], $0x2000  }
0x54: {  	[sflag:s31] =	ssyncset.done $0x0  }
0x55: {  	s18 =	simm.s32 $0x2800;
	[sflag:s31] =	ssyncadd.s32 $0xFFFFE000  }
0x56: {  	[spmem:s2] =	stream.indirect.scatter.add.f32 [tilespmem:s24], [sflag:$0x6], $0x40, s18, s26, $0xb8;
	[tilespmem:$0x18E00] =	vst v63  }
0x57: {  	s16 =	simm.s32 $0x180  }
0x58: {  	[tilespmem:s29], [sflag:$0x4] =	stream.indirect.gather [hbm4b:s4+s26], $0x40, s16, s26, $0xb8;
	[tilespmem:$0x18E00] =	vst v63  }
0x59: {  	_ =	swait.ge [sflag:s0], $0x2000  }
0x5a: {  	[sflag:s0] =	ssyncset.done $0x0  }
0x5b: {  	s17 =	simm.s32 $0x2880;
	[sflag:s0] =	ssyncadd.s32 $0xFFFFE000  }
0x5c: {  	[spmem:s2] =	stream.indirect.scatter.add.f32 [tilespmem:s28], [sflag:$0x7], $0x40, s17, s26, $0xb8;
	[tilespmem:$0x18E00] =	vst v63  }
0x5d: {  	s18 =	simm.s32 $0x200  }
0x5e: {  	[tilespmem:s1], [sflag:$0x5] =	stream.indirect.gather [hbm4b:s4+s26], $0x40, s18, s26, $0xb8;
	[tilespmem:$0x18E00] =	vst v63  }
0x5f: {  	_ =	swait.ge [sflag:s3], $0x2000  }
0x60: {  	[sflag:s3] =	ssyncset.done $0x0  }
0x61: {  	s16 =	simm.s32 $0x2900;
	[sflag:s3] =	ssyncadd.s32 $0xFFFFE000  }
0x62: {  	[spmem:s2] =	stream.indirect.scatter.add.f32 [tilespmem:s30], [sflag:$0x8], $0x40, s16, s26, $0xb8;
	[tilespmem:$0x18E00] =	vst v63  }
0x63: {  	_ =	swait.ge [sflag:s5], $0x2000  }
0x64: {  	[sflag:s5] =	ssyncset.done $0x0  }
0x65: {  	s17 =	simm.s32 $0x280;
	[sflag:s5] =	ssyncadd.s32 $0xFFFFE000  }
0x66: {  	[tilespmem:s24], [sflag:$0x1] =	stream.indirect.gather [hbm4b:s4+s26], $0x40, s17, s26, $0xb8;
	[tilespmem:$0x18E00] =	vst v63  }
0x67: {  	_ =	swait.ge [sflag:s6], $0x2000  }
0x68: {  	[sflag:s6] =	ssyncset.done $0x0  }
0x69: {  	s18 =	simm.s32 $0x2980;
	[sflag:s6] =	ssyncadd.s32 $0xFFFFE000  }
0x6a: {  	[spmem:s2] =	stream.indirect.scatter.add.f32 [tilespmem:s29], [sflag:$0x9], $0x40, s18, s26, $0xb8;
	[tilespmem:$0x18E00] =	vst v63  }
0x6b: {  	_ =	swait.ge [sflag:s7], $0x2000  }
0x6c: {  	[sflag:s7] =	ssyncset.done $0x0  }
0x6d: {  	s16 =	simm.s32 $0x300;
	[sflag:s7] =	ssyncadd.s32 $0xFFFFE000  }
0x6e: {  	[tilespmem:s28], [sflag:$0x2] =	stream.indirect.gather [hbm4b:s4+s26], $0x40, s16, s26, $0xb8;
	[tilespmem:$0x18E00] =	vst v63  }
0x6f: {  	_ =	swait.ge [sflag:s8], $0x2000  }
0x70: {  	[sflag:s8] =	ssyncset.done $0x0  }
0x71: {  	s17 =	simm.s32 $0x2A00;
	[sflag:s8] =	ssyncadd.s32 $0xFFFFE000  }
0x72: {  	[spmem:s2] =	stream.indirect.scatter.add.f32 [tilespmem:s1], [sflag:$0xA], $0x40, s17, s26, $0xb8;
	[tilespmem:$0x18E00] =	vst v63  }
0x73: {  	_ =	swait.ge [sflag:s10], $0x2000  }
0x74: {  	[sflag:s10] =	ssyncset.done $0x0  }
0x75: {  	s18 =	simm.s32 $0x380;
	[sflag:s10] =	ssyncadd.s32 $0xFFFFE000  }
0x76: {  	[tilespmem:s30], [sflag:$0x3] =	stream.indirect.gather [hbm4b:s4+s26], $0x40, s18, s26, $0xb8;
	[tilespmem:$0x18E00] =	vst v63  }
0x77: {  	_ =	swait.ge [sflag:s31], $0x2000  }
0x78: {  	[sflag:s31] =	ssyncset.done $0x0  }
0x79: {  	s16 =	simm.s32 $0x2A80;
	[sflag:s31] =	ssyncadd.s32 $0xFFFFE000  }
0x7a: {  	[spmem:s2] =	stream.indirect.scatter.add.f32 [tilespmem:s24], [sflag:$0x6], $0x40, s16, s26, $0xb8;
	[tilespmem:$0x18E00] =	vst v63  }
0x7b: {  	_ =	swait.ge [sflag:s11], $0x2000  }
0x7c: {  	[sflag:s11] =	ssyncset.done $0x0  }
0x7d: {  	s17 =	simm.s32 $0x400;
	[sflag:s11] =	ssyncadd.s32 $0xFFFFE000  }
0x7e: {  	[tilespmem:s29], [sflag:$0x4] =	stream.indirect.gather [hbm4b:s4+s26], $0x40, s17, s26, $0xb8;
	[tilespmem:$0x18E00] =	vst v63  }
0x7f: {  	_ =	swait.ge [sflag:s0], $0x2000  }
0x80: {  	[sflag:s0] =	ssyncset.done $0x0  }
0x81: {  	s18 =	simm.s32 $0x2B00;
	[sflag:s0] =	ssyncadd.s32 $0xFFFFE000  }
0x82: {  	[spmem:s2] =	stream.indirect.scatter.add.f32 [tilespmem:s28], [sflag:$0x7], $0x40, s18, s26, $0xb8;
	[tilespmem:$0x18E00] =	vst v63  }
0x83: {  	_ =	swait.ge [sflag:s12], $0x2000  }
0x84: {  	[sflag:s12] =	ssyncset.done $0x0  }
0x85: {  	s16 =	simm.s32 $0x480;
	[sflag:s12] =	ssyncadd.s32 $0xFFFFE000  }
0x86: {  	[tilespmem:s1], [sflag:$0x5] =	stream.indirect.gather [hbm4b:s4+s26], $0x40, s16, s26, $0xb8;
	[tilespmem:$0x18E00] =	vst v63  }
0x87: {  	_ =	swait.ge [sflag:s3], $0x2000  }
0x88: {  	[sflag:s3] =	ssyncset.done $0x0  }
0x89: {  	s17 =	simm.s32 $0x2B80;
	[sflag:s3] =	ssyncadd.s32 $0xFFFFE000  }
0x8a: {  	[spmem:s2] =	stream.indirect.scatter.add.f32 [tilespmem:s30], [sflag:$0x8], $0x40, s17, s26, $0xb8;
	[tilespmem:$0x18E00] =	vst v63  }
0x8b: {  	_ =	swait.ge [sflag:s5], $0x2000  }
0x8c: {  	[sflag:s5] =	ssyncset.done $0x0  }
0x8d: {  	s18 =	simm.s32 $0x500;
	[sflag:s5] =	ssyncadd.s32 $0xFFFFE000  }
0x8e: {  	[tilespmem:s24], [sflag:$0x1] =	stream.indirect.gather [hbm4b:s4+s26], $0x40, s18, s26, $0xb8;
	[tilespmem:$0x18E00] =	vst v63  }
0x8f: {  	_ =	swait.ge [sflag:s6], $0x2000  }
0x90: {  	[sflag:s6] =	ssyncset.done $0x0  }
0x91: {  	s16 =	simm.s32 $0x2C00;
	[sflag:s6] =	ssyncadd.s32 $0xFFFFE000  }
0x92: {  	[spmem:s2] =	stream.indirect.scatter.add.f32 [tilespmem:s29], [sflag:$0x9], $0x40, s16, s26, $0xb8;
	[tilespmem:$0x18E00] =	vst v63  }
0x93: {  	_ =	swait.ge [sflag:s7], $0x2000  }
0x94: {  	[sflag:s7] =	ssyncset.done $0x0  }
0x95: {  	s17 =	simm.s32 $0x580;
	[sflag:s7] =	ssyncadd.s32 $0xFFFFE000  }
0x96: {  	[tilespmem:s28], [sflag:$0x2] =	stream.indirect.gather [hbm4b:s4+s26], $0x40, s17, s26, $0xb8;
	[tilespmem:$0x18E00] =	vst v63  }
0x97: {  	_ =	swait.ge [sflag:s8], $0x2000  }
0x98: {  	p1 =	sne.s32 s15, $0xA00;
	[sflag:s8] =	ssyncset.done $0x0  }
.Ltmp1:
0x99: {  	s18 =	simm.s32 $0x2C80;
	[sflag:s8] =	ssyncadd.s32 $0xFFFFE000;
	(pc) =	sbr.rel @!p1 .LBB2_5-.Ltmp1, $4  }
0x9a: {  	[spmem:s2] =	stream.indirect.scatter.add.f32 [tilespmem:s1], [sflag:$0xA], $0x40, s18, s26, $0xb8;
	[tilespmem:$0x18E00] =	vst v63  }
0x9b: {  	_ =	swait.ge [sflag:s10], $0x2000  }
0x9c: {  	[sflag:s10] =	ssyncset.done $0x0  }
0x9d: {  	s14 =	simm.s32 $0xA00;
	s16 =	simm.s32 $0x600;
	[sflag:s10] =	ssyncadd.s32 $0xFFFFE000  }
.LBB2_4:
0x9e: {  	[tilespmem:s30], [sflag:$0x3] =	stream.indirect.gather [hbm4b:s4+s26], $0x40, s16, s26, $0xb8;
	[tilespmem:$0x18E00] =	vst v63  }
0x9f: {  	s16 =	smov.u32 s14;
	s14 =	sadd.s32 $0xA00, s14;
	_ =	swait.ge [sflag:s31], $0x2000  }
0xa0: {  	s16 =	sshra.s32 s16, $0x2;
	p1 =	sne.s32 s15, s14;
	[sflag:s31] =	ssyncset.done $0x0  }
0xa1: {  	s17 =	sadd.s32 $0x2A80, s16;
	[sflag:s31] =	ssyncadd.s32 $0xFFFFE000  }
0xa2: {  	[spmem:s2] =	stream.indirect.scatter.add.f32 [tilespmem:s24], [sflag:$0x6], $0x40, s17, s26, $0xb8;
	[tilespmem:$0x18E00] =	vst v63  }
0xa3: {  	_ =	swait.ge [sflag:s11], $0x2000  }
0xa4: {  	[sflag:s11] =	ssyncset.done $0x0  }
0xa5: {  	s17 =	sadd.s32 $0x400, s16;
	[sflag:s11] =	ssyncadd.s32 $0xFFFFE000  }
0xa6: {  	[tilespmem:s29], [sflag:$0x4] =	stream.indirect.gather [hbm4b:s4+s26], $0x40, s17, s26, $0xb8;
	[tilespmem:$0x18E00] =	vst v63  }
0xa7: {  	_ =	swait.ge [sflag:s0], $0x2000  }
0xa8: {  	[sflag:s0] =	ssyncset.done $0x0  }
0xa9: {  	s17 =	sadd.s32 $0x2B00, s16;
	[sflag:s0] =	ssyncadd.s32 $0xFFFFE000  }
0xaa: {  	[spmem:s2] =	stream.indirect.scatter.add.f32 [tilespmem:s28], [sflag:$0x7], $0x40, s17, s26, $0xb8;
	[tilespmem:$0x18E00] =	vst v63  }
0xab: {  	_ =	swait.ge [sflag:s12], $0x2000  }
0xac: {  	[sflag:s12] =	ssyncset.done $0x0  }
0xad: {  	s17 =	sadd.s32 $0x480, s16;
	[sflag:s12] =	ssyncadd.s32 $0xFFFFE000  }
0xae: {  	[tilespmem:s1], [sflag:$0x5] =	stream.indirect.gather [hbm4b:s4+s26], $0x40, s17, s26, $0xb8;
	[tilespmem:$0x18E00] =	vst v63  }
0xaf: {  	_ =	swait.ge [sflag:s3], $0x2000  }
0xb0: {  	[sflag:s3] =	ssyncset.done $0x0  }
0xb1: {  	s17 =	sadd.s32 $0x2B80, s16;
	[sflag:s3] =	ssyncadd.s32 $0xFFFFE000  }
0xb2: {  	[spmem:s2] =	stream.indirect.scatter.add.f32 [tilespmem:s30], [sflag:$0x8], $0x40, s17, s26, $0xb8;
	[tilespmem:$0x18E00] =	vst v63  }
0xb3: {  	_ =	swait.ge [sflag:s5], $0x2000  }
0xb4: {  	[sflag:s5] =	ssyncset.done $0x0  }
0xb5: {  	s17 =	sadd.s32 $0x500, s16;
	[sflag:s5] =	ssyncadd.s32 $0xFFFFE000  }
0xb6: {  	[tilespmem:s24], [sflag:$0x1] =	stream.indirect.gather [hbm4b:s4+s26], $0x40, s17, s26, $0xb8;
	[tilespmem:$0x18E00] =	vst v63  }
0xb7: {  	_ =	swait.ge [sflag:s6], $0x2000  }
0xb8: {  	[sflag:s6] =	ssyncset.done $0x0  }
0xb9: {  	s17 =	sadd.s32 $0x2C00, s16;
	[sflag:s6] =	ssyncadd.s32 $0xFFFFE000  }
0xba: {  	[spmem:s2] =	stream.indirect.scatter.add.f32 [tilespmem:s29], [sflag:$0x9], $0x40, s17, s26, $0xb8;
	[tilespmem:$0x18E00] =	vst v63  }
0xbb: {  	_ =	swait.ge [sflag:s7], $0x2000  }
0xbc: {  	[sflag:s7] =	ssyncset.done $0x0  }
0xbd: {  	s17 =	sadd.s32 $0x580, s16;
	[sflag:s7] =	ssyncadd.s32 $0xFFFFE000  }
0xbe: {  	[tilespmem:s28], [sflag:$0x2] =	stream.indirect.gather [hbm4b:s4+s26], $0x40, s17, s26, $0xb8;
	[tilespmem:$0x18E00] =	vst v63  }
0xbf: {  	_ =	swait.ge [sflag:s8], $0x2000  }
0xc0: {  	[sflag:s8] =	ssyncset.done $0x0  }
.Ltmp2:
0xc1: {  	s17 =	sadd.s32 $0x2C80, s16;
	[sflag:s8] =	ssyncadd.s32 $0xFFFFE000;
	(pc) =	sbr.rel @p1 .LBB2_4-.Ltmp2, $4  }
0xc2: {  	[spmem:s2] =	stream.indirect.scatter.add.f32 [tilespmem:s1], [sflag:$0xA], $0x40, s17, s26, $0xb8;
	[tilespmem:$0x18E00] =	vst v63  }
0xc3: {  	_ =	swait.ge [sflag:s10], $0x2000  }
0xc4: {  	[sflag:s10] =	ssyncset.done $0x0  }
0xc5: {  	s16 =	sadd.s32 $0x600, s16;
	[sflag:s10] =	ssyncadd.s32 $0xFFFFE000  }
.LBB2_5:
0xc6: {  	[tilespmem:s30], [sflag:$0x3] =	stream.indirect.gather [hbm4b:s4+s26], $0x40, s16, s26, $0xb8;
	[tilespmem:$0x18E00] =	vst v63  }
0xc7: {  	_ =	swait.ge [sflag:s31], $0x2000  }
0xc8: {  	[sflag:s31] =	ssyncset.done $0x0  }
0xc9: {  	s14 =	rddreg [dreg:$0xe];
	[sflag:s31] =	ssyncadd.s32 $0xFFFFE000  }
0xca: {  	[spmem:s2] =	stream.indirect.scatter.add.f32 [tilespmem:s24], [sflag:$0x6], $0x40, s14, s26, $0xb8;
	[tilespmem:$0x18E00] =	vst v63  }
0xcb: {  	_ =	swait.ge [sflag:s11], $0x2000  }
0xcc: {  	[sflag:s11] =	ssyncset.done $0x0  }
0xcd: {  	s16 =	rddreg [dreg:$0xf];
	[sflag:s11] =	ssyncadd.s32 $0xFFFFE000  }
0xce: {  	[tilespmem:s29], [sflag:$0x4] =	stream.indirect.gather [hbm4b:s4+s26], $0x40, s16, s26, $0xb8;
	[tilespmem:$0x18E00] =	vst v63  }
0xcf: {  	_ =	swait.ge [sflag:s0], $0x2000  }
0xd0: {  	[sflag:s0] =	ssyncset.done $0x0  }
0xd1: {  	[sflag:s0] =	ssyncadd.s32 $0xFFFFE000  }
0xd2: {  	[spmem:s2] =	stream.indirect.scatter.add.f32 [tilespmem:s28], [sflag:$0x7], $0x40, s19, s26, $0xb8;
	[tilespmem:$0x18E00] =	vst v63  }
0xd3: {  	_ =	swait.ge [sflag:s12], $0x2000  }
0xd4: {  	[sflag:s12] =	ssyncset.done $0x0  }
0xd5: {  	[sflag:s12] =	ssyncadd.s32 $0xFFFFE000  }
0xd6: {  	[tilespmem:s1], [sflag:$0x5] =	stream.indirect.gather [hbm4b:s4+s26], $0x40, s20, s26, $0xb8;
	[tilespmem:$0x18E00] =	vst v63  }
0xd7: {  	_ =	swait.ge [sflag:s3], $0x2000  }
0xd8: {  	[sflag:s3] =	ssyncset.done $0x0  }
0xd9: {  	[sflag:s3] =	ssyncadd.s32 $0xFFFFE000  }
0xda: {  	[spmem:s2] =	stream.indirect.scatter.add.f32 [tilespmem:s30], [sflag:$0x8], $0x40, s21, s26, $0xb8;
	[tilespmem:$0x18E00] =	vst v63  }
0xdb: {  	_ =	swait.ge [sflag:s6], $0x2000  }
0xdc: {  	[sflag:s6] =	ssyncset.done $0x0  }
0xdd: {  	[sflag:s6] =	ssyncadd.s32 $0xFFFFE000  }
0xde: {  	[spmem:s2] =	stream.indirect.scatter.add.f32 [tilespmem:s29], [sflag:$0x9], $0x40, s22, s26, $0xb8;
	[tilespmem:$0x18E00] =	vst v63  }
0xdf: {  	_ =	swait.ge [sflag:s8], $0x2000  }
0xe0: {  	[sflag:s8] =	ssyncset.done $0x0  }
0xe1: {  	[sflag:s8] =	ssyncadd.s32 $0xFFFFE000  }
0xe2: {  	[spmem:s2] =	stream.indirect.scatter.add.f32 [tilespmem:s1], [sflag:$0xA], $0x40, s23, s26, $0xb8;
	[tilespmem:$0x18E00] =	vst v63  }
0xe3: {  	_ =	swait.ge [sflag:s5], $0x2000  }
0xe4: {  	[sflag:s5] =	ssyncset.done $0x0  }
0xe5: {  	[sflag:s5] =	ssyncadd.s32 $0xFFFFE000  }
0xe6: {  	_ =	swait.ge [sflag:s7], $0x2000  }
0xe7: {  	[sflag:s7] =	ssyncset.done $0x0  }
0xe8: {  	[sflag:s7] =	ssyncadd.s32 $0xFFFFE000  }
0xe9: {  	_ =	swait.ge [sflag:s10], $0x2000  }
0xea: {  	[sflag:s10] =	ssyncset.done $0x0  }
0xeb: {  	[sflag:s10] =	ssyncadd.s32 $0xFFFFE000  }
0xec: {  	_ =	swait.ge [sflag:s11], $0x2000  }
0xed: {  	[sflag:s11] =	ssyncset.done $0x0  }
0xee: {  	[sflag:s11] =	ssyncadd.s32 $0xFFFFE000  }
0xef: {  	_ =	swait.ge [sflag:s12], $0x2000  }
0xf0: {  	[sflag:s12] =	ssyncset.done $0x0  }
0xf1: {  	s17 =	stileid.u32;
	[sflag:s12] =	ssyncadd.s32 $0xFFFFE000  }
0xf2: {  	s14 =	sshll.u32 s17, $0x6;
	[bflag:$0x0] =	sbarrier.arrive $0xFFFF  }
0xf3: {  	s18 =	sshrl.u32 s9, $0x3;
	s14 =	sor.u32 $0x1C0B, s14;
	s17 =	rddreg [dreg:$0xc]  }
0xf4: {  	[hbm:s17], [sflag:s14] =	dma.local [spmem:s18], $0x13C0  }
0xf5: {  	_ =	swait.ge [sflag:s25], $0x13C0  }
0xf6: {  	s13 =	sadd.s32 $0x1, s13;
	s18 =	rddreg [dreg:$0xd]  }
0xf7: {  	p1 =	sne.s32 s13, s18  }
.Ltmp3:
0xf8: {  	_ = 	snop;
	(pc) =	sbr.rel @p1 .LBB2_1-.Ltmp3, $3  }
0xf9: {  	_ =	sdelay $0x1  }
0xfa: {  	[sflag:s25] =	ssyncset.done $0x0  }
0xfb: {  	[sflag:s25] =	ssyncadd.s32 $0xFFFFEC40  }
0xfc: {  	_ =	sfence.sel $0x180000  }
0xfd: {  	[bflag:$0x0] =	sbarrier.arrive $0xFFFF  }
0xfe: {  	_ =	strace $0x9000004D  }
0xff: {  	s0 =	stileid.u32;
	[bflag:$0x2] =	sbarrier.arrive $0xFFFF  }
0x100: {  	p0 =	sne.s32 s0, $0x0;
	s0 =	rddreg [dreg:$0x3]  }
0x101: {  	s0 =	sadd.s32 @!p0 $0x100000, s0  }
0x102: {  	[sflag:s0] =	ssyncadd.tile.s32 @!p0 $0x1;
	_ =	shalt  }
.Lfunc_end2:
_tile_overlayer_lowered:
.L_overlay_start_2:
0x103: {  	(tag) =	ssettag $0x2  }
0x104: {  	s0 =	rddreg [dreg:$0x0];
	s2 =	stileid.u32  }
0x105: {  	s1 =	rddreg [dreg:$0x1];
	p0 =	sne.s32 s2, $0x0  }
0x106: {  	s3 =	rddreg [dreg:$0x2];
	[bflag:$0x3] =	sbarrier.arrive $0xFFFF;
	s2 =	simm.s32 @!p0 $0x1C0B  }
0x107: {  	[timem:s3], [sflag:s2] =	dma.local @!p0 [hbm:s0], s1  }
0x108: {  	s0 =	simm.s32 @!p0 $0xB  }
0x109: {  	_ =	swait.ge @!p0 [sflag:s0], s1  }
0x10a: {  	s1 =	ssub.s32 @!p0 $0x0, s1;
	[sflag:s0] =	ssyncset.done @!p0 $0x0  }
0x10b: {  	[sflag:s0] =	ssyncadd.s32 @!p0 s1  }
0x10c: {  	[bflag:$0x3] =	sbarrier.arrive $0xFFFF  }
0x10d: {  	_ =	shalt  }

// kernel: kernel.8.cloned.1.call-start
scs
__scs_entry_jumppad:
0x0: {  	(pc) =	sbr.rel $0x88, $3  }
0x1: {  	(tag) =	ssettag $0x0;
	lr =	simm.s32 $0x1  }
0x2: {  	[smem:$0x3F9B] =	sst lr;
	_ =	strace $0xD0000000  }
0x3: {  	_ = 	snop  }
0x4: {  	_ = 	snop  }
0x5: {  	_ = 	snop  }
0x6: {  	_ = 	snop  }
0x7: {  	_ = 	snop  }
__scs_overlays_trampoline_lowered:
0x8: {  	[smem:$0x3FAA] =	sst s0  }
0x9: {  	[smem:$0x3FAB] =	sst s1  }
0xa: {  	[smem:$0x3FAC] =	sst s2  }
0xb: {  	[smem:$0x3FAD] =	sst s3  }
0xc: {  	[smem:$0x3FAE] =	sst s4  }
0xd: {  	[smem:$0x3FAF] =	sst s5  }
0xe: {  	[smem:$0x3FB0] =	sst s6  }
0xf: {  	[smem:$0x3FB1] =	sst s7  }
0x10: {  	[smem:$0x3FB2] =	sst s8  }
0x11: {  	[smem:$0x3FB3] =	sst s9;
	s0 =	simm.s32 @!p0 $0x0  }
0x12: {  	s1 =	sld [smem:$0x3F99];
	s0 =	simm.s32 @p0 $0x1  }
0x13: {  	[smem:$0x3FB4] =	sst s0;
	s0 =	simm.s32 @!p1 $0x0  }
0x14: {  	s2 =	sld [smem:$0x3F98];
	s0 =	simm.s32 @p1 $0x1  }
0x15: {  	[smem:$0x3FB5] =	sst s0;
	s0 =	simm.s32 @!p2 $0x0  }
0x16: {  	s3 =	sld [smem:$0x3FDB];
	s0 =	simm.s32 @p2 $0x1  }
0x17: {  	s4 =	simm.s32 $0x1BF5;
	[smem:$0x3FB7] =	sst s0  }
0x18: {  	s0 =	sld [smem:$0x3F9A];
	_ =	swait.ge [sflag:s4], $0x0  }
0x19: {  	s7 =	sld [smem:$0x3F9B]  }
0x1a: {  	s8 =	sadd.s32 $0xFFFFE003, lr  }
0x1b: {  	s9 =	sadd.s32 $0xFFFFFEF7, lr;
	s5 =	simm.s32 $0xFFFFFFFF;
	p2 =	slt.u32 s8, $0xFFFFF086  }
0x1c: {  	p1 =	slt.u32 s9, $0xF7A;
	s5 =	simm.s32 @!p2 $0x0  }
0x1d: {  	s5 =	simm.s32 @p1 $0x1;
	p0 =	seq.s32 s7, s2  }
0x1e: {  	s7 =	smul.u32 @!p0 $0xF7A, s2;
	p2 =	seq.s32 @!p0 s5, $0x0  }
0x1f: {  	s9 =	smul.u32 $0xF7A, s1;
	s8 =	simm.s32 @!p0 $0x1BF5;
	p2 =	por !p2, p0  }
0x20: {  	[sflag:s8] =	ssyncset.s32 @!p0 $0xFFFFF086;
	s6 =	sadd.s32 @!p0 s3, s7;
	s7 =	simm.s32 @!p0 $0x108  }
0x21: {  	s3 =	sadd.s32 s3, s9;
	s6 =	sadd.s32 @!p0 $0x88, s6;
	s7 =	simm.s32 @p2 $0x1082  }
0x22: {  	[simem:s7], [sflag:s8] =	dma.local @!p0 [hbm:s6], $0xF7A  }
0x23: {  	s9 =	sor.u32 $0xD0000000, s2;
	s6 =	simm.s32 $0x108;
	_ =	swait.ge @!p0 [sflag:s8], $0x0  }
0x24: {  	s3 =	sadd.s32 $0x88, s3;
	s6 =	simm.s32 @!p1 $0x1082;
	[sflag:s4] =	ssyncset.s32 $0xFFFFF086  }
0x25: {  	[simem:s6], [sflag:s4] =	dma.local [hbm:s3], $0xF7A  }
0x26: {  	[smem:$0x3F9B] =	sst s1;
	(tag) =	ssettag s2;
	_ =	strace s9  }
0x27: {  	s1 =	sld [smem:$0x3FAB]  }
0x28: {  	s2 =	sld [smem:$0x3FAC]  }
0x29: {  	s4 =	sld [smem:$0x3FAE]  }
0x2a: {  	p0 =	seq.s32 s5, $0x0;
	s5 =	sld [smem:$0x3FAF]  }
0x2b: {  	s6 =	sld [smem:$0x3FB0]  }
0x2c: {  	s7 =	sld [smem:$0x3FB1]  }
0x2d: {  	s3 =	simm.s32 $0x108;
	s8 =	sld [smem:$0x3FB2]  }
0x2e: {  	s3 =	simm.s32 @!p0 $0x1082;
	s9 =	sld [smem:$0x3FB3]  }
0x2f: {  	lr =	sadd.s32 s0, s3;
	s0 =	sld [smem:$0x3FAA]  }
0x30: {  	s3 =	sld [smem:$0x3FAD]  }
0x31: {  	[smem:$0x3FB6] =	sst s10  }
0x32: {  	s10 =	sld [smem:$0x3FB4];
	_ =	sdelay $0x3  }
0x33: {  	p0 =	seq.s32 s10, $0x1;
	s10 =	sld [smem:$0x3FB6];
	_ =	sdelay $0x3  }
0x34: {  	[smem:$0x3FB6] =	sst s10  }
0x35: {  	s10 =	sld [smem:$0x3FB5];
	_ =	sdelay $0x3  }
0x36: {  	p1 =	seq.s32 s10, $0x1;
	s10 =	sld [smem:$0x3FB6];
	_ =	sdelay $0x3  }
0x37: {  	[smem:$0x3FB6] =	sst s10  }
0x38: {  	s10 =	sld [smem:$0x3FB7]  }
0x39: {  	_ = 	snop;
	(pc) =	sbr.ind lr, $3  }
0x3a: {  	_ = 	snop  }
0x3b: {  	_ = 	snop  }
0x3c: {  	p2 =	seq.s32 s10, $0x1;
	s10 =	sld [smem:$0x3FB6]  }
0x3d: {  	_ =	shalt  }
0x3e: {  	_ =	shalt  }
0x3f: {  	_ =	shalt  }
0x40: {  	_ =	shalt  }
0x41: {  	_ =	shalt  }
0x42: {  	_ =	shalt  }
0x43: {  	_ =	shalt  }
0x44: {  	_ =	shalt  }
0x45: {  	_ =	shalt  }
0x46: {  	_ =	shalt  }
0x47: {  	_ =	shalt  }
0x48: {  	_ =	shalt  }
0x49: {  	_ =	shalt  }
0x4a: {  	_ =	shalt  }
0x4b: {  	_ =	shalt  }
0x4c: {  	_ =	shalt  }
0x4d: {  	_ =	shalt  }
0x4e: {  	_ =	shalt  }
0x4f: {  	_ =	shalt  }
0x50: {  	_ =	shalt  }
0x51: {  	_ =	shalt  }
0x52: {  	_ =	shalt  }
0x53: {  	_ =	shalt  }
0x54: {  	_ =	shalt  }
0x55: {  	_ =	shalt  }
0x56: {  	_ =	shalt  }
0x57: {  	_ =	shalt  }
0x58: {  	_ =	shalt  }
0x59: {  	_ =	shalt  }
0x5a: {  	_ =	shalt  }
0x5b: {  	_ =	shalt  }
0x5c: {  	_ =	shalt  }
0x5d: {  	_ =	shalt  }
0x5e: {  	_ =	shalt  }
0x5f: {  	_ =	shalt  }
0x60: {  	_ =	shalt  }
0x61: {  	_ =	shalt  }
0x62: {  	_ =	shalt  }
0x63: {  	_ =	shalt  }
0x64: {  	_ =	shalt  }
0x65: {  	_ =	shalt  }
0x66: {  	_ =	shalt  }
0x67: {  	_ =	shalt  }
0x68: {  	_ =	shalt  }
0x69: {  	_ =	shalt  }
0x6a: {  	_ =	shalt  }
0x6b: {  	_ =	shalt  }
0x6c: {  	_ =	shalt  }
0x6d: {  	_ =	shalt  }
0x6e: {  	_ =	shalt  }
0x6f: {  	_ =	shalt  }
0x70: {  	_ =	shalt  }
0x71: {  	_ =	shalt  }
0x72: {  	_ =	shalt  }
0x73: {  	_ =	shalt  }
0x74: {  	_ =	shalt  }
0x75: {  	_ =	shalt  }
0x76: {  	_ =	shalt  }
0x77: {  	_ =	shalt  }
0x78: {  	_ =	shalt  }
0x79: {  	_ =	shalt  }
0x7a: {  	_ =	shalt  }
0x7b: {  	_ =	shalt  }
0x7c: {  	_ =	shalt  }
0x7d: {  	_ =	shalt  }
0x7e: {  	_ =	shalt  }
0x7f: {  	_ =	shalt  }
0x80: {  	_ =	shalt  }
0x81: {  	_ =	shalt  }
0x82: {  	_ =	shalt  }
0x83: {  	_ =	shalt  }
0x84: {  	_ =	shalt  }
0x85: {  	_ =	shalt  }
0x86: {  	_ =	shalt  }
0x87: {  	_ =	shalt  }
.Lfunc_end0:
.L_simem_size_0:
called_computation_lowered:
.L_overlay_start_0:
0x88: {  	s2 =	sld [smem:$0x3FD9]  }
0x89: {  	s3 =	sld [smem:$0x3FFE];
	_ =	sdelay $0x1  }
0x8a: {  	s1 =	srdreg.scid  }
0x8b: {  	s0 =	sand.u32 $0x1, s1  }
0x8c: {  	s18 =	sshll.u32 s0, $0xA;
	s2 =	sadd.s32 s3, s2  }
0x8d: {  	s2 =	sadd.s32 s2, s18  }
0x8e: {  	[smem:$0x3FC2] =	sst s2  }
0x8f: {  	_ = 	snop  }
0x90: {  	s2 =	sld [smem:$0x3FC8]  }
0x91: {  	s19 =	sld [smem:$0x3FD0];
	(tm) =	ssettm $0x1  }
0x92: {  	s4 =	sld [smem:$0x3FFB];
	_ =	sdelay $0x3  }
0x93: {  	_ =	strace s4  }
0x94: {  	s4 =	sld [smem:$0x3FFC];
	_ =	sdelay $0x3  }
0x95: {  	_ =	strace s4  }
0x96: {  	s4 =	sld [smem:$0x3FFD];
	_ =	sdelay $0x3  }
0x97: {  	_ =	strace s4  }
0x98: {  	_ =	strace $0x8FFFFFFF  }
0x99: {  	s20 =	sld [smem:$0x3FDB];
	_ =	sdelay $0x1  }
0x9a: {  	s5 =	simm.s32 $_scs_section_size  }
0x9b: {  	s6 =	simm.s32 $_size__tile_overlayer_lowered;
	s7 =	simm.s32 $_tile_overlayer_lowered  }
0x9c: {  	s23 =	simm.s32 $0x1BFF;
	s22 =	sshll.u32 s7, $0x1;
	s4 =	sadd.s32 s5, s20  }
0x9d: {  	s8 =	simm.s32 $0x0;
	s21 =	sshll.u32 s6, $0x1;
	s6 =	sadd.s32 s22, s4  }
0x9e: {  	[timem:s8], [sflag:s23] =	dma.local [hbm:s6], s21  }
0x9f: {  	_ =	swait.ge [sflag:s23], s21  }
0xa0: {  	s5 =	ssub.s32 $0x0, s21;
	[sflag:s23] =	ssyncset.done $0x0  }
0xa1: {  	[sflag:s23] =	ssyncadd.s32 s5;
	_ =	sdelay $0x1  }
0xa2: {  	s24 =	simm.s32 $0x1B8B  }
0xa3: {  	_ =	swait.ge [sflag:s24], $0x1  }
0xa4: {  	[sflag:s24] =	ssyncset.done $0x0  }
0xa5: {  	s25 =	simm.s32 $0x1B8E;
	[sflag:s24] =	ssyncadd.s32 $0xFFFFFFFF  }
0xa6: {  	s26 =	simm.s32 $execute0_lowered;
	[smem:$0x3FD2] =	sst s25  }
0xa7: {  	s5 =	sshll.u32 s26, $0x1;
	_ =	strace $0x80000046;
	[dreg:$0x1] =	wrdreg $0xFFFFFFFF  }
0xa8: {  	s28 =	simm.s32 $_size_execute0_lowered;
	s4 =	sadd.s32 s4, s5;
	[dreg:$0x0] =	wrdreg $0x0  }
0xa9: {  	s5 =	sshll.u32 s28, $0x1;
	[dreg:$0x2] =	wrdreg s4  }
0xaa: {  	[dreg:$0x3] =	wrdreg s5  }
0xab: {  	[dreg:$0x4] =	wrdreg $0xC0  }
0xac: {  	_ =	task [dreg:s8], $0x5FFFF  }
0xad: {  	[dreg:$0x1] =	wrdreg $0xFFFFFFFF  }
0xae: {  	[dreg:$0x0] =	wrdreg $0x60  }
0xaf: {  	[dreg:$0x2] =	wrdreg s2  }
0xb0: {  	[dreg:$0x3] =	wrdreg s19  }
0xb1: {  	[dreg:$0x4] =	wrdreg $0x3000  }
0xb2: {  	[dreg:$0x5] =	wrdreg $0x5800  }
0xb3: {  	[dreg:$0x6] =	wrdreg $0x9  }
0xb4: {  	_ =	task.clear_ibuf [dreg:s8], $0x7FFFF;
	_ =	strace $0x90000046  }
0xb5: {  	s29 =	simm.s32 $0x9;
	_ =	strace $0x80000048  }
0xb6: {  	_ =	swait.ge [sflag:s29], $0x1  }
0xb7: {  	[sflag:s29] =	ssyncadd.s32 $0xFFFFFFFF  }
0xb8: {  	_ =	strace $0x90000048  }
0xb9: {  	_ =	sfence  }
0xba: {  	s30 =	sld [smem:$0x0];
	_ =	sdelay $0x2  }
0xbb: {  	s31 =	sshll.u32 s1, $0xD;
	s1 =	sshrl.u32 s1, $0x2  }
0xbc: {  	s3 =	sand.u32 $0x4000, s31;
	s1 =	sadd.s32 s1, s30  }
0xbd: {  	s0 =	sor.u32 s3, s0;
	s1 =	sshll.u32 s1, $0x11  }
0xbe: {  	s0 =	sor.u32 s1, s0  }
0xbf: {  	s0 =	sadd.s32 $0x8F2B, s0  }
0xc0: {  	[sflag:s0] =	ssyncadd.remote.s32 $0x1  }
0xc1: {  	_ =	sfence.sel $0xFFFF  }
0xc2: {  	[dreg:$0x0] =	wrdreg $0xFFFFFFFF;
	(pc) =	sbr.abs _section_cstart, $3  }
0xc3: {  	[dreg:$0x1] =	wrdreg $0xFFFFFFFF  }
0xc4: {  	_ =	task.clear_ibuf [dreg:s8], $0x2FFFF;
	_ =	strace $0x9FFFFFFF  }
0xc5: {  	(tm) =	ssettm $0x7FFFFFFF  }
tec
execute0_lowered:
.L_overlay_start_1:
0x0: {  	(tag) =	ssettag $0x1  }
0x1: {  	s1 =	rddreg [dreg:$0x0]  }
0x2: {  	s0 =	srdreg.scid;
	s9 =	rddreg [dreg:$0x1]  }
0x3: {  	s10 =	stileid.u32;
	s2 =	rddreg [dreg:$0x2]  }
0x4: {  	s4 =	simm.s32 $0x0;
	s15 =	simm.s32 $0xB;
	s28 =	simm.s32 $0x6  }
0x5: {  	s29 =	simm.s32 $0x2;
	s30 =	simm.s32 $0x7;
	s31 =	simm.s32 $0x3  }
0x6: {  	s16 =	simm.s32 $0x4;
	s17 =	simm.s32 $0x9;
	s18 =	simm.s32 $0x5  }
0x7: {  	s19 =	simm.s32 $0xA;
	s20 =	simm.s32 $0x20;
	s21 =	simm.s32 $0x10  }
0x8: {  	s22 =	simm.s32 $0x0;
	s0 =	sand.u32 $0x1, s0;
	s7 =	smul.u32 $0x500, s10  }
0x9: {  	[smem:$0x7FF] =	sst s4;
	s11 =	smul.u32 $0x280, s10;
	s3 =	sshll.u32 s0, $0x4  }
0xa: {  	s6 =	smul.u32 $0x5000, s0;
	s0 =	ssub.s32 $0x2, s0;
	s14 =	sor.u32 s10, s3  }
0xb: {  	s3 =	rddreg [dreg:$0x3];
	_ =	strace $0x80000047;
	s8 =	sshrl.u32 s0, $0x1  }
0xc: {  	s10 =	sadd.s32 s11, s2;
	s5 =	smul.u32 $0xA00, s14;
	s0 =	ssub.s32 s0, s8  }
0xd: {  	s7 =	sadd.s32 s7, s6;
	s8 =	sadd.s32 $0x13610, s1;
	s11 =	sadd.s32 s11, s3  }
0xe: {  	p0 =	seq.s32 s14, $0x1F;
	s14 =	simm.s32 $0x80;
	s26 =	sshrl.u32 s7, $0x3  }
0xf: {  	s7 =	sadd.s32 $0x13600, s1;
	s13 =	smax.u32 s0, $0x1;
	s5 =	sadd.s32 s1, s5  }
0x10: {  	s9 =	sadd.s32 s9, s26;
	s26 =	simm.s32 $0x1;
	s25 =	sadd.s32 $0x10, s5  }
0x11: {  	v0 =	vimm.f32 $0.0e+00;
	v1 =	vimm.f32 $1.000000000e+00;
	s1 =	simm.s32 $0x8;
	s12 =	sadd.s32 $0x10, s9;
	[dreg:$0x5] =	wrdreg s25  }
.LBB2_1:
0x12: {  	s0 =	simm.s32 @p0 $0x80;
	s23 =	simm.s32 @p0 $0x100;
	s24 =	simm.s32 @p0 $0x800  }
0x13: {  	[tilespmem:s24], [sflag:$0xB] =	stream.strided.gather @p0 [hbm4b:s7+s0], $0xA00, s23, s0, $0x38;
	[tilespmem:$0x5800] =	vst v63  }
0x14: {  	s24 =	simm.s32 @p0 $0xB  }
0x15: {  	_ =	swait.ge @p0 [sflag:s24], $0xA00  }
0x16: {  	[sflag:s24] =	ssyncset.done @p0 $0x0  }
0x17: {  	s25 =	simm.s32 @p0 $0x3000;
	[sflag:s24] =	ssyncadd.s32 @p0 $0xFFFFF600  }
0x18: {  	[tilespmem:s25], [sflag:$0xB] =	stream.strided.gather @p0 [hbm4b:s8+s0], $0xA00, s23, s0, $0x38;
	[tilespmem:$0x5800] =	vst v63  }
0x19: {  	_ =	swait.ge @p0 [sflag:s24], $0xA00  }
0x1a: {  	s0 =	simm.s32 @!p0 $0x80;
	[sflag:s24] =	ssyncset.done @p0 $0x0  }
0x1b: {  	s23 =	simm.s32 @!p0 $0x100;
	[sflag:s24] =	ssyncadd.s32 @p0 $0xFFFFF600;
	s24 =	simm.s32 @!p0 $0x800  }
0x1c: {  	[tilespmem:s24], [sflag:$0xB] =	stream.strided.gather @!p0 [hbm4b:s5+s0], $0x2800, s23, s0, $0x38;
	[tilespmem:$0x5800] =	vst v63  }
0x1d: {  	s24 =	simm.s32 @!p0 $0xB  }
0x1e: {  	_ =	swait.ge @!p0 [sflag:s24], $0x2800  }
0x1f: {  	[sflag:s24] =	ssyncset.done @!p0 $0x0  }
0x20: {  	s25 =	simm.s32 @!p0 $0x3000;
	s6 =	rddreg [dreg:$0x5];
	[sflag:s24] =	ssyncadd.s32 @!p0 $0xFFFFD800  }
0x21: {  	[tilespmem:s25], [sflag:$0xB] =	stream.strided.gather @!p0 [hbm4b:s6+s0], $0x2800, s23, s0, $0x38;
	[tilespmem:$0x5800] =	vst v63  }
0x22: {  	_ =	swait.ge @!p0 [sflag:s24], $0x2800  }
0x23: {  	[sflag:s24] =	ssyncset.done @!p0 $0x0  }
0x24: {  	[sflag:s24] =	ssyncadd.s32 @!p0 $0xFFFFD800  }
0x25: {  	[tilespmem:$0x80] =	vst v0  }
0x26: {  	[tilespmem:$0x90] =	vst v0  }
0x27: {  	[tilespmem:$0xA0] =	vst v0  }
0x28: {  	[tilespmem:$0xB0] =	vst v0  }
0x29: {  	[tilespmem:$0xC0] =	vst v0  }
0x2a: {  	[tilespmem:$0xD0] =	vst v0  }
0x2b: {  	[tilespmem:$0xE0] =	vst v0  }
0x2c: {  	[tilespmem:$0xF0] =	vst v0  }
0x2d: {  	[tilespmem:$0x100] =	vst v0  }
0x2e: {  	[tilespmem:$0x110] =	vst v0  }
0x2f: {  	[tilespmem:$0x120] =	vst v0  }
0x30: {  	[tilespmem:$0x130] =	vst v0  }
0x31: {  	[tilespmem:$0x140] =	vst v0  }
0x32: {  	[tilespmem:$0x150] =	vst v0  }
0x33: {  	[tilespmem:$0x160] =	vst v0  }
0x34: {  	[tilespmem:$0x170] =	vst v0  }
0x35: {  	[tilespmem:$0x180] =	vst v0  }
0x36: {  	[tilespmem:$0x190] =	vst v0  }
0x37: {  	[tilespmem:$0x1A0] =	vst v0  }
0x38: {  	[tilespmem:$0x1B0] =	vst v0  }
0x39: {  	[tilespmem:$0x1C0] =	vst v0  }
0x3a: {  	[tilespmem:$0x1D0] =	vst v0  }
0x3b: {  	[tilespmem:$0x1E0] =	vst v0  }
0x3c: {  	[tilespmem:$0x1F0] =	vst v0  }
0x3d: {  	[tilespmem:$0x200] =	vst v0  }
0x3e: {  	[tilespmem:$0x210] =	vst v0  }
0x3f: {  	[tilespmem:$0x220] =	vst v0  }
0x40: {  	[tilespmem:$0x230] =	vst v0  }
0x41: {  	[tilespmem:$0x240] =	vst v0  }
0x42: {  	[tilespmem:$0x250] =	vst v0  }
0x43: {  	[tilespmem:$0x260] =	vst v0  }
0x44: {  	[tilespmem:$0x270] =	vst v0  }
0x45: {  	[tilespmem:$0x280] =	vst v0  }
0x46: {  	[tilespmem:$0x290] =	vst v0  }
0x47: {  	[tilespmem:$0x2A0] =	vst v0  }
0x48: {  	[tilespmem:$0x2B0] =	vst v0  }
0x49: {  	[tilespmem:$0x2C0] =	vst v0  }
0x4a: {  	[tilespmem:$0x2D0] =	vst v0  }
0x4b: {  	[tilespmem:$0x2E0] =	vst v0  }
0x4c: {  	[tilespmem:$0x2F0] =	vst v0  }
0x4d: {  	[tilespmem:$0x0] =	vst v1  }
0x4e: {  	[tilespmem:$0x10] =	vst v1  }
0x4f: {  	[tilespmem:$0x20] =	vst v1  }
0x50: {  	[tilespmem:$0x30] =	vst v1  }
0x51: {  	[tilespmem:$0x40] =	vst v1  }
0x52: {  	[tilespmem:$0x50] =	vst v1  }
0x53: {  	[tilespmem:$0x60] =	vst v1  }
0x54: {  	[tilespmem:$0x70] =	vst v1  }
0x55: {  	[spmem:s10] =	stream.linear.scatter [tilespmem:s14], [sflag:$0xB], $0x280, $0x38;
	[tilespmem:$0x5800] =	vst v63  }
0x56: {  	_ =	swait.ge [sflag:s15], $0x280  }
0x57: {  	[sflag:s15] =	ssyncset.done $0x0  }
0x58: {  	[sflag:s15] =	ssyncadd.s32 $0xFFFFFD80  }
0x59: {  	[spmem:s11] =	stream.linear.scatter [tilespmem:s14], [sflag:$0xB], $0x280, $0x38;
	[tilespmem:$0x5800] =	vst v63  }
0x5a: {  	_ =	swait.ge [sflag:s15], $0x280  }
0x5b: {  	[sflag:s15] =	ssyncset.done $0x0  }
0x5c: {  	[sflag:s15] =	ssyncadd.s32 $0xFFFFFD80  }
0x5d: {  	s24 =	simm.s32 $0x800;
	[bflag:$0x0] =	sbarrier.arrive $0xFFFF  }
0x5e: {  	[spmem:s2] =	stream.indirect.scatter.add.f32 [tilespmem:s4], [sflag:$0x1], $0x1, s24, s14, $0xb8;
	[tilespmem:$0x5800] =	vst v63  }
0x5f: {  	s25 =	simm.s32 $0x3000  }
0x60: {  	[spmem:s3] =	stream.indirect.scatter.add.f32 [tilespmem:s4], [sflag:$0x6], $0x1, s25, s14, $0xb8;
	[tilespmem:$0x5800] =	vst v63  }
0x61: {  	s6 =	simm.s32 $0x880  }
0x62: {  	[spmem:s2] =	stream.indirect.scatter.add.f32 [tilespmem:s4], [sflag:$0x2], $0x1, s6, s14, $0xb8;
	[tilespmem:$0x5800] =	vst v63  }
0x63: {  	s23 =	simm.s32 $0x3080  }
0x64: {  	[spmem:s3] =	stream.indirect.scatter.add.f32 [tilespmem:s4], [sflag:$0x7], $0x1, s23, s14, $0xb8;
	[tilespmem:$0x5800] =	vst v63  }
0x65: {  	s24 =	simm.s32 $0x900  }
0x66: {  	[spmem:s2] =	stream.indirect.scatter.add.f32 [tilespmem:s4], [sflag:$0x3], $0x1, s24, s14, $0xb8;
	[tilespmem:$0x5800] =	vst v63  }
0x67: {  	s0 =	simm.s32 @!p0 $0x10;
	s25 =	simm.s32 $0x3100  }
0x68: {  	[spmem:s3] =	stream.indirect.scatter.add.f32 [tilespmem:s4], [sflag:$0x8], $0x1, s25, s14, $0xb8;
	[tilespmem:$0x5800] =	vst v63  }
0x69: {  	s0 =	simm.s32 @p0 $0x4;
	s6 =	simm.s32 $0x980  }
0x6a: {  	[spmem:s2] =	stream.indirect.scatter.add.f32 [tilespmem:s4], [sflag:$0x4], $0x1, s6, s14, $0xb8;
	[tilespmem:$0x5800] =	vst v63  }
0x6b: {  	s0 =	smul.u32 $0xA00, s0;
	s23 =	simm.s32 $0x3180  }
0x6c: {  	[spmem:s3] =	stream.indirect.scatter.add.f32 [tilespmem:s4], [sflag:$0x9], $0x1, s23, s14, $0xb8;
	[tilespmem:$0x5800] =	vst v63  }
0x6d: {  	s23 =	sadd.s32 $0xFFFFF600, s0  }
0x6e: {  	p2 =	sne.s32 s23, $0xA00  }
.Ltmp0:
0x6f: {  	_ = 	snop;
	(pc) =	sbr.rel @!p2 .LBB2_4-.Ltmp0, $4  }
0x70: {  	s24 =	simm.s32 $0xA00  }
0x71: {  	[spmem:s2] =	stream.indirect.scatter.add.f32 [tilespmem:s4], [sflag:$0x5], $0x1, s24, s14, $0xb8;
	[tilespmem:$0x5800] =	vst v63  }
0x72: {  	p1 =	por $0x0, $0x0;
	s25 =	simm.s32 $0x3200;
	s24 =	simm.s32 $0x0  }
0x73: {  	[spmem:s3] =	stream.indirect.scatter.add.f32 [tilespmem:s4], [sflag:$0xA], $0x1, s25, s14, $0xb8;
	[tilespmem:$0x5800] =	vst v63  }
0x74: {  	s0 =	simm.s32 $0xA80  }
0x75: {  	[spmem:s2] =	stream.indirect.scatter.add.f32 [tilespmem:s4], [sflag:$0x1], $0x1, s0, s14, $0xb8;
	[tilespmem:$0x5800] =	vst v63  }
0x76: {  	s6 =	simm.s32 $0x3280  }
0x77: {  	[spmem:s3] =	stream.indirect.scatter.add.f32 [tilespmem:s4], [sflag:$0x6], $0x1, s6, s14, $0xb8;
	[tilespmem:$0x5800] =	vst v63  }
0x78: {  	_ =	swait.ge [sflag:s26], $0x80  }
0x79: {  	[sflag:s26] =	ssyncset.done $0x0  }
0x7a: {  	[sflag:s26] =	ssyncadd.s32 $0xFFFFFF80  }
0x7b: {  	_ =	swait.ge [sflag:s28], $0x80  }
0x7c: {  	[sflag:s28] =	ssyncset.done $0x0  }
0x7d: {  	s24 =	simm.s32 $0xB00;
	[sflag:s28] =	ssyncadd.s32 $0xFFFFFF80  }
0x7e: {  	[spmem:s2] =	stream.indirect.scatter.add.f32 [tilespmem:s4], [sflag:$0x2], $0x1, s24, s14, $0xb8;
	[tilespmem:$0x5800] =	vst v63  }
0x7f: {  	s25 =	simm.s32 $0x3300  }
0x80: {  	[spmem:s3] =	stream.indirect.scatter.add.f32 [tilespmem:s4], [sflag:$0x7], $0x1, s25, s14, $0xb8;
	[tilespmem:$0x5800] =	vst v63  }
0x81: {  	_ =	swait.ge [sflag:s29], $0x80  }
0x82: {  	[sflag:s29] =	ssyncset.done $0x0  }
0x83: {  	[sflag:s29] =	ssyncadd.s32 $0xFFFFFF80  }
0x84: {  	_ =	swait.ge [sflag:s30], $0x80  }
0x85: {  	[sflag:s30] =	ssyncset.done $0x0  }
0x86: {  	s6 =	simm.s32 $0xB80;
	[sflag:s30] =	ssyncadd.s32 $0xFFFFFF80  }
0x87: {  	[spmem:s2] =	stream.indirect.scatter.add.f32 [tilespmem:s4], [sflag:$0x3], $0x1, s6, s14, $0xb8;
	[tilespmem:$0x5800] =	vst v63  }
0x88: {  	s24 =	simm.s32 $0x3380  }
0x89: {  	[spmem:s3] =	stream.indirect.scatter.add.f32 [tilespmem:s4], [sflag:$0x8], $0x1, s24, s14, $0xb8;
	[tilespmem:$0x5800] =	vst v63  }
0x8a: {  	_ =	swait.ge [sflag:s31], $0x80  }
0x8b: {  	[sflag:s31] =	ssyncset.done $0x0  }
0x8c: {  	[sflag:s31] =	ssyncadd.s32 $0xFFFFFF80  }
0x8d: {  	_ =	swait.ge [sflag:s1], $0x80  }
0x8e: {  	[sflag:s1] =	ssyncset.done $0x0  }
0x8f: {  	s25 =	simm.s32 $0xC00;
	[sflag:s1] =	ssyncadd.s32 $0xFFFFFF80  }
0x90: {  	[spmem:s2] =	stream.indirect.scatter.add.f32 [tilespmem:s4], [sflag:$0x4], $0x1, s25, s14, $0xb8;
	[tilespmem:$0x5800] =	vst v63  }
0x91: {  	s6 =	simm.s32 $0x3400  }
0x92: {  	[spmem:s3] =	stream.indirect.scatter.add.f32 [tilespmem:s4], [sflag:$0x9], $0x1, s6, s14, $0xb8;
	[tilespmem:$0x5800] =	vst v63  }
0x93: {  	_ =	swait.ge [sflag:s16], $0x80  }
0x94: {  	[sflag:s16] =	ssyncset.done $0x0  }
0x95: {  	[sflag:s16] =	ssyncadd.s32 $0xFFFFFF80  }
0x96: {  	_ =	swait.ge [sflag:s17], $0x80  }
0x97: {  	[sflag:s17] =	ssyncset.done $0x0  }
0x98: {  	s24 =	simm.s32 $0xC80;
	[sflag:s17] =	ssyncadd.s32 $0xFFFFFF80  }
0x99: {  	[spmem:s2] =	stream.indirect.scatter.add.f32 [tilespmem:s4], [sflag:$0x5], $0x1, s24, s14, $0xb8;
	[tilespmem:$0x5800] =	vst v63  }
0x9a: {  	p2 =	sne.s32 s23, $0x1400;
	s25 =	simm.s32 $0x3480  }
0x9b: {  	[spmem:s3] =	stream.indirect.scatter.add.f32 [tilespmem:s4], [sflag:$0xA], $0x1, s25, s14, $0xb8;
	[tilespmem:$0x5800] =	vst v63  }
.Ltmp1:
0x9c: {  	_ =	swait.ge [sflag:s18], $0x80;
	(pc) =	sbr.rel @!p2 .LBB2_4-.Ltmp1, $4  }
0x9d: {  	[sflag:s18] =	ssyncset.done $0x0  }
0x9e: {  	[sflag:s18] =	ssyncadd.s32 $0xFFFFFF80  }
0x9f: {  	p1 =	por $0x1, $0x1;
	_ =	swait.ge [sflag:s19], $0x80  }
0xa0: {  	s24 =	simm.s32 $0x280;
	s25 =	simm.s32 $0x1400;
	[sflag:s19] =	ssyncset.done $0x0  }
.LBB2_3:
0xa1: {  	s6 =	sadd.s32 $0xA80, s24  }
0xa2: {  	[sflag:s19] =	ssyncadd.s32 $0xFFFFFF80;
	s0 =	smov.u32 s25;
	s25 =	sadd.s32 $0xA00, s25  }
0xa3: {  	[spmem:s2] =	stream.indirect.scatter.add.f32 [tilespmem:s4], [sflag:$0x1], $0x1, s6, s14, $0xb8;
	[tilespmem:$0x5800] =	vst v63  }
0xa4: {  	p2 =	sne.s32 s23, s25;
	s6 =	sadd.s32 $0x3280, s24  }
0xa5: {  	[spmem:s3] =	stream.indirect.scatter.add.f32 [tilespmem:s4], [sflag:$0x6], $0x1, s6, s14, $0xb8;
	[tilespmem:$0x5800] =	vst v63  }
0xa6: {  	_ =	swait.ge [sflag:s26], $0x80  }
0xa7: {  	[sflag:s26] =	ssyncset.done $0x0  }
0xa8: {  	[sflag:s26] =	ssyncadd.s32 $0xFFFFFF80  }
0xa9: {  	_ =	swait.ge [sflag:s28], $0x80  }
0xaa: {  	[sflag:s28] =	ssyncset.done $0x0  }
0xab: {  	s6 =	sadd.s32 $0xB00, s24;
	[sflag:s28] =	ssyncadd.s32 $0xFFFFFF80  }
0xac: {  	[spmem:s2] =	stream.indirect.scatter.add.f32 [tilespmem:s4], [sflag:$0x2], $0x1, s6, s14, $0xb8;
	[tilespmem:$0x5800] =	vst v63  }
0xad: {  	s6 =	sadd.s32 $0x3300, s24  }
0xae: {  	[spmem:s3] =	stream.indirect.scatter.add.f32 [tilespmem:s4], [sflag:$0x7], $0x1, s6, s14, $0xb8;
	[tilespmem:$0x5800] =	vst v63  }
0xaf: {  	_ =	swait.ge [sflag:s29], $0x80  }
0xb0: {  	[sflag:s29] =	ssyncset.done $0x0  }
0xb1: {  	[sflag:s29] =	ssyncadd.s32 $0xFFFFFF80  }
0xb2: {  	_ =	swait.ge [sflag:s30], $0x80  }
0xb3: {  	[sflag:s30] =	ssyncset.done $0x0  }
0xb4: {  	s6 =	sadd.s32 $0xB80, s24;
	[sflag:s30] =	ssyncadd.s32 $0xFFFFFF80  }
0xb5: {  	[spmem:s2] =	stream.indirect.scatter.add.f32 [tilespmem:s4], [sflag:$0x3], $0x1, s6, s14, $0xb8;
	[tilespmem:$0x5800] =	vst v63  }
0xb6: {  	s6 =	sadd.s32 $0x3380, s24  }
0xb7: {  	[spmem:s3] =	stream.indirect.scatter.add.f32 [tilespmem:s4], [sflag:$0x8], $0x1, s6, s14, $0xb8;
	[tilespmem:$0x5800] =	vst v63  }
0xb8: {  	_ =	swait.ge [sflag:s31], $0x80  }
0xb9: {  	[sflag:s31] =	ssyncset.done $0x0  }
0xba: {  	[sflag:s31] =	ssyncadd.s32 $0xFFFFFF80  }
0xbb: {  	_ =	swait.ge [sflag:s1], $0x80  }
0xbc: {  	[sflag:s1] =	ssyncset.done $0x0  }
0xbd: {  	s6 =	sadd.s32 $0xC00, s24;
	[sflag:s1] =	ssyncadd.s32 $0xFFFFFF80  }
0xbe: {  	[spmem:s2] =	stream.indirect.scatter.add.f32 [tilespmem:s4], [sflag:$0x4], $0x1, s6, s14, $0xb8;
	[tilespmem:$0x5800] =	vst v63  }
0xbf: {  	s6 =	sadd.s32 $0x3400, s24  }
0xc0: {  	[spmem:s3] =	stream.indirect.scatter.add.f32 [tilespmem:s4], [sflag:$0x9], $0x1, s6, s14, $0xb8;
	[tilespmem:$0x5800] =	vst v63  }
0xc1: {  	_ =	swait.ge [sflag:s16], $0x80  }
0xc2: {  	[sflag:s16] =	ssyncset.done $0x0  }
0xc3: {  	[sflag:s16] =	ssyncadd.s32 $0xFFFFFF80  }
0xc4: {  	_ =	swait.ge [sflag:s17], $0x80  }
0xc5: {  	[sflag:s17] =	ssyncset.done $0x0  }
0xc6: {  	s6 =	sadd.s32 $0xC80, s24;
	[sflag:s17] =	ssyncadd.s32 $0xFFFFFF80  }
0xc7: {  	[spmem:s2] =	stream.indirect.scatter.add.f32 [tilespmem:s4], [sflag:$0x5], $0x1, s6, s14, $0xb8;
	[tilespmem:$0x5800] =	vst v63  }
0xc8: {  	s6 =	sadd.s32 $0x3480, s24  }
0xc9: {  	[spmem:s3] =	stream.indirect.scatter.add.f32 [tilespmem:s4], [sflag:$0xA], $0x1, s6, s14, $0xb8;
	[tilespmem:$0x5800] =	vst v63  }
.Ltmp2:
0xca: {  	_ =	swait.ge [sflag:s18], $0x80;
	(pc) =	sbr.rel @p2 .LBB2_3-.Ltmp2, $4  }
0xcb: {  	[sflag:s18] =	ssyncset.done $0x0  }
0xcc: {  	[sflag:s18] =	ssyncadd.s32 $0xFFFFFF80  }
0xcd: {  	_ =	swait.ge [sflag:s19], $0x80  }
0xce: {  	s24 =	sshra.s32 s0, $0x2;
	[sflag:s19] =	ssyncset.done $0x0  }
.LBB2_4:
0xcf: {  	s0 =	sadd.s32 $0xA80, s24;
	[sflag:s19] =	ssyncadd.s32 @p1 $0xFFFFFF80  }
0xd0: {  	[spmem:s2] =	stream.indirect.scatter.add.f32 [tilespmem:s4], [sflag:$0x1], $0x1, s0, s14, $0xb8;
	[tilespmem:$0x5800] =	vst v63  }
0xd1: {  	s25 =	sadd.s32 $0x3280, s24  }
0xd2: {  	[spmem:s3] =	stream.indirect.scatter.add.f32 [tilespmem:s4], [sflag:$0x6], $0x1, s25, s14, $0xb8;
	[tilespmem:$0x5800] =	vst v63  }
0xd3: {  	_ =	swait.ge [sflag:s26], $0x80  }
0xd4: {  	[sflag:s26] =	ssyncset.done $0x0  }
0xd5: {  	[sflag:s26] =	ssyncadd.s32 $0xFFFFFF80  }
0xd6: {  	_ =	swait.ge [sflag:s28], $0x80  }
0xd7: {  	[sflag:s28] =	ssyncset.done $0x0  }
0xd8: {  	s6 =	sadd.s32 $0xB00, s24;
	[sflag:s28] =	ssyncadd.s32 $0xFFFFFF80  }
0xd9: {  	[spmem:s2] =	stream.indirect.scatter.add.f32 [tilespmem:s4], [sflag:$0x2], $0x1, s6, s14, $0xb8;
	[tilespmem:$0x5800] =	vst v63  }
0xda: {  	s23 =	sadd.s32 $0x3300, s24  }
0xdb: {  	[spmem:s3] =	stream.indirect.scatter.add.f32 [tilespmem:s4], [sflag:$0x7], $0x1, s23, s14, $0xb8;
	[tilespmem:$0x5800] =	vst v63  }
0xdc: {  	_ =	swait.ge [sflag:s29], $0x80  }
0xdd: {  	[sflag:s29] =	ssyncset.done $0x0  }
0xde: {  	[sflag:s29] =	ssyncadd.s32 $0xFFFFFF80  }
0xdf: {  	_ =	swait.ge [sflag:s30], $0x80  }
0xe0: {  	[sflag:s30] =	ssyncset.done $0x0  }
0xe1: {  	s25 =	sadd.s32 $0xB80, s24;
	[sflag:s30] =	ssyncadd.s32 $0xFFFFFF80  }
0xe2: {  	[spmem:s2] =	stream.indirect.scatter.add.f32 [tilespmem:s4], [sflag:$0x3], $0x1, s25, s14, $0xb8;
	[tilespmem:$0x5800] =	vst v63  }
0xe3: {  	s6 =	sadd.s32 $0x3380, s24  }
0xe4: {  	[spmem:s3] =	stream.indirect.scatter.add.f32 [tilespmem:s4], [sflag:$0x8], $0x1, s6, s14, $0xb8;
	[tilespmem:$0x5800] =	vst v63  }
0xe5: {  	_ =	swait.ge [sflag:s31], $0x80  }
0xe6: {  	[sflag:s31] =	ssyncset.done $0x0  }
0xe7: {  	[sflag:s31] =	ssyncadd.s32 $0xFFFFFF80  }
0xe8: {  	_ =	swait.ge [sflag:s1], $0x80  }
0xe9: {  	[sflag:s1] =	ssyncset.done $0x0  }
0xea: {  	s23 =	sadd.s32 $0xC00, s24;
	[sflag:s1] =	ssyncadd.s32 $0xFFFFFF80  }
0xeb: {  	[spmem:s2] =	stream.indirect.scatter.add.f32 [tilespmem:s4], [sflag:$0x4], $0x1, s23, s14, $0xb8;
	[tilespmem:$0x5800] =	vst v63  }
0xec: {  	s25 =	sadd.s32 $0x3400, s24  }
0xed: {  	[spmem:s3] =	stream.indirect.scatter.add.f32 [tilespmem:s4], [sflag:$0x9], $0x1, s25, s14, $0xb8;
	[tilespmem:$0x5800] =	vst v63  }
0xee: {  	_ =	swait.ge [sflag:s16], $0x80  }
0xef: {  	[sflag:s16] =	ssyncset.done $0x0  }
0xf0: {  	[sflag:s16] =	ssyncadd.s32 $0xFFFFFF80  }
0xf1: {  	_ =	swait.ge [sflag:s17], $0x80  }
0xf2: {  	[sflag:s17] =	ssyncset.done $0x0  }
0xf3: {  	s6 =	sadd.s32 $0xC80, s24;
	[sflag:s17] =	ssyncadd.s32 $0xFFFFFF80  }
0xf4: {  	[spmem:s2] =	stream.indirect.scatter.add.f32 [tilespmem:s4], [sflag:$0x5], $0x1, s6, s14, $0xb8;
	[tilespmem:$0x5800] =	vst v63  }
0xf5: {  	s23 =	sadd.s32 $0x3480, s24  }
0xf6: {  	[spmem:s3] =	stream.indirect.scatter.add.f32 [tilespmem:s4], [sflag:$0xA], $0x1, s23, s14, $0xb8;
	[tilespmem:$0x5800] =	vst v63  }
0xf7: {  	_ =	swait.ge [sflag:s18], $0x80  }
0xf8: {  	[sflag:s18] =	ssyncset.done $0x0  }
0xf9: {  	[sflag:s18] =	ssyncadd.s32 $0xFFFFFF80  }
0xfa: {  	_ =	swait.ge [sflag:s19], $0x80  }
0xfb: {  	[sflag:s19] =	ssyncset.done $0x0  }
0xfc: {  	[sflag:s19] =	ssyncadd.s32 $0xFFFFFF80  }
0xfd: {  	_ =	swait.ge [sflag:s26], $0x80  }
0xfe: {  	[sflag:s26] =	ssyncset.done $0x0  }
0xff: {  	[sflag:s26] =	ssyncadd.s32 $0xFFFFFF80  }
0x100: {  	_ =	swait.ge [sflag:s28], $0x80  }
0x101: {  	[sflag:s28] =	ssyncset.done $0x0  }
0x102: {  	[sflag:s28] =	ssyncadd.s32 $0xFFFFFF80  }
0x103: {  	_ =	swait.ge [sflag:s29], $0x80  }
0x104: {  	[sflag:s29] =	ssyncset.done $0x0  }
0x105: {  	[sflag:s29] =	ssyncadd.s32 $0xFFFFFF80  }
0x106: {  	_ =	swait.ge [sflag:s30], $0x80  }
0x107: {  	[sflag:s30] =	ssyncset.done $0x0  }
0x108: {  	[sflag:s30] =	ssyncadd.s32 $0xFFFFFF80  }
0x109: {  	_ =	swait.ge [sflag:s31], $0x80  }
0x10a: {  	[sflag:s31] =	ssyncset.done $0x0  }
0x10b: {  	[sflag:s31] =	ssyncadd.s32 $0xFFFFFF80  }
0x10c: {  	_ =	swait.ge [sflag:s1], $0x80  }
0x10d: {  	[sflag:s1] =	ssyncset.done $0x0  }
0x10e: {  	[sflag:s1] =	ssyncadd.s32 $0xFFFFFF80  }
0x10f: {  	_ =	swait.ge [sflag:s16], $0x80  }
0x110: {  	[sflag:s16] =	ssyncset.done $0x0  }
0x111: {  	[sflag:s16] =	ssyncadd.s32 $0xFFFFFF80  }
0x112: {  	_ =	swait.ge [sflag:s17], $0x80  }
0x113: {  	[sflag:s17] =	ssyncset.done $0x0  }
0x114: {  	[sflag:s17] =	ssyncadd.s32 $0xFFFFFF80  }
0x115: {  	_ =	swait.ge [sflag:s18], $0x80  }
0x116: {  	[sflag:s18] =	ssyncset.done $0x0  }
0x117: {  	[sflag:s18] =	ssyncadd.s32 $0xFFFFFF80  }
0x118: {  	_ =	swait.ge [sflag:s19], $0x80  }
0x119: {  	s24 =	stileid.u32;
	[sflag:s19] =	ssyncset.done $0x0  }
0x11a: {  	s0 =	sshll.u32 s24, $0x6;
	[sflag:s19] =	ssyncadd.s32 $0xFFFFFF80  }
0x11b: {  	s0 =	sor.u32 $0x1C0B, s0;
	s6 =	sshrl.u32 s10, $0x3;
	[bflag:$0x0] =	sbarrier.arrive $0xFFFF  }
0x11c: {  	[hbm:s9@s20], [sflag:s0] =	dma.strided [spmem:s6@s21], $0x50, s26, $0x10   }
0x11d: {  	s22 =	sadd.s32 $0x1, s22;
	_ =	swait.ge [sflag:s15], $0x50  }
0x11e: {  	p1 =	sne.s32 s22, s13;
	[sflag:s15] =	ssyncset.done $0x0  }
.Ltmp3:
0x11f: {  	s25 =	sshrl.u32 s11, $0x3;
	[sflag:s15] =	ssyncadd.s32 $0xFFFFFFB0;
	(pc) =	sbr.rel @p1 .LBB2_1-.Ltmp3, $4  }
0x120: {  	[hbm:s12@s20], [sflag:s0] =	dma.strided [spmem:s25@s21], $0x50, s26, $0x10   }
0x121: {  	_ =	swait.ge [sflag:s15], $0x50  }
0x122: {  	[sflag:s15] =	ssyncset.done $0x0  }
0x123: {  	[sflag:s15] =	ssyncadd.s32 $0xFFFFFFB0  }
0x124: {  	_ =	sfence.sel $0x180000  }
0x125: {  	[bflag:$0x0] =	sbarrier.arrive $0xFFFF  }
0x126: {  	_ =	strace $0x90000047  }
0x127: {  	s0 =	stileid.u32;
	[bflag:$0x2] =	sbarrier.arrive $0xFFFF  }
0x128: {  	p0 =	sne.s32 s0, $0x0;
	s0 =	rddreg [dreg:$0x4]  }
0x129: {  	s0 =	sadd.s32 @!p0 $0x100000, s0  }
0x12a: {  	[sflag:s0] =	ssyncadd.tile.s32 @!p0 $0x1;
	_ =	shalt  }
.Lfunc_end2:
_tile_overlayer_lowered:
.L_overlay_start_2:
0x12b: {  	(tag) =	ssettag $0x2  }
0x12c: {  	s0 =	rddreg [dreg:$0x0];
	s2 =	stileid.u32  }
0x12d: {  	s1 =	rddreg [dreg:$0x1];
	p0 =	sne.s32 s2, $0x0  }
0x12e: {  	s3 =	rddreg [dreg:$0x2];
	[bflag:$0x3] =	sbarrier.arrive $0xFFFF;
	s2 =	simm.s32 @!p0 $0x1C0B  }
0x12f: {  	[timem:s3], [sflag:s2] =	dma.local @!p0 [hbm:s0], s1  }
0x130: {  	s0 =	simm.s32 @!p0 $0xB  }
0x131: {  	_ =	swait.ge @!p0 [sflag:s0], s1  }
0x132: {  	s1 =	ssub.s32 @!p0 $0x0, s1;
	[sflag:s0] =	ssyncset.done @!p0 $0x0  }
0x133: {  	[sflag:s0] =	ssyncadd.s32 @!p0 s1  }
0x134: {  	[bflag:$0x3] =	sbarrier.arrive $0xFFFF  }
0x135: {  	_ =	shalt  }

</sc_bundles>
